<compile_context>
chip_gen: v7x
topology: tpu7x:2x2x1
jax: 0.10.2.dev20260603
libtpu: 0.0.44.dev20260713+nightly
codegen_flags: <defaults>
</compile_context>

<pallas_src>
import functools

import jax
import jax.numpy as jnp
from jax import lax
from jax.experimental import pallas as pl
from jax.experimental.pallas import tpu as pltpu
from jax.experimental.pallas import tpu_sc as plsc

N = 10000
E = 320000
D = 128
DE = 4
H = 128

NC, NS, L = 2, 16, 16
NW = NC * NS
EPW = E // NW
CH = 80
NCHUNK = EPW // CH
NPAD = 10240
RPT = NPAD // NS

_mesh = functools.partial(
    plsc.VectorSubcoreMesh, core_axis_name="c", subcore_axis_name="s")



@functools.partial(
    pl.kernel,
    out_type=jax.ShapeDtypeStruct((NC, NPAD), jnp.float32),
    mesh=_mesh(),
    scratch_types=[
        pltpu.VMEM((NCHUNK, CH), jnp.int32),
        pltpu.VMEM((CH,), jnp.float32),
        pltpu.VMEM_SHARED((NPAD,), jnp.float32),
    ],
)
def _sc_degree(dst_hbm, zeros_hbm, out_hbm, didx_all, ones_v, acc_sh):
  c = lax.axis_index("c")
  s = lax.axis_index("s")
  wid = c * NS + s
  for j in range(CH // L):
    ones_v[pl.ds(j * L, L)] = jnp.ones((L,), jnp.float32)
  pltpu.sync_copy(dst_hbm.at[wid], didx_all)
  pltpu.sync_copy(zeros_hbm.at[pl.ds(s * RPT, RPT)],
                  acc_sh.at[pl.ds(s * RPT, RPT)])
  plsc.subcore_barrier()

  def body(i, carry):
    pltpu.sync_copy(ones_v, acc_sh.at[didx_all.at[i]], add=True)
    return carry

  lax.fori_loop(0, NCHUNK, body, 0)
  plsc.subcore_barrier()
  pltpu.sync_copy(acc_sh.at[pl.ds(s * RPT, RPT)],
                  out_hbm.at[c, pl.ds(s * RPT, RPT)])


@functools.partial(
    pl.kernel,
    out_type=jax.ShapeDtypeStruct((NC, NPAD, H), jnp.float32),
    mesh=_mesh(),
    scratch_types=[
        pltpu.VMEM((EPW,), jnp.int32),
        pltpu.VMEM((NCHUNK, CH), jnp.int32),
        pltpu.VMEM((CH, H), jnp.float32),
        pltpu.VMEM((CH, H), jnp.float32),
        pltpu.VMEM_SHARED((NPAD, H), jnp.float32),
        pltpu.SemaphoreType.DMA,
        pltpu.SemaphoreType.DMA,
    ],
)
def _sc_segsum(src_hbm, dst_hbm, g_hbm, zeros_hbm, out_hbm,
               sidx_all, didx_all, rows_a, rows_b, acc_sh, sga, sgb):
  c = lax.axis_index("c")
  s = lax.axis_index("s")
  wid = c * NS + s
  pltpu.sync_copy(src_hbm.at[wid], sidx_all)
  pltpu.sync_copy(dst_hbm.at[wid], didx_all)

  def gat(i, rows, sem):
    return pltpu.make_async_copy(
        g_hbm.at[sidx_all.at[pl.ds(i * CH, CH)]], rows, sem)

  gat(0, rows_a, sga).start()
  gat(1, rows_b, sgb).start()
  pltpu.sync_copy(zeros_hbm.at[pl.ds(s * RPT, RPT), :],
                  acc_sh.at[pl.ds(s * RPT, RPT), :])
  plsc.subcore_barrier()

  def body(k, carry):
    gat(0, rows_a, sga).wait()
    pltpu.sync_copy(rows_a, acc_sh.at[didx_all.at[2 * k]], add=True)
    gat(2 * k + 2, rows_a, sga).start()
    gat(0, rows_b, sgb).wait()
    pltpu.sync_copy(rows_b, acc_sh.at[didx_all.at[2 * k + 1]], add=True)
    gat(2 * k + 3, rows_b, sgb).start()
    return carry

  lax.fori_loop(0, (NCHUNK - 3) // 2, body, 0)
  k0 = NCHUNK - 3
  gat(0, rows_a, sga).wait()
  pltpu.sync_copy(rows_a, acc_sh.at[didx_all.at[k0]], add=True)
  gat(k0 + 2, rows_a, sga).start()
  gat(0, rows_b, sgb).wait()
  pltpu.sync_copy(rows_b, acc_sh.at[didx_all.at[k0 + 1]], add=True)
  gat(0, rows_a, sga).wait()
  pltpu.sync_copy(rows_a, acc_sh.at[didx_all.at[k0 + 2]], add=True)
  plsc.subcore_barrier()
  pltpu.sync_copy(acc_sh.at[pl.ds(s * RPT, RPT), :],
                  out_hbm.at[c, pl.ds(s * RPT, RPT), :])


def _make_edge_combine(ne, ch):
  epw = ne // NW
  nchunk = epw // ch
  assert nchunk % 2 == 1 and nchunk >= 5 and ch % 8 == 0

  @functools.partial(
      pl.kernel,
      out_type=jax.ShapeDtypeStruct((ne, H), jnp.float32),
      mesh=_mesh(),
      scratch_types=[
          pltpu.VMEM((epw,), jnp.int32),
          pltpu.VMEM((epw,), jnp.int32),
          pltpu.VMEM((2, ch, H), jnp.float32),
          pltpu.VMEM((2, ch, H), jnp.float32),
          pltpu.VMEM((ch,), jnp.int32),
          pltpu.VMEM((ch,), jnp.int32),
          pltpu.VMEM_SHARED((NS * 2 * ch, H), jnp.float32),
          pltpu.SemaphoreType.DMA,
          pltpu.SemaphoreType.DMA,
          pltpu.SemaphoreType.DMA,
          pltpu.SemaphoreType.DMA,
          pltpu.SemaphoreType.DMA,
          pltpu.SemaphoreType.DMA,
      ],
  )
  def _combine(src_hbm, dst_hbm, a_hbm, b_hbm, out_hbm,
               sidx_all, didx_all, bufa, bufb, zi0, zi1, zsh,
               sga0, sga1, sgb0, sgb1, sw0, sw1):
    c = lax.axis_index("c")
    s = lax.axis_index("s")
    wid = c * NS + s
    base0 = wid * epw
    pltpu.sync_copy(src_hbm.at[wid], sidx_all)
    pltpu.sync_copy(dst_hbm.at[wid], didx_all)
    offs = list(range(0, ch - L + 1, L))
    if ch % L:
      offs.append(ch - L)
    for off in offs:
      lane = lax.iota(jnp.int32, L) + (s * 2 * ch + off)
      zi0[pl.ds(off, L)] = lane
      zi1[pl.ds(off, L)] = lane + ch

    def issue(i, p, sga, sgb):
      ix = pl.ds(i * ch, ch)
      pltpu.async_copy(a_hbm.at[sidx_all.at[ix]], bufa.at[p], sga)
      pltpu.async_copy(b_hbm.at[didx_all.at[ix]], bufb.at[p], sgb)

    def waitg(p, sga, sgb):
      ix = pl.ds(0, ch)
      pltpu.make_async_copy(a_hbm.at[sidx_all.at[ix]], bufa.at[p], sga).wait()
      pltpu.make_async_copy(b_hbm.at[sidx_all.at[ix]], bufb.at[p], sgb).wait()

    def region(p):
      return zsh.at[pl.ds((s * 2 + p) * ch, ch), :]

    def combine(p, zi):
      pltpu.sync_copy(bufa.at[p], region(p))
      pltpu.sync_copy(bufb.at[p], zsh.at[zi], add=True)

    def write(i, p, sw):
      pltpu.async_copy(region(p), out_hbm.at[pl.ds(base0 + i * ch, ch), :], sw)

    def waitw(p, sw):
      pltpu.make_async_copy(region(p), out_hbm.at[pl.ds(base0, ch), :],
                            sw).wait()

    issue(0, 0, sga0, sgb0)
    issue(1, 1, sga1, sgb1)
    waitg(0, sga0, sgb0)
    combine(0, zi0)
    write(0, 0, sw0)
    issue(2, 0, sga0, sgb0)
    waitg(1, sga1, sgb1)
    combine(1, zi1)
    write(1, 1, sw1)
    issue(3, 1, sga1, sgb1)

    def body(k, carry):
      waitg(0, sga0, sgb0)
      waitw(0, sw0)
      combine(0, zi0)
      write(2 * k, 0, sw0)
      issue(2 * k + 2, 0, sga0, sgb0)
      waitg(1, sga1, sgb1)
      waitw(1, sw1)
      combine(1, zi1)
      write(2 * k + 1, 1, sw1)
      issue(2 * k + 3, 1, sga1, sgb1)
      return carry

    lax.fori_loop(1, (nchunk - 3) // 2, body, 0)
    k0 = nchunk - 3
    waitg(0, sga0, sgb0)
    waitw(0, sw0)
    combine(0, zi0)
    write(k0, 0, sw0)
    issue(k0 + 2, 0, sga0, sgb0)
    waitg(1, sga1, sgb1)
    waitw(1, sw1)
    combine(1, zi1)
    write(k0 + 1, 1, sw1)
    waitg(0, sga0, sgb0)
    waitw(0, sw0)
    combine(0, zi0)
    write(k0 + 2, 0, sw0)
    waitw(0, sw0)
    waitw(1, sw1)

  return _combine


E2 = E // 2
_edge_combine_half = _make_edge_combine(E2, 40)



_BR = 1024
_TE = 6400


def _tc_lin1_body(degp_ref, x_ref, w_ref, g_ref, dinv_ref):
  deg = degp_ref[0] + degp_ref[1] + 1.0
  dv = lax.rsqrt(deg)
  g_ref[...] = dv * jnp.dot(x_ref[...], w_ref[...],
                            preferred_element_type=jnp.float32)
  dinv_ref[...] = dv


def _tc_lin1(degp, xpad, w1):
  grid = NPAD // _BR
  return pl.pallas_call(
      _tc_lin1_body,
      grid=(grid,),
      in_specs=[
          pl.BlockSpec((NC, _BR, 1), lambda i: (0, i, 0)),
          pl.BlockSpec((_BR, D), lambda i: (i, 0)),
          pl.BlockSpec((D, H), lambda i: (0, 0)),
      ],
      out_specs=[
          pl.BlockSpec((_BR, H), lambda i: (i, 0)),
          pl.BlockSpec((_BR, 1), lambda i: (i, 0)),
      ],
      out_shape=[
          jax.ShapeDtypeStruct((NPAD, H), jnp.float32),
          jax.ShapeDtypeStruct((NPAD, 1), jnp.float32),
      ],
  )(degp, xpad, w1)


def _tc_lin2_body(aggp_ref, g_ref, dinv_ref, b_ref, w_ref, out_ref):
  dv = dinv_ref[...]
  h = jax.nn.relu(dv * (aggp_ref[0] + aggp_ref[1] + g_ref[...]) + b_ref[...])
  out_ref[...] = dv * jnp.dot(h, w_ref[...],
                              preferred_element_type=jnp.float32)


def _tc_lin2(aggp, g, dinv, b1, w2):
  grid = NPAD // _BR
  return pl.pallas_call(
      _tc_lin2_body,
      grid=(grid,),
      in_specs=[
          pl.BlockSpec((NC, _BR, H), lambda i: (0, i, 0)),
          pl.BlockSpec((_BR, H), lambda i: (i, 0)),
          pl.BlockSpec((_BR, 1), lambda i: (i, 0)),
          pl.BlockSpec((1, H), lambda i: (0, 0)),
          pl.BlockSpec((H, H), lambda i: (0, 0)),
      ],
      out_specs=pl.BlockSpec((_BR, H), lambda i: (i, 0)),
      out_shape=jax.ShapeDtypeStruct((NPAD, H), jnp.float32),
  )(aggp, g, dinv, b1, w2)


def _tc_tables_body(aggp_ref, g_ref, dinv_ref, b2_ref, ws_ref, wd_ref,
                    bm1_ref, a_ref, bt_ref):
  dv = dinv_ref[...]
  h = dv * (aggp_ref[0] + aggp_ref[1] + g_ref[...]) + b2_ref[...]
  a_ref[...] = jnp.dot(h, ws_ref[...], preferred_element_type=jnp.float32)
  bt_ref[...] = jnp.dot(h, wd_ref[...],
                        preferred_element_type=jnp.float32) + bm1_ref[...]


def _tc_tables(aggp, g, dinv, b2, wm1s, wm1d, bm1):
  grid = NPAD // _BR
  return pl.pallas_call(
      _tc_tables_body,
      grid=(grid,),
      in_specs=[
          pl.BlockSpec((NC, _BR, H), lambda i: (0, i, 0)),
          pl.BlockSpec((_BR, H), lambda i: (i, 0)),
          pl.BlockSpec((_BR, 1), lambda i: (i, 0)),
          pl.BlockSpec((1, H), lambda i: (0, 0)),
          pl.BlockSpec((H, H), lambda i: (0, 0)),
          pl.BlockSpec((H, H), lambda i: (0, 0)),
          pl.BlockSpec((1, H), lambda i: (0, 0)),
      ],
      out_specs=[
          pl.BlockSpec((_BR, H), lambda i: (i, 0)),
          pl.BlockSpec((_BR, H), lambda i: (i, 0)),
      ],
      out_shape=[
          jax.ShapeDtypeStruct((NPAD, H), jnp.float32),
          jax.ShapeDtypeStruct((NPAD, H), jnp.float32),
      ],
  )(aggp, g, dinv, b2, wm1s, wm1d, bm1)


def _tc_mlp_body(zp_ref, eat_ref, wm1e_ref, wm2_ref, bm2_ref,
                 wm3_ref, bm3_ref, out_ref):
  eac = lax.dot_general(eat_ref[...], wm1e_ref[...],
                        (((0,), (0,)), ((), ())),
                        preferred_element_type=jnp.float32)
  z1 = jax.nn.relu(zp_ref[...] + eac)
  z2 = jax.nn.relu(jnp.dot(z1, wm2_ref[...],
                           preferred_element_type=jnp.float32) + bm2_ref[...])
  r = jnp.sum(z2 * wm3_ref[...], axis=1) + bm3_ref[0, 0]
  i = pl.program_id(0)
  out_ref[pl.ds(i * _TE, _TE)] = jax.nn.sigmoid(r)


def _tc_mlp(zp, eat, wm1e, wm2, bm2, wm3row, bm3):
  ne = zp.shape[0]
  grid = ne // _TE
  return pl.pallas_call(
      _tc_mlp_body,
      grid=(grid,),
      in_specs=[
          pl.BlockSpec((_TE, H), lambda i: (i, 0)),
          pl.BlockSpec((DE, _TE), lambda i: (0, i)),
          pl.BlockSpec((DE, H), lambda i: (0, 0)),
          pl.BlockSpec((H, H), lambda i: (0, 0)),
          pl.BlockSpec((1, H), lambda i: (0, 0)),
          pl.BlockSpec((1, H), lambda i: (0, 0)),
          pl.BlockSpec((1, 1), lambda i: (0, 0)),
      ],
      out_specs=pl.BlockSpec((ne,), lambda i: (0,)),
      out_shape=jax.ShapeDtypeStruct((ne,), jnp.float32),
  )(zp, eat, wm1e, wm2, bm2, wm3row, bm3)



def kernel(x, edge_index, edge_attr, W1, b1, W2, b2,
           Wm1, bm1, Wm2, bm2, Wm3, bm3):
  src_f = edge_index[0].reshape(NW, EPW)
  dst_r = edge_index[1].reshape(NW, NCHUNK, CH)
  xpad = jnp.zeros((NPAD, D), jnp.float32).at[:N].set(x)
  zeros_n = jnp.zeros((NPAD,), jnp.float32)
  zeros_nh = jnp.zeros((NPAD, H), jnp.float32)

  degp = _sc_degree(dst_r, zeros_n)
  g0, dinv = _tc_lin1(degp.reshape(NC, NPAD, 1), xpad, W1)
  agg0 = _sc_segsum(src_f, dst_r, g0, zeros_nh)
  g1 = _tc_lin2(agg0, g0, dinv, b1.reshape(1, H), W2)
  agg1 = _sc_segsum(src_f, dst_r, g1, zeros_nh)
  at, bt = _tc_tables(agg1, g1, dinv, b2.reshape(1, H),
                      Wm1[:H], Wm1[H:2 * H], bm1.reshape(1, H))
  eat = edge_attr.T
  wm1e = Wm1[2 * H:]
  bm2r = bm2.reshape(1, H)
  wm3r = Wm3.reshape(1, H)
  bm3r = bm3.reshape(1, 1)
  e2w = E2 // NW
  src_h = edge_index[0].reshape(2, NW, e2w)
  dst_h = edge_index[1].reshape(2, NW, e2w)
  zp0 = _edge_combine_half(src_h[0], dst_h[0], at, bt)
  zp1 = _edge_combine_half(src_h[1], dst_h[1], at, bt)
  out0 = _tc_mlp(zp0, eat[:, :E2], wm1e, Wm2, bm2r, wm3r, bm3r)
  out1 = _tc_mlp(zp1, eat[:, E2:], wm1e, Wm2, bm2r, wm3r, bm3r)
  return jnp.concatenate([out0, out1])

# --- scband reference (transcript-rebuilt; emitter-appended) ---
"""Pipeline reference for scband-edge-classifier-4020089389438 (READ-ONLY COPY).

The authoritative reference and input builder live on the scoring server;
editing this copy changes nothing except your own understanding.
"""

import jax, jax.numpy as jnp
import numpy as np

N = 10000
E = 320000
D = 128
DE = 4
H = 128


def setup_inputs(seed: int = 0) -> dict:
    key = jax.random.key(seed)
    ks = jax.random.split(key, 16)
    s = 0.05
    inp = {}
    inp['x'] = jax.random.normal(ks[0], (N, D), dtype=jnp.float32)
    inp['edge_index'] = jax.random.randint(ks[1], (2, E), 0, N, dtype=jnp.int32)
    inp['edge_attr'] = jax.random.normal(ks[2], (E, DE), dtype=jnp.float32)
    inp['W1'] = jax.random.normal(ks[3], (D, H), dtype=jnp.float32) * s
    inp['b1'] = jnp.zeros((H,), dtype=jnp.float32)
    inp['W2'] = jax.random.normal(ks[4], (H, H), dtype=jnp.float32) * s
    inp['b2'] = jnp.zeros((H,), dtype=jnp.float32)
    inp['Wm1'] = jax.random.normal(ks[5], (2 * H + DE, H), dtype=jnp.float32) * s
    inp['bm1'] = jnp.zeros((H,), dtype=jnp.float32)
    inp['Wm2'] = jax.random.normal(ks[6], (H, H), dtype=jnp.float32) * s
    inp['bm2'] = jnp.zeros((H,), dtype=jnp.float32)
    inp['Wm3'] = jax.random.normal(ks[7], (H, 1), dtype=jnp.float32) * s
    inp['bm3'] = jnp.zeros((1,), dtype=jnp.float32)
    return inp


def gcn_conv(x, W, b, src, dst):
    # PyG GCNConv: linear transform, add self loops, symmetric D^-1/2 (A+I) D^-1/2 aggregation, bias
    h = x @ W
    loop = jnp.arange(N, dtype=src.dtype)
    s2 = jnp.concatenate([src, loop])
    d2 = jnp.concatenate([dst, loop])
    deg = jnp.zeros((N,), dtype=x.dtype).at[d2].add(1.0)
    dinv = jnp.where(deg > 0, jax.lax.rsqrt(deg), 0.0)
    norm = dinv[s2] * dinv[d2]
    out = jnp.zeros((N, W.shape[1]), dtype=x.dtype).at[d2].add(norm[:, None] * h[s2])
    return out + b


def reference(x, edge_index, edge_attr, W1, b1, W2, b2, Wm1, bm1, Wm2, bm2, Wm3, bm3):
    src, dst = edge_index[0], edge_index[1]
    h = jax.nn.relu(gcn_conv(x, W1, b1, src, dst))
    h = gcn_conv(h, W2, b2, src, dst)
    e = jnp.concatenate([h[src], h[dst], edge_attr], axis=1)
    e = jax.nn.relu(e @ Wm1 + bm1)
    e = jax.nn.relu(e @ Wm2 + bm2)
    out = (e @ Wm3 + bm3).squeeze(1)
    return jax.nn.sigmoid(out)

if __name__ == "__main__":
    import jax
    _d = setup_inputs()
    print(jax.jit(kernel)(*tuple(_d.values())))

</pallas_src>

<mosaic_0001>
#map = affine_map<(d0, d1) -> (0, 0, 0)>
#map1 = affine_map<(d0, d1) -> (0)>
#map2 = affine_map<(d0, d1) -> (0, 0)>
module attributes {stable_mosaic.version = 14 : i64} {
  func.func @_sc_degree(%arg0: i32, %arg1: i32, %arg2: memref<32x125x80xi32, #tpu.memory_space<hbm>>, %arg3: memref<10240xf32, #tpu.memory_space<hbm>>, %arg4: memref<2x10240xf32, #tpu.memory_space<hbm>>, %arg5: memref<125x80xi32, #tpu.memory_space<vmem>>, %arg6: memref<80xf32, #tpu.memory_space<vmem>>, %arg7: memref<10240xf32, #tpu.memory_space<vmem_shared>>) attributes {dimension_semantics = [#tpu.dimension_semantics<core_parallel>, #tpu.dimension_semantics<subcore_parallel>], iteration_bounds = array<i64: 2, 16>, scalar_prefetch = 0 : i64, scratch_operands = 3 : i64, tpu.core_type = #tpu.core_type<sc_vector_subcore>, window_params = [{transform_indices = #map}, {transform_indices = #map1}, {transform_indices = #map2}]} {
    %mul3A = arith.constant 16 : i32
    %mul3A_0 = arith.muli %arg0, %mul3A : i32
    %add3A = arith.addi %mul3A_0, %arg1 : i32
    %broadcast_in_dim3A = arith.constant 1.000000e+00 : f32
    %broadcast_in_dim3A_1 = vector.broadcast %broadcast_in_dim3A : f32 to vector<16xf32>
    %swap3A = arith.constant 0 : index
    %swap3A_2 = tpu.vector_load %arg6[%swap3A] {strides = array<i32>} : memref<80xf32, #tpu.memory_space<vmem>>, vector<16xf32>,
    %swap3A_3 = vector.shape_cast %swap3A_2 : vector<16xf32> to vector<16xf32>
    %swap3A_4 = vector.shape_cast %broadcast_in_dim3A_1 : vector<16xf32> to vector<16xf32>
    tpu.vector_store %arg6[%swap3A], %swap3A_4 {strides = array<i32>} : memref<80xf32, #tpu.memory_space<vmem>>, vector<16xf32>,
    %broadcast_in_dim3A_5 = arith.constant 1.000000e+00 : f32
    %broadcast_in_dim3A_6 = vector.broadcast %broadcast_in_dim3A_5 : f32 to vector<16xf32>
    %swap3A_7 = arith.constant 16 : index
    %swap3A_8 = tpu.vector_load %arg6[%swap3A_7] {strides = array<i32>} : memref<80xf32, #tpu.memory_space<vmem>>, vector<16xf32>,
    %swap3A_9 = vector.shape_cast %swap3A_8 : vector<16xf32> to vector<16xf32>
    %swap3A_10 = vector.shape_cast %broadcast_in_dim3A_6 : vector<16xf32> to vector<16xf32>
    tpu.vector_store %arg6[%swap3A_7], %swap3A_10 {strides = array<i32>} : memref<80xf32, #tpu.memory_space<vmem>>, vector<16xf32>,
    %broadcast_in_dim3A_11 = arith.constant 1.000000e+00 : f32
    %broadcast_in_dim3A_12 = vector.broadcast %broadcast_in_dim3A_11 : f32 to vector<16xf32>
    %swap3A_13 = arith.constant 32 : index
    %swap3A_14 = tpu.vector_load %arg6[%swap3A_13] {strides = array<i32>} : memref<80xf32, #tpu.memory_space<vmem>>, vector<16xf32>,
    %swap3A_15 = vector.shape_cast %swap3A_14 : vector<16xf32> to vector<16xf32>
    %swap3A_16 = vector.shape_cast %broadcast_in_dim3A_12 : vector<16xf32> to vector<16xf32>
    tpu.vector_store %arg6[%swap3A_13], %swap3A_16 {strides = array<i32>} : memref<80xf32, #tpu.memory_space<vmem>>, vector<16xf32>,
    %broadcast_in_dim3A_17 = arith.constant 1.000000e+00 : f32
    %broadcast_in_dim3A_18 = vector.broadcast %broadcast_in_dim3A_17 : f32 to vector<16xf32>
    %swap3A_19 = arith.constant 48 : index
    %swap3A_20 = tpu.vector_load %arg6[%swap3A_19] {strides = array<i32>} : memref<80xf32, #tpu.memory_space<vmem>>, vector<16xf32>,
    %swap3A_21 = vector.shape_cast %swap3A_20 : vector<16xf32> to vector<16xf32>
    %swap3A_22 = vector.shape_cast %broadcast_in_dim3A_18 : vector<16xf32> to vector<16xf32>
    tpu.vector_store %arg6[%swap3A_19], %swap3A_22 {strides = array<i32>} : memref<80xf32, #tpu.memory_space<vmem>>, vector<16xf32>,
    %broadcast_in_dim3A_23 = arith.constant 1.000000e+00 : f32
    %broadcast_in_dim3A_24 = vector.broadcast %broadcast_in_dim3A_23 : f32 to vector<16xf32>
    %swap3A_25 = arith.constant 64 : index
    %swap3A_26 = tpu.vector_load %arg6[%swap3A_25] {strides = array<i32>} : memref<80xf32, #tpu.memory_space<vmem>>, vector<16xf32>,
    %swap3A_27 = vector.shape_cast %swap3A_26 : vector<16xf32> to vector<16xf32>
    %swap3A_28 = vector.shape_cast %broadcast_in_dim3A_24 : vector<16xf32> to vector<16xf32>
    tpu.vector_store %arg6[%swap3A_25], %swap3A_28 {strides = array<i32>} : memref<80xf32, #tpu.memory_space<vmem>>, vector<16xf32>,
    "tpu.region"() ({
      %run_scoped3A = tpu.sem_alloc : memref<!tpu.dma_semaphore, #tpu.memory_space<semaphore_mem>>
      %dma_start3A = arith.constant 0 : i32
      %dma_start3A_43 = arith.constant 0 : i32
      %dma_start3A_44 = tpu.memref_slice %arg2[%add3A, %dma_start3A, %dma_start3A_43] : memref<32x125x80xi32, #tpu.memory_space<hbm>> -> memref<1x125x80xi32, #tpu.memory_space<hbm>>
      %dma_start3A_45 = tpu.memref_squeeze %dma_start3A_44 : memref<1x125x80xi32, #tpu.memory_space<hbm>> -> memref<125x80xi32, #tpu.memory_space<hbm>>
      %dma_start3A_46 = arith.constant 0 : i32
      %dma_start3A_47 = arith.constant 0 : i32
      %dma_start3A_48 = tpu.memref_slice %arg2[%add3A, %dma_start3A_46, %dma_start3A_47] : memref<32x125x80xi32, #tpu.memory_space<hbm>> -> memref<1x125x80xi32, #tpu.memory_space<hbm>>
      %dma_start3A_49 = tpu.memref_squeeze %dma_start3A_48 : memref<1x125x80xi32, #tpu.memory_space<hbm>> -> memref<125x80xi32, #tpu.memory_space<hbm>>
      tpu.enqueue_dma source(%dma_start3A_49 : memref<125x80xi32, #tpu.memory_space<hbm>>) target(%arg5 : memref<125x80xi32, #tpu.memory_space<vmem>>) target_semaphore(%run_scoped3A : memref<!tpu.dma_semaphore, #tpu.memory_space<semaphore_mem>>)
      %dma_wait3A = arith.constant 0 : i32
      %dma_wait3A_50 = arith.constant 0 : i32
      %dma_wait3A_51 = tpu.memref_slice %arg2[%add3A, %dma_wait3A, %dma_wait3A_50] : memref<32x125x80xi32, #tpu.memory_space<hbm>> -> memref<1x125x80xi32, #tpu.memory_space<hbm>>
      %dma_wait3A_52 = tpu.memref_squeeze %dma_wait3A_51 : memref<1x125x80xi32, #tpu.memory_space<hbm>> -> memref<125x80xi32, #tpu.memory_space<hbm>>
      %dma_wait3A_53 = arith.constant 0 : i32
      %dma_wait3A_54 = arith.constant 0 : i32
      %dma_wait3A_55 = tpu.memref_slice %arg2[%add3A, %dma_wait3A_53, %dma_wait3A_54] : memref<32x125x80xi32, #tpu.memory_space<hbm>> -> memref<1x125x80xi32, #tpu.memory_space<hbm>>
      %dma_wait3A_56 = tpu.memref_squeeze %dma_wait3A_55 : memref<1x125x80xi32, #tpu.memory_space<hbm>> -> memref<125x80xi32, #tpu.memory_space<hbm>>
      tpu.wait_dma2 semaphore(%run_scoped3A : memref<!tpu.dma_semaphore, #tpu.memory_space<semaphore_mem>>) src(%dma_wait3A_56 : memref<125x80xi32, #tpu.memory_space<hbm>>) dst(%arg5 : memref<125x80xi32, #tpu.memory_space<vmem>>)
      tpu.yield
    }) : () -> ()
    %mul3A_29 = arith.constant 640 : i32
    %mul3A_30 = arith.muli %arg1, %mul3A_29 : i32
    %mul3A_31 = arith.constant 640 : i32
    %mul3A_32 = arith.muli %arg1, %mul3A_31 : i32
    "tpu.region"() ({
      %run_scoped3A = tpu.sem_alloc : memref<!tpu.dma_semaphore, #tpu.memory_space<semaphore_mem>>
      %dma_start3A = tpu.memref_slice %arg7[%mul3A_32] : memref<10240xf32, #tpu.memory_space<vmem_shared>> -> memref<640xf32, #tpu.memory_space<vmem_shared>>
      %dma_start3A_43 = tpu.memref_slice %arg3[%mul3A_30] : memref<10240xf32, #tpu.memory_space<hbm>> -> memref<640xf32, #tpu.memory_space<hbm>>
      tpu.enqueue_dma source(%dma_start3A_43 : memref<640xf32, #tpu.memory_space<hbm>>) target(%dma_start3A : memref<640xf32, #tpu.memory_space<vmem_shared>>) target_semaphore(%run_scoped3A : memref<!tpu.dma_semaphore, #tpu.memory_space<semaphore_mem>>)
      %dma_wait3A = tpu.memref_slice %arg7[%mul3A_32] : memref<10240xf32, #tpu.memory_space<vmem_shared>> -> memref<640xf32, #tpu.memory_space<vmem_shared>>
      %dma_wait3A_44 = tpu.memref_slice %arg3[%mul3A_30] : memref<10240xf32, #tpu.memory_space<hbm>> -> memref<640xf32, #tpu.memory_space<hbm>>
      tpu.wait_dma2 semaphore(%run_scoped3A : memref<!tpu.dma_semaphore, #tpu.memory_space<semaphore_mem>>) src(%dma_wait3A_44 : memref<640xf32, #tpu.memory_space<hbm>>) dst(%dma_wait3A : memref<640xf32, #tpu.memory_space<vmem_shared>>)
      tpu.yield
    }) : () -> ()
    %barrier3A = arith.constant 0 : index
    tpu.barrier barrier_id(%barrier3A)
    %scan3A = arith.constant 0 : i32
    %scan3A_33 = arith.constant 0 : i32
    %scan3A_34 = arith.constant 125 : i32
    %scan3A_35 = arith.addi %scan3A_33, %scan3A_34 : i32
    %scan3A_36 = arith.constant 1 : i32
    scf.for %scan3A_43 = %scan3A_33 to %scan3A_35 step %scan3A_36  : i32 {
      "tpu.region"() ({
        %run_scoped3A = tpu.sem_alloc : memref<!tpu.dma_semaphore, #tpu.memory_space<semaphore_mem>>
        %dma_start3A = arith.constant 0 : i32
        %dma_start3A_44 = tpu.memref_slice %arg5[%scan3A_43, %dma_start3A] : memref<125x80xi32, #tpu.memory_space<vmem>> -> memref<1x80xi32, #tpu.memory_space<vmem>>
        %dma_start3A_45 = tpu.memref_squeeze %dma_start3A_44 : memref<1x80xi32, #tpu.memory_space<vmem>> -> memref<80xi32, #tpu.memory_space<vmem>>
        %dma_start3A_46 = arith.constant 0 : i32
        %dma_start3A_47 = tpu.memref_slice %arg7[%dma_start3A_46] : memref<10240xf32, #tpu.memory_space<vmem_shared>> -> memref<10240xf32, #tpu.memory_space<vmem_shared>>
        tpu.enqueue_indirect_dma source(%arg6 : memref<80xf32, #tpu.memory_space<vmem>>) target(%dma_start3A_47 : memref<10240xf32, #tpu.memory_space<vmem_shared>>) offsets(%dma_start3A_45 : memref<80xi32, #tpu.memory_space<vmem>>) semaphore(%run_scoped3A : memref<!tpu.dma_semaphore, #tpu.memory_space<semaphore_mem>>) {add = true}
        %dma_wait3A = arith.constant 0 : i32
        %dma_wait3A_48 = tpu.memref_slice %arg5[%scan3A_43, %dma_wait3A] : memref<125x80xi32, #tpu.memory_space<vmem>> -> memref<1x80xi32, #tpu.memory_space<vmem>>
        %dma_wait3A_49 = tpu.memref_squeeze %dma_wait3A_48 : memref<1x80xi32, #tpu.memory_space<vmem>> -> memref<80xi32, #tpu.memory_space<vmem>>
        %dma_wait3A_50 = arith.constant 0 : i32
        %dma_wait3A_51 = tpu.memref_slice %arg7[%dma_wait3A_50] : memref<10240xf32, #tpu.memory_space<vmem_shared>> -> memref<10240xf32, #tpu.memory_space<vmem_shared>>
        tpu.wait_indirect_dma semaphore(%run_scoped3A : memref<!tpu.dma_semaphore, #tpu.memory_space<semaphore_mem>>) src(%arg6 : memref<80xf32, #tpu.memory_space<vmem>>) dst(%dma_wait3A_51 : memref<10240xf32, #tpu.memory_space<vmem_shared>>)
        tpu.yield
      }) : () -> ()
    }
    %scan3A_37 = arith.constant 125 : i32
    %barrier3A_38 = arith.constant 0 : index
    tpu.barrier barrier_id(%barrier3A_38)
    %mul3A_39 = arith.constant 640 : i32
    %mul3A_40 = arith.muli %arg1, %mul3A_39 : i32
    %mul3A_41 = arith.constant 640 : i32
    %mul3A_42 = arith.muli %arg1, %mul3A_41 : i32
    "tpu.region"() ({
      %run_scoped3A = tpu.sem_alloc : memref<!tpu.dma_semaphore, #tpu.memory_space<semaphore_mem>>
      %dma_start3A = tpu.memref_slice %arg4[%arg0, %mul3A_42] : memref<2x10240xf32, #tpu.memory_space<hbm>> -> memref<1x640xf32, #tpu.memory_space<hbm>>
      %dma_start3A_43 = tpu.memref_squeeze %dma_start3A : memref<1x640xf32, #tpu.memory_space<hbm>> -> memref<640xf32, #tpu.memory_space<hbm>>
      %dma_start3A_44 = tpu.memref_slice %arg7[%mul3A_40] : memref<10240xf32, #tpu.memory_space<vmem_shared>> -> memref<640xf32, #tpu.memory_space<vmem_shared>>
      tpu.enqueue_dma source(%dma_start3A_44 : memref<640xf32, #tpu.memory_space<vmem_shared>>) target(%dma_start3A_43 : memref<640xf32, #tpu.memory_space<hbm>>) target_semaphore(%run_scoped3A : memref<!tpu.dma_semaphore, #tpu.memory_space<semaphore_mem>>)
      %dma_wait3A = tpu.memref_slice %arg4[%arg0, %mul3A_42] : memref<2x10240xf32, #tpu.memory_space<hbm>> -> memref<1x640xf32, #tpu.memory_space<hbm>>
      %dma_wait3A_45 = tpu.memref_squeeze %dma_wait3A : memref<1x640xf32, #tpu.memory_space<hbm>> -> memref<640xf32, #tpu.memory_space<hbm>>
      %dma_wait3A_46 = tpu.memref_slice %arg7[%mul3A_40] : memref<10240xf32, #tpu.memory_space<vmem_shared>> -> memref<640xf32, #tpu.memory_space<vmem_shared>>
      tpu.wait_dma2 semaphore(%run_scoped3A : memref<!tpu.dma_semaphore, #tpu.memory_space<semaphore_mem>>) src(%dma_wait3A_46 : memref<640xf32, #tpu.memory_space<vmem_shared>>) dst(%dma_wait3A_45 : memref<640xf32, #tpu.memory_space<hbm>>)
      tpu.yield
    }) : () -> ()
    return
  }
}

#map = affine_map<(d0, d1) -> (0, 0)>
#map1 = affine_map<(d0, d1) -> (0, 0, 0)>
module attributes {stable_mosaic.version = 14 : i64} {
  func.func @_sc_segsum(%arg0: i32, %arg1: i32, %arg2: memref<32x10000xi32, #tpu.memory_space<hbm>>, %arg3: memref<32x125x80xi32, #tpu.memory_space<hbm>>, %arg4: memref<10240x128xf32, #tpu.memory_space<hbm>>, %arg5: memref<10240x128xf32, #tpu.memory_space<hbm>>, %arg6: memref<2x10240x128xf32, #tpu.memory_space<hbm>>, %arg7: memref<10000xi32, #tpu.memory_space<vmem>>, %arg8: memref<125x80xi32, #tpu.memory_space<vmem>>, %arg9: memref<80x128xf32, #tpu.memory_space<vmem>>, %arg10: memref<80x128xf32, #tpu.memory_space<vmem>>, %arg11: memref<10240x128xf32, #tpu.memory_space<vmem_shared>>, %arg12: memref<!tpu.dma_semaphore, #tpu.memory_space<semaphore_mem>>, %arg13: memref<!tpu.dma_semaphore, #tpu.memory_space<semaphore_mem>>) attributes {dimension_semantics = [#tpu.dimension_semantics<core_parallel>, #tpu.dimension_semantics<subcore_parallel>], iteration_bounds = array<i64: 2, 16>, scalar_prefetch = 0 : i64, scratch_operands = 7 : i64, tpu.core_type = #tpu.core_type<sc_vector_subcore>, window_params = [{transform_indices = #map}, {transform_indices = #map1}, {transform_indices = #map}, {transform_indices = #map}, {transform_indices = #map1}]} {
    %mul3A = arith.constant 16 : i32
    %mul3A_0 = arith.muli %arg0, %mul3A : i32
    %add3A = arith.addi %mul3A_0, %arg1 : i32
    "tpu.region"() ({
      %run_scoped3A_45 = tpu.sem_alloc : memref<!tpu.dma_semaphore, #tpu.memory_space<semaphore_mem>>
      %dma_start3A_46 = arith.constant 0 : i32
      %dma_start3A_47 = tpu.memref_slice %arg2[%add3A, %dma_start3A_46] : memref<32x10000xi32, #tpu.memory_space<hbm>> -> memref<1x10000xi32, #tpu.memory_space<hbm>>
      %dma_start3A_48 = tpu.memref_squeeze %dma_start3A_47 : memref<1x10000xi32, #tpu.memory_space<hbm>> -> memref<10000xi32, #tpu.memory_space<hbm>>
      %dma_start3A_49 = arith.constant 0 : i32
      %dma_start3A_50 = tpu.memref_slice %arg2[%add3A, %dma_start3A_49] : memref<32x10000xi32, #tpu.memory_space<hbm>> -> memref<1x10000xi32, #tpu.memory_space<hbm>>
      %dma_start3A_51 = tpu.memref_squeeze %dma_start3A_50 : memref<1x10000xi32, #tpu.memory_space<hbm>> -> memref<10000xi32, #tpu.memory_space<hbm>>
      tpu.enqueue_dma source(%dma_start3A_51 : memref<10000xi32, #tpu.memory_space<hbm>>) target(%arg7 : memref<10000xi32, #tpu.memory_space<vmem>>) target_semaphore(%run_scoped3A_45 : memref<!tpu.dma_semaphore, #tpu.memory_space<semaphore_mem>>)
      %dma_wait3A_52 = arith.constant 0 : i32
      %dma_wait3A_53 = tpu.memref_slice %arg2[%add3A, %dma_wait3A_52] : memref<32x10000xi32, #tpu.memory_space<hbm>> -> memref<1x10000xi32, #tpu.memory_space<hbm>>
      %dma_wait3A_54 = tpu.memref_squeeze %dma_wait3A_53 : memref<1x10000xi32, #tpu.memory_space<hbm>> -> memref<10000xi32, #tpu.memory_space<hbm>>
      %dma_wait3A_55 = arith.constant 0 : i32
      %dma_wait3A_56 = tpu.memref_slice %arg2[%add3A, %dma_wait3A_55] : memref<32x10000xi32, #tpu.memory_space<hbm>> -> memref<1x10000xi32, #tpu.memory_space<hbm>>
      %dma_wait3A_57 = tpu.memref_squeeze %dma_wait3A_56 : memref<1x10000xi32, #tpu.memory_space<hbm>> -> memref<10000xi32, #tpu.memory_space<hbm>>
      tpu.wait_dma2 semaphore(%run_scoped3A_45 : memref<!tpu.dma_semaphore, #tpu.memory_space<semaphore_mem>>) src(%dma_wait3A_57 : memref<10000xi32, #tpu.memory_space<hbm>>) dst(%arg7 : memref<10000xi32, #tpu.memory_space<vmem>>)
      tpu.yield
    }) : () -> ()
    "tpu.region"() ({
      %run_scoped3A_45 = tpu.sem_alloc : memref<!tpu.dma_semaphore, #tpu.memory_space<semaphore_mem>>
      %dma_start3A_46 = arith.constant 0 : i32
      %dma_start3A_47 = arith.constant 0 : i32
      %dma_start3A_48 = tpu.memref_slice %arg3[%add3A, %dma_start3A_46, %dma_start3A_47] : memref<32x125x80xi32, #tpu.memory_space<hbm>> -> memref<1x125x80xi32, #tpu.memory_space<hbm>>
      %dma_start3A_49 = tpu.memref_squeeze %dma_start3A_48 : memref<1x125x80xi32, #tpu.memory_space<hbm>> -> memref<125x80xi32, #tpu.memory_space<hbm>>
      %dma_start3A_50 = arith.constant 0 : i32
      %dma_start3A_51 = arith.constant 0 : i32
      %dma_start3A_52 = tpu.memref_slice %arg3[%add3A, %dma_start3A_50, %dma_start3A_51] : memref<32x125x80xi32, #tpu.memory_space<hbm>> -> memref<1x125x80xi32, #tpu.memory_space<hbm>>
      %dma_start3A_53 = tpu.memref_squeeze %dma_start3A_52 : memref<1x125x80xi32, #tpu.memory_space<hbm>> -> memref<125x80xi32, #tpu.memory_space<hbm>>
      tpu.enqueue_dma source(%dma_start3A_53 : memref<125x80xi32, #tpu.memory_space<hbm>>) target(%arg8 : memref<125x80xi32, #tpu.memory_space<vmem>>) target_semaphore(%run_scoped3A_45 : memref<!tpu.dma_semaphore, #tpu.memory_space<semaphore_mem>>)
      %dma_wait3A_54 = arith.constant 0 : i32
      %dma_wait3A_55 = arith.constant 0 : i32
      %dma_wait3A_56 = tpu.memref_slice %arg3[%add3A, %dma_wait3A_54, %dma_wait3A_55] : memref<32x125x80xi32, #tpu.memory_space<hbm>> -> memref<1x125x80xi32, #tpu.memory_space<hbm>>
      %dma_wait3A_57 = tpu.memref_squeeze %dma_wait3A_56 : memref<1x125x80xi32, #tpu.memory_space<hbm>> -> memref<125x80xi32, #tpu.memory_space<hbm>>
      %dma_wait3A_58 = arith.constant 0 : i32
      %dma_wait3A_59 = arith.constant 0 : i32
      %dma_wait3A_60 = tpu.memref_slice %arg3[%add3A, %dma_wait3A_58, %dma_wait3A_59] : memref<32x125x80xi32, #tpu.memory_space<hbm>> -> memref<1x125x80xi32, #tpu.memory_space<hbm>>
      %dma_wait3A_61 = tpu.memref_squeeze %dma_wait3A_60 : memref<1x125x80xi32, #tpu.memory_space<hbm>> -> memref<125x80xi32, #tpu.memory_space<hbm>>
      tpu.wait_dma2 semaphore(%run_scoped3A_45 : memref<!tpu.dma_semaphore, #tpu.memory_space<semaphore_mem>>) src(%dma_wait3A_61 : memref<125x80xi32, #tpu.memory_space<hbm>>) dst(%arg8 : memref<125x80xi32, #tpu.memory_space<vmem>>)
      tpu.yield
    }) : () -> ()
    %dma_start3A = arith.constant 0 : i32
    %dma_start3A_1 = tpu.memref_slice %arg7[%dma_start3A] : memref<10000xi32, #tpu.memory_space<vmem>> -> memref<80xi32, #tpu.memory_space<vmem>>
    %dma_start3A_2 = arith.constant 0 : i32
    %dma_start3A_3 = arith.constant 0 : i32
    %dma_start3A_4 = tpu.memref_slice %arg4[%dma_start3A_2, %dma_start3A_3] : memref<10240x128xf32, #tpu.memory_space<hbm>> -> memref<10240x128xf32, #tpu.memory_space<hbm>>
    tpu.enqueue_indirect_dma source(%dma_start3A_4 : memref<10240x128xf32, #tpu.memory_space<hbm>>) target(%arg9 : memref<80x128xf32, #tpu.memory_space<vmem>>) offsets(%dma_start3A_1 : memref<80xi32, #tpu.memory_space<vmem>>) semaphore(%arg12 : memref<!tpu.dma_semaphore, #tpu.memory_space<semaphore_mem>>)
    %dma_start3A_5 = arith.constant 80 : i32
    %dma_start3A_6 = tpu.memref_slice %arg7[%dma_start3A_5] : memref<10000xi32, #tpu.memory_space<vmem>> -> memref<80xi32, #tpu.memory_space<vmem>>
    %dma_start3A_7 = arith.constant 0 : i32
    %dma_start3A_8 = arith.constant 0 : i32
    %dma_start3A_9 = tpu.memref_slice %arg4[%dma_start3A_7, %dma_start3A_8] : memref<10240x128xf32, #tpu.memory_space<hbm>> -> memref<10240x128xf32, #tpu.memory_space<hbm>>
    tpu.enqueue_indirect_dma source(%dma_start3A_9 : memref<10240x128xf32, #tpu.memory_space<hbm>>) target(%arg10 : memref<80x128xf32, #tpu.memory_space<vmem>>) offsets(%dma_start3A_6 : memref<80xi32, #tpu.memory_space<vmem>>) semaphore(%arg13 : memref<!tpu.dma_semaphore, #tpu.memory_space<semaphore_mem>>)
    %mul3A_10 = arith.constant 640 : i32
    %mul3A_11 = arith.muli %arg1, %mul3A_10 : i32
    %mul3A_12 = arith.constant 640 : i32
    %mul3A_13 = arith.muli %arg1, %mul3A_12 : i32
    "tpu.region"() ({
      %run_scoped3A_45 = tpu.sem_alloc : memref<!tpu.dma_semaphore, #tpu.memory_space<semaphore_mem>>
      %dma_start3A_46 = arith.constant 0 : i32
      %dma_start3A_47 = tpu.memref_slice %arg11[%mul3A_13, %dma_start3A_46] : memref<10240x128xf32, #tpu.memory_space<vmem_shared>> -> memref<640x128xf32, #tpu.memory_space<vmem_shared>>
      %dma_start3A_48 = arith.constant 0 : i32
      %dma_start3A_49 = tpu.memref_slice %arg5[%mul3A_11, %dma_start3A_48] : memref<10240x128xf32, #tpu.memory_space<hbm>> -> memref<640x128xf32, #tpu.memory_space<hbm>>
      tpu.enqueue_dma source(%dma_start3A_49 : memref<640x128xf32, #tpu.memory_space<hbm>>) target(%dma_start3A_47 : memref<640x128xf32, #tpu.memory_space<vmem_shared>>) target_semaphore(%run_scoped3A_45 : memref<!tpu.dma_semaphore, #tpu.memory_space<semaphore_mem>>)
      %dma_wait3A_50 = arith.constant 0 : i32
      %dma_wait3A_51 = tpu.memref_slice %arg11[%mul3A_13, %dma_wait3A_50] : memref<10240x128xf32, #tpu.memory_space<vmem_shared>> -> memref<640x128xf32, #tpu.memory_space<vmem_shared>>
      %dma_wait3A_52 = arith.constant 0 : i32
      %dma_wait3A_53 = tpu.memref_slice %arg5[%mul3A_11, %dma_wait3A_52] : memref<10240x128xf32, #tpu.memory_space<hbm>> -> memref<640x128xf32, #tpu.memory_space<hbm>>
      tpu.wait_dma2 semaphore(%run_scoped3A_45 : memref<!tpu.dma_semaphore, #tpu.memory_space<semaphore_mem>>) src(%dma_wait3A_53 : memref<640x128xf32, #tpu.memory_space<hbm>>) dst(%dma_wait3A_51 : memref<640x128xf32, #tpu.memory_space<vmem_shared>>)
      tpu.yield
    }) : () -> ()
    %barrier3A = arith.constant 0 : index
    tpu.barrier barrier_id(%barrier3A)
    %scan3A = arith.constant 0 : i32
    %scan3A_14 = arith.constant 0 : i32
    %scan3A_15 = arith.constant 61 : i32
    %scan3A_16 = arith.addi %scan3A_14, %scan3A_15 : i32
    %scan3A_17 = arith.constant 1 : i32
    scf.for %scan3A_45 = %scan3A_14 to %scan3A_16 step %scan3A_17  : i32 {
      %dma_wait3A_46 = arith.constant 0 : i32
      %dma_wait3A_47 = tpu.memref_slice %arg7[%dma_wait3A_46] : memref<10000xi32, #tpu.memory_space<vmem>> -> memref<80xi32, #tpu.memory_space<vmem>>
      %dma_wait3A_48 = arith.constant 0 : i32
      %dma_wait3A_49 = arith.constant 0 : i32
      %dma_wait3A_50 = tpu.memref_slice %arg4[%dma_wait3A_48, %dma_wait3A_49] : memref<10240x128xf32, #tpu.memory_space<hbm>> -> memref<10240x128xf32, #tpu.memory_space<hbm>>
      tpu.wait_indirect_dma semaphore(%arg12 : memref<!tpu.dma_semaphore, #tpu.memory_space<semaphore_mem>>) src(%dma_wait3A_50 : memref<10240x128xf32, #tpu.memory_space<hbm>>) dst(%arg9 : memref<80x128xf32, #tpu.memory_space<vmem>>)
      %mul3A_51 = arith.constant 2 : i32
      %mul3A_52 = arith.muli %mul3A_51, %scan3A_45 : i32
      "tpu.region"() ({
        %run_scoped3A_82 = tpu.sem_alloc : memref<!tpu.dma_semaphore, #tpu.memory_space<semaphore_mem>>
        %dma_start3A_83 = arith.constant 0 : i32
        %dma_start3A_84 = tpu.memref_slice %arg8[%mul3A_52, %dma_start3A_83] : memref<125x80xi32, #tpu.memory_space<vmem>> -> memref<1x80xi32, #tpu.memory_space<vmem>>
        %dma_start3A_85 = tpu.memref_squeeze %dma_start3A_84 : memref<1x80xi32, #tpu.memory_space<vmem>> -> memref<80xi32, #tpu.memory_space<vmem>>
        %dma_start3A_86 = arith.constant 0 : i32
        %dma_start3A_87 = arith.constant 0 : i32
        %dma_start3A_88 = tpu.memref_slice %arg11[%dma_start3A_86, %dma_start3A_87] : memref<10240x128xf32, #tpu.memory_space<vmem_shared>> -> memref<10240x128xf32, #tpu.memory_space<vmem_shared>>
        tpu.enqueue_indirect_dma source(%arg9 : memref<80x128xf32, #tpu.memory_space<vmem>>) target(%dma_start3A_88 : memref<10240x128xf32, #tpu.memory_space<vmem_shared>>) offsets(%dma_start3A_85 : memref<80xi32, #tpu.memory_space<vmem>>) semaphore(%run_scoped3A_82 : memref<!tpu.dma_semaphore, #tpu.memory_space<semaphore_mem>>) {add = true}
        %dma_wait3A_89 = arith.constant 0 : i32
        %dma_wait3A_90 = tpu.memref_slice %arg8[%mul3A_52, %dma_wait3A_89] : memref<125x80xi32, #tpu.memory_space<vmem>> -> memref<1x80xi32, #tpu.memory_space<vmem>>
        %dma_wait3A_91 = tpu.memref_squeeze %dma_wait3A_90 : memref<1x80xi32, #tpu.memory_space<vmem>> -> memref<80xi32, #tpu.memory_space<vmem>>
        %dma_wait3A_92 = arith.constant 0 : i32
        %dma_wait3A_93 = arith.constant 0 : i32
        %dma_wait3A_94 = tpu.memref_slice %arg11[%dma_wait3A_92, %dma_wait3A_93] : memref<10240x128xf32, #tpu.memory_space<vmem_shared>> -> memref<10240x128xf32, #tpu.memory_space<vmem_shared>>
        tpu.wait_indirect_dma semaphore(%run_scoped3A_82 : memref<!tpu.dma_semaphore, #tpu.memory_space<semaphore_mem>>) src(%arg9 : memref<80x128xf32, #tpu.memory_space<vmem>>) dst(%dma_wait3A_94 : memref<10240x128xf32, #tpu.memory_space<vmem_shared>>)
        tpu.yield
      }) : () -> ()
      %mul3A_53 = arith.constant 2 : i32
      %mul3A_54 = arith.muli %mul3A_53, %scan3A_45 : i32
      %add3A_55 = arith.constant 2 : i32
      %add3A_56 = arith.addi %mul3A_54, %add3A_55 : i32
      %mul3A_57 = arith.constant 80 : i32
      %mul3A_58 = arith.muli %add3A_56, %mul3A_57 : i32
      %dma_start3A_59 = tpu.memref_slice %arg7[%mul3A_58] : memref<10000xi32, #tpu.memory_space<vmem>> -> memref<80xi32, #tpu.memory_space<vmem>>
      %dma_start3A_60 = arith.constant 0 : i32
      %dma_start3A_61 = arith.constant 0 : i32
      %dma_start3A_62 = tpu.memref_slice %arg4[%dma_start3A_60, %dma_start3A_61] : memref<10240x128xf32, #tpu.memory_space<hbm>> -> memref<10240x128xf32, #tpu.memory_space<hbm>>
      tpu.enqueue_indirect_dma source(%dma_start3A_62 : memref<10240x128xf32, #tpu.memory_space<hbm>>) target(%arg9 : memref<80x128xf32, #tpu.memory_space<vmem>>) offsets(%dma_start3A_59 : memref<80xi32, #tpu.memory_space<vmem>>) semaphore(%arg12 : memref<!tpu.dma_semaphore, #tpu.memory_space<semaphore_mem>>)
      %dma_wait3A_63 = arith.constant 0 : i32
      %dma_wait3A_64 = tpu.memref_slice %arg7[%dma_wait3A_63] : memref<10000xi32, #tpu.memory_space<vmem>> -> memref<80xi32, #tpu.memory_space<vmem>>
      %dma_wait3A_65 = arith.constant 0 : i32
      %dma_wait3A_66 = arith.constant 0 : i32
      %dma_wait3A_67 = tpu.memref_slice %arg4[%dma_wait3A_65, %dma_wait3A_66] : memref<10240x128xf32, #tpu.memory_space<hbm>> -> memref<10240x128xf32, #tpu.memory_space<hbm>>
      tpu.wait_indirect_dma semaphore(%arg13 : memref<!tpu.dma_semaphore, #tpu.memory_space<semaphore_mem>>) src(%dma_wait3A_67 : memref<10240x128xf32, #tpu.memory_space<hbm>>) dst(%arg10 : memref<80x128xf32, #tpu.memory_space<vmem>>)
      %mul3A_68 = arith.constant 2 : i32
      %mul3A_69 = arith.muli %mul3A_68, %scan3A_45 : i32
      %add3A_70 = arith.constant 1 : i32
      %add3A_71 = arith.addi %mul3A_69, %add3A_70 : i32
      "tpu.region"() ({
        %run_scoped3A_82 = tpu.sem_alloc : memref<!tpu.dma_semaphore, #tpu.memory_space<semaphore_mem>>
        %dma_start3A_83 = arith.constant 0 : i32
        %dma_start3A_84 = tpu.memref_slice %arg8[%add3A_71, %dma_start3A_83] : memref<125x80xi32, #tpu.memory_space<vmem>> -> memref<1x80xi32, #tpu.memory_space<vmem>>
        %dma_start3A_85 = tpu.memref_squeeze %dma_start3A_84 : memref<1x80xi32, #tpu.memory_space<vmem>> -> memref<80xi32, #tpu.memory_space<vmem>>
        %dma_start3A_86 = arith.constant 0 : i32
        %dma_start3A_87 = arith.constant 0 : i32
        %dma_start3A_88 = tpu.memref_slice %arg11[%dma_start3A_86, %dma_start3A_87] : memref<10240x128xf32, #tpu.memory_space<vmem_shared>> -> memref<10240x128xf32, #tpu.memory_space<vmem_shared>>
        tpu.enqueue_indirect_dma source(%arg10 : memref<80x128xf32, #tpu.memory_space<vmem>>) target(%dma_start3A_88 : memref<10240x128xf32, #tpu.memory_space<vmem_shared>>) offsets(%dma_start3A_85 : memref<80xi32, #tpu.memory_space<vmem>>) semaphore(%run_scoped3A_82 : memref<!tpu.dma_semaphore, #tpu.memory_space<semaphore_mem>>) {add = true}
        %dma_wait3A_89 = arith.constant 0 : i32
        %dma_wait3A_90 = tpu.memref_slice %arg8[%add3A_71, %dma_wait3A_89] : memref<125x80xi32, #tpu.memory_space<vmem>> -> memref<1x80xi32, #tpu.memory_space<vmem>>
        %dma_wait3A_91 = tpu.memref_squeeze %dma_wait3A_90 : memref<1x80xi32, #tpu.memory_space<vmem>> -> memref<80xi32, #tpu.memory_space<vmem>>
        %dma_wait3A_92 = arith.constant 0 : i32
        %dma_wait3A_93 = arith.constant 0 : i32
        %dma_wait3A_94 = tpu.memref_slice %arg11[%dma_wait3A_92, %dma_wait3A_93] : memref<10240x128xf32, #tpu.memory_space<vmem_shared>> -> memref<10240x128xf32, #tpu.memory_space<vmem_shared>>
        tpu.wait_indirect_dma semaphore(%run_scoped3A_82 : memref<!tpu.dma_semaphore, #tpu.memory_space<semaphore_mem>>) src(%arg10 : memref<80x128xf32, #tpu.memory_space<vmem>>) dst(%dma_wait3A_94 : memref<10240x128xf32, #tpu.memory_space<vmem_shared>>)
        tpu.yield
      }) : () -> ()
      %mul3A_72 = arith.constant 2 : i32
      %mul3A_73 = arith.muli %mul3A_72, %scan3A_45 : i32
      %add3A_74 = arith.constant 3 : i32
      %add3A_75 = arith.addi %mul3A_73, %add3A_74 : i32
      %mul3A_76 = arith.constant 80 : i32
      %mul3A_77 = arith.muli %add3A_75, %mul3A_76 : i32
      %dma_start3A_78 = tpu.memref_slice %arg7[%mul3A_77] : memref<10000xi32, #tpu.memory_space<vmem>> -> memref<80xi32, #tpu.memory_space<vmem>>
      %dma_start3A_79 = arith.constant 0 : i32
      %dma_start3A_80 = arith.constant 0 : i32
      %dma_start3A_81 = tpu.memref_slice %arg4[%dma_start3A_79, %dma_start3A_80] : memref<10240x128xf32, #tpu.memory_space<hbm>> -> memref<10240x128xf32, #tpu.memory_space<hbm>>
      tpu.enqueue_indirect_dma source(%dma_start3A_81 : memref<10240x128xf32, #tpu.memory_space<hbm>>) target(%arg10 : memref<80x128xf32, #tpu.memory_space<vmem>>) offsets(%dma_start3A_78 : memref<80xi32, #tpu.memory_space<vmem>>) semaphore(%arg13 : memref<!tpu.dma_semaphore, #tpu.memory_space<semaphore_mem>>)
    }
    %scan3A_18 = arith.constant 61 : i32
    %dma_wait3A = arith.constant 0 : i32
    %dma_wait3A_19 = tpu.memref_slice %arg7[%dma_wait3A] : memref<10000xi32, #tpu.memory_space<vmem>> -> memref<80xi32, #tpu.memory_space<vmem>>
    %dma_wait3A_20 = arith.constant 0 : i32
    %dma_wait3A_21 = arith.constant 0 : i32
    %dma_wait3A_22 = tpu.memref_slice %arg4[%dma_wait3A_20, %dma_wait3A_21] : memref<10240x128xf32, #tpu.memory_space<hbm>> -> memref<10240x128xf32, #tpu.memory_space<hbm>>
    tpu.wait_indirect_dma semaphore(%arg12 : memref<!tpu.dma_semaphore, #tpu.memory_space<semaphore_mem>>) src(%dma_wait3A_22 : memref<10240x128xf32, #tpu.memory_space<hbm>>) dst(%arg9 : memref<80x128xf32, #tpu.memory_space<vmem>>)
    %run_scoped3A = arith.constant 122 : i32
    "tpu.region"() ({
      %run_scoped3A_45 = tpu.sem_alloc : memref<!tpu.dma_semaphore, #tpu.memory_space<semaphore_mem>>
      %dma_start3A_46 = arith.constant 0 : i32
      %dma_start3A_47 = tpu.memref_slice %arg8[%run_scoped3A, %dma_start3A_46] : memref<125x80xi32, #tpu.memory_space<vmem>> -> memref<1x80xi32, #tpu.memory_space<vmem>>
      %dma_start3A_48 = tpu.memref_squeeze %dma_start3A_47 : memref<1x80xi32, #tpu.memory_space<vmem>> -> memref<80xi32, #tpu.memory_space<vmem>>
      %dma_start3A_49 = arith.constant 0 : i32
      %dma_start3A_50 = arith.constant 0 : i32
      %dma_start3A_51 = tpu.memref_slice %arg11[%dma_start3A_49, %dma_start3A_50] : memref<10240x128xf32, #tpu.memory_space<vmem_shared>> -> memref<10240x128xf32, #tpu.memory_space<vmem_shared>>
      tpu.enqueue_indirect_dma source(%arg9 : memref<80x128xf32, #tpu.memory_space<vmem>>) target(%dma_start3A_51 : memref<10240x128xf32, #tpu.memory_space<vmem_shared>>) offsets(%dma_start3A_48 : memref<80xi32, #tpu.memory_space<vmem>>) semaphore(%run_scoped3A_45 : memref<!tpu.dma_semaphore, #tpu.memory_space<semaphore_mem>>) {add = true}
      %dma_wait3A_52 = arith.constant 0 : i32
      %dma_wait3A_53 = tpu.memref_slice %arg8[%run_scoped3A, %dma_wait3A_52] : memref<125x80xi32, #tpu.memory_space<vmem>> -> memref<1x80xi32, #tpu.memory_space<vmem>>
      %dma_wait3A_54 = tpu.memref_squeeze %dma_wait3A_53 : memref<1x80xi32, #tpu.memory_space<vmem>> -> memref<80xi32, #tpu.memory_space<vmem>>
      %dma_wait3A_55 = arith.constant 0 : i32
      %dma_wait3A_56 = arith.constant 0 : i32
      %dma_wait3A_57 = tpu.memref_slice %arg11[%dma_wait3A_55, %dma_wait3A_56] : memref<10240x128xf32, #tpu.memory_space<vmem_shared>> -> memref<10240x128xf32, #tpu.memory_space<vmem_shared>>
      tpu.wait_indirect_dma semaphore(%run_scoped3A_45 : memref<!tpu.dma_semaphore, #tpu.memory_space<semaphore_mem>>) src(%arg9 : memref<80x128xf32, #tpu.memory_space<vmem>>) dst(%dma_wait3A_57 : memref<10240x128xf32, #tpu.memory_space<vmem_shared>>)
      tpu.yield
    }) : () -> ()
    %dma_start3A_23 = arith.constant 9920 : i32
    %dma_start3A_24 = tpu.memref_slice %arg7[%dma_start3A_23] : memref<10000xi32, #tpu.memory_space<vmem>> -> memref<80xi32, #tpu.memory_space<vmem>>
    %dma_start3A_25 = arith.constant 0 : i32
    %dma_start3A_26 = arith.constant 0 : i32
    %dma_start3A_27 = tpu.memref_slice %arg4[%dma_start3A_25, %dma_start3A_26] : memref<10240x128xf32, #tpu.memory_space<hbm>> -> memref<10240x128xf32, #tpu.memory_space<hbm>>
    tpu.enqueue_indirect_dma source(%dma_start3A_27 : memref<10240x128xf32, #tpu.memory_space<hbm>>) target(%arg9 : memref<80x128xf32, #tpu.memory_space<vmem>>) offsets(%dma_start3A_24 : memref<80xi32, #tpu.memory_space<vmem>>) semaphore(%arg12 : memref<!tpu.dma_semaphore, #tpu.memory_space<semaphore_mem>>)
    %dma_wait3A_28 = arith.constant 0 : i32
    %dma_wait3A_29 = tpu.memref_slice %arg7[%dma_wait3A_28] : memref<10000xi32, #tpu.memory_space<vmem>> -> memref<80xi32, #tpu.memory_space<vmem>>
    %dma_wait3A_30 = arith.constant 0 : i32
    %dma_wait3A_31 = arith.constant 0 : i32
    %dma_wait3A_32 = tpu.memref_slice %arg4[%dma_wait3A_30, %dma_wait3A_31] : memref<10240x128xf32, #tpu.memory_space<hbm>> -> memref<10240x128xf32, #tpu.memory_space<hbm>>
    tpu.wait_indirect_dma semaphore(%arg13 : memref<!tpu.dma_semaphore, #tpu.memory_space<semaphore_mem>>) src(%dma_wait3A_32 : memref<10240x128xf32, #tpu.memory_space<hbm>>) dst(%arg10 : memref<80x128xf32, #tpu.memory_space<vmem>>)
    %run_scoped3A_33 = arith.constant 123 : i32
    "tpu.region"() ({
      %run_scoped3A_45 = tpu.sem_alloc : memref<!tpu.dma_semaphore, #tpu.memory_space<semaphore_mem>>
      %dma_start3A_46 = arith.constant 0 : i32
      %dma_start3A_47 = tpu.memref_slice %arg8[%run_scoped3A_33, %dma_start3A_46] : memref<125x80xi32, #tpu.memory_space<vmem>> -> memref<1x80xi32, #tpu.memory_space<vmem>>
      %dma_start3A_48 = tpu.memref_squeeze %dma_start3A_47 : memref<1x80xi32, #tpu.memory_space<vmem>> -> memref<80xi32, #tpu.memory_space<vmem>>
      %dma_start3A_49 = arith.constant 0 : i32
      %dma_start3A_50 = arith.constant 0 : i32
      %dma_start3A_51 = tpu.memref_slice %arg11[%dma_start3A_49, %dma_start3A_50] : memref<10240x128xf32, #tpu.memory_space<vmem_shared>> -> memref<10240x128xf32, #tpu.memory_space<vmem_shared>>
      tpu.enqueue_indirect_dma source(%arg10 : memref<80x128xf32, #tpu.memory_space<vmem>>) target(%dma_start3A_51 : memref<10240x128xf32, #tpu.memory_space<vmem_shared>>) offsets(%dma_start3A_48 : memref<80xi32, #tpu.memory_space<vmem>>) semaphore(%run_scoped3A_45 : memref<!tpu.dma_semaphore, #tpu.memory_space<semaphore_mem>>) {add = true}
      %dma_wait3A_52 = arith.constant 0 : i32
      %dma_wait3A_53 = tpu.memref_slice %arg8[%run_scoped3A_33, %dma_wait3A_52] : memref<125x80xi32, #tpu.memory_space<vmem>> -> memref<1x80xi32, #tpu.memory_space<vmem>>
      %dma_wait3A_54 = tpu.memref_squeeze %dma_wait3A_53 : memref<1x80xi32, #tpu.memory_space<vmem>> -> memref<80xi32, #tpu.memory_space<vmem>>
      %dma_wait3A_55 = arith.constant 0 : i32
      %dma_wait3A_56 = arith.constant 0 : i32
      %dma_wait3A_57 = tpu.memref_slice %arg11[%dma_wait3A_55, %dma_wait3A_56] : memref<10240x128xf32, #tpu.memory_space<vmem_shared>> -> memref<10240x128xf32, #tpu.memory_space<vmem_shared>>
      tpu.wait_indirect_dma semaphore(%run_scoped3A_45 : memref<!tpu.dma_semaphore, #tpu.memory_space<semaphore_mem>>) src(%arg10 : memref<80x128xf32, #tpu.memory_space<vmem>>) dst(%dma_wait3A_57 : memref<10240x128xf32, #tpu.memory_space<vmem_shared>>)
      tpu.yield
    }) : () -> ()
    %dma_wait3A_34 = arith.constant 0 : i32
    %dma_wait3A_35 = tpu.memref_slice %arg7[%dma_wait3A_34] : memref<10000xi32, #tpu.memory_space<vmem>> -> memref<80xi32, #tpu.memory_space<vmem>>
    %dma_wait3A_36 = arith.constant 0 : i32
    %dma_wait3A_37 = arith.constant 0 : i32
    %dma_wait3A_38 = tpu.memref_slice %arg4[%dma_wait3A_36, %dma_wait3A_37] : memref<10240x128xf32, #tpu.memory_space<hbm>> -> memref<10240x128xf32, #tpu.memory_space<hbm>>
    tpu.wait_indirect_dma semaphore(%arg12 : memref<!tpu.dma_semaphore, #tpu.memory_space<semaphore_mem>>) src(%dma_wait3A_38 : memref<10240x128xf32, #tpu.memory_space<hbm>>) dst(%arg9 : memref<80x128xf32, #tpu.memory_space<vmem>>)
    %run_scoped3A_39 = arith.constant 124 : i32
    "tpu.region"() ({
      %run_scoped3A_45 = tpu.sem_alloc : memref<!tpu.dma_semaphore, #tpu.memory_space<semaphore_mem>>
      %dma_start3A_46 = arith.constant 0 : i32
      %dma_start3A_47 = tpu.memref_slice %arg8[%run_scoped3A_39, %dma_start3A_46] : memref<125x80xi32, #tpu.memory_space<vmem>> -> memref<1x80xi32, #tpu.memory_space<vmem>>
      %dma_start3A_48 = tpu.memref_squeeze %dma_start3A_47 : memref<1x80xi32, #tpu.memory_space<vmem>> -> memref<80xi32, #tpu.memory_space<vmem>>
      %dma_start3A_49 = arith.constant 0 : i32
      %dma_start3A_50 = arith.constant 0 : i32
      %dma_start3A_51 = tpu.memref_slice %arg11[%dma_start3A_49, %dma_start3A_50] : memref<10240x128xf32, #tpu.memory_space<vmem_shared>> -> memref<10240x128xf32, #tpu.memory_space<vmem_shared>>
      tpu.enqueue_indirect_dma source(%arg9 : memref<80x128xf32, #tpu.memory_space<vmem>>) target(%dma_start3A_51 : memref<10240x128xf32, #tpu.memory_space<vmem_shared>>) offsets(%dma_start3A_48 : memref<80xi32, #tpu.memory_space<vmem>>) semaphore(%run_scoped3A_45 : memref<!tpu.dma_semaphore, #tpu.memory_space<semaphore_mem>>) {add = true}
      %dma_wait3A_52 = arith.constant 0 : i32
      %dma_wait3A_53 = tpu.memref_slice %arg8[%run_scoped3A_39, %dma_wait3A_52] : memref<125x80xi32, #tpu.memory_space<vmem>> -> memref<1x80xi32, #tpu.memory_space<vmem>>
      %dma_wait3A_54 = tpu.memref_squeeze %dma_wait3A_53 : memref<1x80xi32, #tpu.memory_space<vmem>> -> memref<80xi32, #tpu.memory_space<vmem>>
      %dma_wait3A_55 = arith.constant 0 : i32
      %dma_wait3A_56 = arith.constant 0 : i32
      %dma_wait3A_57 = tpu.memref_slice %arg11[%dma_wait3A_55, %dma_wait3A_56] : memref<10240x128xf32, #tpu.memory_space<vmem_shared>> -> memref<10240x128xf32, #tpu.memory_space<vmem_shared>>
      tpu.wait_indirect_dma semaphore(%run_scoped3A_45 : memref<!tpu.dma_semaphore, #tpu.memory_space<semaphore_mem>>) src(%arg9 : memref<80x128xf32, #tpu.memory_space<vmem>>) dst(%dma_wait3A_57 : memref<10240x128xf32, #tpu.memory_space<vmem_shared>>)
      tpu.yield
    }) : () -> ()
    %barrier3A_40 = arith.constant 0 : index
    tpu.barrier barrier_id(%barrier3A_40)
    %mul3A_41 = arith.constant 640 : i32
    %mul3A_42 = arith.muli %arg1, %mul3A_41 : i32
    %mul3A_43 = arith.constant 640 : i32
    %mul3A_44 = arith.muli %arg1, %mul3A_43 : i32
    "tpu.region"() ({
      %run_scoped3A_45 = tpu.sem_alloc : memref<!tpu.dma_semaphore, #tpu.memory_space<semaphore_mem>>
      %dma_start3A_46 = arith.constant 0 : i32
      %dma_start3A_47 = tpu.memref_slice %arg6[%arg0, %mul3A_44, %dma_start3A_46] : memref<2x10240x128xf32, #tpu.memory_space<hbm>> -> memref<1x640x128xf32, #tpu.memory_space<hbm>>
      %dma_start3A_48 = tpu.memref_squeeze %dma_start3A_47 : memref<1x640x128xf32, #tpu.memory_space<hbm>> -> memref<640x128xf32, #tpu.memory_space<hbm>>
      %dma_start3A_49 = arith.constant 0 : i32
      %dma_start3A_50 = tpu.memref_slice %arg11[%mul3A_42, %dma_start3A_49] : memref<10240x128xf32, #tpu.memory_space<vmem_shared>> -> memref<640x128xf32, #tpu.memory_space<vmem_shared>>
      tpu.enqueue_dma source(%dma_start3A_50 : memref<640x128xf32, #tpu.memory_space<vmem_shared>>) target(%dma_start3A_48 : memref<640x128xf32, #tpu.memory_space<hbm>>) target_semaphore(%run_scoped3A_45 : memref<!tpu.dma_semaphore, #tpu.memory_space<semaphore_mem>>)
      %dma_wait3A_51 = arith.constant 0 : i32
      %dma_wait3A_52 = tpu.memref_slice %arg6[%arg0, %mul3A_44, %dma_wait3A_51] : memref<2x10240x128xf32, #tpu.memory_space<hbm>> -> memref<1x640x128xf32, #tpu.memory_space<hbm>>
      %dma_wait3A_53 = tpu.memref_squeeze %dma_wait3A_52 : memref<1x640x128xf32, #tpu.memory_space<hbm>> -> memref<640x128xf32, #tpu.memory_space<hbm>>
      %dma_wait3A_54 = arith.constant 0 : i32
      %dma_wait3A_55 = tpu.memref_slice %arg11[%mul3A_42, %dma_wait3A_54] : memref<10240x128xf32, #tpu.memory_space<vmem_shared>> -> memref<640x128xf32, #tpu.memory_space<vmem_shared>>
      tpu.wait_dma2 semaphore(%run_scoped3A_45 : memref<!tpu.dma_semaphore, #tpu.memory_space<semaphore_mem>>) src(%dma_wait3A_55 : memref<640x128xf32, #tpu.memory_space<vmem_shared>>) dst(%dma_wait3A_53 : memref<640x128xf32, #tpu.memory_space<hbm>>)
      tpu.yield
    }) : () -> ()
    return
  }
}

#map = affine_map<(d0, d1) -> (0, 0)>
#map1 = affine_map<(d0, d1) -> (0, 0, 0)>
module attributes {stable_mosaic.version = 14 : i64} {
  func.func @_sc_segsum(%arg0: i32, %arg1: i32, %arg2: memref<32x10000xi32, #tpu.memory_space<hbm>>, %arg3: memref<32x125x80xi32, #tpu.memory_space<hbm>>, %arg4: memref<10240x128xf32, #tpu.memory_space<hbm>>, %arg5: memref<10240x128xf32, #tpu.memory_space<hbm>>, %arg6: memref<2x10240x128xf32, #tpu.memory_space<hbm>>, %arg7: memref<10000xi32, #tpu.memory_space<vmem>>, %arg8: memref<125x80xi32, #tpu.memory_space<vmem>>, %arg9: memref<80x128xf32, #tpu.memory_space<vmem>>, %arg10: memref<80x128xf32, #tpu.memory_space<vmem>>, %arg11: memref<10240x128xf32, #tpu.memory_space<vmem_shared>>, %arg12: memref<!tpu.dma_semaphore, #tpu.memory_space<semaphore_mem>>, %arg13: memref<!tpu.dma_semaphore, #tpu.memory_space<semaphore_mem>>) attributes {dimension_semantics = [#tpu.dimension_semantics<core_parallel>, #tpu.dimension_semantics<subcore_parallel>], iteration_bounds = array<i64: 2, 16>, scalar_prefetch = 0 : i64, scratch_operands = 7 : i64, tpu.core_type = #tpu.core_type<sc_vector_subcore>, window_params = [{transform_indices = #map}, {transform_indices = #map1}, {transform_indices = #map}, {transform_indices = #map}, {transform_indices = #map1}]} {
    %mul3A = arith.constant 16 : i32
    %mul3A_0 = arith.muli %arg0, %mul3A : i32
    %add3A = arith.addi %mul3A_0, %arg1 : i32
    "tpu.region"() ({
      %run_scoped3A_45 = tpu.sem_alloc : memref<!tpu.dma_semaphore, #tpu.memory_space<semaphore_mem>>
      %dma_start3A_46 = arith.constant 0 : i32
      %dma_start3A_47 = tpu.memref_slice %arg2[%add3A, %dma_start3A_46] : memref<32x10000xi32, #tpu.memory_space<hbm>> -> memref<1x10000xi32, #tpu.memory_space<hbm>>
      %dma_start3A_48 = tpu.memref_squeeze %dma_start3A_47 : memref<1x10000xi32, #tpu.memory_space<hbm>> -> memref<10000xi32, #tpu.memory_space<hbm>>
      %dma_start3A_49 = arith.constant 0 : i32
      %dma_start3A_50 = tpu.memref_slice %arg2[%add3A, %dma_start3A_49] : memref<32x10000xi32, #tpu.memory_space<hbm>> -> memref<1x10000xi32, #tpu.memory_space<hbm>>
      %dma_start3A_51 = tpu.memref_squeeze %dma_start3A_50 : memref<1x10000xi32, #tpu.memory_space<hbm>> -> memref<10000xi32, #tpu.memory_space<hbm>>
      tpu.enqueue_dma source(%dma_start3A_51 : memref<10000xi32, #tpu.memory_space<hbm>>) target(%arg7 : memref<10000xi32, #tpu.memory_space<vmem>>) target_semaphore(%run_scoped3A_45 : memref<!tpu.dma_semaphore, #tpu.memory_space<semaphore_mem>>)
      %dma_wait3A_52 = arith.constant 0 : i32
      %dma_wait3A_53 = tpu.memref_slice %arg2[%add3A, %dma_wait3A_52] : memref<32x10000xi32, #tpu.memory_space<hbm>> -> memref<1x10000xi32, #tpu.memory_space<hbm>>
      %dma_wait3A_54 = tpu.memref_squeeze %dma_wait3A_53 : memref<1x10000xi32, #tpu.memory_space<hbm>> -> memref<10000xi32, #tpu.memory_space<hbm>>
      %dma_wait3A_55 = arith.constant 0 : i32
      %dma_wait3A_56 = tpu.memref_slice %arg2[%add3A, %dma_wait3A_55] : memref<32x10000xi32, #tpu.memory_space<hbm>> -> memref<1x10000xi32, #tpu.memory_space<hbm>>
      %dma_wait3A_57 = tpu.memref_squeeze %dma_wait3A_56 : memref<1x10000xi32, #tpu.memory_space<hbm>> -> memref<10000xi32, #tpu.memory_space<hbm>>
      tpu.wait_dma2 semaphore(%run_scoped3A_45 : memref<!tpu.dma_semaphore, #tpu.memory_space<semaphore_mem>>) src(%dma_wait3A_57 : memref<10000xi32, #tpu.memory_space<hbm>>) dst(%arg7 : memref<10000xi32, #tpu.memory_space<vmem>>)
      tpu.yield
    }) : () -> ()
    "tpu.region"() ({
      %run_scoped3A_45 = tpu.sem_alloc : memref<!tpu.dma_semaphore, #tpu.memory_space<semaphore_mem>>
      %dma_start3A_46 = arith.constant 0 : i32
      %dma_start3A_47 = arith.constant 0 : i32
      %dma_start3A_48 = tpu.memref_slice %arg3[%add3A, %dma_start3A_46, %dma_start3A_47] : memref<32x125x80xi32, #tpu.memory_space<hbm>> -> memref<1x125x80xi32, #tpu.memory_space<hbm>>
      %dma_start3A_49 = tpu.memref_squeeze %dma_start3A_48 : memref<1x125x80xi32, #tpu.memory_space<hbm>> -> memref<125x80xi32, #tpu.memory_space<hbm>>
      %dma_start3A_50 = arith.constant 0 : i32
      %dma_start3A_51 = arith.constant 0 : i32
      %dma_start3A_52 = tpu.memref_slice %arg3[%add3A, %dma_start3A_50, %dma_start3A_51] : memref<32x125x80xi32, #tpu.memory_space<hbm>> -> memref<1x125x80xi32, #tpu.memory_space<hbm>>
      %dma_start3A_53 = tpu.memref_squeeze %dma_start3A_52 : memref<1x125x80xi32, #tpu.memory_space<hbm>> -> memref<125x80xi32, #tpu.memory_space<hbm>>
      tpu.enqueue_dma source(%dma_start3A_53 : memref<125x80xi32, #tpu.memory_space<hbm>>) target(%arg8 : memref<125x80xi32, #tpu.memory_space<vmem>>) target_semaphore(%run_scoped3A_45 : memref<!tpu.dma_semaphore, #tpu.memory_space<semaphore_mem>>)
      %dma_wait3A_54 = arith.constant 0 : i32
      %dma_wait3A_55 = arith.constant 0 : i32
      %dma_wait3A_56 = tpu.memref_slice %arg3[%add3A, %dma_wait3A_54, %dma_wait3A_55] : memref<32x125x80xi32, #tpu.memory_space<hbm>> -> memref<1x125x80xi32, #tpu.memory_space<hbm>>
      %dma_wait3A_57 = tpu.memref_squeeze %dma_wait3A_56 : memref<1x125x80xi32, #tpu.memory_space<hbm>> -> memref<125x80xi32, #tpu.memory_space<hbm>>
      %dma_wait3A_58 = arith.constant 0 : i32
      %dma_wait3A_59 = arith.constant 0 : i32
      %dma_wait3A_60 = tpu.memref_slice %arg3[%add3A, %dma_wait3A_58, %dma_wait3A_59] : memref<32x125x80xi32, #tpu.memory_space<hbm>> -> memref<1x125x80xi32, #tpu.memory_space<hbm>>
      %dma_wait3A_61 = tpu.memref_squeeze %dma_wait3A_60 : memref<1x125x80xi32, #tpu.memory_space<hbm>> -> memref<125x80xi32, #tpu.memory_space<hbm>>
      tpu.wait_dma2 semaphore(%run_scoped3A_45 : memref<!tpu.dma_semaphore, #tpu.memory_space<semaphore_mem>>) src(%dma_wait3A_61 : memref<125x80xi32, #tpu.memory_space<hbm>>) dst(%arg8 : memref<125x80xi32, #tpu.memory_space<vmem>>)
      tpu.yield
    }) : () -> ()
    %dma_start3A = arith.constant 0 : i32
    %dma_start3A_1 = tpu.memref_slice %arg7[%dma_start3A] : memref<10000xi32, #tpu.memory_space<vmem>> -> memref<80xi32, #tpu.memory_space<vmem>>
    %dma_start3A_2 = arith.constant 0 : i32
    %dma_start3A_3 = arith.constant 0 : i32
    %dma_start3A_4 = tpu.memref_slice %arg4[%dma_start3A_2, %dma_start3A_3] : memref<10240x128xf32, #tpu.memory_space<hbm>> -> memref<10240x128xf32, #tpu.memory_space<hbm>>
    tpu.enqueue_indirect_dma source(%dma_start3A_4 : memref<10240x128xf32, #tpu.memory_space<hbm>>) target(%arg9 : memref<80x128xf32, #tpu.memory_space<vmem>>) offsets(%dma_start3A_1 : memref<80xi32, #tpu.memory_space<vmem>>) semaphore(%arg12 : memref<!tpu.dma_semaphore, #tpu.memory_space<semaphore_mem>>)
    %dma_start3A_5 = arith.constant 80 : i32
    %dma_start3A_6 = tpu.memref_slice %arg7[%dma_start3A_5] : memref<10000xi32, #tpu.memory_space<vmem>> -> memref<80xi32, #tpu.memory_space<vmem>>
    %dma_start3A_7 = arith.constant 0 : i32
    %dma_start3A_8 = arith.constant 0 : i32
    %dma_start3A_9 = tpu.memref_slice %arg4[%dma_start3A_7, %dma_start3A_8] : memref<10240x128xf32, #tpu.memory_space<hbm>> -> memref<10240x128xf32, #tpu.memory_space<hbm>>
    tpu.enqueue_indirect_dma source(%dma_start3A_9 : memref<10240x128xf32, #tpu.memory_space<hbm>>) target(%arg10 : memref<80x128xf32, #tpu.memory_space<vmem>>) offsets(%dma_start3A_6 : memref<80xi32, #tpu.memory_space<vmem>>) semaphore(%arg13 : memref<!tpu.dma_semaphore, #tpu.memory_space<semaphore_mem>>)
    %mul3A_10 = arith.constant 640 : i32
    %mul3A_11 = arith.muli %arg1, %mul3A_10 : i32
    %mul3A_12 = arith.constant 640 : i32
    %mul3A_13 = arith.muli %arg1, %mul3A_12 : i32
    "tpu.region"() ({
      %run_scoped3A_45 = tpu.sem_alloc : memref<!tpu.dma_semaphore, #tpu.memory_space<semaphore_mem>>
      %dma_start3A_46 = arith.constant 0 : i32
      %dma_start3A_47 = tpu.memref_slice %arg11[%mul3A_13, %dma_start3A_46] : memref<10240x128xf32, #tpu.memory_space<vmem_shared>> -> memref<640x128xf32, #tpu.memory_space<vmem_shared>>
      %dma_start3A_48 = arith.constant 0 : i32
      %dma_start3A_49 = tpu.memref_slice %arg5[%mul3A_11, %dma_start3A_48] : memref<10240x128xf32, #tpu.memory_space<hbm>> -> memref<640x128xf32, #tpu.memory_space<hbm>>
      tpu.enqueue_dma source(%dma_start3A_49 : memref<640x128xf32, #tpu.memory_space<hbm>>) target(%dma_start3A_47 : memref<640x128xf32, #tpu.memory_space<vmem_shared>>) target_semaphore(%run_scoped3A_45 : memref<!tpu.dma_semaphore, #tpu.memory_space<semaphore_mem>>)
      %dma_wait3A_50 = arith.constant 0 : i32
      %dma_wait3A_51 = tpu.memref_slice %arg11[%mul3A_13, %dma_wait3A_50] : memref<10240x128xf32, #tpu.memory_space<vmem_shared>> -> memref<640x128xf32, #tpu.memory_space<vmem_shared>>
      %dma_wait3A_52 = arith.constant 0 : i32
      %dma_wait3A_53 = tpu.memref_slice %arg5[%mul3A_11, %dma_wait3A_52] : memref<10240x128xf32, #tpu.memory_space<hbm>> -> memref<640x128xf32, #tpu.memory_space<hbm>>
      tpu.wait_dma2 semaphore(%run_scoped3A_45 : memref<!tpu.dma_semaphore, #tpu.memory_space<semaphore_mem>>) src(%dma_wait3A_53 : memref<640x128xf32, #tpu.memory_space<hbm>>) dst(%dma_wait3A_51 : memref<640x128xf32, #tpu.memory_space<vmem_shared>>)
      tpu.yield
    }) : () -> ()
    %barrier3A = arith.constant 0 : index
    tpu.barrier barrier_id(%barrier3A)
    %scan3A = arith.constant 0 : i32
    %scan3A_14 = arith.constant 0 : i32
    %scan3A_15 = arith.constant 61 : i32
    %scan3A_16 = arith.addi %scan3A_14, %scan3A_15 : i32
    %scan3A_17 = arith.constant 1 : i32
    scf.for %scan3A_45 = %scan3A_14 to %scan3A_16 step %scan3A_17  : i32 {
      %dma_wait3A_46 = arith.constant 0 : i32
      %dma_wait3A_47 = tpu.memref_slice %arg7[%dma_wait3A_46] : memref<10000xi32, #tpu.memory_space<vmem>> -> memref<80xi32, #tpu.memory_space<vmem>>
      %dma_wait3A_48 = arith.constant 0 : i32
      %dma_wait3A_49 = arith.constant 0 : i32
      %dma_wait3A_50 = tpu.memref_slice %arg4[%dma_wait3A_48, %dma_wait3A_49] : memref<10240x128xf32, #tpu.memory_space<hbm>> -> memref<10240x128xf32, #tpu.memory_space<hbm>>
      tpu.wait_indirect_dma semaphore(%arg12 : memref<!tpu.dma_semaphore, #tpu.memory_space<semaphore_mem>>) src(%dma_wait3A_50 : memref<10240x128xf32, #tpu.memory_space<hbm>>) dst(%arg9 : memref<80x128xf32, #tpu.memory_space<vmem>>)
      %mul3A_51 = arith.constant 2 : i32
      %mul3A_52 = arith.muli %mul3A_51, %scan3A_45 : i32
      "tpu.region"() ({
        %run_scoped3A_82 = tpu.sem_alloc : memref<!tpu.dma_semaphore, #tpu.memory_space<semaphore_mem>>
        %dma_start3A_83 = arith.constant 0 : i32
        %dma_start3A_84 = tpu.memref_slice %arg8[%mul3A_52, %dma_start3A_83] : memref<125x80xi32, #tpu.memory_space<vmem>> -> memref<1x80xi32, #tpu.memory_space<vmem>>
        %dma_start3A_85 = tpu.memref_squeeze %dma_start3A_84 : memref<1x80xi32, #tpu.memory_space<vmem>> -> memref<80xi32, #tpu.memory_space<vmem>>
        %dma_start3A_86 = arith.constant 0 : i32
        %dma_start3A_87 = arith.constant 0 : i32
        %dma_start3A_88 = tpu.memref_slice %arg11[%dma_start3A_86, %dma_start3A_87] : memref<10240x128xf32, #tpu.memory_space<vmem_shared>> -> memref<10240x128xf32, #tpu.memory_space<vmem_shared>>
        tpu.enqueue_indirect_dma source(%arg9 : memref<80x128xf32, #tpu.memory_space<vmem>>) target(%dma_start3A_88 : memref<10240x128xf32, #tpu.memory_space<vmem_shared>>) offsets(%dma_start3A_85 : memref<80xi32, #tpu.memory_space<vmem>>) semaphore(%run_scoped3A_82 : memref<!tpu.dma_semaphore, #tpu.memory_space<semaphore_mem>>) {add = true}
        %dma_wait3A_89 = arith.constant 0 : i32
        %dma_wait3A_90 = tpu.memref_slice %arg8[%mul3A_52, %dma_wait3A_89] : memref<125x80xi32, #tpu.memory_space<vmem>> -> memref<1x80xi32, #tpu.memory_space<vmem>>
        %dma_wait3A_91 = tpu.memref_squeeze %dma_wait3A_90 : memref<1x80xi32, #tpu.memory_space<vmem>> -> memref<80xi32, #tpu.memory_space<vmem>>
        %dma_wait3A_92 = arith.constant 0 : i32
        %dma_wait3A_93 = arith.constant 0 : i32
        %dma_wait3A_94 = tpu.memref_slice %arg11[%dma_wait3A_92, %dma_wait3A_93] : memref<10240x128xf32, #tpu.memory_space<vmem_shared>> -> memref<10240x128xf32, #tpu.memory_space<vmem_shared>>
        tpu.wait_indirect_dma semaphore(%run_scoped3A_82 : memref<!tpu.dma_semaphore, #tpu.memory_space<semaphore_mem>>) src(%arg9 : memref<80x128xf32, #tpu.memory_space<vmem>>) dst(%dma_wait3A_94 : memref<10240x128xf32, #tpu.memory_space<vmem_shared>>)
        tpu.yield
      }) : () -> ()
      %mul3A_53 = arith.constant 2 : i32
      %mul3A_54 = arith.muli %mul3A_53, %scan3A_45 : i32
      %add3A_55 = arith.constant 2 : i32
      %add3A_56 = arith.addi %mul3A_54, %add3A_55 : i32
      %mul3A_57 = arith.constant 80 : i32
      %mul3A_58 = arith.muli %add3A_56, %mul3A_57 : i32
      %dma_start3A_59 = tpu.memref_slice %arg7[%mul3A_58] : memref<10000xi32, #tpu.memory_space<vmem>> -> memref<80xi32, #tpu.memory_space<vmem>>
      %dma_start3A_60 = arith.constant 0 : i32
      %dma_start3A_61 = arith.constant 0 : i32
      %dma_start3A_62 = tpu.memref_slice %arg4[%dma_start3A_60, %dma_start3A_61] : memref<10240x128xf32, #tpu.memory_space<hbm>> -> memref<10240x128xf32, #tpu.memory_space<hbm>>
      tpu.enqueue_indirect_dma source(%dma_start3A_62 : memref<10240x128xf32, #tpu.memory_space<hbm>>) target(%arg9 : memref<80x128xf32, #tpu.memory_space<vmem>>) offsets(%dma_start3A_59 : memref<80xi32, #tpu.memory_space<vmem>>) semaphore(%arg12 : memref<!tpu.dma_semaphore, #tpu.memory_space<semaphore_mem>>)
      %dma_wait3A_63 = arith.constant 0 : i32
      %dma_wait3A_64 = tpu.memref_slice %arg7[%dma_wait3A_63] : memref<10000xi32, #tpu.memory_space<vmem>> -> memref<80xi32, #tpu.memory_space<vmem>>
      %dma_wait3A_65 = arith.constant 0 : i32
      %dma_wait3A_66 = arith.constant 0 : i32
      %dma_wait3A_67 = tpu.memref_slice %arg4[%dma_wait3A_65, %dma_wait3A_66] : memref<10240x128xf32, #tpu.memory_space<hbm>> -> memref<10240x128xf32, #tpu.memory_space<hbm>>
      tpu.wait_indirect_dma semaphore(%arg13 : memref<!tpu.dma_semaphore, #tpu.memory_space<semaphore_mem>>) src(%dma_wait3A_67 : memref<10240x128xf32, #tpu.memory_space<hbm>>) dst(%arg10 : memref<80x128xf32, #tpu.memory_space<vmem>>)
      %mul3A_68 = arith.constant 2 : i32
      %mul3A_69 = arith.muli %mul3A_68, %scan3A_45 : i32
      %add3A_70 = arith.constant 1 : i32
      %add3A_71 = arith.addi %mul3A_69, %add3A_70 : i32
      "tpu.region"() ({
        %run_scoped3A_82 = tpu.sem_alloc : memref<!tpu.dma_semaphore, #tpu.memory_space<semaphore_mem>>
        %dma_start3A_83 = arith.constant 0 : i32
        %dma_start3A_84 = tpu.memref_slice %arg8[%add3A_71, %dma_start3A_83] : memref<125x80xi32, #tpu.memory_space<vmem>> -> memref<1x80xi32, #tpu.memory_space<vmem>>
        %dma_start3A_85 = tpu.memref_squeeze %dma_start3A_84 : memref<1x80xi32, #tpu.memory_space<vmem>> -> memref<80xi32, #tpu.memory_space<vmem>>
        %dma_start3A_86 = arith.constant 0 : i32
        %dma_start3A_87 = arith.constant 0 : i32
        %dma_start3A_88 = tpu.memref_slice %arg11[%dma_start3A_86, %dma_start3A_87] : memref<10240x128xf32, #tpu.memory_space<vmem_shared>> -> memref<10240x128xf32, #tpu.memory_space<vmem_shared>>
        tpu.enqueue_indirect_dma source(%arg10 : memref<80x128xf32, #tpu.memory_space<vmem>>) target(%dma_start3A_88 : memref<10240x128xf32, #tpu.memory_space<vmem_shared>>) offsets(%dma_start3A_85 : memref<80xi32, #tpu.memory_space<vmem>>) semaphore(%run_scoped3A_82 : memref<!tpu.dma_semaphore, #tpu.memory_space<semaphore_mem>>) {add = true}
        %dma_wait3A_89 = arith.constant 0 : i32
        %dma_wait3A_90 = tpu.memref_slice %arg8[%add3A_71, %dma_wait3A_89] : memref<125x80xi32, #tpu.memory_space<vmem>> -> memref<1x80xi32, #tpu.memory_space<vmem>>
        %dma_wait3A_91 = tpu.memref_squeeze %dma_wait3A_90 : memref<1x80xi32, #tpu.memory_space<vmem>> -> memref<80xi32, #tpu.memory_space<vmem>>
        %dma_wait3A_92 = arith.constant 0 : i32
        %dma_wait3A_93 = arith.constant 0 : i32
        %dma_wait3A_94 = tpu.memref_slice %arg11[%dma_wait3A_92, %dma_wait3A_93] : memref<10240x128xf32, #tpu.memory_space<vmem_shared>> -> memref<10240x128xf32, #tpu.memory_space<vmem_shared>>
        tpu.wait_indirect_dma semaphore(%run_scoped3A_82 : memref<!tpu.dma_semaphore, #tpu.memory_space<semaphore_mem>>) src(%arg10 : memref<80x128xf32, #tpu.memory_space<vmem>>) dst(%dma_wait3A_94 : memref<10240x128xf32, #tpu.memory_space<vmem_shared>>)
        tpu.yield
      }) : () -> ()
      %mul3A_72 = arith.constant 2 : i32
      %mul3A_73 = arith.muli %mul3A_72, %scan3A_45 : i32
      %add3A_74 = arith.constant 3 : i32
      %add3A_75 = arith.addi %mul3A_73, %add3A_74 : i32
      %mul3A_76 = arith.constant 80 : i32
      %mul3A_77 = arith.muli %add3A_75, %mul3A_76 : i32
      %dma_start3A_78 = tpu.memref_slice %arg7[%mul3A_77] : memref<10000xi32, #tpu.memory_space<vmem>> -> memref<80xi32, #tpu.memory_space<vmem>>
      %dma_start3A_79 = arith.constant 0 : i32
      %dma_start3A_80 = arith.constant 0 : i32
      %dma_start3A_81 = tpu.memref_slice %arg4[%dma_start3A_79, %dma_start3A_80] : memref<10240x128xf32, #tpu.memory_space<hbm>> -> memref<10240x128xf32, #tpu.memory_space<hbm>>
      tpu.enqueue_indirect_dma source(%dma_start3A_81 : memref<10240x128xf32, #tpu.memory_space<hbm>>) target(%arg10 : memref<80x128xf32, #tpu.memory_space<vmem>>) offsets(%dma_start3A_78 : memref<80xi32, #tpu.memory_space<vmem>>) semaphore(%arg13 : memref<!tpu.dma_semaphore, #tpu.memory_space<semaphore_mem>>)
    }
    %scan3A_18 = arith.constant 61 : i32
    %dma_wait3A = arith.constant 0 : i32
    %dma_wait3A_19 = tpu.memref_slice %arg7[%dma_wait3A] : memref<10000xi32, #tpu.memory_space<vmem>> -> memref<80xi32, #tpu.memory_space<vmem>>
    %dma_wait3A_20 = arith.constant 0 : i32
    %dma_wait3A_21 = arith.constant 0 : i32
    %dma_wait3A_22 = tpu.memref_slice %arg4[%dma_wait3A_20, %dma_wait3A_21] : memref<10240x128xf32, #tpu.memory_space<hbm>> -> memref<10240x128xf32, #tpu.memory_space<hbm>>
    tpu.wait_indirect_dma semaphore(%arg12 : memref<!tpu.dma_semaphore, #tpu.memory_space<semaphore_mem>>) src(%dma_wait3A_22 : memref<10240x128xf32, #tpu.memory_space<hbm>>) dst(%arg9 : memref<80x128xf32, #tpu.memory_space<vmem>>)
    %run_scoped3A = arith.constant 122 : i32
    "tpu.region"() ({
      %run_scoped3A_45 = tpu.sem_alloc : memref<!tpu.dma_semaphore, #tpu.memory_space<semaphore_mem>>
      %dma_start3A_46 = arith.constant 0 : i32
      %dma_start3A_47 = tpu.memref_slice %arg8[%run_scoped3A, %dma_start3A_46] : memref<125x80xi32, #tpu.memory_space<vmem>> -> memref<1x80xi32, #tpu.memory_space<vmem>>
      %dma_start3A_48 = tpu.memref_squeeze %dma_start3A_47 : memref<1x80xi32, #tpu.memory_space<vmem>> -> memref<80xi32, #tpu.memory_space<vmem>>
      %dma_start3A_49 = arith.constant 0 : i32
      %dma_start3A_50 = arith.constant 0 : i32
      %dma_start3A_51 = tpu.memref_slice %arg11[%dma_start3A_49, %dma_start3A_50] : memref<10240x128xf32, #tpu.memory_space<vmem_shared>> -> memref<10240x128xf32, #tpu.memory_space<vmem_shared>>
      tpu.enqueue_indirect_dma source(%arg9 : memref<80x128xf32, #tpu.memory_space<vmem>>) target(%dma_start3A_51 : memref<10240x128xf32, #tpu.memory_space<vmem_shared>>) offsets(%dma_start3A_48 : memref<80xi32, #tpu.memory_space<vmem>>) semaphore(%run_scoped3A_45 : memref<!tpu.dma_semaphore, #tpu.memory_space<semaphore_mem>>) {add = true}
      %dma_wait3A_52 = arith.constant 0 : i32
      %dma_wait3A_53 = tpu.memref_slice %arg8[%run_scoped3A, %dma_wait3A_52] : memref<125x80xi32, #tpu.memory_space<vmem>> -> memref<1x80xi32, #tpu.memory_space<vmem>>
      %dma_wait3A_54 = tpu.memref_squeeze %dma_wait3A_53 : memref<1x80xi32, #tpu.memory_space<vmem>> -> memref<80xi32, #tpu.memory_space<vmem>>
      %dma_wait3A_55 = arith.constant 0 : i32
      %dma_wait3A_56 = arith.constant 0 : i32
      %dma_wait3A_57 = tpu.memref_slice %arg11[%dma_wait3A_55, %dma_wait3A_56] : memref<10240x128xf32, #tpu.memory_space<vmem_shared>> -> memref<10240x128xf32, #tpu.memory_space<vmem_shared>>
      tpu.wait_indirect_dma semaphore(%run_scoped3A_45 : memref<!tpu.dma_semaphore, #tpu.memory_space<semaphore_mem>>) src(%arg9 : memref<80x128xf32, #tpu.memory_space<vmem>>) dst(%dma_wait3A_57 : memref<10240x128xf32, #tpu.memory_space<vmem_shared>>)
      tpu.yield
    }) : () -> ()
    %dma_start3A_23 = arith.constant 9920 : i32
    %dma_start3A_24 = tpu.memref_slice %arg7[%dma_start3A_23] : memref<10000xi32, #tpu.memory_space<vmem>> -> memref<80xi32, #tpu.memory_space<vmem>>
    %dma_start3A_25 = arith.constant 0 : i32
    %dma_start3A_26 = arith.constant 0 : i32
    %dma_start3A_27 = tpu.memref_slice %arg4[%dma_start3A_25, %dma_start3A_26] : memref<10240x128xf32, #tpu.memory_space<hbm>> -> memref<10240x128xf32, #tpu.memory_space<hbm>>
    tpu.enqueue_indirect_dma source(%dma_start3A_27 : memref<10240x128xf32, #tpu.memory_space<hbm>>) target(%arg9 : memref<80x128xf32, #tpu.memory_space<vmem>>) offsets(%dma_start3A_24 : memref<80xi32, #tpu.memory_space<vmem>>) semaphore(%arg12 : memref<!tpu.dma_semaphore, #tpu.memory_space<semaphore_mem>>)
    %dma_wait3A_28 = arith.constant 0 : i32
    %dma_wait3A_29 = tpu.memref_slice %arg7[%dma_wait3A_28] : memref<10000xi32, #tpu.memory_space<vmem>> -> memref<80xi32, #tpu.memory_space<vmem>>
    %dma_wait3A_30 = arith.constant 0 : i32
    %dma_wait3A_31 = arith.constant 0 : i32
    %dma_wait3A_32 = tpu.memref_slice %arg4[%dma_wait3A_30, %dma_wait3A_31] : memref<10240x128xf32, #tpu.memory_space<hbm>> -> memref<10240x128xf32, #tpu.memory_space<hbm>>
    tpu.wait_indirect_dma semaphore(%arg13 : memref<!tpu.dma_semaphore, #tpu.memory_space<semaphore_mem>>) src(%dma_wait3A_32 : memref<10240x128xf32, #tpu.memory_space<hbm>>) dst(%arg10 : memref<80x128xf32, #tpu.memory_space<vmem>>)
    %run_scoped3A_33 = arith.constant 123 : i32
    "tpu.region"() ({
      %run_scoped3A_45 = tpu.sem_alloc : memref<!tpu.dma_semaphore, #tpu.memory_space<semaphore_mem>>
      %dma_start3A_46 = arith.constant 0 : i32
      %dma_start3A_47 = tpu.memref_slice %arg8[%run_scoped3A_33, %dma_start3A_46] : memref<125x80xi32, #tpu.memory_space<vmem>> -> memref<1x80xi32, #tpu.memory_space<vmem>>
      %dma_start3A_48 = tpu.memref_squeeze %dma_start3A_47 : memref<1x80xi32, #tpu.memory_space<vmem>> -> memref<80xi32, #tpu.memory_space<vmem>>
      %dma_start3A_49 = arith.constant 0 : i32
      %dma_start3A_50 = arith.constant 0 : i32
      %dma_start3A_51 = tpu.memref_slice %arg11[%dma_start3A_49, %dma_start3A_50] : memref<10240x128xf32, #tpu.memory_space<vmem_shared>> -> memref<10240x128xf32, #tpu.memory_space<vmem_shared>>
      tpu.enqueue_indirect_dma source(%arg10 : memref<80x128xf32, #tpu.memory_space<vmem>>) target(%dma_start3A_51 : memref<10240x128xf32, #tpu.memory_space<vmem_shared>>) offsets(%dma_start3A_48 : memref<80xi32, #tpu.memory_space<vmem>>) semaphore(%run_scoped3A_45 : memref<!tpu.dma_semaphore, #tpu.memory_space<semaphore_mem>>) {add = true}
      %dma_wait3A_52 = arith.constant 0 : i32
      %dma_wait3A_53 = tpu.memref_slice %arg8[%run_scoped3A_33, %dma_wait3A_52] : memref<125x80xi32, #tpu.memory_space<vmem>> -> memref<1x80xi32, #tpu.memory_space<vmem>>
      %dma_wait3A_54 = tpu.memref_squeeze %dma_wait3A_53 : memref<1x80xi32, #tpu.memory_space<vmem>> -> memref<80xi32, #tpu.memory_space<vmem>>
      %dma_wait3A_55 = arith.constant 0 : i32
      %dma_wait3A_56 = arith.constant 0 : i32
      %dma_wait3A_57 = tpu.memref_slice %arg11[%dma_wait3A_55, %dma_wait3A_56] : memref<10240x128xf32, #tpu.memory_space<vmem_shared>> -> memref<10240x128xf32, #tpu.memory_space<vmem_shared>>
      tpu.wait_indirect_dma semaphore(%run_scoped3A_45 : memref<!tpu.dma_semaphore, #tpu.memory_space<semaphore_mem>>) src(%arg10 : memref<80x128xf32, #tpu.memory_space<vmem>>) dst(%dma_wait3A_57 : memref<10240x128xf32, #tpu.memory_space<vmem_shared>>)
      tpu.yield
    }) : () -> ()
    %dma_wait3A_34 = arith.constant 0 : i32
    %dma_wait3A_35 = tpu.memref_slice %arg7[%dma_wait3A_34] : memref<10000xi32, #tpu.memory_space<vmem>> -> memref<80xi32, #tpu.memory_space<vmem>>
    %dma_wait3A_36 = arith.constant 0 : i32
    %dma_wait3A_37 = arith.constant 0 : i32
    %dma_wait3A_38 = tpu.memref_slice %arg4[%dma_wait3A_36, %dma_wait3A_37] : memref<10240x128xf32, #tpu.memory_space<hbm>> -> memref<10240x128xf32, #tpu.memory_space<hbm>>
    tpu.wait_indirect_dma semaphore(%arg12 : memref<!tpu.dma_semaphore, #tpu.memory_space<semaphore_mem>>) src(%dma_wait3A_38 : memref<10240x128xf32, #tpu.memory_space<hbm>>) dst(%arg9 : memref<80x128xf32, #tpu.memory_space<vmem>>)
    %run_scoped3A_39 = arith.constant 124 : i32
    "tpu.region"() ({
      %run_scoped3A_45 = tpu.sem_alloc : memref<!tpu.dma_semaphore, #tpu.memory_space<semaphore_mem>>
      %dma_start3A_46 = arith.constant 0 : i32
      %dma_start3A_47 = tpu.memref_slice %arg8[%run_scoped3A_39, %dma_start3A_46] : memref<125x80xi32, #tpu.memory_space<vmem>> -> memref<1x80xi32, #tpu.memory_space<vmem>>
      %dma_start3A_48 = tpu.memref_squeeze %dma_start3A_47 : memref<1x80xi32, #tpu.memory_space<vmem>> -> memref<80xi32, #tpu.memory_space<vmem>>
      %dma_start3A_49 = arith.constant 0 : i32
      %dma_start3A_50 = arith.constant 0 : i32
      %dma_start3A_51 = tpu.memref_slice %arg11[%dma_start3A_49, %dma_start3A_50] : memref<10240x128xf32, #tpu.memory_space<vmem_shared>> -> memref<10240x128xf32, #tpu.memory_space<vmem_shared>>
      tpu.enqueue_indirect_dma source(%arg9 : memref<80x128xf32, #tpu.memory_space<vmem>>) target(%dma_start3A_51 : memref<10240x128xf32, #tpu.memory_space<vmem_shared>>) offsets(%dma_start3A_48 : memref<80xi32, #tpu.memory_space<vmem>>) semaphore(%run_scoped3A_45 : memref<!tpu.dma_semaphore, #tpu.memory_space<semaphore_mem>>) {add = true}
      %dma_wait3A_52 = arith.constant 0 : i32
      %dma_wait3A_53 = tpu.memref_slice %arg8[%run_scoped3A_39, %dma_wait3A_52] : memref<125x80xi32, #tpu.memory_space<vmem>> -> memref<1x80xi32, #tpu.memory_space<vmem>>
      %dma_wait3A_54 = tpu.memref_squeeze %dma_wait3A_53 : memref<1x80xi32, #tpu.memory_space<vmem>> -> memref<80xi32, #tpu.memory_space<vmem>>
      %dma_wait3A_55 = arith.constant 0 : i32
      %dma_wait3A_56 = arith.constant 0 : i32
      %dma_wait3A_57 = tpu.memref_slice %arg11[%dma_wait3A_55, %dma_wait3A_56] : memref<10240x128xf32, #tpu.memory_space<vmem_shared>> -> memref<10240x128xf32, #tpu.memory_space<vmem_shared>>
      tpu.wait_indirect_dma semaphore(%run_scoped3A_45 : memref<!tpu.dma_semaphore, #tpu.memory_space<semaphore_mem>>) src(%arg9 : memref<80x128xf32, #tpu.memory_space<vmem>>) dst(%dma_wait3A_57 : memref<10240x128xf32, #tpu.memory_space<vmem_shared>>)
      tpu.yield
    }) : () -> ()
    %barrier3A_40 = arith.constant 0 : index
    tpu.barrier barrier_id(%barrier3A_40)
    %mul3A_41 = arith.constant 640 : i32
    %mul3A_42 = arith.muli %arg1, %mul3A_41 : i32
    %mul3A_43 = arith.constant 640 : i32
    %mul3A_44 = arith.muli %arg1, %mul3A_43 : i32
    "tpu.region"() ({
      %run_scoped3A_45 = tpu.sem_alloc : memref<!tpu.dma_semaphore, #tpu.memory_space<semaphore_mem>>
      %dma_start3A_46 = arith.constant 0 : i32
      %dma_start3A_47 = tpu.memref_slice %arg6[%arg0, %mul3A_44, %dma_start3A_46] : memref<2x10240x128xf32, #tpu.memory_space<hbm>> -> memref<1x640x128xf32, #tpu.memory_space<hbm>>
      %dma_start3A_48 = tpu.memref_squeeze %dma_start3A_47 : memref<1x640x128xf32, #tpu.memory_space<hbm>> -> memref<640x128xf32, #tpu.memory_space<hbm>>
      %dma_start3A_49 = arith.constant 0 : i32
      %dma_start3A_50 = tpu.memref_slice %arg11[%mul3A_42, %dma_start3A_49] : memref<10240x128xf32, #tpu.memory_space<vmem_shared>> -> memref<640x128xf32, #tpu.memory_space<vmem_shared>>
      tpu.enqueue_dma source(%dma_start3A_50 : memref<640x128xf32, #tpu.memory_space<vmem_shared>>) target(%dma_start3A_48 : memref<640x128xf32, #tpu.memory_space<hbm>>) target_semaphore(%run_scoped3A_45 : memref<!tpu.dma_semaphore, #tpu.memory_space<semaphore_mem>>)
      %dma_wait3A_51 = arith.constant 0 : i32
      %dma_wait3A_52 = tpu.memref_slice %arg6[%arg0, %mul3A_44, %dma_wait3A_51] : memref<2x10240x128xf32, #tpu.memory_space<hbm>> -> memref<1x640x128xf32, #tpu.memory_space<hbm>>
      %dma_wait3A_53 = tpu.memref_squeeze %dma_wait3A_52 : memref<1x640x128xf32, #tpu.memory_space<hbm>> -> memref<640x128xf32, #tpu.memory_space<hbm>>
      %dma_wait3A_54 = arith.constant 0 : i32
      %dma_wait3A_55 = tpu.memref_slice %arg11[%mul3A_42, %dma_wait3A_54] : memref<10240x128xf32, #tpu.memory_space<vmem_shared>> -> memref<640x128xf32, #tpu.memory_space<vmem_shared>>
      tpu.wait_dma2 semaphore(%run_scoped3A_45 : memref<!tpu.dma_semaphore, #tpu.memory_space<semaphore_mem>>) src(%dma_wait3A_55 : memref<640x128xf32, #tpu.memory_space<vmem_shared>>) dst(%dma_wait3A_53 : memref<640x128xf32, #tpu.memory_space<hbm>>)
      tpu.yield
    }) : () -> ()
    return
  }
}

#map = affine_map<(d0, d1) -> (0, 0)>
module attributes {stable_mosaic.version = 14 : i64} {
  func.func @_combine(%arg0: i32, %arg1: i32, %arg2: memref<32x5000xi32, #tpu.memory_space<hbm>>, %arg3: memref<32x5000xi32, #tpu.memory_space<hbm>>, %arg4: memref<10240x128xf32, #tpu.memory_space<hbm>>, %arg5: memref<10240x128xf32, #tpu.memory_space<hbm>>, %arg6: memref<160000x128xf32, #tpu.memory_space<hbm>>, %arg7: memref<5000xi32, #tpu.memory_space<vmem>>, %arg8: memref<5000xi32, #tpu.memory_space<vmem>>, %arg9: memref<2x40x128xf32, #tpu.memory_space<vmem>>, %arg10: memref<2x40x128xf32, #tpu.memory_space<vmem>>, %arg11: memref<40xi32, #tpu.memory_space<vmem>>, %arg12: memref<40xi32, #tpu.memory_space<vmem>>, %arg13: memref<1280x128xf32, #tpu.memory_space<vmem_shared>>, %arg14: memref<!tpu.dma_semaphore, #tpu.memory_space<semaphore_mem>>, %arg15: memref<!tpu.dma_semaphore, #tpu.memory_space<semaphore_mem>>, %arg16: memref<!tpu.dma_semaphore, #tpu.memory_space<semaphore_mem>>, %arg17: memref<!tpu.dma_semaphore, #tpu.memory_space<semaphore_mem>>, %arg18: memref<!tpu.dma_semaphore, #tpu.memory_space<semaphore_mem>>, %arg19: memref<!tpu.dma_semaphore, #tpu.memory_space<semaphore_mem>>) attributes {dimension_semantics = [#tpu.dimension_semantics<core_parallel>, #tpu.dimension_semantics<subcore_parallel>], iteration_bounds = array<i64: 2, 16>, scalar_prefetch = 0 : i64, scratch_operands = 13 : i64, tpu.core_type = #tpu.core_type<sc_vector_subcore>, window_params = [{transform_indices = #map}, {transform_indices = #map}, {transform_indices = #map}, {transform_indices = #map}, {transform_indices = #map}]} {
    %mul3A = arith.constant 16 : i32
    %mul3A_0 = arith.muli %arg0, %mul3A : i32
    %add3A = arith.addi %mul3A_0, %arg1 : i32
    %mul3A_1 = arith.constant 5000 : i32
    %mul3A_2 = arith.muli %add3A, %mul3A_1 : i32
    "tpu.region"() ({
      %run_scoped3A_413 = tpu.sem_alloc : memref<!tpu.dma_semaphore, #tpu.memory_space<semaphore_mem>>
      %dma_start3A_414 = arith.constant 0 : i32
      %dma_start3A_415 = tpu.memref_slice %arg2[%add3A, %dma_start3A_414] : memref<32x5000xi32, #tpu.memory_space<hbm>> -> memref<1x5000xi32, #tpu.memory_space<hbm>>
      %dma_start3A_416 = tpu.memref_squeeze %dma_start3A_415 : memref<1x5000xi32, #tpu.memory_space<hbm>> -> memref<5000xi32, #tpu.memory_space<hbm>>
      %dma_start3A_417 = arith.constant 0 : i32
      %dma_start3A_418 = tpu.memref_slice %arg2[%add3A, %dma_start3A_417] : memref<32x5000xi32, #tpu.memory_space<hbm>> -> memref<1x5000xi32, #tpu.memory_space<hbm>>
      %dma_start3A_419 = tpu.memref_squeeze %dma_start3A_418 : memref<1x5000xi32, #tpu.memory_space<hbm>> -> memref<5000xi32, #tpu.memory_space<hbm>>
      tpu.enqueue_dma source(%dma_start3A_419 : memref<5000xi32, #tpu.memory_space<hbm>>) target(%arg7 : memref<5000xi32, #tpu.memory_space<vmem>>) target_semaphore(%run_scoped3A_413 : memref<!tpu.dma_semaphore, #tpu.memory_space<semaphore_mem>>)
      %dma_wait3A_420 = arith.constant 0 : i32
      %dma_wait3A_421 = tpu.memref_slice %arg2[%add3A, %dma_wait3A_420] : memref<32x5000xi32, #tpu.memory_space<hbm>> -> memref<1x5000xi32, #tpu.memory_space<hbm>>
      %dma_wait3A_422 = tpu.memref_squeeze %dma_wait3A_421 : memref<1x5000xi32, #tpu.memory_space<hbm>> -> memref<5000xi32, #tpu.memory_space<hbm>>
      %dma_wait3A_423 = arith.constant 0 : i32
      %dma_wait3A_424 = tpu.memref_slice %arg2[%add3A, %dma_wait3A_423] : memref<32x5000xi32, #tpu.memory_space<hbm>> -> memref<1x5000xi32, #tpu.memory_space<hbm>>
      %dma_wait3A_425 = tpu.memref_squeeze %dma_wait3A_424 : memref<1x5000xi32, #tpu.memory_space<hbm>> -> memref<5000xi32, #tpu.memory_space<hbm>>
      tpu.wait_dma2 semaphore(%run_scoped3A_413 : memref<!tpu.dma_semaphore, #tpu.memory_space<semaphore_mem>>) src(%dma_wait3A_425 : memref<5000xi32, #tpu.memory_space<hbm>>) dst(%arg7 : memref<5000xi32, #tpu.memory_space<vmem>>)
      tpu.yield
    }) : () -> ()
    "tpu.region"() ({
      %run_scoped3A_413 = tpu.sem_alloc : memref<!tpu.dma_semaphore, #tpu.memory_space<semaphore_mem>>
      %dma_start3A_414 = arith.constant 0 : i32
      %dma_start3A_415 = tpu.memref_slice %arg3[%add3A, %dma_start3A_414] : memref<32x5000xi32, #tpu.memory_space<hbm>> -> memref<1x5000xi32, #tpu.memory_space<hbm>>
      %dma_start3A_416 = tpu.memref_squeeze %dma_start3A_415 : memref<1x5000xi32, #tpu.memory_space<hbm>> -> memref<5000xi32, #tpu.memory_space<hbm>>
      %dma_start3A_417 = arith.constant 0 : i32
      %dma_start3A_418 = tpu.memref_slice %arg3[%add3A, %dma_start3A_417] : memref<32x5000xi32, #tpu.memory_space<hbm>> -> memref<1x5000xi32, #tpu.memory_space<hbm>>
      %dma_start3A_419 = tpu.memref_squeeze %dma_start3A_418 : memref<1x5000xi32, #tpu.memory_space<hbm>> -> memref<5000xi32, #tpu.memory_space<hbm>>
      tpu.enqueue_dma source(%dma_start3A_419 : memref<5000xi32, #tpu.memory_space<hbm>>) target(%arg8 : memref<5000xi32, #tpu.memory_space<vmem>>) target_semaphore(%run_scoped3A_413 : memref<!tpu.dma_semaphore, #tpu.memory_space<semaphore_mem>>)
      %dma_wait3A_420 = arith.constant 0 : i32
      %dma_wait3A_421 = tpu.memref_slice %arg3[%add3A, %dma_wait3A_420] : memref<32x5000xi32, #tpu.memory_space<hbm>> -> memref<1x5000xi32, #tpu.memory_space<hbm>>
      %dma_wait3A_422 = tpu.memref_squeeze %dma_wait3A_421 : memref<1x5000xi32, #tpu.memory_space<hbm>> -> memref<5000xi32, #tpu.memory_space<hbm>>
      %dma_wait3A_423 = arith.constant 0 : i32
      %dma_wait3A_424 = tpu.memref_slice %arg3[%add3A, %dma_wait3A_423] : memref<32x5000xi32, #tpu.memory_space<hbm>> -> memref<1x5000xi32, #tpu.memory_space<hbm>>
      %dma_wait3A_425 = tpu.memref_squeeze %dma_wait3A_424 : memref<1x5000xi32, #tpu.memory_space<hbm>> -> memref<5000xi32, #tpu.memory_space<hbm>>
      tpu.wait_dma2 semaphore(%run_scoped3A_413 : memref<!tpu.dma_semaphore, #tpu.memory_space<semaphore_mem>>) src(%dma_wait3A_425 : memref<5000xi32, #tpu.memory_space<hbm>>) dst(%arg8 : memref<5000xi32, #tpu.memory_space<vmem>>)
      tpu.yield
    }) : () -> ()
    %iota3A = tpu.iota {dimensions = array<i32: 0>} : vector<16xi32>
    %mul3A_3 = arith.constant 2 : i32
    %mul3A_4 = arith.muli %arg1, %mul3A_3 : i32
    %mul3A_5 = arith.constant 40 : i32
    %mul3A_6 = arith.muli %mul3A_4, %mul3A_5 : i32
    %add3A_7 = arith.constant 0 : i32
    %add3A_8 = arith.addi %mul3A_6, %add3A_7 : i32
    %add3A_9 = vector.broadcast %add3A_8 : i32 to vector<16xi32>
    %add3A_10 = arith.addi %iota3A, %add3A_9 : vector<16xi32>
    %swap3A = arith.constant 0 : index
    %swap3A_11 = tpu.vector_load %arg11[%swap3A] {strides = array<i32>} : memref<40xi32, #tpu.memory_space<vmem>>, vector<16xi32>,
    %swap3A_12 = vector.shape_cast %swap3A_11 : vector<16xi32> to vector<16xi32>
    %swap3A_13 = vector.shape_cast %add3A_10 : vector<16xi32> to vector<16xi32>
    tpu.vector_store %arg11[%swap3A], %swap3A_13 {strides = array<i32>} : memref<40xi32, #tpu.memory_space<vmem>>, vector<16xi32>,
    %add3A_14 = arith.constant 40 : i32
    %add3A_15 = vector.broadcast %add3A_14 : i32 to vector<16xi32>
    %add3A_16 = arith.addi %add3A_10, %add3A_15 : vector<16xi32>
    %swap3A_17 = arith.constant 0 : index
    %swap3A_18 = tpu.vector_load %arg12[%swap3A_17] {strides = array<i32>} : memref<40xi32, #tpu.memory_space<vmem>>, vector<16xi32>,
    %swap3A_19 = vector.shape_cast %swap3A_18 : vector<16xi32> to vector<16xi32>
    %swap3A_20 = vector.shape_cast %add3A_16 : vector<16xi32> to vector<16xi32>
    tpu.vector_store %arg12[%swap3A_17], %swap3A_20 {strides = array<i32>} : memref<40xi32, #tpu.memory_space<vmem>>, vector<16xi32>,
    %iota3A_21 = tpu.iota {dimensions = array<i32: 0>} : vector<16xi32>
    %mul3A_22 = arith.constant 2 : i32
    %mul3A_23 = arith.muli %arg1, %mul3A_22 : i32
    %mul3A_24 = arith.constant 40 : i32
    %mul3A_25 = arith.muli %mul3A_23, %mul3A_24 : i32
    %add3A_26 = arith.constant 16 : i32
    %add3A_27 = arith.addi %mul3A_25, %add3A_26 : i32
    %add3A_28 = vector.broadcast %add3A_27 : i32 to vector<16xi32>
    %add3A_29 = arith.addi %iota3A_21, %add3A_28 : vector<16xi32>
    %swap3A_30 = arith.constant 16 : index
    %swap3A_31 = tpu.vector_load %arg11[%swap3A_30] {strides = array<i32>} : memref<40xi32, #tpu.memory_space<vmem>>, vector<16xi32>,
    %swap3A_32 = vector.shape_cast %swap3A_31 : vector<16xi32> to vector<16xi32>
    %swap3A_33 = vector.shape_cast %add3A_29 : vector<16xi32> to vector<16xi32>
    tpu.vector_store %arg11[%swap3A_30], %swap3A_33 {strides = array<i32>} : memref<40xi32, #tpu.memory_space<vmem>>, vector<16xi32>,
    %add3A_34 = arith.constant 40 : i32
    %add3A_35 = vector.broadcast %add3A_34 : i32 to vector<16xi32>
    %add3A_36 = arith.addi %add3A_29, %add3A_35 : vector<16xi32>
    %swap3A_37 = arith.constant 16 : index
    %swap3A_38 = tpu.vector_load %arg12[%swap3A_37] {strides = array<i32>} : memref<40xi32, #tpu.memory_space<vmem>>, vector<16xi32>,
    %swap3A_39 = vector.shape_cast %swap3A_38 : vector<16xi32> to vector<16xi32>
    %swap3A_40 = vector.shape_cast %add3A_36 : vector<16xi32> to vector<16xi32>
    tpu.vector_store %arg12[%swap3A_37], %swap3A_40 {strides = array<i32>} : memref<40xi32, #tpu.memory_space<vmem>>, vector<16xi32>,
    %iota3A_41 = tpu.iota {dimensions = array<i32: 0>} : vector<16xi32>
    %mul3A_42 = arith.constant 2 : i32
    %mul3A_43 = arith.muli %arg1, %mul3A_42 : i32
    %mul3A_44 = arith.constant 40 : i32
    %mul3A_45 = arith.muli %mul3A_43, %mul3A_44 : i32
    %add3A_46 = arith.constant 24 : i32
    %add3A_47 = arith.addi %mul3A_45, %add3A_46 : i32
    %add3A_48 = vector.broadcast %add3A_47 : i32 to vector<16xi32>
    %add3A_49 = arith.addi %iota3A_41, %add3A_48 : vector<16xi32>
    %swap3A_50 = arith.constant 24 : index
    %swap3A_51 = tpu.vector_load %arg11[%swap3A_50] {strides = array<i32>} : memref<40xi32, #tpu.memory_space<vmem>>, vector<16xi32>,
    %swap3A_52 = vector.shape_cast %swap3A_51 : vector<16xi32> to vector<16xi32>
    %swap3A_53 = vector.shape_cast %add3A_49 : vector<16xi32> to vector<16xi32>
    tpu.vector_store %arg11[%swap3A_50], %swap3A_53 {strides = array<i32>} : memref<40xi32, #tpu.memory_space<vmem>>, vector<16xi32>,
    %add3A_54 = arith.constant 40 : i32
    %add3A_55 = vector.broadcast %add3A_54 : i32 to vector<16xi32>
    %add3A_56 = arith.addi %add3A_49, %add3A_55 : vector<16xi32>
    %swap3A_57 = arith.constant 24 : index
    %swap3A_58 = tpu.vector_load %arg12[%swap3A_57] {strides = array<i32>} : memref<40xi32, #tpu.memory_space<vmem>>, vector<16xi32>,
    %swap3A_59 = vector.shape_cast %swap3A_58 : vector<16xi32> to vector<16xi32>
    %swap3A_60 = vector.shape_cast %add3A_56 : vector<16xi32> to vector<16xi32>
    tpu.vector_store %arg12[%swap3A_57], %swap3A_60 {strides = array<i32>} : memref<40xi32, #tpu.memory_space<vmem>>, vector<16xi32>,
    %dma_start3A = arith.constant 0 : i32
    %dma_start3A_61 = arith.constant 0 : i32
    %dma_start3A_62 = arith.constant 0 : i32
    %dma_start3A_63 = tpu.memref_slice %arg9[%dma_start3A, %dma_start3A_61, %dma_start3A_62] : memref<2x40x128xf32, #tpu.memory_space<vmem>> -> memref<1x40x128xf32, #tpu.memory_space<vmem>>
    %dma_start3A_64 = tpu.memref_squeeze %dma_start3A_63 : memref<1x40x128xf32, #tpu.memory_space<vmem>> -> memref<40x128xf32, #tpu.memory_space<vmem>>
    %dma_start3A_65 = arith.constant 0 : i32
    %dma_start3A_66 = tpu.memref_slice %arg7[%dma_start3A_65] : memref<5000xi32, #tpu.memory_space<vmem>> -> memref<40xi32, #tpu.memory_space<vmem>>
    %dma_start3A_67 = arith.constant 0 : i32
    %dma_start3A_68 = arith.constant 0 : i32
    %dma_start3A_69 = tpu.memref_slice %arg4[%dma_start3A_67, %dma_start3A_68] : memref<10240x128xf32, #tpu.memory_space<hbm>> -> memref<10240x128xf32, #tpu.memory_space<hbm>>
    tpu.enqueue_indirect_dma source(%dma_start3A_69 : memref<10240x128xf32, #tpu.memory_space<hbm>>) target(%dma_start3A_64 : memref<40x128xf32, #tpu.memory_space<vmem>>) offsets(%dma_start3A_66 : memref<40xi32, #tpu.memory_space<vmem>>) semaphore(%arg14 : memref<!tpu.dma_semaphore, #tpu.memory_space<semaphore_mem>>)
    %dma_start3A_70 = arith.constant 0 : i32
    %dma_start3A_71 = arith.constant 0 : i32
    %dma_start3A_72 = arith.constant 0 : i32
    %dma_start3A_73 = tpu.memref_slice %arg10[%dma_start3A_70, %dma_start3A_71, %dma_start3A_72] : memref<2x40x128xf32, #tpu.memory_space<vmem>> -> memref<1x40x128xf32, #tpu.memory_space<vmem>>
    %dma_start3A_74 = tpu.memref_squeeze %dma_start3A_73 : memref<1x40x128xf32, #tpu.memory_space<vmem>> -> memref<40x128xf32, #tpu.memory_space<vmem>>
    %dma_start3A_75 = arith.constant 0 : i32
    %dma_start3A_76 = tpu.memref_slice %arg8[%dma_start3A_75] : memref<5000xi32, #tpu.memory_space<vmem>> -> memref<40xi32, #tpu.memory_space<vmem>>
    %dma_start3A_77 = arith.constant 0 : i32
    %dma_start3A_78 = arith.constant 0 : i32
    %dma_start3A_79 = tpu.memref_slice %arg5[%dma_start3A_77, %dma_start3A_78] : memref<10240x128xf32, #tpu.memory_space<hbm>> -> memref<10240x128xf32, #tpu.memory_space<hbm>>
    tpu.enqueue_indirect_dma source(%dma_start3A_79 : memref<10240x128xf32, #tpu.memory_space<hbm>>) target(%dma_start3A_74 : memref<40x128xf32, #tpu.memory_space<vmem>>) offsets(%dma_start3A_76 : memref<40xi32, #tpu.memory_space<vmem>>) semaphore(%arg16 : memref<!tpu.dma_semaphore, #tpu.memory_space<semaphore_mem>>)
    %dma_start3A_80 = arith.constant 1 : i32
    %dma_start3A_81 = arith.constant 0 : i32
    %dma_start3A_82 = arith.constant 0 : i32
    %dma_start3A_83 = tpu.memref_slice %arg9[%dma_start3A_80, %dma_start3A_81, %dma_start3A_82] : memref<2x40x128xf32, #tpu.memory_space<vmem>> -> memref<1x40x128xf32, #tpu.memory_space<vmem>>
    %dma_start3A_84 = tpu.memref_squeeze %dma_start3A_83 : memref<1x40x128xf32, #tpu.memory_space<vmem>> -> memref<40x128xf32, #tpu.memory_space<vmem>>
    %dma_start3A_85 = arith.constant 40 : i32
    %dma_start3A_86 = tpu.memref_slice %arg7[%dma_start3A_85] : memref<5000xi32, #tpu.memory_space<vmem>> -> memref<40xi32, #tpu.memory_space<vmem>>
    %dma_start3A_87 = arith.constant 0 : i32
    %dma_start3A_88 = arith.constant 0 : i32
    %dma_start3A_89 = tpu.memref_slice %arg4[%dma_start3A_87, %dma_start3A_88] : memref<10240x128xf32, #tpu.memory_space<hbm>> -> memref<10240x128xf32, #tpu.memory_space<hbm>>
    tpu.enqueue_indirect_dma source(%dma_start3A_89 : memref<10240x128xf32, #tpu.memory_space<hbm>>) target(%dma_start3A_84 : memref<40x128xf32, #tpu.memory_space<vmem>>) offsets(%dma_start3A_86 : memref<40xi32, #tpu.memory_space<vmem>>) semaphore(%arg15 : memref<!tpu.dma_semaphore, #tpu.memory_space<semaphore_mem>>)
    %dma_start3A_90 = arith.constant 1 : i32
    %dma_start3A_91 = arith.constant 0 : i32
    %dma_start3A_92 = arith.constant 0 : i32
    %dma_start3A_93 = tpu.memref_slice %arg10[%dma_start3A_90, %dma_start3A_91, %dma_start3A_92] : memref<2x40x128xf32, #tpu.memory_space<vmem>> -> memref<1x40x128xf32, #tpu.memory_space<vmem>>
    %dma_start3A_94 = tpu.memref_squeeze %dma_start3A_93 : memref<1x40x128xf32, #tpu.memory_space<vmem>> -> memref<40x128xf32, #tpu.memory_space<vmem>>
    %dma_start3A_95 = arith.constant 40 : i32
    %dma_start3A_96 = tpu.memref_slice %arg8[%dma_start3A_95] : memref<5000xi32, #tpu.memory_space<vmem>> -> memref<40xi32, #tpu.memory_space<vmem>>
    %dma_start3A_97 = arith.constant 0 : i32
    %dma_start3A_98 = arith.constant 0 : i32
    %dma_start3A_99 = tpu.memref_slice %arg5[%dma_start3A_97, %dma_start3A_98] : memref<10240x128xf32, #tpu.memory_space<hbm>> -> memref<10240x128xf32, #tpu.memory_space<hbm>>
    tpu.enqueue_indirect_dma source(%dma_start3A_99 : memref<10240x128xf32, #tpu.memory_space<hbm>>) target(%dma_start3A_94 : memref<40x128xf32, #tpu.memory_space<vmem>>) offsets(%dma_start3A_96 : memref<40xi32, #tpu.memory_space<vmem>>) semaphore(%arg17 : memref<!tpu.dma_semaphore, #tpu.memory_space<semaphore_mem>>)
    %dma_wait3A = arith.constant 0 : i32
    %dma_wait3A_100 = arith.constant 0 : i32
    %dma_wait3A_101 = arith.constant 0 : i32
    %dma_wait3A_102 = tpu.memref_slice %arg9[%dma_wait3A, %dma_wait3A_100, %dma_wait3A_101] : memref<2x40x128xf32, #tpu.memory_space<vmem>> -> memref<1x40x128xf32, #tpu.memory_space<vmem>>
    %dma_wait3A_103 = tpu.memref_squeeze %dma_wait3A_102 : memref<1x40x128xf32, #tpu.memory_space<vmem>> -> memref<40x128xf32, #tpu.memory_space<vmem>>
    %dma_wait3A_104 = arith.constant 0 : i32
    %dma_wait3A_105 = tpu.memref_slice %arg7[%dma_wait3A_104] : memref<5000xi32, #tpu.memory_space<vmem>> -> memref<40xi32, #tpu.memory_space<vmem>>
    %dma_wait3A_106 = arith.constant 0 : i32
    %dma_wait3A_107 = arith.constant 0 : i32
    %dma_wait3A_108 = tpu.memref_slice %arg4[%dma_wait3A_106, %dma_wait3A_107] : memref<10240x128xf32, #tpu.memory_space<hbm>> -> memref<10240x128xf32, #tpu.memory_space<hbm>>
    tpu.wait_indirect_dma semaphore(%arg14 : memref<!tpu.dma_semaphore, #tpu.memory_space<semaphore_mem>>) src(%dma_wait3A_108 : memref<10240x128xf32, #tpu.memory_space<hbm>>) dst(%dma_wait3A_103 : memref<40x128xf32, #tpu.memory_space<vmem>>)
    %dma_wait3A_109 = arith.constant 0 : i32
    %dma_wait3A_110 = arith.constant 0 : i32
    %dma_wait3A_111 = arith.constant 0 : i32
    %dma_wait3A_112 = tpu.memref_slice %arg10[%dma_wait3A_109, %dma_wait3A_110, %dma_wait3A_111] : memref<2x40x128xf32, #tpu.memory_space<vmem>> -> memref<1x40x128xf32, #tpu.memory_space<vmem>>
    %dma_wait3A_113 = tpu.memref_squeeze %dma_wait3A_112 : memref<1x40x128xf32, #tpu.memory_space<vmem>> -> memref<40x128xf32, #tpu.memory_space<vmem>>
    %dma_wait3A_114 = arith.constant 0 : i32
    %dma_wait3A_115 = tpu.memref_slice %arg7[%dma_wait3A_114] : memref<5000xi32, #tpu.memory_space<vmem>> -> memref<40xi32, #tpu.memory_space<vmem>>
    %dma_wait3A_116 = arith.constant 0 : i32
    %dma_wait3A_117 = arith.constant 0 : i32
    %dma_wait3A_118 = tpu.memref_slice %arg5[%dma_wait3A_116, %dma_wait3A_117] : memref<10240x128xf32, #tpu.memory_space<hbm>> -> memref<10240x128xf32, #tpu.memory_space<hbm>>
    tpu.wait_indirect_dma semaphore(%arg16 : memref<!tpu.dma_semaphore, #tpu.memory_space<semaphore_mem>>) src(%dma_wait3A_118 : memref<10240x128xf32, #tpu.memory_space<hbm>>) dst(%dma_wait3A_113 : memref<40x128xf32, #tpu.memory_space<vmem>>)
    %mul3A_119 = arith.constant 2 : i32
    %mul3A_120 = arith.muli %arg1, %mul3A_119 : i32
    %add3A_121 = arith.constant 0 : i32
    %add3A_122 = arith.addi %mul3A_120, %add3A_121 : i32
    %mul3A_123 = arith.constant 40 : i32
    %mul3A_124 = arith.muli %add3A_122, %mul3A_123 : i32
    %run_scoped3A = arith.constant 0 : i32
    "tpu.region"() ({
      %run_scoped3A_413 = tpu.sem_alloc : memref<!tpu.dma_semaphore, #tpu.memory_space<semaphore_mem>>
      %dma_start3A_414 = arith.constant 0 : i32
      %dma_start3A_415 = arith.constant 0 : i32
      %dma_start3A_416 = tpu.memref_slice %arg9[%run_scoped3A, %dma_start3A_414, %dma_start3A_415] : memref<2x40x128xf32, #tpu.memory_space<vmem>> -> memref<1x40x128xf32, #tpu.memory_space<vmem>>
      %dma_start3A_417 = tpu.memref_squeeze %dma_start3A_416 : memref<1x40x128xf32, #tpu.memory_space<vmem>> -> memref<40x128xf32, #tpu.memory_space<vmem>>
      %dma_start3A_418 = arith.constant 0 : i32
      %dma_start3A_419 = tpu.memref_slice %arg13[%mul3A_124, %dma_start3A_418] : memref<1280x128xf32, #tpu.memory_space<vmem_shared>> -> memref<40x128xf32, #tpu.memory_space<vmem_shared>>
      %dma_start3A_420 = arith.constant 0 : i32
      %dma_start3A_421 = tpu.memref_slice %arg13[%mul3A_124, %dma_start3A_420] : memref<1280x128xf32, #tpu.memory_space<vmem_shared>> -> memref<40x128xf32, #tpu.memory_space<vmem_shared>>
      %dma_start3A_422 = arith.constant 0 : i32
      %dma_start3A_423 = arith.constant 0 : i32
      %dma_start3A_424 = tpu.memref_slice %arg9[%run_scoped3A, %dma_start3A_422, %dma_start3A_423] : memref<2x40x128xf32, #tpu.memory_space<vmem>> -> memref<1x40x128xf32, #tpu.memory_space<vmem>>
      %dma_start3A_425 = tpu.memref_squeeze %dma_start3A_424 : memref<1x40x128xf32, #tpu.memory_space<vmem>> -> memref<40x128xf32, #tpu.memory_space<vmem>>
      tpu.enqueue_dma source(%dma_start3A_425 : memref<40x128xf32, #tpu.memory_space<vmem>>) target(%dma_start3A_421 : memref<40x128xf32, #tpu.memory_space<vmem_shared>>) target_semaphore(%run_scoped3A_413 : memref<!tpu.dma_semaphore, #tpu.memory_space<semaphore_mem>>)
      %dma_wait3A_426 = arith.constant 0 : i32
      %dma_wait3A_427 = arith.constant 0 : i32
      %dma_wait3A_428 = tpu.memref_slice %arg9[%run_scoped3A, %dma_wait3A_426, %dma_wait3A_427] : memref<2x40x128xf32, #tpu.memory_space<vmem>> -> memref<1x40x128xf32, #tpu.memory_space<vmem>>
      %dma_wait3A_429 = tpu.memref_squeeze %dma_wait3A_428 : memref<1x40x128xf32, #tpu.memory_space<vmem>> -> memref<40x128xf32, #tpu.memory_space<vmem>>
      %dma_wait3A_430 = arith.constant 0 : i32
      %dma_wait3A_431 = tpu.memref_slice %arg13[%mul3A_124, %dma_wait3A_430] : memref<1280x128xf32, #tpu.memory_space<vmem_shared>> -> memref<40x128xf32, #tpu.memory_space<vmem_shared>>
      %dma_wait3A_432 = arith.constant 0 : i32
      %dma_wait3A_433 = tpu.memref_slice %arg13[%mul3A_124, %dma_wait3A_432] : memref<1280x128xf32, #tpu.memory_space<vmem_shared>> -> memref<40x128xf32, #tpu.memory_space<vmem_shared>>
      %dma_wait3A_434 = arith.constant 0 : i32
      %dma_wait3A_435 = arith.constant 0 : i32
      %dma_wait3A_436 = tpu.memref_slice %arg9[%run_scoped3A, %dma_wait3A_434, %dma_wait3A_435] : memref<2x40x128xf32, #tpu.memory_space<vmem>> -> memref<1x40x128xf32, #tpu.memory_space<vmem>>
      %dma_wait3A_437 = tpu.memref_squeeze %dma_wait3A_436 : memref<1x40x128xf32, #tpu.memory_space<vmem>> -> memref<40x128xf32, #tpu.memory_space<vmem>>
      tpu.wait_dma2 semaphore(%run_scoped3A_413 : memref<!tpu.dma_semaphore, #tpu.memory_space<semaphore_mem>>) src(%dma_wait3A_437 : memref<40x128xf32, #tpu.memory_space<vmem>>) dst(%dma_wait3A_433 : memref<40x128xf32, #tpu.memory_space<vmem_shared>>)
      tpu.yield
    }) : () -> ()
    %run_scoped3A_125 = arith.constant 0 : i32
    "tpu.region"() ({
      %run_scoped3A_413 = tpu.sem_alloc : memref<!tpu.dma_semaphore, #tpu.memory_space<semaphore_mem>>
      %dma_start3A_414 = arith.constant 0 : i32
      %dma_start3A_415 = arith.constant 0 : i32
      %dma_start3A_416 = tpu.memref_slice %arg10[%run_scoped3A_125, %dma_start3A_414, %dma_start3A_415] : memref<2x40x128xf32, #tpu.memory_space<vmem>> -> memref<1x40x128xf32, #tpu.memory_space<vmem>>
      %dma_start3A_417 = tpu.memref_squeeze %dma_start3A_416 : memref<1x40x128xf32, #tpu.memory_space<vmem>> -> memref<40x128xf32, #tpu.memory_space<vmem>>
      %dma_start3A_418 = arith.constant 0 : i32
      %dma_start3A_419 = arith.constant 0 : i32
      %dma_start3A_420 = tpu.memref_slice %arg13[%dma_start3A_418, %dma_start3A_419] : memref<1280x128xf32, #tpu.memory_space<vmem_shared>> -> memref<1280x128xf32, #tpu.memory_space<vmem_shared>>
      tpu.enqueue_indirect_dma source(%dma_start3A_417 : memref<40x128xf32, #tpu.memory_space<vmem>>) target(%dma_start3A_420 : memref<1280x128xf32, #tpu.memory_space<vmem_shared>>) offsets(%arg11 : memref<40xi32, #tpu.memory_space<vmem>>) semaphore(%run_scoped3A_413 : memref<!tpu.dma_semaphore, #tpu.memory_space<semaphore_mem>>) {add = true}
      %dma_wait3A_421 = arith.constant 0 : i32
      %dma_wait3A_422 = arith.constant 0 : i32
      %dma_wait3A_423 = tpu.memref_slice %arg10[%run_scoped3A_125, %dma_wait3A_421, %dma_wait3A_422] : memref<2x40x128xf32, #tpu.memory_space<vmem>> -> memref<1x40x128xf32, #tpu.memory_space<vmem>>
      %dma_wait3A_424 = tpu.memref_squeeze %dma_wait3A_423 : memref<1x40x128xf32, #tpu.memory_space<vmem>> -> memref<40x128xf32, #tpu.memory_space<vmem>>
      %dma_wait3A_425 = arith.constant 0 : i32
      %dma_wait3A_426 = arith.constant 0 : i32
      %dma_wait3A_427 = tpu.memref_slice %arg13[%dma_wait3A_425, %dma_wait3A_426] : memref<1280x128xf32, #tpu.memory_space<vmem_shared>> -> memref<1280x128xf32, #tpu.memory_space<vmem_shared>>
      tpu.wait_indirect_dma semaphore(%run_scoped3A_413 : memref<!tpu.dma_semaphore, #tpu.memory_space<semaphore_mem>>) src(%dma_wait3A_424 : memref<40x128xf32, #tpu.memory_space<vmem>>) dst(%dma_wait3A_427 : memref<1280x128xf32, #tpu.memory_space<vmem_shared>>)
      tpu.yield
    }) : () -> ()
    %mul3A_126 = arith.constant 2 : i32
    %mul3A_127 = arith.muli %arg1, %mul3A_126 : i32
    %add3A_128 = arith.constant 0 : i32
    %add3A_129 = arith.addi %mul3A_127, %add3A_128 : i32
    %mul3A_130 = arith.constant 40 : i32
    %mul3A_131 = arith.muli %add3A_129, %mul3A_130 : i32
    %add3A_132 = arith.constant 0 : i32
    %add3A_133 = arith.addi %mul3A_2, %add3A_132 : i32
    %dma_start3A_134 = arith.constant 0 : i32
    %dma_start3A_135 = tpu.memref_slice %arg6[%add3A_133, %dma_start3A_134] : memref<160000x128xf32, #tpu.memory_space<hbm>> -> memref<40x128xf32, #tpu.memory_space<hbm>>
    %dma_start3A_136 = arith.constant 0 : i32
    %dma_start3A_137 = tpu.memref_slice %arg13[%mul3A_131, %dma_start3A_136] : memref<1280x128xf32, #tpu.memory_space<vmem_shared>> -> memref<40x128xf32, #tpu.memory_space<vmem_shared>>
    tpu.enqueue_dma source(%dma_start3A_137 : memref<40x128xf32, #tpu.memory_space<vmem_shared>>) target(%dma_start3A_135 : memref<40x128xf32, #tpu.memory_space<hbm>>) target_semaphore(%arg18 : memref<!tpu.dma_semaphore, #tpu.memory_space<semaphore_mem>>)
    %dma_start3A_138 = arith.constant 0 : i32
    %dma_start3A_139 = arith.constant 0 : i32
    %dma_start3A_140 = arith.constant 0 : i32
    %dma_start3A_141 = tpu.memref_slice %arg9[%dma_start3A_138, %dma_start3A_139, %dma_start3A_140] : memref<2x40x128xf32, #tpu.memory_space<vmem>> -> memref<1x40x128xf32, #tpu.memory_space<vmem>>
    %dma_start3A_142 = tpu.memref_squeeze %dma_start3A_141 : memref<1x40x128xf32, #tpu.memory_space<vmem>> -> memref<40x128xf32, #tpu.memory_space<vmem>>
    %dma_start3A_143 = arith.constant 80 : i32
    %dma_start3A_144 = tpu.memref_slice %arg7[%dma_start3A_143] : memref<5000xi32, #tpu.memory_space<vmem>> -> memref<40xi32, #tpu.memory_space<vmem>>
    %dma_start3A_145 = arith.constant 0 : i32
    %dma_start3A_146 = arith.constant 0 : i32
    %dma_start3A_147 = tpu.memref_slice %arg4[%dma_start3A_145, %dma_start3A_146] : memref<10240x128xf32, #tpu.memory_space<hbm>> -> memref<10240x128xf32, #tpu.memory_space<hbm>>
    tpu.enqueue_indirect_dma source(%dma_start3A_147 : memref<10240x128xf32, #tpu.memory_space<hbm>>) target(%dma_start3A_142 : memref<40x128xf32, #tpu.memory_space<vmem>>) offsets(%dma_start3A_144 : memref<40xi32, #tpu.memory_space<vmem>>) semaphore(%arg14 : memref<!tpu.dma_semaphore, #tpu.memory_space<semaphore_mem>>)
    %dma_start3A_148 = arith.constant 0 : i32
    %dma_start3A_149 = arith.constant 0 : i32
    %dma_start3A_150 = arith.constant 0 : i32
    %dma_start3A_151 = tpu.memref_slice %arg10[%dma_start3A_148, %dma_start3A_149, %dma_start3A_150] : memref<2x40x128xf32, #tpu.memory_space<vmem>> -> memref<1x40x128xf32, #tpu.memory_space<vmem>>
    %dma_start3A_152 = tpu.memref_squeeze %dma_start3A_151 : memref<1x40x128xf32, #tpu.memory_space<vmem>> -> memref<40x128xf32, #tpu.memory_space<vmem>>
    %dma_start3A_153 = arith.constant 80 : i32
    %dma_start3A_154 = tpu.memref_slice %arg8[%dma_start3A_153] : memref<5000xi32, #tpu.memory_space<vmem>> -> memref<40xi32, #tpu.memory_space<vmem>>
    %dma_start3A_155 = arith.constant 0 : i32
    %dma_start3A_156 = arith.constant 0 : i32
    %dma_start3A_157 = tpu.memref_slice %arg5[%dma_start3A_155, %dma_start3A_156] : memref<10240x128xf32, #tpu.memory_space<hbm>> -> memref<10240x128xf32, #tpu.memory_space<hbm>>
    tpu.enqueue_indirect_dma source(%dma_start3A_157 : memref<10240x128xf32, #tpu.memory_space<hbm>>) target(%dma_start3A_152 : memref<40x128xf32, #tpu.memory_space<vmem>>) offsets(%dma_start3A_154 : memref<40xi32, #tpu.memory_space<vmem>>) semaphore(%arg16 : memref<!tpu.dma_semaphore, #tpu.memory_space<semaphore_mem>>)
    %dma_wait3A_158 = arith.constant 1 : i32
    %dma_wait3A_159 = arith.constant 0 : i32
    %dma_wait3A_160 = arith.constant 0 : i32
    %dma_wait3A_161 = tpu.memref_slice %arg9[%dma_wait3A_158, %dma_wait3A_159, %dma_wait3A_160] : memref<2x40x128xf32, #tpu.memory_space<vmem>> -> memref<1x40x128xf32, #tpu.memory_space<vmem>>
    %dma_wait3A_162 = tpu.memref_squeeze %dma_wait3A_161 : memref<1x40x128xf32, #tpu.memory_space<vmem>> -> memref<40x128xf32, #tpu.memory_space<vmem>>
    %dma_wait3A_163 = arith.constant 0 : i32
    %dma_wait3A_164 = tpu.memref_slice %arg7[%dma_wait3A_163] : memref<5000xi32, #tpu.memory_space<vmem>> -> memref<40xi32, #tpu.memory_space<vmem>>
    %dma_wait3A_165 = arith.constant 0 : i32
    %dma_wait3A_166 = arith.constant 0 : i32
    %dma_wait3A_167 = tpu.memref_slice %arg4[%dma_wait3A_165, %dma_wait3A_166] : memref<10240x128xf32, #tpu.memory_space<hbm>> -> memref<10240x128xf32, #tpu.memory_space<hbm>>
    tpu.wait_indirect_dma semaphore(%arg15 : memref<!tpu.dma_semaphore, #tpu.memory_space<semaphore_mem>>) src(%dma_wait3A_167 : memref<10240x128xf32, #tpu.memory_space<hbm>>) dst(%dma_wait3A_162 : memref<40x128xf32, #tpu.memory_space<vmem>>)
    %dma_wait3A_168 = arith.constant 1 : i32
    %dma_wait3A_169 = arith.constant 0 : i32
    %dma_wait3A_170 = arith.constant 0 : i32
    %dma_wait3A_171 = tpu.memref_slice %arg10[%dma_wait3A_168, %dma_wait3A_169, %dma_wait3A_170] : memref<2x40x128xf32, #tpu.memory_space<vmem>> -> memref<1x40x128xf32, #tpu.memory_space<vmem>>
    %dma_wait3A_172 = tpu.memref_squeeze %dma_wait3A_171 : memref<1x40x128xf32, #tpu.memory_space<vmem>> -> memref<40x128xf32, #tpu.memory_space<vmem>>
    %dma_wait3A_173 = arith.constant 0 : i32
    %dma_wait3A_174 = tpu.memref_slice %arg7[%dma_wait3A_173] : memref<5000xi32, #tpu.memory_space<vmem>> -> memref<40xi32, #tpu.memory_space<vmem>>
    %dma_wait3A_175 = arith.constant 0 : i32
    %dma_wait3A_176 = arith.constant 0 : i32
    %dma_wait3A_177 = tpu.memref_slice %arg5[%dma_wait3A_175, %dma_wait3A_176] : memref<10240x128xf32, #tpu.memory_space<hbm>> -> memref<10240x128xf32, #tpu.memory_space<hbm>>
    tpu.wait_indirect_dma semaphore(%arg17 : memref<!tpu.dma_semaphore, #tpu.memory_space<semaphore_mem>>) src(%dma_wait3A_177 : memref<10240x128xf32, #tpu.memory_space<hbm>>) dst(%dma_wait3A_172 : memref<40x128xf32, #tpu.memory_space<vmem>>)
    %mul3A_178 = arith.constant 2 : i32
    %mul3A_179 = arith.muli %arg1, %mul3A_178 : i32
    %add3A_180 = arith.constant 1 : i32
    %add3A_181 = arith.addi %mul3A_179, %add3A_180 : i32
    %mul3A_182 = arith.constant 40 : i32
    %mul3A_183 = arith.muli %add3A_181, %mul3A_182 : i32
    %run_scoped3A_184 = arith.constant 1 : i32
    "tpu.region"() ({
      %run_scoped3A_413 = tpu.sem_alloc : memref<!tpu.dma_semaphore, #tpu.memory_space<semaphore_mem>>
      %dma_start3A_414 = arith.constant 0 : i32
      %dma_start3A_415 = arith.constant 0 : i32
      %dma_start3A_416 = tpu.memref_slice %arg9[%run_scoped3A_184, %dma_start3A_414, %dma_start3A_415] : memref<2x40x128xf32, #tpu.memory_space<vmem>> -> memref<1x40x128xf32, #tpu.memory_space<vmem>>
      %dma_start3A_417 = tpu.memref_squeeze %dma_start3A_416 : memref<1x40x128xf32, #tpu.memory_space<vmem>> -> memref<40x128xf32, #tpu.memory_space<vmem>>
      %dma_start3A_418 = arith.constant 0 : i32
      %dma_start3A_419 = tpu.memref_slice %arg13[%mul3A_183, %dma_start3A_418] : memref<1280x128xf32, #tpu.memory_space<vmem_shared>> -> memref<40x128xf32, #tpu.memory_space<vmem_shared>>
      %dma_start3A_420 = arith.constant 0 : i32
      %dma_start3A_421 = tpu.memref_slice %arg13[%mul3A_183, %dma_start3A_420] : memref<1280x128xf32, #tpu.memory_space<vmem_shared>> -> memref<40x128xf32, #tpu.memory_space<vmem_shared>>
      %dma_start3A_422 = arith.constant 0 : i32
      %dma_start3A_423 = arith.constant 0 : i32
      %dma_start3A_424 = tpu.memref_slice %arg9[%run_scoped3A_184, %dma_start3A_422, %dma_start3A_423] : memref<2x40x128xf32, #tpu.memory_space<vmem>> -> memref<1x40x128xf32, #tpu.memory_space<vmem>>
      %dma_start3A_425 = tpu.memref_squeeze %dma_start3A_424 : memref<1x40x128xf32, #tpu.memory_space<vmem>> -> memref<40x128xf32, #tpu.memory_space<vmem>>
      tpu.enqueue_dma source(%dma_start3A_425 : memref<40x128xf32, #tpu.memory_space<vmem>>) target(%dma_start3A_421 : memref<40x128xf32, #tpu.memory_space<vmem_shared>>) target_semaphore(%run_scoped3A_413 : memref<!tpu.dma_semaphore, #tpu.memory_space<semaphore_mem>>)
      %dma_wait3A_426 = arith.constant 0 : i32
      %dma_wait3A_427 = arith.constant 0 : i32
      %dma_wait3A_428 = tpu.memref_slice %arg9[%run_scoped3A_184, %dma_wait3A_426, %dma_wait3A_427] : memref<2x40x128xf32, #tpu.memory_space<vmem>> -> memref<1x40x128xf32, #tpu.memory_space<vmem>>
      %dma_wait3A_429 = tpu.memref_squeeze %dma_wait3A_428 : memref<1x40x128xf32, #tpu.memory_space<vmem>> -> memref<40x128xf32, #tpu.memory_space<vmem>>
      %dma_wait3A_430 = arith.constant 0 : i32
      %dma_wait3A_431 = tpu.memref_slice %arg13[%mul3A_183, %dma_wait3A_430] : memref<1280x128xf32, #tpu.memory_space<vmem_shared>> -> memref<40x128xf32, #tpu.memory_space<vmem_shared>>
      %dma_wait3A_432 = arith.constant 0 : i32
      %dma_wait3A_433 = tpu.memref_slice %arg13[%mul3A_183, %dma_wait3A_432] : memref<1280x128xf32, #tpu.memory_space<vmem_shared>> -> memref<40x128xf32, #tpu.memory_space<vmem_shared>>
      %dma_wait3A_434 = arith.constant 0 : i32
      %dma_wait3A_435 = arith.constant 0 : i32
      %dma_wait3A_436 = tpu.memref_slice %arg9[%run_scoped3A_184, %dma_wait3A_434, %dma_wait3A_435] : memref<2x40x128xf32, #tpu.memory_space<vmem>> -> memref<1x40x128xf32, #tpu.memory_space<vmem>>
      %dma_wait3A_437 = tpu.memref_squeeze %dma_wait3A_436 : memref<1x40x128xf32, #tpu.memory_space<vmem>> -> memref<40x128xf32, #tpu.memory_space<vmem>>
      tpu.wait_dma2 semaphore(%run_scoped3A_413 : memref<!tpu.dma_semaphore, #tpu.memory_space<semaphore_mem>>) src(%dma_wait3A_437 : memref<40x128xf32, #tpu.memory_space<vmem>>) dst(%dma_wait3A_433 : memref<40x128xf32, #tpu.memory_space<vmem_shared>>)
      tpu.yield
    }) : () -> ()
    %run_scoped3A_185 = arith.constant 1 : i32
    "tpu.region"() ({
      %run_scoped3A_413 = tpu.sem_alloc : memref<!tpu.dma_semaphore, #tpu.memory_space<semaphore_mem>>
      %dma_start3A_414 = arith.constant 0 : i32
      %dma_start3A_415 = arith.constant 0 : i32
      %dma_start3A_416 = tpu.memref_slice %arg10[%run_scoped3A_185, %dma_start3A_414, %dma_start3A_415] : memref<2x40x128xf32, #tpu.memory_space<vmem>> -> memref<1x40x128xf32, #tpu.memory_space<vmem>>
      %dma_start3A_417 = tpu.memref_squeeze %dma_start3A_416 : memref<1x40x128xf32, #tpu.memory_space<vmem>> -> memref<40x128xf32, #tpu.memory_space<vmem>>
      %dma_start3A_418 = arith.constant 0 : i32
      %dma_start3A_419 = arith.constant 0 : i32
      %dma_start3A_420 = tpu.memref_slice %arg13[%dma_start3A_418, %dma_start3A_419] : memref<1280x128xf32, #tpu.memory_space<vmem_shared>> -> memref<1280x128xf32, #tpu.memory_space<vmem_shared>>
      tpu.enqueue_indirect_dma source(%dma_start3A_417 : memref<40x128xf32, #tpu.memory_space<vmem>>) target(%dma_start3A_420 : memref<1280x128xf32, #tpu.memory_space<vmem_shared>>) offsets(%arg12 : memref<40xi32, #tpu.memory_space<vmem>>) semaphore(%run_scoped3A_413 : memref<!tpu.dma_semaphore, #tpu.memory_space<semaphore_mem>>) {add = true}
      %dma_wait3A_421 = arith.constant 0 : i32
      %dma_wait3A_422 = arith.constant 0 : i32
      %dma_wait3A_423 = tpu.memref_slice %arg10[%run_scoped3A_185, %dma_wait3A_421, %dma_wait3A_422] : memref<2x40x128xf32, #tpu.memory_space<vmem>> -> memref<1x40x128xf32, #tpu.memory_space<vmem>>
      %dma_wait3A_424 = tpu.memref_squeeze %dma_wait3A_423 : memref<1x40x128xf32, #tpu.memory_space<vmem>> -> memref<40x128xf32, #tpu.memory_space<vmem>>
      %dma_wait3A_425 = arith.constant 0 : i32
      %dma_wait3A_426 = arith.constant 0 : i32
      %dma_wait3A_427 = tpu.memref_slice %arg13[%dma_wait3A_425, %dma_wait3A_426] : memref<1280x128xf32, #tpu.memory_space<vmem_shared>> -> memref<1280x128xf32, #tpu.memory_space<vmem_shared>>
      tpu.wait_indirect_dma semaphore(%run_scoped3A_413 : memref<!tpu.dma_semaphore, #tpu.memory_space<semaphore_mem>>) src(%dma_wait3A_424 : memref<40x128xf32, #tpu.memory_space<vmem>>) dst(%dma_wait3A_427 : memref<1280x128xf32, #tpu.memory_space<vmem_shared>>)
      tpu.yield
    }) : () -> ()
    %mul3A_186 = arith.constant 2 : i32
    %mul3A_187 = arith.muli %arg1, %mul3A_186 : i32
    %add3A_188 = arith.constant 1 : i32
    %add3A_189 = arith.addi %mul3A_187, %add3A_188 : i32
    %mul3A_190 = arith.constant 40 : i32
    %mul3A_191 = arith.muli %add3A_189, %mul3A_190 : i32
    %add3A_192 = arith.constant 40 : i32
    %add3A_193 = arith.addi %mul3A_2, %add3A_192 : i32
    %dma_start3A_194 = arith.constant 0 : i32
    %dma_start3A_195 = tpu.memref_slice %arg6[%add3A_193, %dma_start3A_194] : memref<160000x128xf32, #tpu.memory_space<hbm>> -> memref<40x128xf32, #tpu.memory_space<hbm>>
    %dma_start3A_196 = arith.constant 0 : i32
    %dma_start3A_197 = tpu.memref_slice %arg13[%mul3A_191, %dma_start3A_196] : memref<1280x128xf32, #tpu.memory_space<vmem_shared>> -> memref<40x128xf32, #tpu.memory_space<vmem_shared>>
    tpu.enqueue_dma source(%dma_start3A_197 : memref<40x128xf32, #tpu.memory_space<vmem_shared>>) target(%dma_start3A_195 : memref<40x128xf32, #tpu.memory_space<hbm>>) target_semaphore(%arg19 : memref<!tpu.dma_semaphore, #tpu.memory_space<semaphore_mem>>)
    %dma_start3A_198 = arith.constant 1 : i32
    %dma_start3A_199 = arith.constant 0 : i32
    %dma_start3A_200 = arith.constant 0 : i32
    %dma_start3A_201 = tpu.memref_slice %arg9[%dma_start3A_198, %dma_start3A_199, %dma_start3A_200] : memref<2x40x128xf32, #tpu.memory_space<vmem>> -> memref<1x40x128xf32, #tpu.memory_space<vmem>>
    %dma_start3A_202 = tpu.memref_squeeze %dma_start3A_201 : memref<1x40x128xf32, #tpu.memory_space<vmem>> -> memref<40x128xf32, #tpu.memory_space<vmem>>
    %dma_start3A_203 = arith.constant 120 : i32
    %dma_start3A_204 = tpu.memref_slice %arg7[%dma_start3A_203] : memref<5000xi32, #tpu.memory_space<vmem>> -> memref<40xi32, #tpu.memory_space<vmem>>
    %dma_start3A_205 = arith.constant 0 : i32
    %dma_start3A_206 = arith.constant 0 : i32
    %dma_start3A_207 = tpu.memref_slice %arg4[%dma_start3A_205, %dma_start3A_206] : memref<10240x128xf32, #tpu.memory_space<hbm>> -> memref<10240x128xf32, #tpu.memory_space<hbm>>
    tpu.enqueue_indirect_dma source(%dma_start3A_207 : memref<10240x128xf32, #tpu.memory_space<hbm>>) target(%dma_start3A_202 : memref<40x128xf32, #tpu.memory_space<vmem>>) offsets(%dma_start3A_204 : memref<40xi32, #tpu.memory_space<vmem>>) semaphore(%arg15 : memref<!tpu.dma_semaphore, #tpu.memory_space<semaphore_mem>>)
    %dma_start3A_208 = arith.constant 1 : i32
    %dma_start3A_209 = arith.constant 0 : i32
    %dma_start3A_210 = arith.constant 0 : i32
    %dma_start3A_211 = tpu.memref_slice %arg10[%dma_start3A_208, %dma_start3A_209, %dma_start3A_210] : memref<2x40x128xf32, #tpu.memory_space<vmem>> -> memref<1x40x128xf32, #tpu.memory_space<vmem>>
    %dma_start3A_212 = tpu.memref_squeeze %dma_start3A_211 : memref<1x40x128xf32, #tpu.memory_space<vmem>> -> memref<40x128xf32, #tpu.memory_space<vmem>>
    %dma_start3A_213 = arith.constant 120 : i32
    %dma_start3A_214 = tpu.memref_slice %arg8[%dma_start3A_213] : memref<5000xi32, #tpu.memory_space<vmem>> -> memref<40xi32, #tpu.memory_space<vmem>>
    %dma_start3A_215 = arith.constant 0 : i32
    %dma_start3A_216 = arith.constant 0 : i32
    %dma_start3A_217 = tpu.memref_slice %arg5[%dma_start3A_215, %dma_start3A_216] : memref<10240x128xf32, #tpu.memory_space<hbm>> -> memref<10240x128xf32, #tpu.memory_space<hbm>>
    tpu.enqueue_indirect_dma source(%dma_start3A_217 : memref<10240x128xf32, #tpu.memory_space<hbm>>) target(%dma_start3A_212 : memref<40x128xf32, #tpu.memory_space<vmem>>) offsets(%dma_start3A_214 : memref<40xi32, #tpu.memory_space<vmem>>) semaphore(%arg17 : memref<!tpu.dma_semaphore, #tpu.memory_space<semaphore_mem>>)
    %scan3A = arith.constant 0 : i32
    %scan3A_218 = arith.constant 1 : i32
    %scan3A_219 = arith.constant 60 : i32
    %scan3A_220 = arith.addi %scan3A_218, %scan3A_219 : i32
    %scan3A_221 = arith.constant 1 : i32
    scf.for %scan3A_413 = %scan3A_218 to %scan3A_220 step %scan3A_221  : i32 {
      %dma_wait3A_414 = arith.constant 0 : i32
      %dma_wait3A_415 = arith.constant 0 : i32
      %dma_wait3A_416 = arith.constant 0 : i32
      %dma_wait3A_417 = tpu.memref_slice %arg9[%dma_wait3A_414, %dma_wait3A_415, %dma_wait3A_416] : memref<2x40x128xf32, #tpu.memory_space<vmem>> -> memref<1x40x128xf32, #tpu.memory_space<vmem>>
      %dma_wait3A_418 = tpu.memref_squeeze %dma_wait3A_417 : memref<1x40x128xf32, #tpu.memory_space<vmem>> -> memref<40x128xf32, #tpu.memory_space<vmem>>
      %dma_wait3A_419 = arith.constant 0 : i32
      %dma_wait3A_420 = tpu.memref_slice %arg7[%dma_wait3A_419] : memref<5000xi32, #tpu.memory_space<vmem>> -> memref<40xi32, #tpu.memory_space<vmem>>
      %dma_wait3A_421 = arith.constant 0 : i32
      %dma_wait3A_422 = arith.constant 0 : i32
      %dma_wait3A_423 = tpu.memref_slice %arg4[%dma_wait3A_421, %dma_wait3A_422] : memref<10240x128xf32, #tpu.memory_space<hbm>> -> memref<10240x128xf32, #tpu.memory_space<hbm>>
      tpu.wait_indirect_dma semaphore(%arg14 : memref<!tpu.dma_semaphore, #tpu.memory_space<semaphore_mem>>) src(%dma_wait3A_423 : memref<10240x128xf32, #tpu.memory_space<hbm>>) dst(%dma_wait3A_418 : memref<40x128xf32, #tpu.memory_space<vmem>>)
      %dma_wait3A_424 = arith.constant 0 : i32
      %dma_wait3A_425 = arith.constant 0 : i32
      %dma_wait3A_426 = arith.constant 0 : i32
      %dma_wait3A_427 = tpu.memref_slice %arg10[%dma_wait3A_424, %dma_wait3A_425, %dma_wait3A_426] : memref<2x40x128xf32, #tpu.memory_space<vmem>> -> memref<1x40x128xf32, #tpu.memory_space<vmem>>
      %dma_wait3A_428 = tpu.memref_squeeze %dma_wait3A_427 : memref<1x40x128xf32, #tpu.memory_space<vmem>> -> memref<40x128xf32, #tpu.memory_space<vmem>>
      %dma_wait3A_429 = arith.constant 0 : i32
      %dma_wait3A_430 = tpu.memref_slice %arg7[%dma_wait3A_429] : memref<5000xi32, #tpu.memory_space<vmem>> -> memref<40xi32, #tpu.memory_space<vmem>>
      %dma_wait3A_431 = arith.constant 0 : i32
      %dma_wait3A_432 = arith.constant 0 : i32
      %dma_wait3A_433 = tpu.memref_slice %arg5[%dma_wait3A_431, %dma_wait3A_432] : memref<10240x128xf32, #tpu.memory_space<hbm>> -> memref<10240x128xf32, #tpu.memory_space<hbm>>
      tpu.wait_indirect_dma semaphore(%arg16 : memref<!tpu.dma_semaphore, #tpu.memory_space<semaphore_mem>>) src(%dma_wait3A_433 : memref<10240x128xf32, #tpu.memory_space<hbm>>) dst(%dma_wait3A_428 : memref<40x128xf32, #tpu.memory_space<vmem>>)
      %mul3A_434 = arith.constant 2 : i32
      %mul3A_435 = arith.muli %arg1, %mul3A_434 : i32
      %add3A_436 = arith.constant 0 : i32
      %add3A_437 = arith.addi %mul3A_435, %add3A_436 : i32
      %mul3A_438 = arith.constant 40 : i32
      %mul3A_439 = arith.muli %add3A_437, %mul3A_438 : i32
      %dma_wait3A_440 = arith.constant 0 : i32
      %dma_wait3A_441 = tpu.memref_slice %arg6[%mul3A_2, %dma_wait3A_440] : memref<160000x128xf32, #tpu.memory_space<hbm>> -> memref<40x128xf32, #tpu.memory_space<hbm>>
      %dma_wait3A_442 = arith.constant 0 : i32
      %dma_wait3A_443 = tpu.memref_slice %arg13[%mul3A_439, %dma_wait3A_442] : memref<1280x128xf32, #tpu.memory_space<vmem_shared>> -> memref<40x128xf32, #tpu.memory_space<vmem_shared>>
      tpu.wait_dma2 semaphore(%arg18 : memref<!tpu.dma_semaphore, #tpu.memory_space<semaphore_mem>>) src(%dma_wait3A_443 : memref<40x128xf32, #tpu.memory_space<vmem_shared>>) dst(%dma_wait3A_441 : memref<40x128xf32, #tpu.memory_space<hbm>>)
      %mul3A_444 = arith.constant 2 : i32
      %mul3A_445 = arith.muli %arg1, %mul3A_444 : i32
      %add3A_446 = arith.constant 0 : i32
      %add3A_447 = arith.addi %mul3A_445, %add3A_446 : i32
      %mul3A_448 = arith.constant 40 : i32
      %mul3A_449 = arith.muli %add3A_447, %mul3A_448 : i32
      %run_scoped3A_450 = arith.constant 0 : i32
      "tpu.region"() ({
        %run_scoped3A_570 = tpu.sem_alloc : memref<!tpu.dma_semaphore, #tpu.memory_space<semaphore_mem>>
        %dma_start3A_571 = arith.constant 0 : i32
        %dma_start3A_572 = arith.constant 0 : i32
        %dma_start3A_573 = tpu.memref_slice %arg9[%run_scoped3A_450, %dma_start3A_571, %dma_start3A_572] : memref<2x40x128xf32, #tpu.memory_space<vmem>> -> memref<1x40x128xf32, #tpu.memory_space<vmem>>
        %dma_start3A_574 = tpu.memref_squeeze %dma_start3A_573 : memref<1x40x128xf32, #tpu.memory_space<vmem>> -> memref<40x128xf32, #tpu.memory_space<vmem>>
        %dma_start3A_575 = arith.constant 0 : i32
        %dma_start3A_576 = tpu.memref_slice %arg13[%mul3A_449, %dma_start3A_575] : memref<1280x128xf32, #tpu.memory_space<vmem_shared>> -> memref<40x128xf32, #tpu.memory_space<vmem_shared>>
        %dma_start3A_577 = arith.constant 0 : i32
        %dma_start3A_578 = tpu.memref_slice %arg13[%mul3A_449, %dma_start3A_577] : memref<1280x128xf32, #tpu.memory_space<vmem_shared>> -> memref<40x128xf32, #tpu.memory_space<vmem_shared>>
        %dma_start3A_579 = arith.constant 0 : i32
        %dma_start3A_580 = arith.constant 0 : i32
        %dma_start3A_581 = tpu.memref_slice %arg9[%run_scoped3A_450, %dma_start3A_579, %dma_start3A_580] : memref<2x40x128xf32, #tpu.memory_space<vmem>> -> memref<1x40x128xf32, #tpu.memory_space<vmem>>
        %dma_start3A_582 = tpu.memref_squeeze %dma_start3A_581 : memref<1x40x128xf32, #tpu.memory_space<vmem>> -> memref<40x128xf32, #tpu.memory_space<vmem>>
        tpu.enqueue_dma source(%dma_start3A_582 : memref<40x128xf32, #tpu.memory_space<vmem>>) target(%dma_start3A_578 : memref<40x128xf32, #tpu.memory_space<vmem_shared>>) target_semaphore(%run_scoped3A_570 : memref<!tpu.dma_semaphore, #tpu.memory_space<semaphore_mem>>)
        %dma_wait3A_583 = arith.constant 0 : i32
        %dma_wait3A_584 = arith.constant 0 : i32
        %dma_wait3A_585 = tpu.memref_slice %arg9[%run_scoped3A_450, %dma_wait3A_583, %dma_wait3A_584] : memref<2x40x128xf32, #tpu.memory_space<vmem>> -> memref<1x40x128xf32, #tpu.memory_space<vmem>>
        %dma_wait3A_586 = tpu.memref_squeeze %dma_wait3A_585 : memref<1x40x128xf32, #tpu.memory_space<vmem>> -> memref<40x128xf32, #tpu.memory_space<vmem>>
        %dma_wait3A_587 = arith.constant 0 : i32
        %dma_wait3A_588 = tpu.memref_slice %arg13[%mul3A_449, %dma_wait3A_587] : memref<1280x128xf32, #tpu.memory_space<vmem_shared>> -> memref<40x128xf32, #tpu.memory_space<vmem_shared>>
        %dma_wait3A_589 = arith.constant 0 : i32
        %dma_wait3A_590 = tpu.memref_slice %arg13[%mul3A_449, %dma_wait3A_589] : memref<1280x128xf32, #tpu.memory_space<vmem_shared>> -> memref<40x128xf32, #tpu.memory_space<vmem_shared>>
        %dma_wait3A_591 = arith.constant 0 : i32
        %dma_wait3A_592 = arith.constant 0 : i32
        %dma_wait3A_593 = tpu.memref_slice %arg9[%run_scoped3A_450, %dma_wait3A_591, %dma_wait3A_592] : memref<2x40x128xf32, #tpu.memory_space<vmem>> -> memref<1x40x128xf32, #tpu.memory_space<vmem>>
        %dma_wait3A_594 = tpu.memref_squeeze %dma_wait3A_593 : memref<1x40x128xf32, #tpu.memory_space<vmem>> -> memref<40x128xf32, #tpu.memory_space<vmem>>
        tpu.wait_dma2 semaphore(%run_scoped3A_570 : memref<!tpu.dma_semaphore, #tpu.memory_space<semaphore_mem>>) src(%dma_wait3A_594 : memref<40x128xf32, #tpu.memory_space<vmem>>) dst(%dma_wait3A_590 : memref<40x128xf32, #tpu.memory_space<vmem_shared>>)
        tpu.yield
      }) : () -> ()
      %run_scoped3A_451 = arith.constant 0 : i32
      "tpu.region"() ({
        %run_scoped3A_570 = tpu.sem_alloc : memref<!tpu.dma_semaphore, #tpu.memory_space<semaphore_mem>>
        %dma_start3A_571 = arith.constant 0 : i32
        %dma_start3A_572 = arith.constant 0 : i32
        %dma_start3A_573 = tpu.memref_slice %arg10[%run_scoped3A_451, %dma_start3A_571, %dma_start3A_572] : memref<2x40x128xf32, #tpu.memory_space<vmem>> -> memref<1x40x128xf32, #tpu.memory_space<vmem>>
        %dma_start3A_574 = tpu.memref_squeeze %dma_start3A_573 : memref<1x40x128xf32, #tpu.memory_space<vmem>> -> memref<40x128xf32, #tpu.memory_space<vmem>>
        %dma_start3A_575 = arith.constant 0 : i32
        %dma_start3A_576 = arith.constant 0 : i32
        %dma_start3A_577 = tpu.memref_slice %arg13[%dma_start3A_575, %dma_start3A_576] : memref<1280x128xf32, #tpu.memory_space<vmem_shared>> -> memref<1280x128xf32, #tpu.memory_space<vmem_shared>>
        tpu.enqueue_indirect_dma source(%dma_start3A_574 : memref<40x128xf32, #tpu.memory_space<vmem>>) target(%dma_start3A_577 : memref<1280x128xf32, #tpu.memory_space<vmem_shared>>) offsets(%arg11 : memref<40xi32, #tpu.memory_space<vmem>>) semaphore(%run_scoped3A_570 : memref<!tpu.dma_semaphore, #tpu.memory_space<semaphore_mem>>) {add = true}
        %dma_wait3A_578 = arith.constant 0 : i32
        %dma_wait3A_579 = arith.constant 0 : i32
        %dma_wait3A_580 = tpu.memref_slice %arg10[%run_scoped3A_451, %dma_wait3A_578, %dma_wait3A_579] : memref<2x40x128xf32, #tpu.memory_space<vmem>> -> memref<1x40x128xf32, #tpu.memory_space<vmem>>
        %dma_wait3A_581 = tpu.memref_squeeze %dma_wait3A_580 : memref<1x40x128xf32, #tpu.memory_space<vmem>> -> memref<40x128xf32, #tpu.memory_space<vmem>>
        %dma_wait3A_582 = arith.constant 0 : i32
        %dma_wait3A_583 = arith.constant 0 : i32
        %dma_wait3A_584 = tpu.memref_slice %arg13[%dma_wait3A_582, %dma_wait3A_583] : memref<1280x128xf32, #tpu.memory_space<vmem_shared>> -> memref<1280x128xf32, #tpu.memory_space<vmem_shared>>
        tpu.wait_indirect_dma semaphore(%run_scoped3A_570 : memref<!tpu.dma_semaphore, #tpu.memory_space<semaphore_mem>>) src(%dma_wait3A_581 : memref<40x128xf32, #tpu.memory_space<vmem>>) dst(%dma_wait3A_584 : memref<1280x128xf32, #tpu.memory_space<vmem_shared>>)
        tpu.yield
      }) : () -> ()
      %mul3A_452 = arith.constant 2 : i32
      %mul3A_453 = arith.muli %mul3A_452, %scan3A_413 : i32
      %mul3A_454 = arith.constant 2 : i32
      %mul3A_455 = arith.muli %arg1, %mul3A_454 : i32
      %add3A_456 = arith.constant 0 : i32
      %add3A_457 = arith.addi %mul3A_455, %add3A_456 : i32
      %mul3A_458 = arith.constant 40 : i32
      %mul3A_459 = arith.muli %add3A_457, %mul3A_458 : i32
      %mul3A_460 = arith.constant 40 : i32
      %mul3A_461 = arith.muli %mul3A_453, %mul3A_460 : i32
      %add3A_462 = arith.addi %mul3A_2, %mul3A_461 : i32
      %dma_start3A_463 = arith.constant 0 : i32
      %dma_start3A_464 = tpu.memref_slice %arg6[%add3A_462, %dma_start3A_463] : memref<160000x128xf32, #tpu.memory_space<hbm>> -> memref<40x128xf32, #tpu.memory_space<hbm>>
      %dma_start3A_465 = arith.constant 0 : i32
      %dma_start3A_466 = tpu.memref_slice %arg13[%mul3A_459, %dma_start3A_465] : memref<1280x128xf32, #tpu.memory_space<vmem_shared>> -> memref<40x128xf32, #tpu.memory_space<vmem_shared>>
      tpu.enqueue_dma source(%dma_start3A_466 : memref<40x128xf32, #tpu.memory_space<vmem_shared>>) target(%dma_start3A_464 : memref<40x128xf32, #tpu.memory_space<hbm>>) target_semaphore(%arg18 : memref<!tpu.dma_semaphore, #tpu.memory_space<semaphore_mem>>)
      %mul3A_467 = arith.constant 2 : i32
      %mul3A_468 = arith.muli %mul3A_467, %scan3A_413 : i32
      %add3A_469 = arith.constant 2 : i32
      %add3A_470 = arith.addi %mul3A_468, %add3A_469 : i32
      %mul3A_471 = arith.constant 40 : i32
      %mul3A_472 = arith.muli %add3A_470, %mul3A_471 : i32
      %dma_start3A_473 = arith.constant 0 : i32
      %dma_start3A_474 = arith.constant 0 : i32
      %dma_start3A_475 = arith.constant 0 : i32
      %dma_start3A_476 = tpu.memref_slice %arg9[%dma_start3A_473, %dma_start3A_474, %dma_start3A_475] : memref<2x40x128xf32, #tpu.memory_space<vmem>> -> memref<1x40x128xf32, #tpu.memory_space<vmem>>
      %dma_start3A_477 = tpu.memref_squeeze %dma_start3A_476 : memref<1x40x128xf32, #tpu.memory_space<vmem>> -> memref<40x128xf32, #tpu.memory_space<vmem>>
      %dma_start3A_478 = tpu.memref_slice %arg7[%mul3A_472] : memref<5000xi32, #tpu.memory_space<vmem>> -> memref<40xi32, #tpu.memory_space<vmem>>
      %dma_start3A_479 = arith.constant 0 : i32
      %dma_start3A_480 = arith.constant 0 : i32
      %dma_start3A_481 = tpu.memref_slice %arg4[%dma_start3A_479, %dma_start3A_480] : memref<10240x128xf32, #tpu.memory_space<hbm>> -> memref<10240x128xf32, #tpu.memory_space<hbm>>
      tpu.enqueue_indirect_dma source(%dma_start3A_481 : memref<10240x128xf32, #tpu.memory_space<hbm>>) target(%dma_start3A_477 : memref<40x128xf32, #tpu.memory_space<vmem>>) offsets(%dma_start3A_478 : memref<40xi32, #tpu.memory_space<vmem>>) semaphore(%arg14 : memref<!tpu.dma_semaphore, #tpu.memory_space<semaphore_mem>>)
      %dma_start3A_482 = arith.constant 0 : i32
      %dma_start3A_483 = arith.constant 0 : i32
      %dma_start3A_484 = arith.constant 0 : i32
      %dma_start3A_485 = tpu.memref_slice %arg10[%dma_start3A_482, %dma_start3A_483, %dma_start3A_484] : memref<2x40x128xf32, #tpu.memory_space<vmem>> -> memref<1x40x128xf32, #tpu.memory_space<vmem>>
      %dma_start3A_486 = tpu.memref_squeeze %dma_start3A_485 : memref<1x40x128xf32, #tpu.memory_space<vmem>> -> memref<40x128xf32, #tpu.memory_space<vmem>>
      %dma_start3A_487 = tpu.memref_slice %arg8[%mul3A_472] : memref<5000xi32, #tpu.memory_space<vmem>> -> memref<40xi32, #tpu.memory_space<vmem>>
      %dma_start3A_488 = arith.constant 0 : i32
      %dma_start3A_489 = arith.constant 0 : i32
      %dma_start3A_490 = tpu.memref_slice %arg5[%dma_start3A_488, %dma_start3A_489] : memref<10240x128xf32, #tpu.memory_space<hbm>> -> memref<10240x128xf32, #tpu.memory_space<hbm>>
      tpu.enqueue_indirect_dma source(%dma_start3A_490 : memref<10240x128xf32, #tpu.memory_space<hbm>>) target(%dma_start3A_486 : memref<40x128xf32, #tpu.memory_space<vmem>>) offsets(%dma_start3A_487 : memref<40xi32, #tpu.memory_space<vmem>>) semaphore(%arg16 : memref<!tpu.dma_semaphore, #tpu.memory_space<semaphore_mem>>)
      %dma_wait3A_491 = arith.constant 1 : i32
      %dma_wait3A_492 = arith.constant 0 : i32
      %dma_wait3A_493 = arith.constant 0 : i32
      %dma_wait3A_494 = tpu.memref_slice %arg9[%dma_wait3A_491, %dma_wait3A_492, %dma_wait3A_493] : memref<2x40x128xf32, #tpu.memory_space<vmem>> -> memref<1x40x128xf32, #tpu.memory_space<vmem>>
      %dma_wait3A_495 = tpu.memref_squeeze %dma_wait3A_494 : memref<1x40x128xf32, #tpu.memory_space<vmem>> -> memref<40x128xf32, #tpu.memory_space<vmem>>
      %dma_wait3A_496 = arith.constant 0 : i32
      %dma_wait3A_497 = tpu.memref_slice %arg7[%dma_wait3A_496] : memref<5000xi32, #tpu.memory_space<vmem>> -> memref<40xi32, #tpu.memory_space<vmem>>
      %dma_wait3A_498 = arith.constant 0 : i32
      %dma_wait3A_499 = arith.constant 0 : i32
      %dma_wait3A_500 = tpu.memref_slice %arg4[%dma_wait3A_498, %dma_wait3A_499] : memref<10240x128xf32, #tpu.memory_space<hbm>> -> memref<10240x128xf32, #tpu.memory_space<hbm>>
      tpu.wait_indirect_dma semaphore(%arg15 : memref<!tpu.dma_semaphore, #tpu.memory_space<semaphore_mem>>) src(%dma_wait3A_500 : memref<10240x128xf32, #tpu.memory_space<hbm>>) dst(%dma_wait3A_495 : memref<40x128xf32, #tpu.memory_space<vmem>>)
      %dma_wait3A_501 = arith.constant 1 : i32
      %dma_wait3A_502 = arith.constant 0 : i32
      %dma_wait3A_503 = arith.constant 0 : i32
      %dma_wait3A_504 = tpu.memref_slice %arg10[%dma_wait3A_501, %dma_wait3A_502, %dma_wait3A_503] : memref<2x40x128xf32, #tpu.memory_space<vmem>> -> memref<1x40x128xf32, #tpu.memory_space<vmem>>
      %dma_wait3A_505 = tpu.memref_squeeze %dma_wait3A_504 : memref<1x40x128xf32, #tpu.memory_space<vmem>> -> memref<40x128xf32, #tpu.memory_space<vmem>>
      %dma_wait3A_506 = arith.constant 0 : i32
      %dma_wait3A_507 = tpu.memref_slice %arg7[%dma_wait3A_506] : memref<5000xi32, #tpu.memory_space<vmem>> -> memref<40xi32, #tpu.memory_space<vmem>>
      %dma_wait3A_508 = arith.constant 0 : i32
      %dma_wait3A_509 = arith.constant 0 : i32
      %dma_wait3A_510 = tpu.memref_slice %arg5[%dma_wait3A_508, %dma_wait3A_509] : memref<10240x128xf32, #tpu.memory_space<hbm>> -> memref<10240x128xf32, #tpu.memory_space<hbm>>
      tpu.wait_indirect_dma semaphore(%arg17 : memref<!tpu.dma_semaphore, #tpu.memory_space<semaphore_mem>>) src(%dma_wait3A_510 : memref<10240x128xf32, #tpu.memory_space<hbm>>) dst(%dma_wait3A_505 : memref<40x128xf32, #tpu.memory_space<vmem>>)
      %mul3A_511 = arith.constant 2 : i32
      %mul3A_512 = arith.muli %arg1, %mul3A_511 : i32
      %add3A_513 = arith.constant 1 : i32
      %add3A_514 = arith.addi %mul3A_512, %add3A_513 : i32
      %mul3A_515 = arith.constant 40 : i32
      %mul3A_516 = arith.muli %add3A_514, %mul3A_515 : i32
      %dma_wait3A_517 = arith.constant 0 : i32
      %dma_wait3A_518 = tpu.memref_slice %arg6[%mul3A_2, %dma_wait3A_517] : memref<160000x128xf32, #tpu.memory_space<hbm>> -> memref<40x128xf32, #tpu.memory_space<hbm>>
      %dma_wait3A_519 = arith.constant 0 : i32
      %dma_wait3A_520 = tpu.memref_slice %arg13[%mul3A_516, %dma_wait3A_519] : memref<1280x128xf32, #tpu.memory_space<vmem_shared>> -> memref<40x128xf32, #tpu.memory_space<vmem_shared>>
      tpu.wait_dma2 semaphore(%arg19 : memref<!tpu.dma_semaphore, #tpu.memory_space<semaphore_mem>>) src(%dma_wait3A_520 : memref<40x128xf32, #tpu.memory_space<vmem_shared>>) dst(%dma_wait3A_518 : memref<40x128xf32, #tpu.memory_space<hbm>>)
      %mul3A_521 = arith.constant 2 : i32
      %mul3A_522 = arith.muli %arg1, %mul3A_521 : i32
      %add3A_523 = arith.constant 1 : i32
      %add3A_524 = arith.addi %mul3A_522, %add3A_523 : i32
      %mul3A_525 = arith.constant 40 : i32
      %mul3A_526 = arith.muli %add3A_524, %mul3A_525 : i32
      %run_scoped3A_527 = arith.constant 1 : i32
      "tpu.region"() ({
        %run_scoped3A_570 = tpu.sem_alloc : memref<!tpu.dma_semaphore, #tpu.memory_space<semaphore_mem>>
        %dma_start3A_571 = arith.constant 0 : i32
        %dma_start3A_572 = arith.constant 0 : i32
        %dma_start3A_573 = tpu.memref_slice %arg9[%run_scoped3A_527, %dma_start3A_571, %dma_start3A_572] : memref<2x40x128xf32, #tpu.memory_space<vmem>> -> memref<1x40x128xf32, #tpu.memory_space<vmem>>
        %dma_start3A_574 = tpu.memref_squeeze %dma_start3A_573 : memref<1x40x128xf32, #tpu.memory_space<vmem>> -> memref<40x128xf32, #tpu.memory_space<vmem>>
        %dma_start3A_575 = arith.constant 0 : i32
        %dma_start3A_576 = tpu.memref_slice %arg13[%mul3A_526, %dma_start3A_575] : memref<1280x128xf32, #tpu.memory_space<vmem_shared>> -> memref<40x128xf32, #tpu.memory_space<vmem_shared>>
        %dma_start3A_577 = arith.constant 0 : i32
        %dma_start3A_578 = tpu.memref_slice %arg13[%mul3A_526, %dma_start3A_577] : memref<1280x128xf32, #tpu.memory_space<vmem_shared>> -> memref<40x128xf32, #tpu.memory_space<vmem_shared>>
        %dma_start3A_579 = arith.constant 0 : i32
        %dma_start3A_580 = arith.constant 0 : i32
        %dma_start3A_581 = tpu.memref_slice %arg9[%run_scoped3A_527, %dma_start3A_579, %dma_start3A_580] : memref<2x40x128xf32, #tpu.memory_space<vmem>> -> memref<1x40x128xf32, #tpu.memory_space<vmem>>
        %dma_start3A_582 = tpu.memref_squeeze %dma_start3A_581 : memref<1x40x128xf32, #tpu.memory_space<vmem>> -> memref<40x128xf32, #tpu.memory_space<vmem>>
        tpu.enqueue_dma source(%dma_start3A_582 : memref<40x128xf32, #tpu.memory_space<vmem>>) target(%dma_start3A_578 : memref<40x128xf32, #tpu.memory_space<vmem_shared>>) target_semaphore(%run_scoped3A_570 : memref<!tpu.dma_semaphore, #tpu.memory_space<semaphore_mem>>)
        %dma_wait3A_583 = arith.constant 0 : i32
        %dma_wait3A_584 = arith.constant 0 : i32
        %dma_wait3A_585 = tpu.memref_slice %arg9[%run_scoped3A_527, %dma_wait3A_583, %dma_wait3A_584] : memref<2x40x128xf32, #tpu.memory_space<vmem>> -> memref<1x40x128xf32, #tpu.memory_space<vmem>>
        %dma_wait3A_586 = tpu.memref_squeeze %dma_wait3A_585 : memref<1x40x128xf32, #tpu.memory_space<vmem>> -> memref<40x128xf32, #tpu.memory_space<vmem>>
        %dma_wait3A_587 = arith.constant 0 : i32
        %dma_wait3A_588 = tpu.memref_slice %arg13[%mul3A_526, %dma_wait3A_587] : memref<1280x128xf32, #tpu.memory_space<vmem_shared>> -> memref<40x128xf32, #tpu.memory_space<vmem_shared>>
        %dma_wait3A_589 = arith.constant 0 : i32
        %dma_wait3A_590 = tpu.memref_slice %arg13[%mul3A_526, %dma_wait3A_589] : memref<1280x128xf32, #tpu.memory_space<vmem_shared>> -> memref<40x128xf32, #tpu.memory_space<vmem_shared>>
        %dma_wait3A_591 = arith.constant 0 : i32
        %dma_wait3A_592 = arith.constant 0 : i32
        %dma_wait3A_593 = tpu.memref_slice %arg9[%run_scoped3A_527, %dma_wait3A_591, %dma_wait3A_592] : memref<2x40x128xf32, #tpu.memory_space<vmem>> -> memref<1x40x128xf32, #tpu.memory_space<vmem>>
        %dma_wait3A_594 = tpu.memref_squeeze %dma_wait3A_593 : memref<1x40x128xf32, #tpu.memory_space<vmem>> -> memref<40x128xf32, #tpu.memory_space<vmem>>
        tpu.wait_dma2 semaphore(%run_scoped3A_570 : memref<!tpu.dma_semaphore, #tpu.memory_space<semaphore_mem>>) src(%dma_wait3A_594 : memref<40x128xf32, #tpu.memory_space<vmem>>) dst(%dma_wait3A_590 : memref<40x128xf32, #tpu.memory_space<vmem_shared>>)
        tpu.yield
      }) : () -> ()
      %run_scoped3A_528 = arith.constant 1 : i32
      "tpu.region"() ({
        %run_scoped3A_570 = tpu.sem_alloc : memref<!tpu.dma_semaphore, #tpu.memory_space<semaphore_mem>>
        %dma_start3A_571 = arith.constant 0 : i32
        %dma_start3A_572 = arith.constant 0 : i32
        %dma_start3A_573 = tpu.memref_slice %arg10[%run_scoped3A_528, %dma_start3A_571, %dma_start3A_572] : memref<2x40x128xf32, #tpu.memory_space<vmem>> -> memref<1x40x128xf32, #tpu.memory_space<vmem>>
        %dma_start3A_574 = tpu.memref_squeeze %dma_start3A_573 : memref<1x40x128xf32, #tpu.memory_space<vmem>> -> memref<40x128xf32, #tpu.memory_space<vmem>>
        %dma_start3A_575 = arith.constant 0 : i32
        %dma_start3A_576 = arith.constant 0 : i32
        %dma_start3A_577 = tpu.memref_slice %arg13[%dma_start3A_575, %dma_start3A_576] : memref<1280x128xf32, #tpu.memory_space<vmem_shared>> -> memref<1280x128xf32, #tpu.memory_space<vmem_shared>>
        tpu.enqueue_indirect_dma source(%dma_start3A_574 : memref<40x128xf32, #tpu.memory_space<vmem>>) target(%dma_start3A_577 : memref<1280x128xf32, #tpu.memory_space<vmem_shared>>) offsets(%arg12 : memref<40xi32, #tpu.memory_space<vmem>>) semaphore(%run_scoped3A_570 : memref<!tpu.dma_semaphore, #tpu.memory_space<semaphore_mem>>) {add = true}
        %dma_wait3A_578 = arith.constant 0 : i32
        %dma_wait3A_579 = arith.constant 0 : i32
        %dma_wait3A_580 = tpu.memref_slice %arg10[%run_scoped3A_528, %dma_wait3A_578, %dma_wait3A_579] : memref<2x40x128xf32, #tpu.memory_space<vmem>> -> memref<1x40x128xf32, #tpu.memory_space<vmem>>
        %dma_wait3A_581 = tpu.memref_squeeze %dma_wait3A_580 : memref<1x40x128xf32, #tpu.memory_space<vmem>> -> memref<40x128xf32, #tpu.memory_space<vmem>>
        %dma_wait3A_582 = arith.constant 0 : i32
        %dma_wait3A_583 = arith.constant 0 : i32
        %dma_wait3A_584 = tpu.memref_slice %arg13[%dma_wait3A_582, %dma_wait3A_583] : memref<1280x128xf32, #tpu.memory_space<vmem_shared>> -> memref<1280x128xf32, #tpu.memory_space<vmem_shared>>
        tpu.wait_indirect_dma semaphore(%run_scoped3A_570 : memref<!tpu.dma_semaphore, #tpu.memory_space<semaphore_mem>>) src(%dma_wait3A_581 : memref<40x128xf32, #tpu.memory_space<vmem>>) dst(%dma_wait3A_584 : memref<1280x128xf32, #tpu.memory_space<vmem_shared>>)
        tpu.yield
      }) : () -> ()
      %mul3A_529 = arith.constant 2 : i32
      %mul3A_530 = arith.muli %mul3A_529, %scan3A_413 : i32
      %add3A_531 = arith.constant 1 : i32
      %add3A_532 = arith.addi %mul3A_530, %add3A_531 : i32
      %mul3A_533 = arith.constant 2 : i32
      %mul3A_534 = arith.muli %arg1, %mul3A_533 : i32
      %add3A_535 = arith.constant 1 : i32
      %add3A_536 = arith.addi %mul3A_534, %add3A_535 : i32
      %mul3A_537 = arith.constant 40 : i32
      %mul3A_538 = arith.muli %add3A_536, %mul3A_537 : i32
      %mul3A_539 = arith.constant 40 : i32
      %mul3A_540 = arith.muli %add3A_532, %mul3A_539 : i32
      %add3A_541 = arith.addi %mul3A_2, %mul3A_540 : i32
      %dma_start3A_542 = arith.constant 0 : i32
      %dma_start3A_543 = tpu.memref_slice %arg6[%add3A_541, %dma_start3A_542] : memref<160000x128xf32, #tpu.memory_space<hbm>> -> memref<40x128xf32, #tpu.memory_space<hbm>>
      %dma_start3A_544 = arith.constant 0 : i32
      %dma_start3A_545 = tpu.memref_slice %arg13[%mul3A_538, %dma_start3A_544] : memref<1280x128xf32, #tpu.memory_space<vmem_shared>> -> memref<40x128xf32, #tpu.memory_space<vmem_shared>>
      tpu.enqueue_dma source(%dma_start3A_545 : memref<40x128xf32, #tpu.memory_space<vmem_shared>>) target(%dma_start3A_543 : memref<40x128xf32, #tpu.memory_space<hbm>>) target_semaphore(%arg19 : memref<!tpu.dma_semaphore, #tpu.memory_space<semaphore_mem>>)
      %mul3A_546 = arith.constant 2 : i32
      %mul3A_547 = arith.muli %mul3A_546, %scan3A_413 : i32
      %add3A_548 = arith.constant 3 : i32
      %add3A_549 = arith.addi %mul3A_547, %add3A_548 : i32
      %mul3A_550 = arith.constant 40 : i32
      %mul3A_551 = arith.muli %add3A_549, %mul3A_550 : i32
      %dma_start3A_552 = arith.constant 1 : i32
      %dma_start3A_553 = arith.constant 0 : i32
      %dma_start3A_554 = arith.constant 0 : i32
      %dma_start3A_555 = tpu.memref_slice %arg9[%dma_start3A_552, %dma_start3A_553, %dma_start3A_554] : memref<2x40x128xf32, #tpu.memory_space<vmem>> -> memref<1x40x128xf32, #tpu.memory_space<vmem>>
      %dma_start3A_556 = tpu.memref_squeeze %dma_start3A_555 : memref<1x40x128xf32, #tpu.memory_space<vmem>> -> memref<40x128xf32, #tpu.memory_space<vmem>>
      %dma_start3A_557 = tpu.memref_slice %arg7[%mul3A_551] : memref<5000xi32, #tpu.memory_space<vmem>> -> memref<40xi32, #tpu.memory_space<vmem>>
      %dma_start3A_558 = arith.constant 0 : i32
      %dma_start3A_559 = arith.constant 0 : i32
      %dma_start3A_560 = tpu.memref_slice %arg4[%dma_start3A_558, %dma_start3A_559] : memref<10240x128xf32, #tpu.memory_space<hbm>> -> memref<10240x128xf32, #tpu.memory_space<hbm>>
      tpu.enqueue_indirect_dma source(%dma_start3A_560 : memref<10240x128xf32, #tpu.memory_space<hbm>>) target(%dma_start3A_556 : memref<40x128xf32, #tpu.memory_space<vmem>>) offsets(%dma_start3A_557 : memref<40xi32, #tpu.memory_space<vmem>>) semaphore(%arg15 : memref<!tpu.dma_semaphore, #tpu.memory_space<semaphore_mem>>)
      %dma_start3A_561 = arith.constant 1 : i32
      %dma_start3A_562 = arith.constant 0 : i32
      %dma_start3A_563 = arith.constant 0 : i32
      %dma_start3A_564 = tpu.memref_slice %arg10[%dma_start3A_561, %dma_start3A_562, %dma_start3A_563] : memref<2x40x128xf32, #tpu.memory_space<vmem>> -> memref<1x40x128xf32, #tpu.memory_space<vmem>>
      %dma_start3A_565 = tpu.memref_squeeze %dma_start3A_564 : memref<1x40x128xf32, #tpu.memory_space<vmem>> -> memref<40x128xf32, #tpu.memory_space<vmem>>
      %dma_start3A_566 = tpu.memref_slice %arg8[%mul3A_551] : memref<5000xi32, #tpu.memory_space<vmem>> -> memref<40xi32, #tpu.memory_space<vmem>>
      %dma_start3A_567 = arith.constant 0 : i32
      %dma_start3A_568 = arith.constant 0 : i32
      %dma_start3A_569 = tpu.memref_slice %arg5[%dma_start3A_567, %dma_start3A_568] : memref<10240x128xf32, #tpu.memory_space<hbm>> -> memref<10240x128xf32, #tpu.memory_space<hbm>>
      tpu.enqueue_indirect_dma source(%dma_start3A_569 : memref<10240x128xf32, #tpu.memory_space<hbm>>) target(%dma_start3A_565 : memref<40x128xf32, #tpu.memory_space<vmem>>) offsets(%dma_start3A_566 : memref<40xi32, #tpu.memory_space<vmem>>) semaphore(%arg17 : memref<!tpu.dma_semaphore, #tpu.memory_space<semaphore_mem>>)
    }
    %scan3A_222 = arith.constant 60 : i32
    %dma_wait3A_223 = arith.constant 0 : i32
    %dma_wait3A_224 = arith.constant 0 : i32
    %dma_wait3A_225 = arith.constant 0 : i32
    %dma_wait3A_226 = tpu.memref_slice %arg9[%dma_wait3A_223, %dma_wait3A_224, %dma_wait3A_225] : memref<2x40x128xf32, #tpu.memory_space<vmem>> -> memref<1x40x128xf32, #tpu.memory_space<vmem>>
    %dma_wait3A_227 = tpu.memref_squeeze %dma_wait3A_226 : memref<1x40x128xf32, #tpu.memory_space<vmem>> -> memref<40x128xf32, #tpu.memory_space<vmem>>
    %dma_wait3A_228 = arith.constant 0 : i32
    %dma_wait3A_229 = tpu.memref_slice %arg7[%dma_wait3A_228] : memref<5000xi32, #tpu.memory_space<vmem>> -> memref<40xi32, #tpu.memory_space<vmem>>
    %dma_wait3A_230 = arith.constant 0 : i32
    %dma_wait3A_231 = arith.constant 0 : i32
    %dma_wait3A_232 = tpu.memref_slice %arg4[%dma_wait3A_230, %dma_wait3A_231] : memref<10240x128xf32, #tpu.memory_space<hbm>> -> memref<10240x128xf32, #tpu.memory_space<hbm>>
    tpu.wait_indirect_dma semaphore(%arg14 : memref<!tpu.dma_semaphore, #tpu.memory_space<semaphore_mem>>) src(%dma_wait3A_232 : memref<10240x128xf32, #tpu.memory_space<hbm>>) dst(%dma_wait3A_227 : memref<40x128xf32, #tpu.memory_space<vmem>>)
    %dma_wait3A_233 = arith.constant 0 : i32
    %dma_wait3A_234 = arith.constant 0 : i32
    %dma_wait3A_235 = arith.constant 0 : i32
    %dma_wait3A_236 = tpu.memref_slice %arg10[%dma_wait3A_233, %dma_wait3A_234, %dma_wait3A_235] : memref<2x40x128xf32, #tpu.memory_space<vmem>> -> memref<1x40x128xf32, #tpu.memory_space<vmem>>
    %dma_wait3A_237 = tpu.memref_squeeze %dma_wait3A_236 : memref<1x40x128xf32, #tpu.memory_space<vmem>> -> memref<40x128xf32, #tpu.memory_space<vmem>>
    %dma_wait3A_238 = arith.constant 0 : i32
    %dma_wait3A_239 = tpu.memref_slice %arg7[%dma_wait3A_238] : memref<5000xi32, #tpu.memory_space<vmem>> -> memref<40xi32, #tpu.memory_space<vmem>>
    %dma_wait3A_240 = arith.constant 0 : i32
    %dma_wait3A_241 = arith.constant 0 : i32
    %dma_wait3A_242 = tpu.memref_slice %arg5[%dma_wait3A_240, %dma_wait3A_241] : memref<10240x128xf32, #tpu.memory_space<hbm>> -> memref<10240x128xf32, #tpu.memory_space<hbm>>
    tpu.wait_indirect_dma semaphore(%arg16 : memref<!tpu.dma_semaphore, #tpu.memory_space<semaphore_mem>>) src(%dma_wait3A_242 : memref<10240x128xf32, #tpu.memory_space<hbm>>) dst(%dma_wait3A_237 : memref<40x128xf32, #tpu.memory_space<vmem>>)
    %mul3A_243 = arith.constant 2 : i32
    %mul3A_244 = arith.muli %arg1, %mul3A_243 : i32
    %add3A_245 = arith.constant 0 : i32
    %add3A_246 = arith.addi %mul3A_244, %add3A_245 : i32
    %mul3A_247 = arith.constant 40 : i32
    %mul3A_248 = arith.muli %add3A_246, %mul3A_247 : i32
    %dma_wait3A_249 = arith.constant 0 : i32
    %dma_wait3A_250 = tpu.memref_slice %arg6[%mul3A_2, %dma_wait3A_249] : memref<160000x128xf32, #tpu.memory_space<hbm>> -> memref<40x128xf32, #tpu.memory_space<hbm>>
    %dma_wait3A_251 = arith.constant 0 : i32
    %dma_wait3A_252 = tpu.memref_slice %arg13[%mul3A_248, %dma_wait3A_251] : memref<1280x128xf32, #tpu.memory_space<vmem_shared>> -> memref<40x128xf32, #tpu.memory_space<vmem_shared>>
    tpu.wait_dma2 semaphore(%arg18 : memref<!tpu.dma_semaphore, #tpu.memory_space<semaphore_mem>>) src(%dma_wait3A_252 : memref<40x128xf32, #tpu.memory_space<vmem_shared>>) dst(%dma_wait3A_250 : memref<40x128xf32, #tpu.memory_space<hbm>>)
    %mul3A_253 = arith.constant 2 : i32
    %mul3A_254 = arith.muli %arg1, %mul3A_253 : i32
    %add3A_255 = arith.constant 0 : i32
    %add3A_256 = arith.addi %mul3A_254, %add3A_255 : i32
    %mul3A_257 = arith.constant 40 : i32
    %mul3A_258 = arith.muli %add3A_256, %mul3A_257 : i32
    %run_scoped3A_259 = arith.constant 0 : i32
    "tpu.region"() ({
      %run_scoped3A_413 = tpu.sem_alloc : memref<!tpu.dma_semaphore, #tpu.memory_space<semaphore_mem>>
      %dma_start3A_414 = arith.constant 0 : i32
      %dma_start3A_415 = arith.constant 0 : i32
      %dma_start3A_416 = tpu.memref_slice %arg9[%run_scoped3A_259, %dma_start3A_414, %dma_start3A_415] : memref<2x40x128xf32, #tpu.memory_space<vmem>> -> memref<1x40x128xf32, #tpu.memory_space<vmem>>
      %dma_start3A_417 = tpu.memref_squeeze %dma_start3A_416 : memref<1x40x128xf32, #tpu.memory_space<vmem>> -> memref<40x128xf32, #tpu.memory_space<vmem>>
      %dma_start3A_418 = arith.constant 0 : i32
      %dma_start3A_419 = tpu.memref_slice %arg13[%mul3A_258, %dma_start3A_418] : memref<1280x128xf32, #tpu.memory_space<vmem_shared>> -> memref<40x128xf32, #tpu.memory_space<vmem_shared>>
      %dma_start3A_420 = arith.constant 0 : i32
      %dma_start3A_421 = tpu.memref_slice %arg13[%mul3A_258, %dma_start3A_420] : memref<1280x128xf32, #tpu.memory_space<vmem_shared>> -> memref<40x128xf32, #tpu.memory_space<vmem_shared>>
      %dma_start3A_422 = arith.constant 0 : i32
      %dma_start3A_423 = arith.constant 0 : i32
      %dma_start3A_424 = tpu.memref_slice %arg9[%run_scoped3A_259, %dma_start3A_422, %dma_start3A_423] : memref<2x40x128xf32, #tpu.memory_space<vmem>> -> memref<1x40x128xf32, #tpu.memory_space<vmem>>
      %dma_start3A_425 = tpu.memref_squeeze %dma_start3A_424 : memref<1x40x128xf32, #tpu.memory_space<vmem>> -> memref<40x128xf32, #tpu.memory_space<vmem>>
      tpu.enqueue_dma source(%dma_start3A_425 : memref<40x128xf32, #tpu.memory_space<vmem>>) target(%dma_start3A_421 : memref<40x128xf32, #tpu.memory_space<vmem_shared>>) target_semaphore(%run_scoped3A_413 : memref<!tpu.dma_semaphore, #tpu.memory_space<semaphore_mem>>)
      %dma_wait3A_426 = arith.constant 0 : i32
      %dma_wait3A_427 = arith.constant 0 : i32
      %dma_wait3A_428 = tpu.memref_slice %arg9[%run_scoped3A_259, %dma_wait3A_426, %dma_wait3A_427] : memref<2x40x128xf32, #tpu.memory_space<vmem>> -> memref<1x40x128xf32, #tpu.memory_space<vmem>>
      %dma_wait3A_429 = tpu.memref_squeeze %dma_wait3A_428 : memref<1x40x128xf32, #tpu.memory_space<vmem>> -> memref<40x128xf32, #tpu.memory_space<vmem>>
      %dma_wait3A_430 = arith.constant 0 : i32
      %dma_wait3A_431 = tpu.memref_slice %arg13[%mul3A_258, %dma_wait3A_430] : memref<1280x128xf32, #tpu.memory_space<vmem_shared>> -> memref<40x128xf32, #tpu.memory_space<vmem_shared>>
      %dma_wait3A_432 = arith.constant 0 : i32
      %dma_wait3A_433 = tpu.memref_slice %arg13[%mul3A_258, %dma_wait3A_432] : memref<1280x128xf32, #tpu.memory_space<vmem_shared>> -> memref<40x128xf32, #tpu.memory_space<vmem_shared>>
      %dma_wait3A_434 = arith.constant 0 : i32
      %dma_wait3A_435 = arith.constant 0 : i32
      %dma_wait3A_436 = tpu.memref_slice %arg9[%run_scoped3A_259, %dma_wait3A_434, %dma_wait3A_435] : memref<2x40x128xf32, #tpu.memory_space<vmem>> -> memref<1x40x128xf32, #tpu.memory_space<vmem>>
      %dma_wait3A_437 = tpu.memref_squeeze %dma_wait3A_436 : memref<1x40x128xf32, #tpu.memory_space<vmem>> -> memref<40x128xf32, #tpu.memory_space<vmem>>
      tpu.wait_dma2 semaphore(%run_scoped3A_413 : memref<!tpu.dma_semaphore, #tpu.memory_space<semaphore_mem>>) src(%dma_wait3A_437 : memref<40x128xf32, #tpu.memory_space<vmem>>) dst(%dma_wait3A_433 : memref<40x128xf32, #tpu.memory_space<vmem_shared>>)
      tpu.yield
    }) : () -> ()
    %run_scoped3A_260 = arith.constant 0 : i32
    "tpu.region"() ({
      %run_scoped3A_413 = tpu.sem_alloc : memref<!tpu.dma_semaphore, #tpu.memory_space<semaphore_mem>>
      %dma_start3A_414 = arith.constant 0 : i32
      %dma_start3A_415 = arith.constant 0 : i32
      %dma_start3A_416 = tpu.memref_slice %arg10[%run_scoped3A_260, %dma_start3A_414, %dma_start3A_415] : memref<2x40x128xf32, #tpu.memory_space<vmem>> -> memref<1x40x128xf32, #tpu.memory_space<vmem>>
      %dma_start3A_417 = tpu.memref_squeeze %dma_start3A_416 : memref<1x40x128xf32, #tpu.memory_space<vmem>> -> memref<40x128xf32, #tpu.memory_space<vmem>>
      %dma_start3A_418 = arith.constant 0 : i32
      %dma_start3A_419 = arith.constant 0 : i32
      %dma_start3A_420 = tpu.memref_slice %arg13[%dma_start3A_418, %dma_start3A_419] : memref<1280x128xf32, #tpu.memory_space<vmem_shared>> -> memref<1280x128xf32, #tpu.memory_space<vmem_shared>>
      tpu.enqueue_indirect_dma source(%dma_start3A_417 : memref<40x128xf32, #tpu.memory_space<vmem>>) target(%dma_start3A_420 : memref<1280x128xf32, #tpu.memory_space<vmem_shared>>) offsets(%arg11 : memref<40xi32, #tpu.memory_space<vmem>>) semaphore(%run_scoped3A_413 : memref<!tpu.dma_semaphore, #tpu.memory_space<semaphore_mem>>) {add = true}
      %dma_wait3A_421 = arith.constant 0 : i32
      %dma_wait3A_422 = arith.constant 0 : i32
      %dma_wait3A_423 = tpu.memref_slice %arg10[%run_scoped3A_260, %dma_wait3A_421, %dma_wait3A_422] : memref<2x40x128xf32, #tpu.memory_space<vmem>> -> memref<1x40x128xf32, #tpu.memory_space<vmem>>
      %dma_wait3A_424 = tpu.memref_squeeze %dma_wait3A_423 : memref<1x40x128xf32, #tpu.memory_space<vmem>> -> memref<40x128xf32, #tpu.memory_space<vmem>>
      %dma_wait3A_425 = arith.constant 0 : i32
      %dma_wait3A_426 = arith.constant 0 : i32
      %dma_wait3A_427 = tpu.memref_slice %arg13[%dma_wait3A_425, %dma_wait3A_426] : memref<1280x128xf32, #tpu.memory_space<vmem_shared>> -> memref<1280x128xf32, #tpu.memory_space<vmem_shared>>
      tpu.wait_indirect_dma semaphore(%run_scoped3A_413 : memref<!tpu.dma_semaphore, #tpu.memory_space<semaphore_mem>>) src(%dma_wait3A_424 : memref<40x128xf32, #tpu.memory_space<vmem>>) dst(%dma_wait3A_427 : memref<1280x128xf32, #tpu.memory_space<vmem_shared>>)
      tpu.yield
    }) : () -> ()
    %mul3A_261 = arith.constant 2 : i32
    %mul3A_262 = arith.muli %arg1, %mul3A_261 : i32
    %add3A_263 = arith.constant 0 : i32
    %add3A_264 = arith.addi %mul3A_262, %add3A_263 : i32
    %mul3A_265 = arith.constant 40 : i32
    %mul3A_266 = arith.muli %add3A_264, %mul3A_265 : i32
    %add3A_267 = arith.constant 4880 : i32
    %add3A_268 = arith.addi %mul3A_2, %add3A_267 : i32
    %dma_start3A_269 = arith.constant 0 : i32
    %dma_start3A_270 = tpu.memref_slice %arg6[%add3A_268, %dma_start3A_269] : memref<160000x128xf32, #tpu.memory_space<hbm>> -> memref<40x128xf32, #tpu.memory_space<hbm>>
    %dma_start3A_271 = arith.constant 0 : i32
    %dma_start3A_272 = tpu.memref_slice %arg13[%mul3A_266, %dma_start3A_271] : memref<1280x128xf32, #tpu.memory_space<vmem_shared>> -> memref<40x128xf32, #tpu.memory_space<vmem_shared>>
    tpu.enqueue_dma source(%dma_start3A_272 : memref<40x128xf32, #tpu.memory_space<vmem_shared>>) target(%dma_start3A_270 : memref<40x128xf32, #tpu.memory_space<hbm>>) target_semaphore(%arg18 : memref<!tpu.dma_semaphore, #tpu.memory_space<semaphore_mem>>)
    %dma_start3A_273 = arith.constant 0 : i32
    %dma_start3A_274 = arith.constant 0 : i32
    %dma_start3A_275 = arith.constant 0 : i32
    %dma_start3A_276 = tpu.memref_slice %arg9[%dma_start3A_273, %dma_start3A_274, %dma_start3A_275] : memref<2x40x128xf32, #tpu.memory_space<vmem>> -> memref<1x40x128xf32, #tpu.memory_space<vmem>>
    %dma_start3A_277 = tpu.memref_squeeze %dma_start3A_276 : memref<1x40x128xf32, #tpu.memory_space<vmem>> -> memref<40x128xf32, #tpu.memory_space<vmem>>
    %dma_start3A_278 = arith.constant 4960 : i32
    %dma_start3A_279 = tpu.memref_slice %arg7[%dma_start3A_278] : memref<5000xi32, #tpu.memory_space<vmem>> -> memref<40xi32, #tpu.memory_space<vmem>>
    %dma_start3A_280 = arith.constant 0 : i32
    %dma_start3A_281 = arith.constant 0 : i32
    %dma_start3A_282 = tpu.memref_slice %arg4[%dma_start3A_280, %dma_start3A_281] : memref<10240x128xf32, #tpu.memory_space<hbm>> -> memref<10240x128xf32, #tpu.memory_space<hbm>>
    tpu.enqueue_indirect_dma source(%dma_start3A_282 : memref<10240x128xf32, #tpu.memory_space<hbm>>) target(%dma_start3A_277 : memref<40x128xf32, #tpu.memory_space<vmem>>) offsets(%dma_start3A_279 : memref<40xi32, #tpu.memory_space<vmem>>) semaphore(%arg14 : memref<!tpu.dma_semaphore, #tpu.memory_space<semaphore_mem>>)
    %dma_start3A_283 = arith.constant 0 : i32
    %dma_start3A_284 = arith.constant 0 : i32
    %dma_start3A_285 = arith.constant 0 : i32
    %dma_start3A_286 = tpu.memref_slice %arg10[%dma_start3A_283, %dma_start3A_284, %dma_start3A_285] : memref<2x40x128xf32, #tpu.memory_space<vmem>> -> memref<1x40x128xf32, #tpu.memory_space<vmem>>
    %dma_start3A_287 = tpu.memref_squeeze %dma_start3A_286 : memref<1x40x128xf32, #tpu.memory_space<vmem>> -> memref<40x128xf32, #tpu.memory_space<vmem>>
    %dma_start3A_288 = arith.constant 4960 : i32
    %dma_start3A_289 = tpu.memref_slice %arg8[%dma_start3A_288] : memref<5000xi32, #tpu.memory_space<vmem>> -> memref<40xi32, #tpu.memory_space<vmem>>
    %dma_start3A_290 = arith.constant 0 : i32
    %dma_start3A_291 = arith.constant 0 : i32
    %dma_start3A_292 = tpu.memref_slice %arg5[%dma_start3A_290, %dma_start3A_291] : memref<10240x128xf32, #tpu.memory_space<hbm>> -> memref<10240x128xf32, #tpu.memory_space<hbm>>
    tpu.enqueue_indirect_dma source(%dma_start3A_292 : memref<10240x128xf32, #tpu.memory_space<hbm>>) target(%dma_start3A_287 : memref<40x128xf32, #tpu.memory_space<vmem>>) offsets(%dma_start3A_289 : memref<40xi32, #tpu.memory_space<vmem>>) semaphore(%arg16 : memref<!tpu.dma_semaphore, #tpu.memory_space<semaphore_mem>>)
    %dma_wait3A_293 = arith.constant 1 : i32
    %dma_wait3A_294 = arith.constant 0 : i32
    %dma_wait3A_295 = arith.constant 0 : i32
    %dma_wait3A_296 = tpu.memref_slice %arg9[%dma_wait3A_293, %dma_wait3A_294, %dma_wait3A_295] : memref<2x40x128xf32, #tpu.memory_space<vmem>> -> memref<1x40x128xf32, #tpu.memory_space<vmem>>
    %dma_wait3A_297 = tpu.memref_squeeze %dma_wait3A_296 : memref<1x40x128xf32, #tpu.memory_space<vmem>> -> memref<40x128xf32, #tpu.memory_space<vmem>>
    %dma_wait3A_298 = arith.constant 0 : i32
    %dma_wait3A_299 = tpu.memref_slice %arg7[%dma_wait3A_298] : memref<5000xi32, #tpu.memory_space<vmem>> -> memref<40xi32, #tpu.memory_space<vmem>>
    %dma_wait3A_300 = arith.constant 0 : i32
    %dma_wait3A_301 = arith.constant 0 : i32
    %dma_wait3A_302 = tpu.memref_slice %arg4[%dma_wait3A_300, %dma_wait3A_301] : memref<10240x128xf32, #tpu.memory_space<hbm>> -> memref<10240x128xf32, #tpu.memory_space<hbm>>
    tpu.wait_indirect_dma semaphore(%arg15 : memref<!tpu.dma_semaphore, #tpu.memory_space<semaphore_mem>>) src(%dma_wait3A_302 : memref<10240x128xf32, #tpu.memory_space<hbm>>) dst(%dma_wait3A_297 : memref<40x128xf32, #tpu.memory_space<vmem>>)
    %dma_wait3A_303 = arith.constant 1 : i32
    %dma_wait3A_304 = arith.constant 0 : i32
    %dma_wait3A_305 = arith.constant 0 : i32
    %dma_wait3A_306 = tpu.memref_slice %arg10[%dma_wait3A_303, %dma_wait3A_304, %dma_wait3A_305] : memref<2x40x128xf32, #tpu.memory_space<vmem>> -> memref<1x40x128xf32, #tpu.memory_space<vmem>>
    %dma_wait3A_307 = tpu.memref_squeeze %dma_wait3A_306 : memref<1x40x128xf32, #tpu.memory_space<vmem>> -> memref<40x128xf32, #tpu.memory_space<vmem>>
    %dma_wait3A_308 = arith.constant 0 : i32
    %dma_wait3A_309 = tpu.memref_slice %arg7[%dma_wait3A_308] : memref<5000xi32, #tpu.memory_space<vmem>> -> memref<40xi32, #tpu.memory_space<vmem>>
    %dma_wait3A_310 = arith.constant 0 : i32
    %dma_wait3A_311 = arith.constant 0 : i32
    %dma_wait3A_312 = tpu.memref_slice %arg5[%dma_wait3A_310, %dma_wait3A_311] : memref<10240x128xf32, #tpu.memory_space<hbm>> -> memref<10240x128xf32, #tpu.memory_space<hbm>>
    tpu.wait_indirect_dma semaphore(%arg17 : memref<!tpu.dma_semaphore, #tpu.memory_space<semaphore_mem>>) src(%dma_wait3A_312 : memref<10240x128xf32, #tpu.memory_space<hbm>>) dst(%dma_wait3A_307 : memref<40x128xf32, #tpu.memory_space<vmem>>)
    %mul3A_313 = arith.constant 2 : i32
    %mul3A_314 = arith.muli %arg1, %mul3A_313 : i32
    %add3A_315 = arith.constant 1 : i32
    %add3A_316 = arith.addi %mul3A_314, %add3A_315 : i32
    %mul3A_317 = arith.constant 40 : i32
    %mul3A_318 = arith.muli %add3A_316, %mul3A_317 : i32
    %dma_wait3A_319 = arith.constant 0 : i32
    %dma_wait3A_320 = tpu.memref_slice %arg6[%mul3A_2, %dma_wait3A_319] : memref<160000x128xf32, #tpu.memory_space<hbm>> -> memref<40x128xf32, #tpu.memory_space<hbm>>
    %dma_wait3A_321 = arith.constant 0 : i32
    %dma_wait3A_322 = tpu.memref_slice %arg13[%mul3A_318, %dma_wait3A_321] : memref<1280x128xf32, #tpu.memory_space<vmem_shared>> -> memref<40x128xf32, #tpu.memory_space<vmem_shared>>
    tpu.wait_dma2 semaphore(%arg19 : memref<!tpu.dma_semaphore, #tpu.memory_space<semaphore_mem>>) src(%dma_wait3A_322 : memref<40x128xf32, #tpu.memory_space<vmem_shared>>) dst(%dma_wait3A_320 : memref<40x128xf32, #tpu.memory_space<hbm>>)
    %mul3A_323 = arith.constant 2 : i32
    %mul3A_324 = arith.muli %arg1, %mul3A_323 : i32
    %add3A_325 = arith.constant 1 : i32
    %add3A_326 = arith.addi %mul3A_324, %add3A_325 : i32
    %mul3A_327 = arith.constant 40 : i32
    %mul3A_328 = arith.muli %add3A_326, %mul3A_327 : i32
    %run_scoped3A_329 = arith.constant 1 : i32
    "tpu.region"() ({
      %run_scoped3A_413 = tpu.sem_alloc : memref<!tpu.dma_semaphore, #tpu.memory_space<semaphore_mem>>
      %dma_start3A_414 = arith.constant 0 : i32
      %dma_start3A_415 = arith.constant 0 : i32
      %dma_start3A_416 = tpu.memref_slice %arg9[%run_scoped3A_329, %dma_start3A_414, %dma_start3A_415] : memref<2x40x128xf32, #tpu.memory_space<vmem>> -> memref<1x40x128xf32, #tpu.memory_space<vmem>>
      %dma_start3A_417 = tpu.memref_squeeze %dma_start3A_416 : memref<1x40x128xf32, #tpu.memory_space<vmem>> -> memref<40x128xf32, #tpu.memory_space<vmem>>
      %dma_start3A_418 = arith.constant 0 : i32
      %dma_start3A_419 = tpu.memref_slice %arg13[%mul3A_328, %dma_start3A_418] : memref<1280x128xf32, #tpu.memory_space<vmem_shared>> -> memref<40x128xf32, #tpu.memory_space<vmem_shared>>
      %dma_start3A_420 = arith.constant 0 : i32
      %dma_start3A_421 = tpu.memref_slice %arg13[%mul3A_328, %dma_start3A_420] : memref<1280x128xf32, #tpu.memory_space<vmem_shared>> -> memref<40x128xf32, #tpu.memory_space<vmem_shared>>
      %dma_start3A_422 = arith.constant 0 : i32
      %dma_start3A_423 = arith.constant 0 : i32
      %dma_start3A_424 = tpu.memref_slice %arg9[%run_scoped3A_329, %dma_start3A_422, %dma_start3A_423] : memref<2x40x128xf32, #tpu.memory_space<vmem>> -> memref<1x40x128xf32, #tpu.memory_space<vmem>>
      %dma_start3A_425 = tpu.memref_squeeze %dma_start3A_424 : memref<1x40x128xf32, #tpu.memory_space<vmem>> -> memref<40x128xf32, #tpu.memory_space<vmem>>
      tpu.enqueue_dma source(%dma_start3A_425 : memref<40x128xf32, #tpu.memory_space<vmem>>) target(%dma_start3A_421 : memref<40x128xf32, #tpu.memory_space<vmem_shared>>) target_semaphore(%run_scoped3A_413 : memref<!tpu.dma_semaphore, #tpu.memory_space<semaphore_mem>>)
      %dma_wait3A_426 = arith.constant 0 : i32
      %dma_wait3A_427 = arith.constant 0 : i32
      %dma_wait3A_428 = tpu.memref_slice %arg9[%run_scoped3A_329, %dma_wait3A_426, %dma_wait3A_427] : memref<2x40x128xf32, #tpu.memory_space<vmem>> -> memref<1x40x128xf32, #tpu.memory_space<vmem>>
      %dma_wait3A_429 = tpu.memref_squeeze %dma_wait3A_428 : memref<1x40x128xf32, #tpu.memory_space<vmem>> -> memref<40x128xf32, #tpu.memory_space<vmem>>
      %dma_wait3A_430 = arith.constant 0 : i32
      %dma_wait3A_431 = tpu.memref_slice %arg13[%mul3A_328, %dma_wait3A_430] : memref<1280x128xf32, #tpu.memory_space<vmem_shared>> -> memref<40x128xf32, #tpu.memory_space<vmem_shared>>
      %dma_wait3A_432 = arith.constant 0 : i32
      %dma_wait3A_433 = tpu.memref_slice %arg13[%mul3A_328, %dma_wait3A_432] : memref<1280x128xf32, #tpu.memory_space<vmem_shared>> -> memref<40x128xf32, #tpu.memory_space<vmem_shared>>
      %dma_wait3A_434 = arith.constant 0 : i32
      %dma_wait3A_435 = arith.constant 0 : i32
      %dma_wait3A_436 = tpu.memref_slice %arg9[%run_scoped3A_329, %dma_wait3A_434, %dma_wait3A_435] : memref<2x40x128xf32, #tpu.memory_space<vmem>> -> memref<1x40x128xf32, #tpu.memory_space<vmem>>
      %dma_wait3A_437 = tpu.memref_squeeze %dma_wait3A_436 : memref<1x40x128xf32, #tpu.memory_space<vmem>> -> memref<40x128xf32, #tpu.memory_space<vmem>>
      tpu.wait_dma2 semaphore(%run_scoped3A_413 : memref<!tpu.dma_semaphore, #tpu.memory_space<semaphore_mem>>) src(%dma_wait3A_437 : memref<40x128xf32, #tpu.memory_space<vmem>>) dst(%dma_wait3A_433 : memref<40x128xf32, #tpu.memory_space<vmem_shared>>)
      tpu.yield
    }) : () -> ()
    %run_scoped3A_330 = arith.constant 1 : i32
    "tpu.region"() ({
      %run_scoped3A_413 = tpu.sem_alloc : memref<!tpu.dma_semaphore, #tpu.memory_space<semaphore_mem>>
      %dma_start3A_414 = arith.constant 0 : i32
      %dma_start3A_415 = arith.constant 0 : i32
      %dma_start3A_416 = tpu.memref_slice %arg10[%run_scoped3A_330, %dma_start3A_414, %dma_start3A_415] : memref<2x40x128xf32, #tpu.memory_space<vmem>> -> memref<1x40x128xf32, #tpu.memory_space<vmem>>
      %dma_start3A_417 = tpu.memref_squeeze %dma_start3A_416 : memref<1x40x128xf32, #tpu.memory_space<vmem>> -> memref<40x128xf32, #tpu.memory_space<vmem>>
      %dma_start3A_418 = arith.constant 0 : i32
      %dma_start3A_419 = arith.constant 0 : i32
      %dma_start3A_420 = tpu.memref_slice %arg13[%dma_start3A_418, %dma_start3A_419] : memref<1280x128xf32, #tpu.memory_space<vmem_shared>> -> memref<1280x128xf32, #tpu.memory_space<vmem_shared>>
      tpu.enqueue_indirect_dma source(%dma_start3A_417 : memref<40x128xf32, #tpu.memory_space<vmem>>) target(%dma_start3A_420 : memref<1280x128xf32, #tpu.memory_space<vmem_shared>>) offsets(%arg12 : memref<40xi32, #tpu.memory_space<vmem>>) semaphore(%run_scoped3A_413 : memref<!tpu.dma_semaphore, #tpu.memory_space<semaphore_mem>>) {add = true}
      %dma_wait3A_421 = arith.constant 0 : i32
      %dma_wait3A_422 = arith.constant 0 : i32
      %dma_wait3A_423 = tpu.memref_slice %arg10[%run_scoped3A_330, %dma_wait3A_421, %dma_wait3A_422] : memref<2x40x128xf32, #tpu.memory_space<vmem>> -> memref<1x40x128xf32, #tpu.memory_space<vmem>>
      %dma_wait3A_424 = tpu.memref_squeeze %dma_wait3A_423 : memref<1x40x128xf32, #tpu.memory_space<vmem>> -> memref<40x128xf32, #tpu.memory_space<vmem>>
      %dma_wait3A_425 = arith.constant 0 : i32
      %dma_wait3A_426 = arith.constant 0 : i32
      %dma_wait3A_427 = tpu.memref_slice %arg13[%dma_wait3A_425, %dma_wait3A_426] : memref<1280x128xf32, #tpu.memory_space<vmem_shared>> -> memref<1280x128xf32, #tpu.memory_space<vmem_shared>>
      tpu.wait_indirect_dma semaphore(%run_scoped3A_413 : memref<!tpu.dma_semaphore, #tpu.memory_space<semaphore_mem>>) src(%dma_wait3A_424 : memref<40x128xf32, #tpu.memory_space<vmem>>) dst(%dma_wait3A_427 : memref<1280x128xf32, #tpu.memory_space<vmem_shared>>)
      tpu.yield
    }) : () -> ()
    %mul3A_331 = arith.constant 2 : i32
    %mul3A_332 = arith.muli %arg1, %mul3A_331 : i32
    %add3A_333 = arith.constant 1 : i32
    %add3A_334 = arith.addi %mul3A_332, %add3A_333 : i32
    %mul3A_335 = arith.constant 40 : i32
    %mul3A_336 = arith.muli %add3A_334, %mul3A_335 : i32
    %add3A_337 = arith.constant 4920 : i32
    %add3A_338 = arith.addi %mul3A_2, %add3A_337 : i32
    %dma_start3A_339 = arith.constant 0 : i32
    %dma_start3A_340 = tpu.memref_slice %arg6[%add3A_338, %dma_start3A_339] : memref<160000x128xf32, #tpu.memory_space<hbm>> -> memref<40x128xf32, #tpu.memory_space<hbm>>
    %dma_start3A_341 = arith.constant 0 : i32
    %dma_start3A_342 = tpu.memref_slice %arg13[%mul3A_336, %dma_start3A_341] : memref<1280x128xf32, #tpu.memory_space<vmem_shared>> -> memref<40x128xf32, #tpu.memory_space<vmem_shared>>
    tpu.enqueue_dma source(%dma_start3A_342 : memref<40x128xf32, #tpu.memory_space<vmem_shared>>) target(%dma_start3A_340 : memref<40x128xf32, #tpu.memory_space<hbm>>) target_semaphore(%arg19 : memref<!tpu.dma_semaphore, #tpu.memory_space<semaphore_mem>>)
    %dma_wait3A_343 = arith.constant 0 : i32
    %dma_wait3A_344 = arith.constant 0 : i32
    %dma_wait3A_345 = arith.constant 0 : i32
    %dma_wait3A_346 = tpu.memref_slice %arg9[%dma_wait3A_343, %dma_wait3A_344, %dma_wait3A_345] : memref<2x40x128xf32, #tpu.memory_space<vmem>> -> memref<1x40x128xf32, #tpu.memory_space<vmem>>
    %dma_wait3A_347 = tpu.memref_squeeze %dma_wait3A_346 : memref<1x40x128xf32, #tpu.memory_space<vmem>> -> memref<40x128xf32, #tpu.memory_space<vmem>>
    %dma_wait3A_348 = arith.constant 0 : i32
    %dma_wait3A_349 = tpu.memref_slice %arg7[%dma_wait3A_348] : memref<5000xi32, #tpu.memory_space<vmem>> -> memref<40xi32, #tpu.memory_space<vmem>>
    %dma_wait3A_350 = arith.constant 0 : i32
    %dma_wait3A_351 = arith.constant 0 : i32
    %dma_wait3A_352 = tpu.memref_slice %arg4[%dma_wait3A_350, %dma_wait3A_351] : memref<10240x128xf32, #tpu.memory_space<hbm>> -> memref<10240x128xf32, #tpu.memory_space<hbm>>
    tpu.wait_indirect_dma semaphore(%arg14 : memref<!tpu.dma_semaphore, #tpu.memory_space<semaphore_mem>>) src(%dma_wait3A_352 : memref<10240x128xf32, #tpu.memory_space<hbm>>) dst(%dma_wait3A_347 : memref<40x128xf32, #tpu.memory_space<vmem>>)
    %dma_wait3A_353 = arith.constant 0 : i32
    %dma_wait3A_354 = arith.constant 0 : i32
    %dma_wait3A_355 = arith.constant 0 : i32
    %dma_wait3A_356 = tpu.memref_slice %arg10[%dma_wait3A_353, %dma_wait3A_354, %dma_wait3A_355] : memref<2x40x128xf32, #tpu.memory_space<vmem>> -> memref<1x40x128xf32, #tpu.memory_space<vmem>>
    %dma_wait3A_357 = tpu.memref_squeeze %dma_wait3A_356 : memref<1x40x128xf32, #tpu.memory_space<vmem>> -> memref<40x128xf32, #tpu.memory_space<vmem>>
    %dma_wait3A_358 = arith.constant 0 : i32
    %dma_wait3A_359 = tpu.memref_slice %arg7[%dma_wait3A_358] : memref<5000xi32, #tpu.memory_space<vmem>> -> memref<40xi32, #tpu.memory_space<vmem>>
    %dma_wait3A_360 = arith.constant 0 : i32
    %dma_wait3A_361 = arith.constant 0 : i32
    %dma_wait3A_362 = tpu.memref_slice %arg5[%dma_wait3A_360, %dma_wait3A_361] : memref<10240x128xf32, #tpu.memory_space<hbm>> -> memref<10240x128xf32, #tpu.memory_space<hbm>>
    tpu.wait_indirect_dma semaphore(%arg16 : memref<!tpu.dma_semaphore, #tpu.memory_space<semaphore_mem>>) src(%dma_wait3A_362 : memref<10240x128xf32, #tpu.memory_space<hbm>>) dst(%dma_wait3A_357 : memref<40x128xf32, #tpu.memory_space<vmem>>)
    %mul3A_363 = arith.constant 2 : i32
    %mul3A_364 = arith.muli %arg1, %mul3A_363 : i32
    %add3A_365 = arith.constant 0 : i32
    %add3A_366 = arith.addi %mul3A_364, %add3A_365 : i32
    %mul3A_367 = arith.constant 40 : i32
    %mul3A_368 = arith.muli %add3A_366, %mul3A_367 : i32
    %dma_wait3A_369 = arith.constant 0 : i32
    %dma_wait3A_370 = tpu.memref_slice %arg6[%mul3A_2, %dma_wait3A_369] : memref<160000x128xf32, #tpu.memory_space<hbm>> -> memref<40x128xf32, #tpu.memory_space<hbm>>
    %dma_wait3A_371 = arith.constant 0 : i32
    %dma_wait3A_372 = tpu.memref_slice %arg13[%mul3A_368, %dma_wait3A_371] : memref<1280x128xf32, #tpu.memory_space<vmem_shared>> -> memref<40x128xf32, #tpu.memory_space<vmem_shared>>
    tpu.wait_dma2 semaphore(%arg18 : memref<!tpu.dma_semaphore, #tpu.memory_space<semaphore_mem>>) src(%dma_wait3A_372 : memref<40x128xf32, #tpu.memory_space<vmem_shared>>) dst(%dma_wait3A_370 : memref<40x128xf32, #tpu.memory_space<hbm>>)
    %mul3A_373 = arith.constant 2 : i32
    %mul3A_374 = arith.muli %arg1, %mul3A_373 : i32
    %add3A_375 = arith.constant 0 : i32
    %add3A_376 = arith.addi %mul3A_374, %add3A_375 : i32
    %mul3A_377 = arith.constant 40 : i32
    %mul3A_378 = arith.muli %add3A_376, %mul3A_377 : i32
    %run_scoped3A_379 = arith.constant 0 : i32
    "tpu.region"() ({
      %run_scoped3A_413 = tpu.sem_alloc : memref<!tpu.dma_semaphore, #tpu.memory_space<semaphore_mem>>
      %dma_start3A_414 = arith.constant 0 : i32
      %dma_start3A_415 = arith.constant 0 : i32
      %dma_start3A_416 = tpu.memref_slice %arg9[%run_scoped3A_379, %dma_start3A_414, %dma_start3A_415] : memref<2x40x128xf32, #tpu.memory_space<vmem>> -> memref<1x40x128xf32, #tpu.memory_space<vmem>>
      %dma_start3A_417 = tpu.memref_squeeze %dma_start3A_416 : memref<1x40x128xf32, #tpu.memory_space<vmem>> -> memref<40x128xf32, #tpu.memory_space<vmem>>
      %dma_start3A_418 = arith.constant 0 : i32
      %dma_start3A_419 = tpu.memref_slice %arg13[%mul3A_378, %dma_start3A_418] : memref<1280x128xf32, #tpu.memory_space<vmem_shared>> -> memref<40x128xf32, #tpu.memory_space<vmem_shared>>
      %dma_start3A_420 = arith.constant 0 : i32
      %dma_start3A_421 = tpu.memref_slice %arg13[%mul3A_378, %dma_start3A_420] : memref<1280x128xf32, #tpu.memory_space<vmem_shared>> -> memref<40x128xf32, #tpu.memory_space<vmem_shared>>
      %dma_start3A_422 = arith.constant 0 : i32
      %dma_start3A_423 = arith.constant 0 : i32
      %dma_start3A_424 = tpu.memref_slice %arg9[%run_scoped3A_379, %dma_start3A_422, %dma_start3A_423] : memref<2x40x128xf32, #tpu.memory_space<vmem>> -> memref<1x40x128xf32, #tpu.memory_space<vmem>>
      %dma_start3A_425 = tpu.memref_squeeze %dma_start3A_424 : memref<1x40x128xf32, #tpu.memory_space<vmem>> -> memref<40x128xf32, #tpu.memory_space<vmem>>
      tpu.enqueue_dma source(%dma_start3A_425 : memref<40x128xf32, #tpu.memory_space<vmem>>) target(%dma_start3A_421 : memref<40x128xf32, #tpu.memory_space<vmem_shared>>) target_semaphore(%run_scoped3A_413 : memref<!tpu.dma_semaphore, #tpu.memory_space<semaphore_mem>>)
      %dma_wait3A_426 = arith.constant 0 : i32
      %dma_wait3A_427 = arith.constant 0 : i32
      %dma_wait3A_428 = tpu.memref_slice %arg9[%run_scoped3A_379, %dma_wait3A_426, %dma_wait3A_427] : memref<2x40x128xf32, #tpu.memory_space<vmem>> -> memref<1x40x128xf32, #tpu.memory_space<vmem>>
      %dma_wait3A_429 = tpu.memref_squeeze %dma_wait3A_428 : memref<1x40x128xf32, #tpu.memory_space<vmem>> -> memref<40x128xf32, #tpu.memory_space<vmem>>
      %dma_wait3A_430 = arith.constant 0 : i32
      %dma_wait3A_431 = tpu.memref_slice %arg13[%mul3A_378, %dma_wait3A_430] : memref<1280x128xf32, #tpu.memory_space<vmem_shared>> -> memref<40x128xf32, #tpu.memory_space<vmem_shared>>
      %dma_wait3A_432 = arith.constant 0 : i32
      %dma_wait3A_433 = tpu.memref_slice %arg13[%mul3A_378, %dma_wait3A_432] : memref<1280x128xf32, #tpu.memory_space<vmem_shared>> -> memref<40x128xf32, #tpu.memory_space<vmem_shared>>
      %dma_wait3A_434 = arith.constant 0 : i32
      %dma_wait3A_435 = arith.constant 0 : i32
      %dma_wait3A_436 = tpu.memref_slice %arg9[%run_scoped3A_379, %dma_wait3A_434, %dma_wait3A_435] : memref<2x40x128xf32, #tpu.memory_space<vmem>> -> memref<1x40x128xf32, #tpu.memory_space<vmem>>
      %dma_wait3A_437 = tpu.memref_squeeze %dma_wait3A_436 : memref<1x40x128xf32, #tpu.memory_space<vmem>> -> memref<40x128xf32, #tpu.memory_space<vmem>>
      tpu.wait_dma2 semaphore(%run_scoped3A_413 : memref<!tpu.dma_semaphore, #tpu.memory_space<semaphore_mem>>) src(%dma_wait3A_437 : memref<40x128xf32, #tpu.memory_space<vmem>>) dst(%dma_wait3A_433 : memref<40x128xf32, #tpu.memory_space<vmem_shared>>)
      tpu.yield
    }) : () -> ()
    %run_scoped3A_380 = arith.constant 0 : i32
    "tpu.region"() ({
      %run_scoped3A_413 = tpu.sem_alloc : memref<!tpu.dma_semaphore, #tpu.memory_space<semaphore_mem>>
      %dma_start3A_414 = arith.constant 0 : i32
      %dma_start3A_415 = arith.constant 0 : i32
      %dma_start3A_416 = tpu.memref_slice %arg10[%run_scoped3A_380, %dma_start3A_414, %dma_start3A_415] : memref<2x40x128xf32, #tpu.memory_space<vmem>> -> memref<1x40x128xf32, #tpu.memory_space<vmem>>
      %dma_start3A_417 = tpu.memref_squeeze %dma_start3A_416 : memref<1x40x128xf32, #tpu.memory_space<vmem>> -> memref<40x128xf32, #tpu.memory_space<vmem>>
      %dma_start3A_418 = arith.constant 0 : i32
      %dma_start3A_419 = arith.constant 0 : i32
      %dma_start3A_420 = tpu.memref_slice %arg13[%dma_start3A_418, %dma_start3A_419] : memref<1280x128xf32, #tpu.memory_space<vmem_shared>> -> memref<1280x128xf32, #tpu.memory_space<vmem_shared>>
      tpu.enqueue_indirect_dma source(%dma_start3A_417 : memref<40x128xf32, #tpu.memory_space<vmem>>) target(%dma_start3A_420 : memref<1280x128xf32, #tpu.memory_space<vmem_shared>>) offsets(%arg11 : memref<40xi32, #tpu.memory_space<vmem>>) semaphore(%run_scoped3A_413 : memref<!tpu.dma_semaphore, #tpu.memory_space<semaphore_mem>>) {add = true}
      %dma_wait3A_421 = arith.constant 0 : i32
      %dma_wait3A_422 = arith.constant 0 : i32
      %dma_wait3A_423 = tpu.memref_slice %arg10[%run_scoped3A_380, %dma_wait3A_421, %dma_wait3A_422] : memref<2x40x128xf32, #tpu.memory_space<vmem>> -> memref<1x40x128xf32, #tpu.memory_space<vmem>>
      %dma_wait3A_424 = tpu.memref_squeeze %dma_wait3A_423 : memref<1x40x128xf32, #tpu.memory_space<vmem>> -> memref<40x128xf32, #tpu.memory_space<vmem>>
      %dma_wait3A_425 = arith.constant 0 : i32
      %dma_wait3A_426 = arith.constant 0 : i32
      %dma_wait3A_427 = tpu.memref_slice %arg13[%dma_wait3A_425, %dma_wait3A_426] : memref<1280x128xf32, #tpu.memory_space<vmem_shared>> -> memref<1280x128xf32, #tpu.memory_space<vmem_shared>>
      tpu.wait_indirect_dma semaphore(%run_scoped3A_413 : memref<!tpu.dma_semaphore, #tpu.memory_space<semaphore_mem>>) src(%dma_wait3A_424 : memref<40x128xf32, #tpu.memory_space<vmem>>) dst(%dma_wait3A_427 : memref<1280x128xf32, #tpu.memory_space<vmem_shared>>)
      tpu.yield
    }) : () -> ()
    %mul3A_381 = arith.constant 2 : i32
    %mul3A_382 = arith.muli %arg1, %mul3A_381 : i32
    %add3A_383 = arith.constant 0 : i32
    %add3A_384 = arith.addi %mul3A_382, %add3A_383 : i32
    %mul3A_385 = arith.constant 40 : i32
    %mul3A_386 = arith.muli %add3A_384, %mul3A_385 : i32
    %add3A_387 = arith.constant 4960 : i32
    %add3A_388 = arith.addi %mul3A_2, %add3A_387 : i32
    %dma_start3A_389 = arith.constant 0 : i32
    %dma_start3A_390 = tpu.memref_slice %arg6[%add3A_388, %dma_start3A_389] : memref<160000x128xf32, #tpu.memory_space<hbm>> -> memref<40x128xf32, #tpu.memory_space<hbm>>
    %dma_start3A_391 = arith.constant 0 : i32
    %dma_start3A_392 = tpu.memref_slice %arg13[%mul3A_386, %dma_start3A_391] : memref<1280x128xf32, #tpu.memory_space<vmem_shared>> -> memref<40x128xf32, #tpu.memory_space<vmem_shared>>
    tpu.enqueue_dma source(%dma_start3A_392 : memref<40x128xf32, #tpu.memory_space<vmem_shared>>) target(%dma_start3A_390 : memref<40x128xf32, #tpu.memory_space<hbm>>) target_semaphore(%arg18 : memref<!tpu.dma_semaphore, #tpu.memory_space<semaphore_mem>>)
    %mul3A_393 = arith.constant 2 : i32
    %mul3A_394 = arith.muli %arg1, %mul3A_393 : i32
    %add3A_395 = arith.constant 0 : i32
    %add3A_396 = arith.addi %mul3A_394, %add3A_395 : i32
    %mul3A_397 = arith.constant 40 : i32
    %mul3A_398 = arith.muli %add3A_396, %mul3A_397 : i32
    %dma_wait3A_399 = arith.constant 0 : i32
    %dma_wait3A_400 = tpu.memref_slice %arg6[%mul3A_2, %dma_wait3A_399] : memref<160000x128xf32, #tpu.memory_space<hbm>> -> memref<40x128xf32, #tpu.memory_space<hbm>>
    %dma_wait3A_401 = arith.constant 0 : i32
    %dma_wait3A_402 = tpu.memref_slice %arg13[%mul3A_398, %dma_wait3A_401] : memref<1280x128xf32, #tpu.memory_space<vmem_shared>> -> memref<40x128xf32, #tpu.memory_space<vmem_shared>>
    tpu.wait_dma2 semaphore(%arg18 : memref<!tpu.dma_semaphore, #tpu.memory_space<semaphore_mem>>) src(%dma_wait3A_402 : memref<40x128xf32, #tpu.memory_space<vmem_shared>>) dst(%dma_wait3A_400 : memref<40x128xf32, #tpu.memory_space<hbm>>)
    %mul3A_403 = arith.constant 2 : i32
    %mul3A_404 = arith.muli %arg1, %mul3A_403 : i32
    %add3A_405 = arith.constant 1 : i32
    %add3A_406 = arith.addi %mul3A_404, %add3A_405 : i32
    %mul3A_407 = arith.constant 40 : i32
    %mul3A_408 = arith.muli %add3A_406, %mul3A_407 : i32
    %dma_wait3A_409 = arith.constant 0 : i32
    %dma_wait3A_410 = tpu.memref_slice %arg6[%mul3A_2, %dma_wait3A_409] : memref<160000x128xf32, #tpu.memory_space<hbm>> -> memref<40x128xf32, #tpu.memory_space<hbm>>
    %dma_wait3A_411 = arith.constant 0 : i32
    %dma_wait3A_412 = tpu.memref_slice %arg13[%mul3A_408, %dma_wait3A_411] : memref<1280x128xf32, #tpu.memory_space<vmem_shared>> -> memref<40x128xf32, #tpu.memory_space<vmem_shared>>
    tpu.wait_dma2 semaphore(%arg19 : memref<!tpu.dma_semaphore, #tpu.memory_space<semaphore_mem>>) src(%dma_wait3A_412 : memref<40x128xf32, #tpu.memory_space<vmem_shared>>) dst(%dma_wait3A_410 : memref<40x128xf32, #tpu.memory_space<hbm>>)
    return
  }
}

#map = affine_map<(d0, d1) -> (0, 0)>
module attributes {stable_mosaic.version = 14 : i64} {
  func.func @_combine(%arg0: i32, %arg1: i32, %arg2: memref<32x5000xi32, #tpu.memory_space<hbm>>, %arg3: memref<32x5000xi32, #tpu.memory_space<hbm>>, %arg4: memref<10240x128xf32, #tpu.memory_space<hbm>>, %arg5: memref<10240x128xf32, #tpu.memory_space<hbm>>, %arg6: memref<160000x128xf32, #tpu.memory_space<hbm>>, %arg7: memref<5000xi32, #tpu.memory_space<vmem>>, %arg8: memref<5000xi32, #tpu.memory_space<vmem>>, %arg9: memref<2x40x128xf32, #tpu.memory_space<vmem>>, %arg10: memref<2x40x128xf32, #tpu.memory_space<vmem>>, %arg11: memref<40xi32, #tpu.memory_space<vmem>>, %arg12: memref<40xi32, #tpu.memory_space<vmem>>, %arg13: memref<1280x128xf32, #tpu.memory_space<vmem_shared>>, %arg14: memref<!tpu.dma_semaphore, #tpu.memory_space<semaphore_mem>>, %arg15: memref<!tpu.dma_semaphore, #tpu.memory_space<semaphore_mem>>, %arg16: memref<!tpu.dma_semaphore, #tpu.memory_space<semaphore_mem>>, %arg17: memref<!tpu.dma_semaphore, #tpu.memory_space<semaphore_mem>>, %arg18: memref<!tpu.dma_semaphore, #tpu.memory_space<semaphore_mem>>, %arg19: memref<!tpu.dma_semaphore, #tpu.memory_space<semaphore_mem>>) attributes {dimension_semantics = [#tpu.dimension_semantics<core_parallel>, #tpu.dimension_semantics<subcore_parallel>], iteration_bounds = array<i64: 2, 16>, scalar_prefetch = 0 : i64, scratch_operands = 13 : i64, tpu.core_type = #tpu.core_type<sc_vector_subcore>, window_params = [{transform_indices = #map}, {transform_indices = #map}, {transform_indices = #map}, {transform_indices = #map}, {transform_indices = #map}]} {
    %mul3A = arith.constant 16 : i32
    %mul3A_0 = arith.muli %arg0, %mul3A : i32
    %add3A = arith.addi %mul3A_0, %arg1 : i32
    %mul3A_1 = arith.constant 5000 : i32
    %mul3A_2 = arith.muli %add3A, %mul3A_1 : i32
    "tpu.region"() ({
      %run_scoped3A_413 = tpu.sem_alloc : memref<!tpu.dma_semaphore, #tpu.memory_space<semaphore_mem>>
      %dma_start3A_414 = arith.constant 0 : i32
      %dma_start3A_415 = tpu.memref_slice %arg2[%add3A, %dma_start3A_414] : memref<32x5000xi32, #tpu.memory_space<hbm>> -> memref<1x5000xi32, #tpu.memory_space<hbm>>
      %dma_start3A_416 = tpu.memref_squeeze %dma_start3A_415 : memref<1x5000xi32, #tpu.memory_space<hbm>> -> memref<5000xi32, #tpu.memory_space<hbm>>
      %dma_start3A_417 = arith.constant 0 : i32
      %dma_start3A_418 = tpu.memref_slice %arg2[%add3A, %dma_start3A_417] : memref<32x5000xi32, #tpu.memory_space<hbm>> -> memref<1x5000xi32, #tpu.memory_space<hbm>>
      %dma_start3A_419 = tpu.memref_squeeze %dma_start3A_418 : memref<1x5000xi32, #tpu.memory_space<hbm>> -> memref<5000xi32, #tpu.memory_space<hbm>>
      tpu.enqueue_dma source(%dma_start3A_419 : memref<5000xi32, #tpu.memory_space<hbm>>) target(%arg7 : memref<5000xi32, #tpu.memory_space<vmem>>) target_semaphore(%run_scoped3A_413 : memref<!tpu.dma_semaphore, #tpu.memory_space<semaphore_mem>>)
      %dma_wait3A_420 = arith.constant 0 : i32
      %dma_wait3A_421 = tpu.memref_slice %arg2[%add3A, %dma_wait3A_420] : memref<32x5000xi32, #tpu.memory_space<hbm>> -> memref<1x5000xi32, #tpu.memory_space<hbm>>
      %dma_wait3A_422 = tpu.memref_squeeze %dma_wait3A_421 : memref<1x5000xi32, #tpu.memory_space<hbm>> -> memref<5000xi32, #tpu.memory_space<hbm>>
      %dma_wait3A_423 = arith.constant 0 : i32
      %dma_wait3A_424 = tpu.memref_slice %arg2[%add3A, %dma_wait3A_423] : memref<32x5000xi32, #tpu.memory_space<hbm>> -> memref<1x5000xi32, #tpu.memory_space<hbm>>
      %dma_wait3A_425 = tpu.memref_squeeze %dma_wait3A_424 : memref<1x5000xi32, #tpu.memory_space<hbm>> -> memref<5000xi32, #tpu.memory_space<hbm>>
      tpu.wait_dma2 semaphore(%run_scoped3A_413 : memref<!tpu.dma_semaphore, #tpu.memory_space<semaphore_mem>>) src(%dma_wait3A_425 : memref<5000xi32, #tpu.memory_space<hbm>>) dst(%arg7 : memref<5000xi32, #tpu.memory_space<vmem>>)
      tpu.yield
    }) : () -> ()
    "tpu.region"() ({
      %run_scoped3A_413 = tpu.sem_alloc : memref<!tpu.dma_semaphore, #tpu.memory_space<semaphore_mem>>
      %dma_start3A_414 = arith.constant 0 : i32
      %dma_start3A_415 = tpu.memref_slice %arg3[%add3A, %dma_start3A_414] : memref<32x5000xi32, #tpu.memory_space<hbm>> -> memref<1x5000xi32, #tpu.memory_space<hbm>>
      %dma_start3A_416 = tpu.memref_squeeze %dma_start3A_415 : memref<1x5000xi32, #tpu.memory_space<hbm>> -> memref<5000xi32, #tpu.memory_space<hbm>>
      %dma_start3A_417 = arith.constant 0 : i32
      %dma_start3A_418 = tpu.memref_slice %arg3[%add3A, %dma_start3A_417] : memref<32x5000xi32, #tpu.memory_space<hbm>> -> memref<1x5000xi32, #tpu.memory_space<hbm>>
      %dma_start3A_419 = tpu.memref_squeeze %dma_start3A_418 : memref<1x5000xi32, #tpu.memory_space<hbm>> -> memref<5000xi32, #tpu.memory_space<hbm>>
      tpu.enqueue_dma source(%dma_start3A_419 : memref<5000xi32, #tpu.memory_space<hbm>>) target(%arg8 : memref<5000xi32, #tpu.memory_space<vmem>>) target_semaphore(%run_scoped3A_413 : memref<!tpu.dma_semaphore, #tpu.memory_space<semaphore_mem>>)
      %dma_wait3A_420 = arith.constant 0 : i32
      %dma_wait3A_421 = tpu.memref_slice %arg3[%add3A, %dma_wait3A_420] : memref<32x5000xi32, #tpu.memory_space<hbm>> -> memref<1x5000xi32, #tpu.memory_space<hbm>>
      %dma_wait3A_422 = tpu.memref_squeeze %dma_wait3A_421 : memref<1x5000xi32, #tpu.memory_space<hbm>> -> memref<5000xi32, #tpu.memory_space<hbm>>
      %dma_wait3A_423 = arith.constant 0 : i32
      %dma_wait3A_424 = tpu.memref_slice %arg3[%add3A, %dma_wait3A_423] : memref<32x5000xi32, #tpu.memory_space<hbm>> -> memref<1x5000xi32, #tpu.memory_space<hbm>>
      %dma_wait3A_425 = tpu.memref_squeeze %dma_wait3A_424 : memref<1x5000xi32, #tpu.memory_space<hbm>> -> memref<5000xi32, #tpu.memory_space<hbm>>
      tpu.wait_dma2 semaphore(%run_scoped3A_413 : memref<!tpu.dma_semaphore, #tpu.memory_space<semaphore_mem>>) src(%dma_wait3A_425 : memref<5000xi32, #tpu.memory_space<hbm>>) dst(%arg8 : memref<5000xi32, #tpu.memory_space<vmem>>)
      tpu.yield
    }) : () -> ()
    %iota3A = tpu.iota {dimensions = array<i32: 0>} : vector<16xi32>
    %mul3A_3 = arith.constant 2 : i32
    %mul3A_4 = arith.muli %arg1, %mul3A_3 : i32
    %mul3A_5 = arith.constant 40 : i32
    %mul3A_6 = arith.muli %mul3A_4, %mul3A_5 : i32
    %add3A_7 = arith.constant 0 : i32
    %add3A_8 = arith.addi %mul3A_6, %add3A_7 : i32
    %add3A_9 = vector.broadcast %add3A_8 : i32 to vector<16xi32>
    %add3A_10 = arith.addi %iota3A, %add3A_9 : vector<16xi32>
    %swap3A = arith.constant 0 : index
    %swap3A_11 = tpu.vector_load %arg11[%swap3A] {strides = array<i32>} : memref<40xi32, #tpu.memory_space<vmem>>, vector<16xi32>,
    %swap3A_12 = vector.shape_cast %swap3A_11 : vector<16xi32> to vector<16xi32>
    %swap3A_13 = vector.shape_cast %add3A_10 : vector<16xi32> to vector<16xi32>
    tpu.vector_store %arg11[%swap3A], %swap3A_13 {strides = array<i32>} : memref<40xi32, #tpu.memory_space<vmem>>, vector<16xi32>,
    %add3A_14 = arith.constant 40 : i32
    %add3A_15 = vector.broadcast %add3A_14 : i32 to vector<16xi32>
    %add3A_16 = arith.addi %add3A_10, %add3A_15 : vector<16xi32>
    %swap3A_17 = arith.constant 0 : index
    %swap3A_18 = tpu.vector_load %arg12[%swap3A_17] {strides = array<i32>} : memref<40xi32, #tpu.memory_space<vmem>>, vector<16xi32>,
    %swap3A_19 = vector.shape_cast %swap3A_18 : vector<16xi32> to vector<16xi32>
    %swap3A_20 = vector.shape_cast %add3A_16 : vector<16xi32> to vector<16xi32>
    tpu.vector_store %arg12[%swap3A_17], %swap3A_20 {strides = array<i32>} : memref<40xi32, #tpu.memory_space<vmem>>, vector<16xi32>,
    %iota3A_21 = tpu.iota {dimensions = array<i32: 0>} : vector<16xi32>
    %mul3A_22 = arith.constant 2 : i32
    %mul3A_23 = arith.muli %arg1, %mul3A_22 : i32
    %mul3A_24 = arith.constant 40 : i32
    %mul3A_25 = arith.muli %mul3A_23, %mul3A_24 : i32
    %add3A_26 = arith.constant 16 : i32
    %add3A_27 = arith.addi %mul3A_25, %add3A_26 : i32
    %add3A_28 = vector.broadcast %add3A_27 : i32 to vector<16xi32>
    %add3A_29 = arith.addi %iota3A_21, %add3A_28 : vector<16xi32>
    %swap3A_30 = arith.constant 16 : index
    %swap3A_31 = tpu.vector_load %arg11[%swap3A_30] {strides = array<i32>} : memref<40xi32, #tpu.memory_space<vmem>>, vector<16xi32>,
    %swap3A_32 = vector.shape_cast %swap3A_31 : vector<16xi32> to vector<16xi32>
    %swap3A_33 = vector.shape_cast %add3A_29 : vector<16xi32> to vector<16xi32>
    tpu.vector_store %arg11[%swap3A_30], %swap3A_33 {strides = array<i32>} : memref<40xi32, #tpu.memory_space<vmem>>, vector<16xi32>,
    %add3A_34 = arith.constant 40 : i32
    %add3A_35 = vector.broadcast %add3A_34 : i32 to vector<16xi32>
    %add3A_36 = arith.addi %add3A_29, %add3A_35 : vector<16xi32>
    %swap3A_37 = arith.constant 16 : index
    %swap3A_38 = tpu.vector_load %arg12[%swap3A_37] {strides = array<i32>} : memref<40xi32, #tpu.memory_space<vmem>>, vector<16xi32>,
    %swap3A_39 = vector.shape_cast %swap3A_38 : vector<16xi32> to vector<16xi32>
    %swap3A_40 = vector.shape_cast %add3A_36 : vector<16xi32> to vector<16xi32>
    tpu.vector_store %arg12[%swap3A_37], %swap3A_40 {strides = array<i32>} : memref<40xi32, #tpu.memory_space<vmem>>, vector<16xi32>,
    %iota3A_41 = tpu.iota {dimensions = array<i32: 0>} : vector<16xi32>
    %mul3A_42 = arith.constant 2 : i32
    %mul3A_43 = arith.muli %arg1, %mul3A_42 : i32
    %mul3A_44 = arith.constant 40 : i32
    %mul3A_45 = arith.muli %mul3A_43, %mul3A_44 : i32
    %add3A_46 = arith.constant 24 : i32
    %add3A_47 = arith.addi %mul3A_45, %add3A_46 : i32
    %add3A_48 = vector.broadcast %add3A_47 : i32 to vector<16xi32>
    %add3A_49 = arith.addi %iota3A_41, %add3A_48 : vector<16xi32>
    %swap3A_50 = arith.constant 24 : index
    %swap3A_51 = tpu.vector_load %arg11[%swap3A_50] {strides = array<i32>} : memref<40xi32, #tpu.memory_space<vmem>>, vector<16xi32>,
    %swap3A_52 = vector.shape_cast %swap3A_51 : vector<16xi32> to vector<16xi32>
    %swap3A_53 = vector.shape_cast %add3A_49 : vector<16xi32> to vector<16xi32>
    tpu.vector_store %arg11[%swap3A_50], %swap3A_53 {strides = array<i32>} : memref<40xi32, #tpu.memory_space<vmem>>, vector<16xi32>,
    %add3A_54 = arith.constant 40 : i32
    %add3A_55 = vector.broadcast %add3A_54 : i32 to vector<16xi32>
    %add3A_56 = arith.addi %add3A_49, %add3A_55 : vector<16xi32>
    %swap3A_57 = arith.constant 24 : index
    %swap3A_58 = tpu.vector_load %arg12[%swap3A_57] {strides = array<i32>} : memref<40xi32, #tpu.memory_space<vmem>>, vector<16xi32>,
    %swap3A_59 = vector.shape_cast %swap3A_58 : vector<16xi32> to vector<16xi32>
    %swap3A_60 = vector.shape_cast %add3A_56 : vector<16xi32> to vector<16xi32>
    tpu.vector_store %arg12[%swap3A_57], %swap3A_60 {strides = array<i32>} : memref<40xi32, #tpu.memory_space<vmem>>, vector<16xi32>,
    %dma_start3A = arith.constant 0 : i32
    %dma_start3A_61 = arith.constant 0 : i32
    %dma_start3A_62 = arith.constant 0 : i32
    %dma_start3A_63 = tpu.memref_slice %arg9[%dma_start3A, %dma_start3A_61, %dma_start3A_62] : memref<2x40x128xf32, #tpu.memory_space<vmem>> -> memref<1x40x128xf32, #tpu.memory_space<vmem>>
    %dma_start3A_64 = tpu.memref_squeeze %dma_start3A_63 : memref<1x40x128xf32, #tpu.memory_space<vmem>> -> memref<40x128xf32, #tpu.memory_space<vmem>>
    %dma_start3A_65 = arith.constant 0 : i32
    %dma_start3A_66 = tpu.memref_slice %arg7[%dma_start3A_65] : memref<5000xi32, #tpu.memory_space<vmem>> -> memref<40xi32, #tpu.memory_space<vmem>>
    %dma_start3A_67 = arith.constant 0 : i32
    %dma_start3A_68 = arith.constant 0 : i32
    %dma_start3A_69 = tpu.memref_slice %arg4[%dma_start3A_67, %dma_start3A_68] : memref<10240x128xf32, #tpu.memory_space<hbm>> -> memref<10240x128xf32, #tpu.memory_space<hbm>>
    tpu.enqueue_indirect_dma source(%dma_start3A_69 : memref<10240x128xf32, #tpu.memory_space<hbm>>) target(%dma_start3A_64 : memref<40x128xf32, #tpu.memory_space<vmem>>) offsets(%dma_start3A_66 : memref<40xi32, #tpu.memory_space<vmem>>) semaphore(%arg14 : memref<!tpu.dma_semaphore, #tpu.memory_space<semaphore_mem>>)
    %dma_start3A_70 = arith.constant 0 : i32
    %dma_start3A_71 = arith.constant 0 : i32
    %dma_start3A_72 = arith.constant 0 : i32
    %dma_start3A_73 = tpu.memref_slice %arg10[%dma_start3A_70, %dma_start3A_71, %dma_start3A_72] : memref<2x40x128xf32, #tpu.memory_space<vmem>> -> memref<1x40x128xf32, #tpu.memory_space<vmem>>
    %dma_start3A_74 = tpu.memref_squeeze %dma_start3A_73 : memref<1x40x128xf32, #tpu.memory_space<vmem>> -> memref<40x128xf32, #tpu.memory_space<vmem>>
    %dma_start3A_75 = arith.constant 0 : i32
    %dma_start3A_76 = tpu.memref_slice %arg8[%dma_start3A_75] : memref<5000xi32, #tpu.memory_space<vmem>> -> memref<40xi32, #tpu.memory_space<vmem>>
    %dma_start3A_77 = arith.constant 0 : i32
    %dma_start3A_78 = arith.constant 0 : i32
    %dma_start3A_79 = tpu.memref_slice %arg5[%dma_start3A_77, %dma_start3A_78] : memref<10240x128xf32, #tpu.memory_space<hbm>> -> memref<10240x128xf32, #tpu.memory_space<hbm>>
    tpu.enqueue_indirect_dma source(%dma_start3A_79 : memref<10240x128xf32, #tpu.memory_space<hbm>>) target(%dma_start3A_74 : memref<40x128xf32, #tpu.memory_space<vmem>>) offsets(%dma_start3A_76 : memref<40xi32, #tpu.memory_space<vmem>>) semaphore(%arg16 : memref<!tpu.dma_semaphore, #tpu.memory_space<semaphore_mem>>)
    %dma_start3A_80 = arith.constant 1 : i32
    %dma_start3A_81 = arith.constant 0 : i32
    %dma_start3A_82 = arith.constant 0 : i32
    %dma_start3A_83 = tpu.memref_slice %arg9[%dma_start3A_80, %dma_start3A_81, %dma_start3A_82] : memref<2x40x128xf32, #tpu.memory_space<vmem>> -> memref<1x40x128xf32, #tpu.memory_space<vmem>>
    %dma_start3A_84 = tpu.memref_squeeze %dma_start3A_83 : memref<1x40x128xf32, #tpu.memory_space<vmem>> -> memref<40x128xf32, #tpu.memory_space<vmem>>
    %dma_start3A_85 = arith.constant 40 : i32
    %dma_start3A_86 = tpu.memref_slice %arg7[%dma_start3A_85] : memref<5000xi32, #tpu.memory_space<vmem>> -> memref<40xi32, #tpu.memory_space<vmem>>
    %dma_start3A_87 = arith.constant 0 : i32
    %dma_start3A_88 = arith.constant 0 : i32
    %dma_start3A_89 = tpu.memref_slice %arg4[%dma_start3A_87, %dma_start3A_88] : memref<10240x128xf32, #tpu.memory_space<hbm>> -> memref<10240x128xf32, #tpu.memory_space<hbm>>
    tpu.enqueue_indirect_dma source(%dma_start3A_89 : memref<10240x128xf32, #tpu.memory_space<hbm>>) target(%dma_start3A_84 : memref<40x128xf32, #tpu.memory_space<vmem>>) offsets(%dma_start3A_86 : memref<40xi32, #tpu.memory_space<vmem>>) semaphore(%arg15 : memref<!tpu.dma_semaphore, #tpu.memory_space<semaphore_mem>>)
    %dma_start3A_90 = arith.constant 1 : i32
    %dma_start3A_91 = arith.constant 0 : i32
    %dma_start3A_92 = arith.constant 0 : i32
    %dma_start3A_93 = tpu.memref_slice %arg10[%dma_start3A_90, %dma_start3A_91, %dma_start3A_92] : memref<2x40x128xf32, #tpu.memory_space<vmem>> -> memref<1x40x128xf32, #tpu.memory_space<vmem>>
    %dma_start3A_94 = tpu.memref_squeeze %dma_start3A_93 : memref<1x40x128xf32, #tpu.memory_space<vmem>> -> memref<40x128xf32, #tpu.memory_space<vmem>>
    %dma_start3A_95 = arith.constant 40 : i32
    %dma_start3A_96 = tpu.memref_slice %arg8[%dma_start3A_95] : memref<5000xi32, #tpu.memory_space<vmem>> -> memref<40xi32, #tpu.memory_space<vmem>>
    %dma_start3A_97 = arith.constant 0 : i32
    %dma_start3A_98 = arith.constant 0 : i32
    %dma_start3A_99 = tpu.memref_slice %arg5[%dma_start3A_97, %dma_start3A_98] : memref<10240x128xf32, #tpu.memory_space<hbm>> -> memref<10240x128xf32, #tpu.memory_space<hbm>>
    tpu.enqueue_indirect_dma source(%dma_start3A_99 : memref<10240x128xf32, #tpu.memory_space<hbm>>) target(%dma_start3A_94 : memref<40x128xf32, #tpu.memory_space<vmem>>) offsets(%dma_start3A_96 : memref<40xi32, #tpu.memory_space<vmem>>) semaphore(%arg17 : memref<!tpu.dma_semaphore, #tpu.memory_space<semaphore_mem>>)
    %dma_wait3A = arith.constant 0 : i32
    %dma_wait3A_100 = arith.constant 0 : i32
    %dma_wait3A_101 = arith.constant 0 : i32
    %dma_wait3A_102 = tpu.memref_slice %arg9[%dma_wait3A, %dma_wait3A_100, %dma_wait3A_101] : memref<2x40x128xf32, #tpu.memory_space<vmem>> -> memref<1x40x128xf32, #tpu.memory_space<vmem>>
    %dma_wait3A_103 = tpu.memref_squeeze %dma_wait3A_102 : memref<1x40x128xf32, #tpu.memory_space<vmem>> -> memref<40x128xf32, #tpu.memory_space<vmem>>
    %dma_wait3A_104 = arith.constant 0 : i32
    %dma_wait3A_105 = tpu.memref_slice %arg7[%dma_wait3A_104] : memref<5000xi32, #tpu.memory_space<vmem>> -> memref<40xi32, #tpu.memory_space<vmem>>
    %dma_wait3A_106 = arith.constant 0 : i32
    %dma_wait3A_107 = arith.constant 0 : i32
    %dma_wait3A_108 = tpu.memref_slice %arg4[%dma_wait3A_106, %dma_wait3A_107] : memref<10240x128xf32, #tpu.memory_space<hbm>> -> memref<10240x128xf32, #tpu.memory_space<hbm>>
    tpu.wait_indirect_dma semaphore(%arg14 : memref<!tpu.dma_semaphore, #tpu.memory_space<semaphore_mem>>) src(%dma_wait3A_108 : memref<10240x128xf32, #tpu.memory_space<hbm>>) dst(%dma_wait3A_103 : memref<40x128xf32, #tpu.memory_space<vmem>>)
    %dma_wait3A_109 = arith.constant 0 : i32
    %dma_wait3A_110 = arith.constant 0 : i32
    %dma_wait3A_111 = arith.constant 0 : i32
    %dma_wait3A_112 = tpu.memref_slice %arg10[%dma_wait3A_109, %dma_wait3A_110, %dma_wait3A_111] : memref<2x40x128xf32, #tpu.memory_space<vmem>> -> memref<1x40x128xf32, #tpu.memory_space<vmem>>
    %dma_wait3A_113 = tpu.memref_squeeze %dma_wait3A_112 : memref<1x40x128xf32, #tpu.memory_space<vmem>> -> memref<40x128xf32, #tpu.memory_space<vmem>>
    %dma_wait3A_114 = arith.constant 0 : i32
    %dma_wait3A_115 = tpu.memref_slice %arg7[%dma_wait3A_114] : memref<5000xi32, #tpu.memory_space<vmem>> -> memref<40xi32, #tpu.memory_space<vmem>>
    %dma_wait3A_116 = arith.constant 0 : i32
    %dma_wait3A_117 = arith.constant 0 : i32
    %dma_wait3A_118 = tpu.memref_slice %arg5[%dma_wait3A_116, %dma_wait3A_117] : memref<10240x128xf32, #tpu.memory_space<hbm>> -> memref<10240x128xf32, #tpu.memory_space<hbm>>
    tpu.wait_indirect_dma semaphore(%arg16 : memref<!tpu.dma_semaphore, #tpu.memory_space<semaphore_mem>>) src(%dma_wait3A_118 : memref<10240x128xf32, #tpu.memory_space<hbm>>) dst(%dma_wait3A_113 : memref<40x128xf32, #tpu.memory_space<vmem>>)
    %mul3A_119 = arith.constant 2 : i32
    %mul3A_120 = arith.muli %arg1, %mul3A_119 : i32
    %add3A_121 = arith.constant 0 : i32
    %add3A_122 = arith.addi %mul3A_120, %add3A_121 : i32
    %mul3A_123 = arith.constant 40 : i32
    %mul3A_124 = arith.muli %add3A_122, %mul3A_123 : i32
    %run_scoped3A = arith.constant 0 : i32
    "tpu.region"() ({
      %run_scoped3A_413 = tpu.sem_alloc : memref<!tpu.dma_semaphore, #tpu.memory_space<semaphore_mem>>
      %dma_start3A_414 = arith.constant 0 : i32
      %dma_start3A_415 = arith.constant 0 : i32
      %dma_start3A_416 = tpu.memref_slice %arg9[%run_scoped3A, %dma_start3A_414, %dma_start3A_415] : memref<2x40x128xf32, #tpu.memory_space<vmem>> -> memref<1x40x128xf32, #tpu.memory_space<vmem>>
      %dma_start3A_417 = tpu.memref_squeeze %dma_start3A_416 : memref<1x40x128xf32, #tpu.memory_space<vmem>> -> memref<40x128xf32, #tpu.memory_space<vmem>>
      %dma_start3A_418 = arith.constant 0 : i32
      %dma_start3A_419 = tpu.memref_slice %arg13[%mul3A_124, %dma_start3A_418] : memref<1280x128xf32, #tpu.memory_space<vmem_shared>> -> memref<40x128xf32, #tpu.memory_space<vmem_shared>>
      %dma_start3A_420 = arith.constant 0 : i32
      %dma_start3A_421 = tpu.memref_slice %arg13[%mul3A_124, %dma_start3A_420] : memref<1280x128xf32, #tpu.memory_space<vmem_shared>> -> memref<40x128xf32, #tpu.memory_space<vmem_shared>>
      %dma_start3A_422 = arith.constant 0 : i32
      %dma_start3A_423 = arith.constant 0 : i32
      %dma_start3A_424 = tpu.memref_slice %arg9[%run_scoped3A, %dma_start3A_422, %dma_start3A_423] : memref<2x40x128xf32, #tpu.memory_space<vmem>> -> memref<1x40x128xf32, #tpu.memory_space<vmem>>
      %dma_start3A_425 = tpu.memref_squeeze %dma_start3A_424 : memref<1x40x128xf32, #tpu.memory_space<vmem>> -> memref<40x128xf32, #tpu.memory_space<vmem>>
      tpu.enqueue_dma source(%dma_start3A_425 : memref<40x128xf32, #tpu.memory_space<vmem>>) target(%dma_start3A_421 : memref<40x128xf32, #tpu.memory_space<vmem_shared>>) target_semaphore(%run_scoped3A_413 : memref<!tpu.dma_semaphore, #tpu.memory_space<semaphore_mem>>)
      %dma_wait3A_426 = arith.constant 0 : i32
      %dma_wait3A_427 = arith.constant 0 : i32
      %dma_wait3A_428 = tpu.memref_slice %arg9[%run_scoped3A, %dma_wait3A_426, %dma_wait3A_427] : memref<2x40x128xf32, #tpu.memory_space<vmem>> -> memref<1x40x128xf32, #tpu.memory_space<vmem>>
      %dma_wait3A_429 = tpu.memref_squeeze %dma_wait3A_428 : memref<1x40x128xf32, #tpu.memory_space<vmem>> -> memref<40x128xf32, #tpu.memory_space<vmem>>
      %dma_wait3A_430 = arith.constant 0 : i32
      %dma_wait3A_431 = tpu.memref_slice %arg13[%mul3A_124, %dma_wait3A_430] : memref<1280x128xf32, #tpu.memory_space<vmem_shared>> -> memref<40x128xf32, #tpu.memory_space<vmem_shared>>
      %dma_wait3A_432 = arith.constant 0 : i32
      %dma_wait3A_433 = tpu.memref_slice %arg13[%mul3A_124, %dma_wait3A_432] : memref<1280x128xf32, #tpu.memory_space<vmem_shared>> -> memref<40x128xf32, #tpu.memory_space<vmem_shared>>
      %dma_wait3A_434 = arith.constant 0 : i32
      %dma_wait3A_435 = arith.constant 0 : i32
      %dma_wait3A_436 = tpu.memref_slice %arg9[%run_scoped3A, %dma_wait3A_434, %dma_wait3A_435] : memref<2x40x128xf32, #tpu.memory_space<vmem>> -> memref<1x40x128xf32, #tpu.memory_space<vmem>>
      %dma_wait3A_437 = tpu.memref_squeeze %dma_wait3A_436 : memref<1x40x128xf32, #tpu.memory_space<vmem>> -> memref<40x128xf32, #tpu.memory_space<vmem>>
      tpu.wait_dma2 semaphore(%run_scoped3A_413 : memref<!tpu.dma_semaphore, #tpu.memory_space<semaphore_mem>>) src(%dma_wait3A_437 : memref<40x128xf32, #tpu.memory_space<vmem>>) dst(%dma_wait3A_433 : memref<40x128xf32, #tpu.memory_space<vmem_shared>>)
      tpu.yield
    }) : () -> ()
    %run_scoped3A_125 = arith.constant 0 : i32
    "tpu.region"() ({
      %run_scoped3A_413 = tpu.sem_alloc : memref<!tpu.dma_semaphore, #tpu.memory_space<semaphore_mem>>
      %dma_start3A_414 = arith.constant 0 : i32
      %dma_start3A_415 = arith.constant 0 : i32
      %dma_start3A_416 = tpu.memref_slice %arg10[%run_scoped3A_125, %dma_start3A_414, %dma_start3A_415] : memref<2x40x128xf32, #tpu.memory_space<vmem>> -> memref<1x40x128xf32, #tpu.memory_space<vmem>>
      %dma_start3A_417 = tpu.memref_squeeze %dma_start3A_416 : memref<1x40x128xf32, #tpu.memory_space<vmem>> -> memref<40x128xf32, #tpu.memory_space<vmem>>
      %dma_start3A_418 = arith.constant 0 : i32
      %dma_start3A_419 = arith.constant 0 : i32
      %dma_start3A_420 = tpu.memref_slice %arg13[%dma_start3A_418, %dma_start3A_419] : memref<1280x128xf32, #tpu.memory_space<vmem_shared>> -> memref<1280x128xf32, #tpu.memory_space<vmem_shared>>
      tpu.enqueue_indirect_dma source(%dma_start3A_417 : memref<40x128xf32, #tpu.memory_space<vmem>>) target(%dma_start3A_420 : memref<1280x128xf32, #tpu.memory_space<vmem_shared>>) offsets(%arg11 : memref<40xi32, #tpu.memory_space<vmem>>) semaphore(%run_scoped3A_413 : memref<!tpu.dma_semaphore, #tpu.memory_space<semaphore_mem>>) {add = true}
      %dma_wait3A_421 = arith.constant 0 : i32
      %dma_wait3A_422 = arith.constant 0 : i32
      %dma_wait3A_423 = tpu.memref_slice %arg10[%run_scoped3A_125, %dma_wait3A_421, %dma_wait3A_422] : memref<2x40x128xf32, #tpu.memory_space<vmem>> -> memref<1x40x128xf32, #tpu.memory_space<vmem>>
      %dma_wait3A_424 = tpu.memref_squeeze %dma_wait3A_423 : memref<1x40x128xf32, #tpu.memory_space<vmem>> -> memref<40x128xf32, #tpu.memory_space<vmem>>
      %dma_wait3A_425 = arith.constant 0 : i32
      %dma_wait3A_426 = arith.constant 0 : i32
      %dma_wait3A_427 = tpu.memref_slice %arg13[%dma_wait3A_425, %dma_wait3A_426] : memref<1280x128xf32, #tpu.memory_space<vmem_shared>> -> memref<1280x128xf32, #tpu.memory_space<vmem_shared>>
      tpu.wait_indirect_dma semaphore(%run_scoped3A_413 : memref<!tpu.dma_semaphore, #tpu.memory_space<semaphore_mem>>) src(%dma_wait3A_424 : memref<40x128xf32, #tpu.memory_space<vmem>>) dst(%dma_wait3A_427 : memref<1280x128xf32, #tpu.memory_space<vmem_shared>>)
      tpu.yield
    }) : () -> ()
    %mul3A_126 = arith.constant 2 : i32
    %mul3A_127 = arith.muli %arg1, %mul3A_126 : i32
    %add3A_128 = arith.constant 0 : i32
    %add3A_129 = arith.addi %mul3A_127, %add3A_128 : i32
    %mul3A_130 = arith.constant 40 : i32
    %mul3A_131 = arith.muli %add3A_129, %mul3A_130 : i32
    %add3A_132 = arith.constant 0 : i32
    %add3A_133 = arith.addi %mul3A_2, %add3A_132 : i32
    %dma_start3A_134 = arith.constant 0 : i32
    %dma_start3A_135 = tpu.memref_slice %arg6[%add3A_133, %dma_start3A_134] : memref<160000x128xf32, #tpu.memory_space<hbm>> -> memref<40x128xf32, #tpu.memory_space<hbm>>
    %dma_start3A_136 = arith.constant 0 : i32
    %dma_start3A_137 = tpu.memref_slice %arg13[%mul3A_131, %dma_start3A_136] : memref<1280x128xf32, #tpu.memory_space<vmem_shared>> -> memref<40x128xf32, #tpu.memory_space<vmem_shared>>
    tpu.enqueue_dma source(%dma_start3A_137 : memref<40x128xf32, #tpu.memory_space<vmem_shared>>) target(%dma_start3A_135 : memref<40x128xf32, #tpu.memory_space<hbm>>) target_semaphore(%arg18 : memref<!tpu.dma_semaphore, #tpu.memory_space<semaphore_mem>>)
    %dma_start3A_138 = arith.constant 0 : i32
    %dma_start3A_139 = arith.constant 0 : i32
    %dma_start3A_140 = arith.constant 0 : i32
    %dma_start3A_141 = tpu.memref_slice %arg9[%dma_start3A_138, %dma_start3A_139, %dma_start3A_140] : memref<2x40x128xf32, #tpu.memory_space<vmem>> -> memref<1x40x128xf32, #tpu.memory_space<vmem>>
    %dma_start3A_142 = tpu.memref_squeeze %dma_start3A_141 : memref<1x40x128xf32, #tpu.memory_space<vmem>> -> memref<40x128xf32, #tpu.memory_space<vmem>>
    %dma_start3A_143 = arith.constant 80 : i32
    %dma_start3A_144 = tpu.memref_slice %arg7[%dma_start3A_143] : memref<5000xi32, #tpu.memory_space<vmem>> -> memref<40xi32, #tpu.memory_space<vmem>>
    %dma_start3A_145 = arith.constant 0 : i32
    %dma_start3A_146 = arith.constant 0 : i32
    %dma_start3A_147 = tpu.memref_slice %arg4[%dma_start3A_145, %dma_start3A_146] : memref<10240x128xf32, #tpu.memory_space<hbm>> -> memref<10240x128xf32, #tpu.memory_space<hbm>>
    tpu.enqueue_indirect_dma source(%dma_start3A_147 : memref<10240x128xf32, #tpu.memory_space<hbm>>) target(%dma_start3A_142 : memref<40x128xf32, #tpu.memory_space<vmem>>) offsets(%dma_start3A_144 : memref<40xi32, #tpu.memory_space<vmem>>) semaphore(%arg14 : memref<!tpu.dma_semaphore, #tpu.memory_space<semaphore_mem>>)
    %dma_start3A_148 = arith.constant 0 : i32
    %dma_start3A_149 = arith.constant 0 : i32
    %dma_start3A_150 = arith.constant 0 : i32
    %dma_start3A_151 = tpu.memref_slice %arg10[%dma_start3A_148, %dma_start3A_149, %dma_start3A_150] : memref<2x40x128xf32, #tpu.memory_space<vmem>> -> memref<1x40x128xf32, #tpu.memory_space<vmem>>
    %dma_start3A_152 = tpu.memref_squeeze %dma_start3A_151 : memref<1x40x128xf32, #tpu.memory_space<vmem>> -> memref<40x128xf32, #tpu.memory_space<vmem>>
    %dma_start3A_153 = arith.constant 80 : i32
    %dma_start3A_154 = tpu.memref_slice %arg8[%dma_start3A_153] : memref<5000xi32, #tpu.memory_space<vmem>> -> memref<40xi32, #tpu.memory_space<vmem>>
    %dma_start3A_155 = arith.constant 0 : i32
    %dma_start3A_156 = arith.constant 0 : i32
    %dma_start3A_157 = tpu.memref_slice %arg5[%dma_start3A_155, %dma_start3A_156] : memref<10240x128xf32, #tpu.memory_space<hbm>> -> memref<10240x128xf32, #tpu.memory_space<hbm>>
    tpu.enqueue_indirect_dma source(%dma_start3A_157 : memref<10240x128xf32, #tpu.memory_space<hbm>>) target(%dma_start3A_152 : memref<40x128xf32, #tpu.memory_space<vmem>>) offsets(%dma_start3A_154 : memref<40xi32, #tpu.memory_space<vmem>>) semaphore(%arg16 : memref<!tpu.dma_semaphore, #tpu.memory_space<semaphore_mem>>)
    %dma_wait3A_158 = arith.constant 1 : i32
    %dma_wait3A_159 = arith.constant 0 : i32
    %dma_wait3A_160 = arith.constant 0 : i32
    %dma_wait3A_161 = tpu.memref_slice %arg9[%dma_wait3A_158, %dma_wait3A_159, %dma_wait3A_160] : memref<2x40x128xf32, #tpu.memory_space<vmem>> -> memref<1x40x128xf32, #tpu.memory_space<vmem>>
    %dma_wait3A_162 = tpu.memref_squeeze %dma_wait3A_161 : memref<1x40x128xf32, #tpu.memory_space<vmem>> -> memref<40x128xf32, #tpu.memory_space<vmem>>
    %dma_wait3A_163 = arith.constant 0 : i32
    %dma_wait3A_164 = tpu.memref_slice %arg7[%dma_wait3A_163] : memref<5000xi32, #tpu.memory_space<vmem>> -> memref<40xi32, #tpu.memory_space<vmem>>
    %dma_wait3A_165 = arith.constant 0 : i32
    %dma_wait3A_166 = arith.constant 0 : i32
    %dma_wait3A_167 = tpu.memref_slice %arg4[%dma_wait3A_165, %dma_wait3A_166] : memref<10240x128xf32, #tpu.memory_space<hbm>> -> memref<10240x128xf32, #tpu.memory_space<hbm>>
    tpu.wait_indirect_dma semaphore(%arg15 : memref<!tpu.dma_semaphore, #tpu.memory_space<semaphore_mem>>) src(%dma_wait3A_167 : memref<10240x128xf32, #tpu.memory_space<hbm>>) dst(%dma_wait3A_162 : memref<40x128xf32, #tpu.memory_space<vmem>>)
    %dma_wait3A_168 = arith.constant 1 : i32
    %dma_wait3A_169 = arith.constant 0 : i32
    %dma_wait3A_170 = arith.constant 0 : i32
    %dma_wait3A_171 = tpu.memref_slice %arg10[%dma_wait3A_168, %dma_wait3A_169, %dma_wait3A_170] : memref<2x40x128xf32, #tpu.memory_space<vmem>> -> memref<1x40x128xf32, #tpu.memory_space<vmem>>
    %dma_wait3A_172 = tpu.memref_squeeze %dma_wait3A_171 : memref<1x40x128xf32, #tpu.memory_space<vmem>> -> memref<40x128xf32, #tpu.memory_space<vmem>>
    %dma_wait3A_173 = arith.constant 0 : i32
    %dma_wait3A_174 = tpu.memref_slice %arg7[%dma_wait3A_173] : memref<5000xi32, #tpu.memory_space<vmem>> -> memref<40xi32, #tpu.memory_space<vmem>>
    %dma_wait3A_175 = arith.constant 0 : i32
    %dma_wait3A_176 = arith.constant 0 : i32
    %dma_wait3A_177 = tpu.memref_slice %arg5[%dma_wait3A_175, %dma_wait3A_176] : memref<10240x128xf32, #tpu.memory_space<hbm>> -> memref<10240x128xf32, #tpu.memory_space<hbm>>
    tpu.wait_indirect_dma semaphore(%arg17 : memref<!tpu.dma_semaphore, #tpu.memory_space<semaphore_mem>>) src(%dma_wait3A_177 : memref<10240x128xf32, #tpu.memory_space<hbm>>) dst(%dma_wait3A_172 : memref<40x128xf32, #tpu.memory_space<vmem>>)
    %mul3A_178 = arith.constant 2 : i32
    %mul3A_179 = arith.muli %arg1, %mul3A_178 : i32
    %add3A_180 = arith.constant 1 : i32
    %add3A_181 = arith.addi %mul3A_179, %add3A_180 : i32
    %mul3A_182 = arith.constant 40 : i32
    %mul3A_183 = arith.muli %add3A_181, %mul3A_182 : i32
    %run_scoped3A_184 = arith.constant 1 : i32
    "tpu.region"() ({
      %run_scoped3A_413 = tpu.sem_alloc : memref<!tpu.dma_semaphore, #tpu.memory_space<semaphore_mem>>
      %dma_start3A_414 = arith.constant 0 : i32
      %dma_start3A_415 = arith.constant 0 : i32
      %dma_start3A_416 = tpu.memref_slice %arg9[%run_scoped3A_184, %dma_start3A_414, %dma_start3A_415] : memref<2x40x128xf32, #tpu.memory_space<vmem>> -> memref<1x40x128xf32, #tpu.memory_space<vmem>>
      %dma_start3A_417 = tpu.memref_squeeze %dma_start3A_416 : memref<1x40x128xf32, #tpu.memory_space<vmem>> -> memref<40x128xf32, #tpu.memory_space<vmem>>
      %dma_start3A_418 = arith.constant 0 : i32
      %dma_start3A_419 = tpu.memref_slice %arg13[%mul3A_183, %dma_start3A_418] : memref<1280x128xf32, #tpu.memory_space<vmem_shared>> -> memref<40x128xf32, #tpu.memory_space<vmem_shared>>
      %dma_start3A_420 = arith.constant 0 : i32
      %dma_start3A_421 = tpu.memref_slice %arg13[%mul3A_183, %dma_start3A_420] : memref<1280x128xf32, #tpu.memory_space<vmem_shared>> -> memref<40x128xf32, #tpu.memory_space<vmem_shared>>
      %dma_start3A_422 = arith.constant 0 : i32
      %dma_start3A_423 = arith.constant 0 : i32
      %dma_start3A_424 = tpu.memref_slice %arg9[%run_scoped3A_184, %dma_start3A_422, %dma_start3A_423] : memref<2x40x128xf32, #tpu.memory_space<vmem>> -> memref<1x40x128xf32, #tpu.memory_space<vmem>>
      %dma_start3A_425 = tpu.memref_squeeze %dma_start3A_424 : memref<1x40x128xf32, #tpu.memory_space<vmem>> -> memref<40x128xf32, #tpu.memory_space<vmem>>
      tpu.enqueue_dma source(%dma_start3A_425 : memref<40x128xf32, #tpu.memory_space<vmem>>) target(%dma_start3A_421 : memref<40x128xf32, #tpu.memory_space<vmem_shared>>) target_semaphore(%run_scoped3A_413 : memref<!tpu.dma_semaphore, #tpu.memory_space<semaphore_mem>>)
      %dma_wait3A_426 = arith.constant 0 : i32
      %dma_wait3A_427 = arith.constant 0 : i32
      %dma_wait3A_428 = tpu.memref_slice %arg9[%run_scoped3A_184, %dma_wait3A_426, %dma_wait3A_427] : memref<2x40x128xf32, #tpu.memory_space<vmem>> -> memref<1x40x128xf32, #tpu.memory_space<vmem>>
      %dma_wait3A_429 = tpu.memref_squeeze %dma_wait3A_428 : memref<1x40x128xf32, #tpu.memory_space<vmem>> -> memref<40x128xf32, #tpu.memory_space<vmem>>
      %dma_wait3A_430 = arith.constant 0 : i32
      %dma_wait3A_431 = tpu.memref_slice %arg13[%mul3A_183, %dma_wait3A_430] : memref<1280x128xf32, #tpu.memory_space<vmem_shared>> -> memref<40x128xf32, #tpu.memory_space<vmem_shared>>
      %dma_wait3A_432 = arith.constant 0 : i32
      %dma_wait3A_433 = tpu.memref_slice %arg13[%mul3A_183, %dma_wait3A_432] : memref<1280x128xf32, #tpu.memory_space<vmem_shared>> -> memref<40x128xf32, #tpu.memory_space<vmem_shared>>
      %dma_wait3A_434 = arith.constant 0 : i32
      %dma_wait3A_435 = arith.constant 0 : i32
      %dma_wait3A_436 = tpu.memref_slice %arg9[%run_scoped3A_184, %dma_wait3A_434, %dma_wait3A_435] : memref<2x40x128xf32, #tpu.memory_space<vmem>> -> memref<1x40x128xf32, #tpu.memory_space<vmem>>
      %dma_wait3A_437 = tpu.memref_squeeze %dma_wait3A_436 : memref<1x40x128xf32, #tpu.memory_space<vmem>> -> memref<40x128xf32, #tpu.memory_space<vmem>>
      tpu.wait_dma2 semaphore(%run_scoped3A_413 : memref<!tpu.dma_semaphore, #tpu.memory_space<semaphore_mem>>) src(%dma_wait3A_437 : memref<40x128xf32, #tpu.memory_space<vmem>>) dst(%dma_wait3A_433 : memref<40x128xf32, #tpu.memory_space<vmem_shared>>)
      tpu.yield
    }) : () -> ()
    %run_scoped3A_185 = arith.constant 1 : i32
    "tpu.region"() ({
      %run_scoped3A_413 = tpu.sem_alloc : memref<!tpu.dma_semaphore, #tpu.memory_space<semaphore_mem>>
      %dma_start3A_414 = arith.constant 0 : i32
      %dma_start3A_415 = arith.constant 0 : i32
      %dma_start3A_416 = tpu.memref_slice %arg10[%run_scoped3A_185, %dma_start3A_414, %dma_start3A_415] : memref<2x40x128xf32, #tpu.memory_space<vmem>> -> memref<1x40x128xf32, #tpu.memory_space<vmem>>
      %dma_start3A_417 = tpu.memref_squeeze %dma_start3A_416 : memref<1x40x128xf32, #tpu.memory_space<vmem>> -> memref<40x128xf32, #tpu.memory_space<vmem>>
      %dma_start3A_418 = arith.constant 0 : i32
      %dma_start3A_419 = arith.constant 0 : i32
      %dma_start3A_420 = tpu.memref_slice %arg13[%dma_start3A_418, %dma_start3A_419] : memref<1280x128xf32, #tpu.memory_space<vmem_shared>> -> memref<1280x128xf32, #tpu.memory_space<vmem_shared>>
      tpu.enqueue_indirect_dma source(%dma_start3A_417 : memref<40x128xf32, #tpu.memory_space<vmem>>) target(%dma_start3A_420 : memref<1280x128xf32, #tpu.memory_space<vmem_shared>>) offsets(%arg12 : memref<40xi32, #tpu.memory_space<vmem>>) semaphore(%run_scoped3A_413 : memref<!tpu.dma_semaphore, #tpu.memory_space<semaphore_mem>>) {add = true}
      %dma_wait3A_421 = arith.constant 0 : i32
      %dma_wait3A_422 = arith.constant 0 : i32
      %dma_wait3A_423 = tpu.memref_slice %arg10[%run_scoped3A_185, %dma_wait3A_421, %dma_wait3A_422] : memref<2x40x128xf32, #tpu.memory_space<vmem>> -> memref<1x40x128xf32, #tpu.memory_space<vmem>>
      %dma_wait3A_424 = tpu.memref_squeeze %dma_wait3A_423 : memref<1x40x128xf32, #tpu.memory_space<vmem>> -> memref<40x128xf32, #tpu.memory_space<vmem>>
      %dma_wait3A_425 = arith.constant 0 : i32
      %dma_wait3A_426 = arith.constant 0 : i32
      %dma_wait3A_427 = tpu.memref_slice %arg13[%dma_wait3A_425, %dma_wait3A_426] : memref<1280x128xf32, #tpu.memory_space<vmem_shared>> -> memref<1280x128xf32, #tpu.memory_space<vmem_shared>>
      tpu.wait_indirect_dma semaphore(%run_scoped3A_413 : memref<!tpu.dma_semaphore, #tpu.memory_space<semaphore_mem>>) src(%dma_wait3A_424 : memref<40x128xf32, #tpu.memory_space<vmem>>) dst(%dma_wait3A_427 : memref<1280x128xf32, #tpu.memory_space<vmem_shared>>)
      tpu.yield
    }) : () -> ()
    %mul3A_186 = arith.constant 2 : i32
    %mul3A_187 = arith.muli %arg1, %mul3A_186 : i32
    %add3A_188 = arith.constant 1 : i32
    %add3A_189 = arith.addi %mul3A_187, %add3A_188 : i32
    %mul3A_190 = arith.constant 40 : i32
    %mul3A_191 = arith.muli %add3A_189, %mul3A_190 : i32
    %add3A_192 = arith.constant 40 : i32
    %add3A_193 = arith.addi %mul3A_2, %add3A_192 : i32
    %dma_start3A_194 = arith.constant 0 : i32
    %dma_start3A_195 = tpu.memref_slice %arg6[%add3A_193, %dma_start3A_194] : memref<160000x128xf32, #tpu.memory_space<hbm>> -> memref<40x128xf32, #tpu.memory_space<hbm>>
    %dma_start3A_196 = arith.constant 0 : i32
    %dma_start3A_197 = tpu.memref_slice %arg13[%mul3A_191, %dma_start3A_196] : memref<1280x128xf32, #tpu.memory_space<vmem_shared>> -> memref<40x128xf32, #tpu.memory_space<vmem_shared>>
    tpu.enqueue_dma source(%dma_start3A_197 : memref<40x128xf32, #tpu.memory_space<vmem_shared>>) target(%dma_start3A_195 : memref<40x128xf32, #tpu.memory_space<hbm>>) target_semaphore(%arg19 : memref<!tpu.dma_semaphore, #tpu.memory_space<semaphore_mem>>)
    %dma_start3A_198 = arith.constant 1 : i32
    %dma_start3A_199 = arith.constant 0 : i32
    %dma_start3A_200 = arith.constant 0 : i32
    %dma_start3A_201 = tpu.memref_slice %arg9[%dma_start3A_198, %dma_start3A_199, %dma_start3A_200] : memref<2x40x128xf32, #tpu.memory_space<vmem>> -> memref<1x40x128xf32, #tpu.memory_space<vmem>>
    %dma_start3A_202 = tpu.memref_squeeze %dma_start3A_201 : memref<1x40x128xf32, #tpu.memory_space<vmem>> -> memref<40x128xf32, #tpu.memory_space<vmem>>
    %dma_start3A_203 = arith.constant 120 : i32
    %dma_start3A_204 = tpu.memref_slice %arg7[%dma_start3A_203] : memref<5000xi32, #tpu.memory_space<vmem>> -> memref<40xi32, #tpu.memory_space<vmem>>
    %dma_start3A_205 = arith.constant 0 : i32
    %dma_start3A_206 = arith.constant 0 : i32
    %dma_start3A_207 = tpu.memref_slice %arg4[%dma_start3A_205, %dma_start3A_206] : memref<10240x128xf32, #tpu.memory_space<hbm>> -> memref<10240x128xf32, #tpu.memory_space<hbm>>
    tpu.enqueue_indirect_dma source(%dma_start3A_207 : memref<10240x128xf32, #tpu.memory_space<hbm>>) target(%dma_start3A_202 : memref<40x128xf32, #tpu.memory_space<vmem>>) offsets(%dma_start3A_204 : memref<40xi32, #tpu.memory_space<vmem>>) semaphore(%arg15 : memref<!tpu.dma_semaphore, #tpu.memory_space<semaphore_mem>>)
    %dma_start3A_208 = arith.constant 1 : i32
    %dma_start3A_209 = arith.constant 0 : i32
    %dma_start3A_210 = arith.constant 0 : i32
    %dma_start3A_211 = tpu.memref_slice %arg10[%dma_start3A_208, %dma_start3A_209, %dma_start3A_210] : memref<2x40x128xf32, #tpu.memory_space<vmem>> -> memref<1x40x128xf32, #tpu.memory_space<vmem>>
    %dma_start3A_212 = tpu.memref_squeeze %dma_start3A_211 : memref<1x40x128xf32, #tpu.memory_space<vmem>> -> memref<40x128xf32, #tpu.memory_space<vmem>>
    %dma_start3A_213 = arith.constant 120 : i32
    %dma_start3A_214 = tpu.memref_slice %arg8[%dma_start3A_213] : memref<5000xi32, #tpu.memory_space<vmem>> -> memref<40xi32, #tpu.memory_space<vmem>>
    %dma_start3A_215 = arith.constant 0 : i32
    %dma_start3A_216 = arith.constant 0 : i32
    %dma_start3A_217 = tpu.memref_slice %arg5[%dma_start3A_215, %dma_start3A_216] : memref<10240x128xf32, #tpu.memory_space<hbm>> -> memref<10240x128xf32, #tpu.memory_space<hbm>>
    tpu.enqueue_indirect_dma source(%dma_start3A_217 : memref<10240x128xf32, #tpu.memory_space<hbm>>) target(%dma_start3A_212 : memref<40x128xf32, #tpu.memory_space<vmem>>) offsets(%dma_start3A_214 : memref<40xi32, #tpu.memory_space<vmem>>) semaphore(%arg17 : memref<!tpu.dma_semaphore, #tpu.memory_space<semaphore_mem>>)
    %scan3A = arith.constant 0 : i32
    %scan3A_218 = arith.constant 1 : i32
    %scan3A_219 = arith.constant 60 : i32
    %scan3A_220 = arith.addi %scan3A_218, %scan3A_219 : i32
    %scan3A_221 = arith.constant 1 : i32
    scf.for %scan3A_413 = %scan3A_218 to %scan3A_220 step %scan3A_221  : i32 {
      %dma_wait3A_414 = arith.constant 0 : i32
      %dma_wait3A_415 = arith.constant 0 : i32
      %dma_wait3A_416 = arith.constant 0 : i32
      %dma_wait3A_417 = tpu.memref_slice %arg9[%dma_wait3A_414, %dma_wait3A_415, %dma_wait3A_416] : memref<2x40x128xf32, #tpu.memory_space<vmem>> -> memref<1x40x128xf32, #tpu.memory_space<vmem>>
      %dma_wait3A_418 = tpu.memref_squeeze %dma_wait3A_417 : memref<1x40x128xf32, #tpu.memory_space<vmem>> -> memref<40x128xf32, #tpu.memory_space<vmem>>
      %dma_wait3A_419 = arith.constant 0 : i32
      %dma_wait3A_420 = tpu.memref_slice %arg7[%dma_wait3A_419] : memref<5000xi32, #tpu.memory_space<vmem>> -> memref<40xi32, #tpu.memory_space<vmem>>
      %dma_wait3A_421 = arith.constant 0 : i32
      %dma_wait3A_422 = arith.constant 0 : i32
      %dma_wait3A_423 = tpu.memref_slice %arg4[%dma_wait3A_421, %dma_wait3A_422] : memref<10240x128xf32, #tpu.memory_space<hbm>> -> memref<10240x128xf32, #tpu.memory_space<hbm>>
      tpu.wait_indirect_dma semaphore(%arg14 : memref<!tpu.dma_semaphore, #tpu.memory_space<semaphore_mem>>) src(%dma_wait3A_423 : memref<10240x128xf32, #tpu.memory_space<hbm>>) dst(%dma_wait3A_418 : memref<40x128xf32, #tpu.memory_space<vmem>>)
      %dma_wait3A_424 = arith.constant 0 : i32
      %dma_wait3A_425 = arith.constant 0 : i32
      %dma_wait3A_426 = arith.constant 0 : i32
      %dma_wait3A_427 = tpu.memref_slice %arg10[%dma_wait3A_424, %dma_wait3A_425, %dma_wait3A_426] : memref<2x40x128xf32, #tpu.memory_space<vmem>> -> memref<1x40x128xf32, #tpu.memory_space<vmem>>
      %dma_wait3A_428 = tpu.memref_squeeze %dma_wait3A_427 : memref<1x40x128xf32, #tpu.memory_space<vmem>> -> memref<40x128xf32, #tpu.memory_space<vmem>>
      %dma_wait3A_429 = arith.constant 0 : i32
      %dma_wait3A_430 = tpu.memref_slice %arg7[%dma_wait3A_429] : memref<5000xi32, #tpu.memory_space<vmem>> -> memref<40xi32, #tpu.memory_space<vmem>>
      %dma_wait3A_431 = arith.constant 0 : i32
      %dma_wait3A_432 = arith.constant 0 : i32
      %dma_wait3A_433 = tpu.memref_slice %arg5[%dma_wait3A_431, %dma_wait3A_432] : memref<10240x128xf32, #tpu.memory_space<hbm>> -> memref<10240x128xf32, #tpu.memory_space<hbm>>
      tpu.wait_indirect_dma semaphore(%arg16 : memref<!tpu.dma_semaphore, #tpu.memory_space<semaphore_mem>>) src(%dma_wait3A_433 : memref<10240x128xf32, #tpu.memory_space<hbm>>) dst(%dma_wait3A_428 : memref<40x128xf32, #tpu.memory_space<vmem>>)
      %mul3A_434 = arith.constant 2 : i32
      %mul3A_435 = arith.muli %arg1, %mul3A_434 : i32
      %add3A_436 = arith.constant 0 : i32
      %add3A_437 = arith.addi %mul3A_435, %add3A_436 : i32
      %mul3A_438 = arith.constant 40 : i32
      %mul3A_439 = arith.muli %add3A_437, %mul3A_438 : i32
      %dma_wait3A_440 = arith.constant 0 : i32
      %dma_wait3A_441 = tpu.memref_slice %arg6[%mul3A_2, %dma_wait3A_440] : memref<160000x128xf32, #tpu.memory_space<hbm>> -> memref<40x128xf32, #tpu.memory_space<hbm>>
      %dma_wait3A_442 = arith.constant 0 : i32
      %dma_wait3A_443 = tpu.memref_slice %arg13[%mul3A_439, %dma_wait3A_442] : memref<1280x128xf32, #tpu.memory_space<vmem_shared>> -> memref<40x128xf32, #tpu.memory_space<vmem_shared>>
      tpu.wait_dma2 semaphore(%arg18 : memref<!tpu.dma_semaphore, #tpu.memory_space<semaphore_mem>>) src(%dma_wait3A_443 : memref<40x128xf32, #tpu.memory_space<vmem_shared>>) dst(%dma_wait3A_441 : memref<40x128xf32, #tpu.memory_space<hbm>>)
      %mul3A_444 = arith.constant 2 : i32
      %mul3A_445 = arith.muli %arg1, %mul3A_444 : i32
      %add3A_446 = arith.constant 0 : i32
      %add3A_447 = arith.addi %mul3A_445, %add3A_446 : i32
      %mul3A_448 = arith.constant 40 : i32
      %mul3A_449 = arith.muli %add3A_447, %mul3A_448 : i32
      %run_scoped3A_450 = arith.constant 0 : i32
      "tpu.region"() ({
        %run_scoped3A_570 = tpu.sem_alloc : memref<!tpu.dma_semaphore, #tpu.memory_space<semaphore_mem>>
        %dma_start3A_571 = arith.constant 0 : i32
        %dma_start3A_572 = arith.constant 0 : i32
        %dma_start3A_573 = tpu.memref_slice %arg9[%run_scoped3A_450, %dma_start3A_571, %dma_start3A_572] : memref<2x40x128xf32, #tpu.memory_space<vmem>> -> memref<1x40x128xf32, #tpu.memory_space<vmem>>
        %dma_start3A_574 = tpu.memref_squeeze %dma_start3A_573 : memref<1x40x128xf32, #tpu.memory_space<vmem>> -> memref<40x128xf32, #tpu.memory_space<vmem>>
        %dma_start3A_575 = arith.constant 0 : i32
        %dma_start3A_576 = tpu.memref_slice %arg13[%mul3A_449, %dma_start3A_575] : memref<1280x128xf32, #tpu.memory_space<vmem_shared>> -> memref<40x128xf32, #tpu.memory_space<vmem_shared>>
        %dma_start3A_577 = arith.constant 0 : i32
        %dma_start3A_578 = tpu.memref_slice %arg13[%mul3A_449, %dma_start3A_577] : memref<1280x128xf32, #tpu.memory_space<vmem_shared>> -> memref<40x128xf32, #tpu.memory_space<vmem_shared>>
        %dma_start3A_579 = arith.constant 0 : i32
        %dma_start3A_580 = arith.constant 0 : i32
        %dma_start3A_581 = tpu.memref_slice %arg9[%run_scoped3A_450, %dma_start3A_579, %dma_start3A_580] : memref<2x40x128xf32, #tpu.memory_space<vmem>> -> memref<1x40x128xf32, #tpu.memory_space<vmem>>
        %dma_start3A_582 = tpu.memref_squeeze %dma_start3A_581 : memref<1x40x128xf32, #tpu.memory_space<vmem>> -> memref<40x128xf32, #tpu.memory_space<vmem>>
        tpu.enqueue_dma source(%dma_start3A_582 : memref<40x128xf32, #tpu.memory_space<vmem>>) target(%dma_start3A_578 : memref<40x128xf32, #tpu.memory_space<vmem_shared>>) target_semaphore(%run_scoped3A_570 : memref<!tpu.dma_semaphore, #tpu.memory_space<semaphore_mem>>)
        %dma_wait3A_583 = arith.constant 0 : i32
        %dma_wait3A_584 = arith.constant 0 : i32
        %dma_wait3A_585 = tpu.memref_slice %arg9[%run_scoped3A_450, %dma_wait3A_583, %dma_wait3A_584] : memref<2x40x128xf32, #tpu.memory_space<vmem>> -> memref<1x40x128xf32, #tpu.memory_space<vmem>>
        %dma_wait3A_586 = tpu.memref_squeeze %dma_wait3A_585 : memref<1x40x128xf32, #tpu.memory_space<vmem>> -> memref<40x128xf32, #tpu.memory_space<vmem>>
        %dma_wait3A_587 = arith.constant 0 : i32
        %dma_wait3A_588 = tpu.memref_slice %arg13[%mul3A_449, %dma_wait3A_587] : memref<1280x128xf32, #tpu.memory_space<vmem_shared>> -> memref<40x128xf32, #tpu.memory_space<vmem_shared>>
        %dma_wait3A_589 = arith.constant 0 : i32
        %dma_wait3A_590 = tpu.memref_slice %arg13[%mul3A_449, %dma_wait3A_589] : memref<1280x128xf32, #tpu.memory_space<vmem_shared>> -> memref<40x128xf32, #tpu.memory_space<vmem_shared>>
        %dma_wait3A_591 = arith.constant 0 : i32
        %dma_wait3A_592 = arith.constant 0 : i32
        %dma_wait3A_593 = tpu.memref_slice %arg9[%run_scoped3A_450, %dma_wait3A_591, %dma_wait3A_592] : memref<2x40x128xf32, #tpu.memory_space<vmem>> -> memref<1x40x128xf32, #tpu.memory_space<vmem>>
        %dma_wait3A_594 = tpu.memref_squeeze %dma_wait3A_593 : memref<1x40x128xf32, #tpu.memory_space<vmem>> -> memref<40x128xf32, #tpu.memory_space<vmem>>
        tpu.wait_dma2 semaphore(%run_scoped3A_570 : memref<!tpu.dma_semaphore, #tpu.memory_space<semaphore_mem>>) src(%dma_wait3A_594 : memref<40x128xf32, #tpu.memory_space<vmem>>) dst(%dma_wait3A_590 : memref<40x128xf32, #tpu.memory_space<vmem_shared>>)
        tpu.yield
      }) : () -> ()
      %run_scoped3A_451 = arith.constant 0 : i32
      "tpu.region"() ({
        %run_scoped3A_570 = tpu.sem_alloc : memref<!tpu.dma_semaphore, #tpu.memory_space<semaphore_mem>>
        %dma_start3A_571 = arith.constant 0 : i32
        %dma_start3A_572 = arith.constant 0 : i32
        %dma_start3A_573 = tpu.memref_slice %arg10[%run_scoped3A_451, %dma_start3A_571, %dma_start3A_572] : memref<2x40x128xf32, #tpu.memory_space<vmem>> -> memref<1x40x128xf32, #tpu.memory_space<vmem>>
        %dma_start3A_574 = tpu.memref_squeeze %dma_start3A_573 : memref<1x40x128xf32, #tpu.memory_space<vmem>> -> memref<40x128xf32, #tpu.memory_space<vmem>>
        %dma_start3A_575 = arith.constant 0 : i32
        %dma_start3A_576 = arith.constant 0 : i32
        %dma_start3A_577 = tpu.memref_slice %arg13[%dma_start3A_575, %dma_start3A_576] : memref<1280x128xf32, #tpu.memory_space<vmem_shared>> -> memref<1280x128xf32, #tpu.memory_space<vmem_shared>>
        tpu.enqueue_indirect_dma source(%dma_start3A_574 : memref<40x128xf32, #tpu.memory_space<vmem>>) target(%dma_start3A_577 : memref<1280x128xf32, #tpu.memory_space<vmem_shared>>) offsets(%arg11 : memref<40xi32, #tpu.memory_space<vmem>>) semaphore(%run_scoped3A_570 : memref<!tpu.dma_semaphore, #tpu.memory_space<semaphore_mem>>) {add = true}
        %dma_wait3A_578 = arith.constant 0 : i32
        %dma_wait3A_579 = arith.constant 0 : i32
        %dma_wait3A_580 = tpu.memref_slice %arg10[%run_scoped3A_451, %dma_wait3A_578, %dma_wait3A_579] : memref<2x40x128xf32, #tpu.memory_space<vmem>> -> memref<1x40x128xf32, #tpu.memory_space<vmem>>
        %dma_wait3A_581 = tpu.memref_squeeze %dma_wait3A_580 : memref<1x40x128xf32, #tpu.memory_space<vmem>> -> memref<40x128xf32, #tpu.memory_space<vmem>>
        %dma_wait3A_582 = arith.constant 0 : i32
        %dma_wait3A_583 = arith.constant 0 : i32
        %dma_wait3A_584 = tpu.memref_slice %arg13[%dma_wait3A_582, %dma_wait3A_583] : memref<1280x128xf32, #tpu.memory_space<vmem_shared>> -> memref<1280x128xf32, #tpu.memory_space<vmem_shared>>
        tpu.wait_indirect_dma semaphore(%run_scoped3A_570 : memref<!tpu.dma_semaphore, #tpu.memory_space<semaphore_mem>>) src(%dma_wait3A_581 : memref<40x128xf32, #tpu.memory_space<vmem>>) dst(%dma_wait3A_584 : memref<1280x128xf32, #tpu.memory_space<vmem_shared>>)
        tpu.yield
      }) : () -> ()
      %mul3A_452 = arith.constant 2 : i32
      %mul3A_453 = arith.muli %mul3A_452, %scan3A_413 : i32
      %mul3A_454 = arith.constant 2 : i32
      %mul3A_455 = arith.muli %arg1, %mul3A_454 : i32
      %add3A_456 = arith.constant 0 : i32
      %add3A_457 = arith.addi %mul3A_455, %add3A_456 : i32
      %mul3A_458 = arith.constant 40 : i32
      %mul3A_459 = arith.muli %add3A_457, %mul3A_458 : i32
      %mul3A_460 = arith.constant 40 : i32
      %mul3A_461 = arith.muli %mul3A_453, %mul3A_460 : i32
      %add3A_462 = arith.addi %mul3A_2, %mul3A_461 : i32
      %dma_start3A_463 = arith.constant 0 : i32
      %dma_start3A_464 = tpu.memref_slice %arg6[%add3A_462, %dma_start3A_463] : memref<160000x128xf32, #tpu.memory_space<hbm>> -> memref<40x128xf32, #tpu.memory_space<hbm>>
      %dma_start3A_465 = arith.constant 0 : i32
      %dma_start3A_466 = tpu.memref_slice %arg13[%mul3A_459, %dma_start3A_465] : memref<1280x128xf32, #tpu.memory_space<vmem_shared>> -> memref<40x128xf32, #tpu.memory_space<vmem_shared>>
      tpu.enqueue_dma source(%dma_start3A_466 : memref<40x128xf32, #tpu.memory_space<vmem_shared>>) target(%dma_start3A_464 : memref<40x128xf32, #tpu.memory_space<hbm>>) target_semaphore(%arg18 : memref<!tpu.dma_semaphore, #tpu.memory_space<semaphore_mem>>)
      %mul3A_467 = arith.constant 2 : i32
      %mul3A_468 = arith.muli %mul3A_467, %scan3A_413 : i32
      %add3A_469 = arith.constant 2 : i32
      %add3A_470 = arith.addi %mul3A_468, %add3A_469 : i32
      %mul3A_471 = arith.constant 40 : i32
      %mul3A_472 = arith.muli %add3A_470, %mul3A_471 : i32
      %dma_start3A_473 = arith.constant 0 : i32
      %dma_start3A_474 = arith.constant 0 : i32
      %dma_start3A_475 = arith.constant 0 : i32
      %dma_start3A_476 = tpu.memref_slice %arg9[%dma_start3A_473, %dma_start3A_474, %dma_start3A_475] : memref<2x40x128xf32, #tpu.memory_space<vmem>> -> memref<1x40x128xf32, #tpu.memory_space<vmem>>
      %dma_start3A_477 = tpu.memref_squeeze %dma_start3A_476 : memref<1x40x128xf32, #tpu.memory_space<vmem>> -> memref<40x128xf32, #tpu.memory_space<vmem>>
      %dma_start3A_478 = tpu.memref_slice %arg7[%mul3A_472] : memref<5000xi32, #tpu.memory_space<vmem>> -> memref<40xi32, #tpu.memory_space<vmem>>
      %dma_start3A_479 = arith.constant 0 : i32
      %dma_start3A_480 = arith.constant 0 : i32
      %dma_start3A_481 = tpu.memref_slice %arg4[%dma_start3A_479, %dma_start3A_480] : memref<10240x128xf32, #tpu.memory_space<hbm>> -> memref<10240x128xf32, #tpu.memory_space<hbm>>
      tpu.enqueue_indirect_dma source(%dma_start3A_481 : memref<10240x128xf32, #tpu.memory_space<hbm>>) target(%dma_start3A_477 : memref<40x128xf32, #tpu.memory_space<vmem>>) offsets(%dma_start3A_478 : memref<40xi32, #tpu.memory_space<vmem>>) semaphore(%arg14 : memref<!tpu.dma_semaphore, #tpu.memory_space<semaphore_mem>>)
      %dma_start3A_482 = arith.constant 0 : i32
      %dma_start3A_483 = arith.constant 0 : i32
      %dma_start3A_484 = arith.constant 0 : i32
      %dma_start3A_485 = tpu.memref_slice %arg10[%dma_start3A_482, %dma_start3A_483, %dma_start3A_484] : memref<2x40x128xf32, #tpu.memory_space<vmem>> -> memref<1x40x128xf32, #tpu.memory_space<vmem>>
      %dma_start3A_486 = tpu.memref_squeeze %dma_start3A_485 : memref<1x40x128xf32, #tpu.memory_space<vmem>> -> memref<40x128xf32, #tpu.memory_space<vmem>>
      %dma_start3A_487 = tpu.memref_slice %arg8[%mul3A_472] : memref<5000xi32, #tpu.memory_space<vmem>> -> memref<40xi32, #tpu.memory_space<vmem>>
      %dma_start3A_488 = arith.constant 0 : i32
      %dma_start3A_489 = arith.constant 0 : i32
      %dma_start3A_490 = tpu.memref_slice %arg5[%dma_start3A_488, %dma_start3A_489] : memref<10240x128xf32, #tpu.memory_space<hbm>> -> memref<10240x128xf32, #tpu.memory_space<hbm>>
      tpu.enqueue_indirect_dma source(%dma_start3A_490 : memref<10240x128xf32, #tpu.memory_space<hbm>>) target(%dma_start3A_486 : memref<40x128xf32, #tpu.memory_space<vmem>>) offsets(%dma_start3A_487 : memref<40xi32, #tpu.memory_space<vmem>>) semaphore(%arg16 : memref<!tpu.dma_semaphore, #tpu.memory_space<semaphore_mem>>)
      %dma_wait3A_491 = arith.constant 1 : i32
      %dma_wait3A_492 = arith.constant 0 : i32
      %dma_wait3A_493 = arith.constant 0 : i32
      %dma_wait3A_494 = tpu.memref_slice %arg9[%dma_wait3A_491, %dma_wait3A_492, %dma_wait3A_493] : memref<2x40x128xf32, #tpu.memory_space<vmem>> -> memref<1x40x128xf32, #tpu.memory_space<vmem>>
      %dma_wait3A_495 = tpu.memref_squeeze %dma_wait3A_494 : memref<1x40x128xf32, #tpu.memory_space<vmem>> -> memref<40x128xf32, #tpu.memory_space<vmem>>
      %dma_wait3A_496 = arith.constant 0 : i32
      %dma_wait3A_497 = tpu.memref_slice %arg7[%dma_wait3A_496] : memref<5000xi32, #tpu.memory_space<vmem>> -> memref<40xi32, #tpu.memory_space<vmem>>
      %dma_wait3A_498 = arith.constant 0 : i32
      %dma_wait3A_499 = arith.constant 0 : i32
      %dma_wait3A_500 = tpu.memref_slice %arg4[%dma_wait3A_498, %dma_wait3A_499] : memref<10240x128xf32, #tpu.memory_space<hbm>> -> memref<10240x128xf32, #tpu.memory_space<hbm>>
      tpu.wait_indirect_dma semaphore(%arg15 : memref<!tpu.dma_semaphore, #tpu.memory_space<semaphore_mem>>) src(%dma_wait3A_500 : memref<10240x128xf32, #tpu.memory_space<hbm>>) dst(%dma_wait3A_495 : memref<40x128xf32, #tpu.memory_space<vmem>>)
      %dma_wait3A_501 = arith.constant 1 : i32
      %dma_wait3A_502 = arith.constant 0 : i32
      %dma_wait3A_503 = arith.constant 0 : i32
      %dma_wait3A_504 = tpu.memref_slice %arg10[%dma_wait3A_501, %dma_wait3A_502, %dma_wait3A_503] : memref<2x40x128xf32, #tpu.memory_space<vmem>> -> memref<1x40x128xf32, #tpu.memory_space<vmem>>
      %dma_wait3A_505 = tpu.memref_squeeze %dma_wait3A_504 : memref<1x40x128xf32, #tpu.memory_space<vmem>> -> memref<40x128xf32, #tpu.memory_space<vmem>>
      %dma_wait3A_506 = arith.constant 0 : i32
      %dma_wait3A_507 = tpu.memref_slice %arg7[%dma_wait3A_506] : memref<5000xi32, #tpu.memory_space<vmem>> -> memref<40xi32, #tpu.memory_space<vmem>>
      %dma_wait3A_508 = arith.constant 0 : i32
      %dma_wait3A_509 = arith.constant 0 : i32
      %dma_wait3A_510 = tpu.memref_slice %arg5[%dma_wait3A_508, %dma_wait3A_509] : memref<10240x128xf32, #tpu.memory_space<hbm>> -> memref<10240x128xf32, #tpu.memory_space<hbm>>
      tpu.wait_indirect_dma semaphore(%arg17 : memref<!tpu.dma_semaphore, #tpu.memory_space<semaphore_mem>>) src(%dma_wait3A_510 : memref<10240x128xf32, #tpu.memory_space<hbm>>) dst(%dma_wait3A_505 : memref<40x128xf32, #tpu.memory_space<vmem>>)
      %mul3A_511 = arith.constant 2 : i32
      %mul3A_512 = arith.muli %arg1, %mul3A_511 : i32
      %add3A_513 = arith.constant 1 : i32
      %add3A_514 = arith.addi %mul3A_512, %add3A_513 : i32
      %mul3A_515 = arith.constant 40 : i32
      %mul3A_516 = arith.muli %add3A_514, %mul3A_515 : i32
      %dma_wait3A_517 = arith.constant 0 : i32
      %dma_wait3A_518 = tpu.memref_slice %arg6[%mul3A_2, %dma_wait3A_517] : memref<160000x128xf32, #tpu.memory_space<hbm>> -> memref<40x128xf32, #tpu.memory_space<hbm>>
      %dma_wait3A_519 = arith.constant 0 : i32
      %dma_wait3A_520 = tpu.memref_slice %arg13[%mul3A_516, %dma_wait3A_519] : memref<1280x128xf32, #tpu.memory_space<vmem_shared>> -> memref<40x128xf32, #tpu.memory_space<vmem_shared>>
      tpu.wait_dma2 semaphore(%arg19 : memref<!tpu.dma_semaphore, #tpu.memory_space<semaphore_mem>>) src(%dma_wait3A_520 : memref<40x128xf32, #tpu.memory_space<vmem_shared>>) dst(%dma_wait3A_518 : memref<40x128xf32, #tpu.memory_space<hbm>>)
      %mul3A_521 = arith.constant 2 : i32
      %mul3A_522 = arith.muli %arg1, %mul3A_521 : i32
      %add3A_523 = arith.constant 1 : i32
      %add3A_524 = arith.addi %mul3A_522, %add3A_523 : i32
      %mul3A_525 = arith.constant 40 : i32
      %mul3A_526 = arith.muli %add3A_524, %mul3A_525 : i32
      %run_scoped3A_527 = arith.constant 1 : i32
      "tpu.region"() ({
        %run_scoped3A_570 = tpu.sem_alloc : memref<!tpu.dma_semaphore, #tpu.memory_space<semaphore_mem>>
        %dma_start3A_571 = arith.constant 0 : i32
        %dma_start3A_572 = arith.constant 0 : i32
        %dma_start3A_573 = tpu.memref_slice %arg9[%run_scoped3A_527, %dma_start3A_571, %dma_start3A_572] : memref<2x40x128xf32, #tpu.memory_space<vmem>> -> memref<1x40x128xf32, #tpu.memory_space<vmem>>
        %dma_start3A_574 = tpu.memref_squeeze %dma_start3A_573 : memref<1x40x128xf32, #tpu.memory_space<vmem>> -> memref<40x128xf32, #tpu.memory_space<vmem>>
        %dma_start3A_575 = arith.constant 0 : i32
        %dma_start3A_576 = tpu.memref_slice %arg13[%mul3A_526, %dma_start3A_575] : memref<1280x128xf32, #tpu.memory_space<vmem_shared>> -> memref<40x128xf32, #tpu.memory_space<vmem_shared>>
        %dma_start3A_577 = arith.constant 0 : i32
        %dma_start3A_578 = tpu.memref_slice %arg13[%mul3A_526, %dma_start3A_577] : memref<1280x128xf32, #tpu.memory_space<vmem_shared>> -> memref<40x128xf32, #tpu.memory_space<vmem_shared>>
        %dma_start3A_579 = arith.constant 0 : i32
        %dma_start3A_580 = arith.constant 0 : i32
        %dma_start3A_581 = tpu.memref_slice %arg9[%run_scoped3A_527, %dma_start3A_579, %dma_start3A_580] : memref<2x40x128xf32, #tpu.memory_space<vmem>> -> memref<1x40x128xf32, #tpu.memory_space<vmem>>
        %dma_start3A_582 = tpu.memref_squeeze %dma_start3A_581 : memref<1x40x128xf32, #tpu.memory_space<vmem>> -> memref<40x128xf32, #tpu.memory_space<vmem>>
        tpu.enqueue_dma source(%dma_start3A_582 : memref<40x128xf32, #tpu.memory_space<vmem>>) target(%dma_start3A_578 : memref<40x128xf32, #tpu.memory_space<vmem_shared>>) target_semaphore(%run_scoped3A_570 : memref<!tpu.dma_semaphore, #tpu.memory_space<semaphore_mem>>)
        %dma_wait3A_583 = arith.constant 0 : i32
        %dma_wait3A_584 = arith.constant 0 : i32
        %dma_wait3A_585 = tpu.memref_slice %arg9[%run_scoped3A_527, %dma_wait3A_583, %dma_wait3A_584] : memref<2x40x128xf32, #tpu.memory_space<vmem>> -> memref<1x40x128xf32, #tpu.memory_space<vmem>>
        %dma_wait3A_586 = tpu.memref_squeeze %dma_wait3A_585 : memref<1x40x128xf32, #tpu.memory_space<vmem>> -> memref<40x128xf32, #tpu.memory_space<vmem>>
        %dma_wait3A_587 = arith.constant 0 : i32
        %dma_wait3A_588 = tpu.memref_slice %arg13[%mul3A_526, %dma_wait3A_587] : memref<1280x128xf32, #tpu.memory_space<vmem_shared>> -> memref<40x128xf32, #tpu.memory_space<vmem_shared>>
        %dma_wait3A_589 = arith.constant 0 : i32
        %dma_wait3A_590 = tpu.memref_slice %arg13[%mul3A_526, %dma_wait3A_589] : memref<1280x128xf32, #tpu.memory_space<vmem_shared>> -> memref<40x128xf32, #tpu.memory_space<vmem_shared>>
        %dma_wait3A_591 = arith.constant 0 : i32
        %dma_wait3A_592 = arith.constant 0 : i32
        %dma_wait3A_593 = tpu.memref_slice %arg9[%run_scoped3A_527, %dma_wait3A_591, %dma_wait3A_592] : memref<2x40x128xf32, #tpu.memory_space<vmem>> -> memref<1x40x128xf32, #tpu.memory_space<vmem>>
        %dma_wait3A_594 = tpu.memref_squeeze %dma_wait3A_593 : memref<1x40x128xf32, #tpu.memory_space<vmem>> -> memref<40x128xf32, #tpu.memory_space<vmem>>
        tpu.wait_dma2 semaphore(%run_scoped3A_570 : memref<!tpu.dma_semaphore, #tpu.memory_space<semaphore_mem>>) src(%dma_wait3A_594 : memref<40x128xf32, #tpu.memory_space<vmem>>) dst(%dma_wait3A_590 : memref<40x128xf32, #tpu.memory_space<vmem_shared>>)
        tpu.yield
      }) : () -> ()
      %run_scoped3A_528 = arith.constant 1 : i32
      "tpu.region"() ({
        %run_scoped3A_570 = tpu.sem_alloc : memref<!tpu.dma_semaphore, #tpu.memory_space<semaphore_mem>>
        %dma_start3A_571 = arith.constant 0 : i32
        %dma_start3A_572 = arith.constant 0 : i32
        %dma_start3A_573 = tpu.memref_slice %arg10[%run_scoped3A_528, %dma_start3A_571, %dma_start3A_572] : memref<2x40x128xf32, #tpu.memory_space<vmem>> -> memref<1x40x128xf32, #tpu.memory_space<vmem>>
        %dma_start3A_574 = tpu.memref_squeeze %dma_start3A_573 : memref<1x40x128xf32, #tpu.memory_space<vmem>> -> memref<40x128xf32, #tpu.memory_space<vmem>>
        %dma_start3A_575 = arith.constant 0 : i32
        %dma_start3A_576 = arith.constant 0 : i32
        %dma_start3A_577 = tpu.memref_slice %arg13[%dma_start3A_575, %dma_start3A_576] : memref<1280x128xf32, #tpu.memory_space<vmem_shared>> -> memref<1280x128xf32, #tpu.memory_space<vmem_shared>>
        tpu.enqueue_indirect_dma source(%dma_start3A_574 : memref<40x128xf32, #tpu.memory_space<vmem>>) target(%dma_start3A_577 : memref<1280x128xf32, #tpu.memory_space<vmem_shared>>) offsets(%arg12 : memref<40xi32, #tpu.memory_space<vmem>>) semaphore(%run_scoped3A_570 : memref<!tpu.dma_semaphore, #tpu.memory_space<semaphore_mem>>) {add = true}
        %dma_wait3A_578 = arith.constant 0 : i32
        %dma_wait3A_579 = arith.constant 0 : i32
        %dma_wait3A_580 = tpu.memref_slice %arg10[%run_scoped3A_528, %dma_wait3A_578, %dma_wait3A_579] : memref<2x40x128xf32, #tpu.memory_space<vmem>> -> memref<1x40x128xf32, #tpu.memory_space<vmem>>
        %dma_wait3A_581 = tpu.memref_squeeze %dma_wait3A_580 : memref<1x40x128xf32, #tpu.memory_space<vmem>> -> memref<40x128xf32, #tpu.memory_space<vmem>>
        %dma_wait3A_582 = arith.constant 0 : i32
        %dma_wait3A_583 = arith.constant 0 : i32
        %dma_wait3A_584 = tpu.memref_slice %arg13[%dma_wait3A_582, %dma_wait3A_583] : memref<1280x128xf32, #tpu.memory_space<vmem_shared>> -> memref<1280x128xf32, #tpu.memory_space<vmem_shared>>
        tpu.wait_indirect_dma semaphore(%run_scoped3A_570 : memref<!tpu.dma_semaphore, #tpu.memory_space<semaphore_mem>>) src(%dma_wait3A_581 : memref<40x128xf32, #tpu.memory_space<vmem>>) dst(%dma_wait3A_584 : memref<1280x128xf32, #tpu.memory_space<vmem_shared>>)
        tpu.yield
      }) : () -> ()
      %mul3A_529 = arith.constant 2 : i32
      %mul3A_530 = arith.muli %mul3A_529, %scan3A_413 : i32
      %add3A_531 = arith.constant 1 : i32
      %add3A_532 = arith.addi %mul3A_530, %add3A_531 : i32
      %mul3A_533 = arith.constant 2 : i32
      %mul3A_534 = arith.muli %arg1, %mul3A_533 : i32
      %add3A_535 = arith.constant 1 : i32
      %add3A_536 = arith.addi %mul3A_534, %add3A_535 : i32
      %mul3A_537 = arith.constant 40 : i32
      %mul3A_538 = arith.muli %add3A_536, %mul3A_537 : i32
      %mul3A_539 = arith.constant 40 : i32
      %mul3A_540 = arith.muli %add3A_532, %mul3A_539 : i32
      %add3A_541 = arith.addi %mul3A_2, %mul3A_540 : i32
      %dma_start3A_542 = arith.constant 0 : i32
      %dma_start3A_543 = tpu.memref_slice %arg6[%add3A_541, %dma_start3A_542] : memref<160000x128xf32, #tpu.memory_space<hbm>> -> memref<40x128xf32, #tpu.memory_space<hbm>>
      %dma_start3A_544 = arith.constant 0 : i32
      %dma_start3A_545 = tpu.memref_slice %arg13[%mul3A_538, %dma_start3A_544] : memref<1280x128xf32, #tpu.memory_space<vmem_shared>> -> memref<40x128xf32, #tpu.memory_space<vmem_shared>>
      tpu.enqueue_dma source(%dma_start3A_545 : memref<40x128xf32, #tpu.memory_space<vmem_shared>>) target(%dma_start3A_543 : memref<40x128xf32, #tpu.memory_space<hbm>>) target_semaphore(%arg19 : memref<!tpu.dma_semaphore, #tpu.memory_space<semaphore_mem>>)
      %mul3A_546 = arith.constant 2 : i32
      %mul3A_547 = arith.muli %mul3A_546, %scan3A_413 : i32
      %add3A_548 = arith.constant 3 : i32
      %add3A_549 = arith.addi %mul3A_547, %add3A_548 : i32
      %mul3A_550 = arith.constant 40 : i32
      %mul3A_551 = arith.muli %add3A_549, %mul3A_550 : i32
      %dma_start3A_552 = arith.constant 1 : i32
      %dma_start3A_553 = arith.constant 0 : i32
      %dma_start3A_554 = arith.constant 0 : i32
      %dma_start3A_555 = tpu.memref_slice %arg9[%dma_start3A_552, %dma_start3A_553, %dma_start3A_554] : memref<2x40x128xf32, #tpu.memory_space<vmem>> -> memref<1x40x128xf32, #tpu.memory_space<vmem>>
      %dma_start3A_556 = tpu.memref_squeeze %dma_start3A_555 : memref<1x40x128xf32, #tpu.memory_space<vmem>> -> memref<40x128xf32, #tpu.memory_space<vmem>>
      %dma_start3A_557 = tpu.memref_slice %arg7[%mul3A_551] : memref<5000xi32, #tpu.memory_space<vmem>> -> memref<40xi32, #tpu.memory_space<vmem>>
      %dma_start3A_558 = arith.constant 0 : i32
      %dma_start3A_559 = arith.constant 0 : i32
      %dma_start3A_560 = tpu.memref_slice %arg4[%dma_start3A_558, %dma_start3A_559] : memref<10240x128xf32, #tpu.memory_space<hbm>> -> memref<10240x128xf32, #tpu.memory_space<hbm>>
      tpu.enqueue_indirect_dma source(%dma_start3A_560 : memref<10240x128xf32, #tpu.memory_space<hbm>>) target(%dma_start3A_556 : memref<40x128xf32, #tpu.memory_space<vmem>>) offsets(%dma_start3A_557 : memref<40xi32, #tpu.memory_space<vmem>>) semaphore(%arg15 : memref<!tpu.dma_semaphore, #tpu.memory_space<semaphore_mem>>)
      %dma_start3A_561 = arith.constant 1 : i32
      %dma_start3A_562 = arith.constant 0 : i32
      %dma_start3A_563 = arith.constant 0 : i32
      %dma_start3A_564 = tpu.memref_slice %arg10[%dma_start3A_561, %dma_start3A_562, %dma_start3A_563] : memref<2x40x128xf32, #tpu.memory_space<vmem>> -> memref<1x40x128xf32, #tpu.memory_space<vmem>>
      %dma_start3A_565 = tpu.memref_squeeze %dma_start3A_564 : memref<1x40x128xf32, #tpu.memory_space<vmem>> -> memref<40x128xf32, #tpu.memory_space<vmem>>
      %dma_start3A_566 = tpu.memref_slice %arg8[%mul3A_551] : memref<5000xi32, #tpu.memory_space<vmem>> -> memref<40xi32, #tpu.memory_space<vmem>>
      %dma_start3A_567 = arith.constant 0 : i32
      %dma_start3A_568 = arith.constant 0 : i32
      %dma_start3A_569 = tpu.memref_slice %arg5[%dma_start3A_567, %dma_start3A_568] : memref<10240x128xf32, #tpu.memory_space<hbm>> -> memref<10240x128xf32, #tpu.memory_space<hbm>>
      tpu.enqueue_indirect_dma source(%dma_start3A_569 : memref<10240x128xf32, #tpu.memory_space<hbm>>) target(%dma_start3A_565 : memref<40x128xf32, #tpu.memory_space<vmem>>) offsets(%dma_start3A_566 : memref<40xi32, #tpu.memory_space<vmem>>) semaphore(%arg17 : memref<!tpu.dma_semaphore, #tpu.memory_space<semaphore_mem>>)
    }
    %scan3A_222 = arith.constant 60 : i32
    %dma_wait3A_223 = arith.constant 0 : i32
    %dma_wait3A_224 = arith.constant 0 : i32
    %dma_wait3A_225 = arith.constant 0 : i32
    %dma_wait3A_226 = tpu.memref_slice %arg9[%dma_wait3A_223, %dma_wait3A_224, %dma_wait3A_225] : memref<2x40x128xf32, #tpu.memory_space<vmem>> -> memref<1x40x128xf32, #tpu.memory_space<vmem>>
    %dma_wait3A_227 = tpu.memref_squeeze %dma_wait3A_226 : memref<1x40x128xf32, #tpu.memory_space<vmem>> -> memref<40x128xf32, #tpu.memory_space<vmem>>
    %dma_wait3A_228 = arith.constant 0 : i32
    %dma_wait3A_229 = tpu.memref_slice %arg7[%dma_wait3A_228] : memref<5000xi32, #tpu.memory_space<vmem>> -> memref<40xi32, #tpu.memory_space<vmem>>
    %dma_wait3A_230 = arith.constant 0 : i32
    %dma_wait3A_231 = arith.constant 0 : i32
    %dma_wait3A_232 = tpu.memref_slice %arg4[%dma_wait3A_230, %dma_wait3A_231] : memref<10240x128xf32, #tpu.memory_space<hbm>> -> memref<10240x128xf32, #tpu.memory_space<hbm>>
    tpu.wait_indirect_dma semaphore(%arg14 : memref<!tpu.dma_semaphore, #tpu.memory_space<semaphore_mem>>) src(%dma_wait3A_232 : memref<10240x128xf32, #tpu.memory_space<hbm>>) dst(%dma_wait3A_227 : memref<40x128xf32, #tpu.memory_space<vmem>>)
    %dma_wait3A_233 = arith.constant 0 : i32
    %dma_wait3A_234 = arith.constant 0 : i32
    %dma_wait3A_235 = arith.constant 0 : i32
    %dma_wait3A_236 = tpu.memref_slice %arg10[%dma_wait3A_233, %dma_wait3A_234, %dma_wait3A_235] : memref<2x40x128xf32, #tpu.memory_space<vmem>> -> memref<1x40x128xf32, #tpu.memory_space<vmem>>
    %dma_wait3A_237 = tpu.memref_squeeze %dma_wait3A_236 : memref<1x40x128xf32, #tpu.memory_space<vmem>> -> memref<40x128xf32, #tpu.memory_space<vmem>>
    %dma_wait3A_238 = arith.constant 0 : i32
    %dma_wait3A_239 = tpu.memref_slice %arg7[%dma_wait3A_238] : memref<5000xi32, #tpu.memory_space<vmem>> -> memref<40xi32, #tpu.memory_space<vmem>>
    %dma_wait3A_240 = arith.constant 0 : i32
    %dma_wait3A_241 = arith.constant 0 : i32
    %dma_wait3A_242 = tpu.memref_slice %arg5[%dma_wait3A_240, %dma_wait3A_241] : memref<10240x128xf32, #tpu.memory_space<hbm>> -> memref<10240x128xf32, #tpu.memory_space<hbm>>
    tpu.wait_indirect_dma semaphore(%arg16 : memref<!tpu.dma_semaphore, #tpu.memory_space<semaphore_mem>>) src(%dma_wait3A_242 : memref<10240x128xf32, #tpu.memory_space<hbm>>) dst(%dma_wait3A_237 : memref<40x128xf32, #tpu.memory_space<vmem>>)
    %mul3A_243 = arith.constant 2 : i32
    %mul3A_244 = arith.muli %arg1, %mul3A_243 : i32
    %add3A_245 = arith.constant 0 : i32
    %add3A_246 = arith.addi %mul3A_244, %add3A_245 : i32
    %mul3A_247 = arith.constant 40 : i32
    %mul3A_248 = arith.muli %add3A_246, %mul3A_247 : i32
    %dma_wait3A_249 = arith.constant 0 : i32
    %dma_wait3A_250 = tpu.memref_slice %arg6[%mul3A_2, %dma_wait3A_249] : memref<160000x128xf32, #tpu.memory_space<hbm>> -> memref<40x128xf32, #tpu.memory_space<hbm>>
    %dma_wait3A_251 = arith.constant 0 : i32
    %dma_wait3A_252 = tpu.memref_slice %arg13[%mul3A_248, %dma_wait3A_251] : memref<1280x128xf32, #tpu.memory_space<vmem_shared>> -> memref<40x128xf32, #tpu.memory_space<vmem_shared>>
    tpu.wait_dma2 semaphore(%arg18 : memref<!tpu.dma_semaphore, #tpu.memory_space<semaphore_mem>>) src(%dma_wait3A_252 : memref<40x128xf32, #tpu.memory_space<vmem_shared>>) dst(%dma_wait3A_250 : memref<40x128xf32, #tpu.memory_space<hbm>>)
    %mul3A_253 = arith.constant 2 : i32
    %mul3A_254 = arith.muli %arg1, %mul3A_253 : i32
    %add3A_255 = arith.constant 0 : i32
    %add3A_256 = arith.addi %mul3A_254, %add3A_255 : i32
    %mul3A_257 = arith.constant 40 : i32
    %mul3A_258 = arith.muli %add3A_256, %mul3A_257 : i32
    %run_scoped3A_259 = arith.constant 0 : i32
    "tpu.region"() ({
      %run_scoped3A_413 = tpu.sem_alloc : memref<!tpu.dma_semaphore, #tpu.memory_space<semaphore_mem>>
      %dma_start3A_414 = arith.constant 0 : i32
      %dma_start3A_415 = arith.constant 0 : i32
      %dma_start3A_416 = tpu.memref_slice %arg9[%run_scoped3A_259, %dma_start3A_414, %dma_start3A_415] : memref<2x40x128xf32, #tpu.memory_space<vmem>> -> memref<1x40x128xf32, #tpu.memory_space<vmem>>
      %dma_start3A_417 = tpu.memref_squeeze %dma_start3A_416 : memref<1x40x128xf32, #tpu.memory_space<vmem>> -> memref<40x128xf32, #tpu.memory_space<vmem>>
      %dma_start3A_418 = arith.constant 0 : i32
      %dma_start3A_419 = tpu.memref_slice %arg13[%mul3A_258, %dma_start3A_418] : memref<1280x128xf32, #tpu.memory_space<vmem_shared>> -> memref<40x128xf32, #tpu.memory_space<vmem_shared>>
      %dma_start3A_420 = arith.constant 0 : i32
      %dma_start3A_421 = tpu.memref_slice %arg13[%mul3A_258, %dma_start3A_420] : memref<1280x128xf32, #tpu.memory_space<vmem_shared>> -> memref<40x128xf32, #tpu.memory_space<vmem_shared>>
      %dma_start3A_422 = arith.constant 0 : i32
      %dma_start3A_423 = arith.constant 0 : i32
      %dma_start3A_424 = tpu.memref_slice %arg9[%run_scoped3A_259, %dma_start3A_422, %dma_start3A_423] : memref<2x40x128xf32, #tpu.memory_space<vmem>> -> memref<1x40x128xf32, #tpu.memory_space<vmem>>
      %dma_start3A_425 = tpu.memref_squeeze %dma_start3A_424 : memref<1x40x128xf32, #tpu.memory_space<vmem>> -> memref<40x128xf32, #tpu.memory_space<vmem>>
      tpu.enqueue_dma source(%dma_start3A_425 : memref<40x128xf32, #tpu.memory_space<vmem>>) target(%dma_start3A_421 : memref<40x128xf32, #tpu.memory_space<vmem_shared>>) target_semaphore(%run_scoped3A_413 : memref<!tpu.dma_semaphore, #tpu.memory_space<semaphore_mem>>)
      %dma_wait3A_426 = arith.constant 0 : i32
      %dma_wait3A_427 = arith.constant 0 : i32
      %dma_wait3A_428 = tpu.memref_slice %arg9[%run_scoped3A_259, %dma_wait3A_426, %dma_wait3A_427] : memref<2x40x128xf32, #tpu.memory_space<vmem>> -> memref<1x40x128xf32, #tpu.memory_space<vmem>>
      %dma_wait3A_429 = tpu.memref_squeeze %dma_wait3A_428 : memref<1x40x128xf32, #tpu.memory_space<vmem>> -> memref<40x128xf32, #tpu.memory_space<vmem>>
      %dma_wait3A_430 = arith.constant 0 : i32
      %dma_wait3A_431 = tpu.memref_slice %arg13[%mul3A_258, %dma_wait3A_430] : memref<1280x128xf32, #tpu.memory_space<vmem_shared>> -> memref<40x128xf32, #tpu.memory_space<vmem_shared>>
      %dma_wait3A_432 = arith.constant 0 : i32
      %dma_wait3A_433 = tpu.memref_slice %arg13[%mul3A_258, %dma_wait3A_432] : memref<1280x128xf32, #tpu.memory_space<vmem_shared>> -> memref<40x128xf32, #tpu.memory_space<vmem_shared>>
      %dma_wait3A_434 = arith.constant 0 : i32
      %dma_wait3A_435 = arith.constant 0 : i32
      %dma_wait3A_436 = tpu.memref_slice %arg9[%run_scoped3A_259, %dma_wait3A_434, %dma_wait3A_435] : memref<2x40x128xf32, #tpu.memory_space<vmem>> -> memref<1x40x128xf32, #tpu.memory_space<vmem>>
      %dma_wait3A_437 = tpu.memref_squeeze %dma_wait3A_436 : memref<1x40x128xf32, #tpu.memory_space<vmem>> -> memref<40x128xf32, #tpu.memory_space<vmem>>
      tpu.wait_dma2 semaphore(%run_scoped3A_413 : memref<!tpu.dma_semaphore, #tpu.memory_space<semaphore_mem>>) src(%dma_wait3A_437 : memref<40x128xf32, #tpu.memory_space<vmem>>) dst(%dma_wait3A_433 : memref<40x128xf32, #tpu.memory_space<vmem_shared>>)
      tpu.yield
    }) : () -> ()
    %run_scoped3A_260 = arith.constant 0 : i32
    "tpu.region"() ({
      %run_scoped3A_413 = tpu.sem_alloc : memref<!tpu.dma_semaphore, #tpu.memory_space<semaphore_mem>>
      %dma_start3A_414 = arith.constant 0 : i32
      %dma_start3A_415 = arith.constant 0 : i32
      %dma_start3A_416 = tpu.memref_slice %arg10[%run_scoped3A_260, %dma_start3A_414, %dma_start3A_415] : memref<2x40x128xf32, #tpu.memory_space<vmem>> -> memref<1x40x128xf32, #tpu.memory_space<vmem>>
      %dma_start3A_417 = tpu.memref_squeeze %dma_start3A_416 : memref<1x40x128xf32, #tpu.memory_space<vmem>> -> memref<40x128xf32, #tpu.memory_space<vmem>>
      %dma_start3A_418 = arith.constant 0 : i32
      %dma_start3A_419 = arith.constant 0 : i32
      %dma_start3A_420 = tpu.memref_slice %arg13[%dma_start3A_418, %dma_start3A_419] : memref<1280x128xf32, #tpu.memory_space<vmem_shared>> -> memref<1280x128xf32, #tpu.memory_space<vmem_shared>>
      tpu.enqueue_indirect_dma source(%dma_start3A_417 : memref<40x128xf32, #tpu.memory_space<vmem>>) target(%dma_start3A_420 : memref<1280x128xf32, #tpu.memory_space<vmem_shared>>) offsets(%arg11 : memref<40xi32, #tpu.memory_space<vmem>>) semaphore(%run_scoped3A_413 : memref<!tpu.dma_semaphore, #tpu.memory_space<semaphore_mem>>) {add = true}
      %dma_wait3A_421 = arith.constant 0 : i32
      %dma_wait3A_422 = arith.constant 0 : i32
      %dma_wait3A_423 = tpu.memref_slice %arg10[%run_scoped3A_260, %dma_wait3A_421, %dma_wait3A_422] : memref<2x40x128xf32, #tpu.memory_space<vmem>> -> memref<1x40x128xf32, #tpu.memory_space<vmem>>
      %dma_wait3A_424 = tpu.memref_squeeze %dma_wait3A_423 : memref<1x40x128xf32, #tpu.memory_space<vmem>> -> memref<40x128xf32, #tpu.memory_space<vmem>>
      %dma_wait3A_425 = arith.constant 0 : i32
      %dma_wait3A_426 = arith.constant 0 : i32
      %dma_wait3A_427 = tpu.memref_slice %arg13[%dma_wait3A_425, %dma_wait3A_426] : memref<1280x128xf32, #tpu.memory_space<vmem_shared>> -> memref<1280x128xf32, #tpu.memory_space<vmem_shared>>
      tpu.wait_indirect_dma semaphore(%run_scoped3A_413 : memref<!tpu.dma_semaphore, #tpu.memory_space<semaphore_mem>>) src(%dma_wait3A_424 : memref<40x128xf32, #tpu.memory_space<vmem>>) dst(%dma_wait3A_427 : memref<1280x128xf32, #tpu.memory_space<vmem_shared>>)
      tpu.yield
    }) : () -> ()
    %mul3A_261 = arith.constant 2 : i32
    %mul3A_262 = arith.muli %arg1, %mul3A_261 : i32
    %add3A_263 = arith.constant 0 : i32
    %add3A_264 = arith.addi %mul3A_262, %add3A_263 : i32
    %mul3A_265 = arith.constant 40 : i32
    %mul3A_266 = arith.muli %add3A_264, %mul3A_265 : i32
    %add3A_267 = arith.constant 4880 : i32
    %add3A_268 = arith.addi %mul3A_2, %add3A_267 : i32
    %dma_start3A_269 = arith.constant 0 : i32
    %dma_start3A_270 = tpu.memref_slice %arg6[%add3A_268, %dma_start3A_269] : memref<160000x128xf32, #tpu.memory_space<hbm>> -> memref<40x128xf32, #tpu.memory_space<hbm>>
    %dma_start3A_271 = arith.constant 0 : i32
    %dma_start3A_272 = tpu.memref_slice %arg13[%mul3A_266, %dma_start3A_271] : memref<1280x128xf32, #tpu.memory_space<vmem_shared>> -> memref<40x128xf32, #tpu.memory_space<vmem_shared>>
    tpu.enqueue_dma source(%dma_start3A_272 : memref<40x128xf32, #tpu.memory_space<vmem_shared>>) target(%dma_start3A_270 : memref<40x128xf32, #tpu.memory_space<hbm>>) target_semaphore(%arg18 : memref<!tpu.dma_semaphore, #tpu.memory_space<semaphore_mem>>)
    %dma_start3A_273 = arith.constant 0 : i32
    %dma_start3A_274 = arith.constant 0 : i32
    %dma_start3A_275 = arith.constant 0 : i32
    %dma_start3A_276 = tpu.memref_slice %arg9[%dma_start3A_273, %dma_start3A_274, %dma_start3A_275] : memref<2x40x128xf32, #tpu.memory_space<vmem>> -> memref<1x40x128xf32, #tpu.memory_space<vmem>>
    %dma_start3A_277 = tpu.memref_squeeze %dma_start3A_276 : memref<1x40x128xf32, #tpu.memory_space<vmem>> -> memref<40x128xf32, #tpu.memory_space<vmem>>
    %dma_start3A_278 = arith.constant 4960 : i32
    %dma_start3A_279 = tpu.memref_slice %arg7[%dma_start3A_278] : memref<5000xi32, #tpu.memory_space<vmem>> -> memref<40xi32, #tpu.memory_space<vmem>>
    %dma_start3A_280 = arith.constant 0 : i32
    %dma_start3A_281 = arith.constant 0 : i32
    %dma_start3A_282 = tpu.memref_slice %arg4[%dma_start3A_280, %dma_start3A_281] : memref<10240x128xf32, #tpu.memory_space<hbm>> -> memref<10240x128xf32, #tpu.memory_space<hbm>>
    tpu.enqueue_indirect_dma source(%dma_start3A_282 : memref<10240x128xf32, #tpu.memory_space<hbm>>) target(%dma_start3A_277 : memref<40x128xf32, #tpu.memory_space<vmem>>) offsets(%dma_start3A_279 : memref<40xi32, #tpu.memory_space<vmem>>) semaphore(%arg14 : memref<!tpu.dma_semaphore, #tpu.memory_space<semaphore_mem>>)
    %dma_start3A_283 = arith.constant 0 : i32
    %dma_start3A_284 = arith.constant 0 : i32
    %dma_start3A_285 = arith.constant 0 : i32
    %dma_start3A_286 = tpu.memref_slice %arg10[%dma_start3A_283, %dma_start3A_284, %dma_start3A_285] : memref<2x40x128xf32, #tpu.memory_space<vmem>> -> memref<1x40x128xf32, #tpu.memory_space<vmem>>
    %dma_start3A_287 = tpu.memref_squeeze %dma_start3A_286 : memref<1x40x128xf32, #tpu.memory_space<vmem>> -> memref<40x128xf32, #tpu.memory_space<vmem>>
    %dma_start3A_288 = arith.constant 4960 : i32
    %dma_start3A_289 = tpu.memref_slice %arg8[%dma_start3A_288] : memref<5000xi32, #tpu.memory_space<vmem>> -> memref<40xi32, #tpu.memory_space<vmem>>
    %dma_start3A_290 = arith.constant 0 : i32
    %dma_start3A_291 = arith.constant 0 : i32
    %dma_start3A_292 = tpu.memref_slice %arg5[%dma_start3A_290, %dma_start3A_291] : memref<10240x128xf32, #tpu.memory_space<hbm>> -> memref<10240x128xf32, #tpu.memory_space<hbm>>
    tpu.enqueue_indirect_dma source(%dma_start3A_292 : memref<10240x128xf32, #tpu.memory_space<hbm>>) target(%dma_start3A_287 : memref<40x128xf32, #tpu.memory_space<vmem>>) offsets(%dma_start3A_289 : memref<40xi32, #tpu.memory_space<vmem>>) semaphore(%arg16 : memref<!tpu.dma_semaphore, #tpu.memory_space<semaphore_mem>>)
    %dma_wait3A_293 = arith.constant 1 : i32
    %dma_wait3A_294 = arith.constant 0 : i32
    %dma_wait3A_295 = arith.constant 0 : i32
    %dma_wait3A_296 = tpu.memref_slice %arg9[%dma_wait3A_293, %dma_wait3A_294, %dma_wait3A_295] : memref<2x40x128xf32, #tpu.memory_space<vmem>> -> memref<1x40x128xf32, #tpu.memory_space<vmem>>
    %dma_wait3A_297 = tpu.memref_squeeze %dma_wait3A_296 : memref<1x40x128xf32, #tpu.memory_space<vmem>> -> memref<40x128xf32, #tpu.memory_space<vmem>>
    %dma_wait3A_298 = arith.constant 0 : i32
    %dma_wait3A_299 = tpu.memref_slice %arg7[%dma_wait3A_298] : memref<5000xi32, #tpu.memory_space<vmem>> -> memref<40xi32, #tpu.memory_space<vmem>>
    %dma_wait3A_300 = arith.constant 0 : i32
    %dma_wait3A_301 = arith.constant 0 : i32
    %dma_wait3A_302 = tpu.memref_slice %arg4[%dma_wait3A_300, %dma_wait3A_301] : memref<10240x128xf32, #tpu.memory_space<hbm>> -> memref<10240x128xf32, #tpu.memory_space<hbm>>
    tpu.wait_indirect_dma semaphore(%arg15 : memref<!tpu.dma_semaphore, #tpu.memory_space<semaphore_mem>>) src(%dma_wait3A_302 : memref<10240x128xf32, #tpu.memory_space<hbm>>) dst(%dma_wait3A_297 : memref<40x128xf32, #tpu.memory_space<vmem>>)
    %dma_wait3A_303 = arith.constant 1 : i32
    %dma_wait3A_304 = arith.constant 0 : i32
    %dma_wait3A_305 = arith.constant 0 : i32
    %dma_wait3A_306 = tpu.memref_slice %arg10[%dma_wait3A_303, %dma_wait3A_304, %dma_wait3A_305] : memref<2x40x128xf32, #tpu.memory_space<vmem>> -> memref<1x40x128xf32, #tpu.memory_space<vmem>>
    %dma_wait3A_307 = tpu.memref_squeeze %dma_wait3A_306 : memref<1x40x128xf32, #tpu.memory_space<vmem>> -> memref<40x128xf32, #tpu.memory_space<vmem>>
    %dma_wait3A_308 = arith.constant 0 : i32
    %dma_wait3A_309 = tpu.memref_slice %arg7[%dma_wait3A_308] : memref<5000xi32, #tpu.memory_space<vmem>> -> memref<40xi32, #tpu.memory_space<vmem>>
    %dma_wait3A_310 = arith.constant 0 : i32
    %dma_wait3A_311 = arith.constant 0 : i32
    %dma_wait3A_312 = tpu.memref_slice %arg5[%dma_wait3A_310, %dma_wait3A_311] : memref<10240x128xf32, #tpu.memory_space<hbm>> -> memref<10240x128xf32, #tpu.memory_space<hbm>>
    tpu.wait_indirect_dma semaphore(%arg17 : memref<!tpu.dma_semaphore, #tpu.memory_space<semaphore_mem>>) src(%dma_wait3A_312 : memref<10240x128xf32, #tpu.memory_space<hbm>>) dst(%dma_wait3A_307 : memref<40x128xf32, #tpu.memory_space<vmem>>)
    %mul3A_313 = arith.constant 2 : i32
    %mul3A_314 = arith.muli %arg1, %mul3A_313 : i32
    %add3A_315 = arith.constant 1 : i32
    %add3A_316 = arith.addi %mul3A_314, %add3A_315 : i32
    %mul3A_317 = arith.constant 40 : i32
    %mul3A_318 = arith.muli %add3A_316, %mul3A_317 : i32
    %dma_wait3A_319 = arith.constant 0 : i32
    %dma_wait3A_320 = tpu.memref_slice %arg6[%mul3A_2, %dma_wait3A_319] : memref<160000x128xf32, #tpu.memory_space<hbm>> -> memref<40x128xf32, #tpu.memory_space<hbm>>
    %dma_wait3A_321 = arith.constant 0 : i32
    %dma_wait3A_322 = tpu.memref_slice %arg13[%mul3A_318, %dma_wait3A_321] : memref<1280x128xf32, #tpu.memory_space<vmem_shared>> -> memref<40x128xf32, #tpu.memory_space<vmem_shared>>
    tpu.wait_dma2 semaphore(%arg19 : memref<!tpu.dma_semaphore, #tpu.memory_space<semaphore_mem>>) src(%dma_wait3A_322 : memref<40x128xf32, #tpu.memory_space<vmem_shared>>) dst(%dma_wait3A_320 : memref<40x128xf32, #tpu.memory_space<hbm>>)
    %mul3A_323 = arith.constant 2 : i32
    %mul3A_324 = arith.muli %arg1, %mul3A_323 : i32
    %add3A_325 = arith.constant 1 : i32
    %add3A_326 = arith.addi %mul3A_324, %add3A_325 : i32
    %mul3A_327 = arith.constant 40 : i32
    %mul3A_328 = arith.muli %add3A_326, %mul3A_327 : i32
    %run_scoped3A_329 = arith.constant 1 : i32
    "tpu.region"() ({
      %run_scoped3A_413 = tpu.sem_alloc : memref<!tpu.dma_semaphore, #tpu.memory_space<semaphore_mem>>
      %dma_start3A_414 = arith.constant 0 : i32
      %dma_start3A_415 = arith.constant 0 : i32
      %dma_start3A_416 = tpu.memref_slice %arg9[%run_scoped3A_329, %dma_start3A_414, %dma_start3A_415] : memref<2x40x128xf32, #tpu.memory_space<vmem>> -> memref<1x40x128xf32, #tpu.memory_space<vmem>>
      %dma_start3A_417 = tpu.memref_squeeze %dma_start3A_416 : memref<1x40x128xf32, #tpu.memory_space<vmem>> -> memref<40x128xf32, #tpu.memory_space<vmem>>
      %dma_start3A_418 = arith.constant 0 : i32
      %dma_start3A_419 = tpu.memref_slice %arg13[%mul3A_328, %dma_start3A_418] : memref<1280x128xf32, #tpu.memory_space<vmem_shared>> -> memref<40x128xf32, #tpu.memory_space<vmem_shared>>
      %dma_start3A_420 = arith.constant 0 : i32
      %dma_start3A_421 = tpu.memref_slice %arg13[%mul3A_328, %dma_start3A_420] : memref<1280x128xf32, #tpu.memory_space<vmem_shared>> -> memref<40x128xf32, #tpu.memory_space<vmem_shared>>
      %dma_start3A_422 = arith.constant 0 : i32
      %dma_start3A_423 = arith.constant 0 : i32
      %dma_start3A_424 = tpu.memref_slice %arg9[%run_scoped3A_329, %dma_start3A_422, %dma_start3A_423] : memref<2x40x128xf32, #tpu.memory_space<vmem>> -> memref<1x40x128xf32, #tpu.memory_space<vmem>>
      %dma_start3A_425 = tpu.memref_squeeze %dma_start3A_424 : memref<1x40x128xf32, #tpu.memory_space<vmem>> -> memref<40x128xf32, #tpu.memory_space<vmem>>
      tpu.enqueue_dma source(%dma_start3A_425 : memref<40x128xf32, #tpu.memory_space<vmem>>) target(%dma_start3A_421 : memref<40x128xf32, #tpu.memory_space<vmem_shared>>) target_semaphore(%run_scoped3A_413 : memref<!tpu.dma_semaphore, #tpu.memory_space<semaphore_mem>>)
      %dma_wait3A_426 = arith.constant 0 : i32
      %dma_wait3A_427 = arith.constant 0 : i32
      %dma_wait3A_428 = tpu.memref_slice %arg9[%run_scoped3A_329, %dma_wait3A_426, %dma_wait3A_427] : memref<2x40x128xf32, #tpu.memory_space<vmem>> -> memref<1x40x128xf32, #tpu.memory_space<vmem>>
      %dma_wait3A_429 = tpu.memref_squeeze %dma_wait3A_428 : memref<1x40x128xf32, #tpu.memory_space<vmem>> -> memref<40x128xf32, #tpu.memory_space<vmem>>
      %dma_wait3A_430 = arith.constant 0 : i32
      %dma_wait3A_431 = tpu.memref_slice %arg13[%mul3A_328, %dma_wait3A_430] : memref<1280x128xf32, #tpu.memory_space<vmem_shared>> -> memref<40x128xf32, #tpu.memory_space<vmem_shared>>
      %dma_wait3A_432 = arith.constant 0 : i32
      %dma_wait3A_433 = tpu.memref_slice %arg13[%mul3A_328, %dma_wait3A_432] : memref<1280x128xf32, #tpu.memory_space<vmem_shared>> -> memref<40x128xf32, #tpu.memory_space<vmem_shared>>
      %dma_wait3A_434 = arith.constant 0 : i32
      %dma_wait3A_435 = arith.constant 0 : i32
      %dma_wait3A_436 = tpu.memref_slice %arg9[%run_scoped3A_329, %dma_wait3A_434, %dma_wait3A_435] : memref<2x40x128xf32, #tpu.memory_space<vmem>> -> memref<1x40x128xf32, #tpu.memory_space<vmem>>
      %dma_wait3A_437 = tpu.memref_squeeze %dma_wait3A_436 : memref<1x40x128xf32, #tpu.memory_space<vmem>> -> memref<40x128xf32, #tpu.memory_space<vmem>>
      tpu.wait_dma2 semaphore(%run_scoped3A_413 : memref<!tpu.dma_semaphore, #tpu.memory_space<semaphore_mem>>) src(%dma_wait3A_437 : memref<40x128xf32, #tpu.memory_space<vmem>>) dst(%dma_wait3A_433 : memref<40x128xf32, #tpu.memory_space<vmem_shared>>)
      tpu.yield
    }) : () -> ()
    %run_scoped3A_330 = arith.constant 1 : i32
    "tpu.region"() ({
      %run_scoped3A_413 = tpu.sem_alloc : memref<!tpu.dma_semaphore, #tpu.memory_space<semaphore_mem>>
      %dma_start3A_414 = arith.constant 0 : i32
      %dma_start3A_415 = arith.constant 0 : i32
      %dma_start3A_416 = tpu.memref_slice %arg10[%run_scoped3A_330, %dma_start3A_414, %dma_start3A_415] : memref<2x40x128xf32, #tpu.memory_space<vmem>> -> memref<1x40x128xf32, #tpu.memory_space<vmem>>
      %dma_start3A_417 = tpu.memref_squeeze %dma_start3A_416 : memref<1x40x128xf32, #tpu.memory_space<vmem>> -> memref<40x128xf32, #tpu.memory_space<vmem>>
      %dma_start3A_418 = arith.constant 0 : i32
      %dma_start3A_419 = arith.constant 0 : i32
      %dma_start3A_420 = tpu.memref_slice %arg13[%dma_start3A_418, %dma_start3A_419] : memref<1280x128xf32, #tpu.memory_space<vmem_shared>> -> memref<1280x128xf32, #tpu.memory_space<vmem_shared>>
      tpu.enqueue_indirect_dma source(%dma_start3A_417 : memref<40x128xf32, #tpu.memory_space<vmem>>) target(%dma_start3A_420 : memref<1280x128xf32, #tpu.memory_space<vmem_shared>>) offsets(%arg12 : memref<40xi32, #tpu.memory_space<vmem>>) semaphore(%run_scoped3A_413 : memref<!tpu.dma_semaphore, #tpu.memory_space<semaphore_mem>>) {add = true}
      %dma_wait3A_421 = arith.constant 0 : i32
      %dma_wait3A_422 = arith.constant 0 : i32
      %dma_wait3A_423 = tpu.memref_slice %arg10[%run_scoped3A_330, %dma_wait3A_421, %dma_wait3A_422] : memref<2x40x128xf32, #tpu.memory_space<vmem>> -> memref<1x40x128xf32, #tpu.memory_space<vmem>>
      %dma_wait3A_424 = tpu.memref_squeeze %dma_wait3A_423 : memref<1x40x128xf32, #tpu.memory_space<vmem>> -> memref<40x128xf32, #tpu.memory_space<vmem>>
      %dma_wait3A_425 = arith.constant 0 : i32
      %dma_wait3A_426 = arith.constant 0 : i32
      %dma_wait3A_427 = tpu.memref_slice %arg13[%dma_wait3A_425, %dma_wait3A_426] : memref<1280x128xf32, #tpu.memory_space<vmem_shared>> -> memref<1280x128xf32, #tpu.memory_space<vmem_shared>>
      tpu.wait_indirect_dma semaphore(%run_scoped3A_413 : memref<!tpu.dma_semaphore, #tpu.memory_space<semaphore_mem>>) src(%dma_wait3A_424 : memref<40x128xf32, #tpu.memory_space<vmem>>) dst(%dma_wait3A_427 : memref<1280x128xf32, #tpu.memory_space<vmem_shared>>)
      tpu.yield
    }) : () -> ()
    %mul3A_331 = arith.constant 2 : i32
    %mul3A_332 = arith.muli %arg1, %mul3A_331 : i32
    %add3A_333 = arith.constant 1 : i32
    %add3A_334 = arith.addi %mul3A_332, %add3A_333 : i32
    %mul3A_335 = arith.constant 40 : i32
    %mul3A_336 = arith.muli %add3A_334, %mul3A_335 : i32
    %add3A_337 = arith.constant 4920 : i32
    %add3A_338 = arith.addi %mul3A_2, %add3A_337 : i32
    %dma_start3A_339 = arith.constant 0 : i32
    %dma_start3A_340 = tpu.memref_slice %arg6[%add3A_338, %dma_start3A_339] : memref<160000x128xf32, #tpu.memory_space<hbm>> -> memref<40x128xf32, #tpu.memory_space<hbm>>
    %dma_start3A_341 = arith.constant 0 : i32
    %dma_start3A_342 = tpu.memref_slice %arg13[%mul3A_336, %dma_start3A_341] : memref<1280x128xf32, #tpu.memory_space<vmem_shared>> -> memref<40x128xf32, #tpu.memory_space<vmem_shared>>
    tpu.enqueue_dma source(%dma_start3A_342 : memref<40x128xf32, #tpu.memory_space<vmem_shared>>) target(%dma_start3A_340 : memref<40x128xf32, #tpu.memory_space<hbm>>) target_semaphore(%arg19 : memref<!tpu.dma_semaphore, #tpu.memory_space<semaphore_mem>>)
    %dma_wait3A_343 = arith.constant 0 : i32
    %dma_wait3A_344 = arith.constant 0 : i32
    %dma_wait3A_345 = arith.constant 0 : i32
    %dma_wait3A_346 = tpu.memref_slice %arg9[%dma_wait3A_343, %dma_wait3A_344, %dma_wait3A_345] : memref<2x40x128xf32, #tpu.memory_space<vmem>> -> memref<1x40x128xf32, #tpu.memory_space<vmem>>
    %dma_wait3A_347 = tpu.memref_squeeze %dma_wait3A_346 : memref<1x40x128xf32, #tpu.memory_space<vmem>> -> memref<40x128xf32, #tpu.memory_space<vmem>>
    %dma_wait3A_348 = arith.constant 0 : i32
    %dma_wait3A_349 = tpu.memref_slice %arg7[%dma_wait3A_348] : memref<5000xi32, #tpu.memory_space<vmem>> -> memref<40xi32, #tpu.memory_space<vmem>>
    %dma_wait3A_350 = arith.constant 0 : i32
    %dma_wait3A_351 = arith.constant 0 : i32
    %dma_wait3A_352 = tpu.memref_slice %arg4[%dma_wait3A_350, %dma_wait3A_351] : memref<10240x128xf32, #tpu.memory_space<hbm>> -> memref<10240x128xf32, #tpu.memory_space<hbm>>
    tpu.wait_indirect_dma semaphore(%arg14 : memref<!tpu.dma_semaphore, #tpu.memory_space<semaphore_mem>>) src(%dma_wait3A_352 : memref<10240x128xf32, #tpu.memory_space<hbm>>) dst(%dma_wait3A_347 : memref<40x128xf32, #tpu.memory_space<vmem>>)
    %dma_wait3A_353 = arith.constant 0 : i32
    %dma_wait3A_354 = arith.constant 0 : i32
    %dma_wait3A_355 = arith.constant 0 : i32
    %dma_wait3A_356 = tpu.memref_slice %arg10[%dma_wait3A_353, %dma_wait3A_354, %dma_wait3A_355] : memref<2x40x128xf32, #tpu.memory_space<vmem>> -> memref<1x40x128xf32, #tpu.memory_space<vmem>>
    %dma_wait3A_357 = tpu.memref_squeeze %dma_wait3A_356 : memref<1x40x128xf32, #tpu.memory_space<vmem>> -> memref<40x128xf32, #tpu.memory_space<vmem>>
    %dma_wait3A_358 = arith.constant 0 : i32
    %dma_wait3A_359 = tpu.memref_slice %arg7[%dma_wait3A_358] : memref<5000xi32, #tpu.memory_space<vmem>> -> memref<40xi32, #tpu.memory_space<vmem>>
    %dma_wait3A_360 = arith.constant 0 : i32
    %dma_wait3A_361 = arith.constant 0 : i32
    %dma_wait3A_362 = tpu.memref_slice %arg5[%dma_wait3A_360, %dma_wait3A_361] : memref<10240x128xf32, #tpu.memory_space<hbm>> -> memref<10240x128xf32, #tpu.memory_space<hbm>>
    tpu.wait_indirect_dma semaphore(%arg16 : memref<!tpu.dma_semaphore, #tpu.memory_space<semaphore_mem>>) src(%dma_wait3A_362 : memref<10240x128xf32, #tpu.memory_space<hbm>>) dst(%dma_wait3A_357 : memref<40x128xf32, #tpu.memory_space<vmem>>)
    %mul3A_363 = arith.constant 2 : i32
    %mul3A_364 = arith.muli %arg1, %mul3A_363 : i32
    %add3A_365 = arith.constant 0 : i32
    %add3A_366 = arith.addi %mul3A_364, %add3A_365 : i32
    %mul3A_367 = arith.constant 40 : i32
    %mul3A_368 = arith.muli %add3A_366, %mul3A_367 : i32
    %dma_wait3A_369 = arith.constant 0 : i32
    %dma_wait3A_370 = tpu.memref_slice %arg6[%mul3A_2, %dma_wait3A_369] : memref<160000x128xf32, #tpu.memory_space<hbm>> -> memref<40x128xf32, #tpu.memory_space<hbm>>
    %dma_wait3A_371 = arith.constant 0 : i32
    %dma_wait3A_372 = tpu.memref_slice %arg13[%mul3A_368, %dma_wait3A_371] : memref<1280x128xf32, #tpu.memory_space<vmem_shared>> -> memref<40x128xf32, #tpu.memory_space<vmem_shared>>
    tpu.wait_dma2 semaphore(%arg18 : memref<!tpu.dma_semaphore, #tpu.memory_space<semaphore_mem>>) src(%dma_wait3A_372 : memref<40x128xf32, #tpu.memory_space<vmem_shared>>) dst(%dma_wait3A_370 : memref<40x128xf32, #tpu.memory_space<hbm>>)
    %mul3A_373 = arith.constant 2 : i32
    %mul3A_374 = arith.muli %arg1, %mul3A_373 : i32
    %add3A_375 = arith.constant 0 : i32
    %add3A_376 = arith.addi %mul3A_374, %add3A_375 : i32
    %mul3A_377 = arith.constant 40 : i32
    %mul3A_378 = arith.muli %add3A_376, %mul3A_377 : i32
    %run_scoped3A_379 = arith.constant 0 : i32
    "tpu.region"() ({
      %run_scoped3A_413 = tpu.sem_alloc : memref<!tpu.dma_semaphore, #tpu.memory_space<semaphore_mem>>
      %dma_start3A_414 = arith.constant 0 : i32
      %dma_start3A_415 = arith.constant 0 : i32
      %dma_start3A_416 = tpu.memref_slice %arg9[%run_scoped3A_379, %dma_start3A_414, %dma_start3A_415] : memref<2x40x128xf32, #tpu.memory_space<vmem>> -> memref<1x40x128xf32, #tpu.memory_space<vmem>>
      %dma_start3A_417 = tpu.memref_squeeze %dma_start3A_416 : memref<1x40x128xf32, #tpu.memory_space<vmem>> -> memref<40x128xf32, #tpu.memory_space<vmem>>
      %dma_start3A_418 = arith.constant 0 : i32
      %dma_start3A_419 = tpu.memref_slice %arg13[%mul3A_378, %dma_start3A_418] : memref<1280x128xf32, #tpu.memory_space<vmem_shared>> -> memref<40x128xf32, #tpu.memory_space<vmem_shared>>
      %dma_start3A_420 = arith.constant 0 : i32
      %dma_start3A_421 = tpu.memref_slice %arg13[%mul3A_378, %dma_start3A_420] : memref<1280x128xf32, #tpu.memory_space<vmem_shared>> -> memref<40x128xf32, #tpu.memory_space<vmem_shared>>
      %dma_start3A_422 = arith.constant 0 : i32
      %dma_start3A_423 = arith.constant 0 : i32
      %dma_start3A_424 = tpu.memref_slice %arg9[%run_scoped3A_379, %dma_start3A_422, %dma_start3A_423] : memref<2x40x128xf32, #tpu.memory_space<vmem>> -> memref<1x40x128xf32, #tpu.memory_space<vmem>>
      %dma_start3A_425 = tpu.memref_squeeze %dma_start3A_424 : memref<1x40x128xf32, #tpu.memory_space<vmem>> -> memref<40x128xf32, #tpu.memory_space<vmem>>
      tpu.enqueue_dma source(%dma_start3A_425 : memref<40x128xf32, #tpu.memory_space<vmem>>) target(%dma_start3A_421 : memref<40x128xf32, #tpu.memory_space<vmem_shared>>) target_semaphore(%run_scoped3A_413 : memref<!tpu.dma_semaphore, #tpu.memory_space<semaphore_mem>>)
      %dma_wait3A_426 = arith.constant 0 : i32
      %dma_wait3A_427 = arith.constant 0 : i32
      %dma_wait3A_428 = tpu.memref_slice %arg9[%run_scoped3A_379, %dma_wait3A_426, %dma_wait3A_427] : memref<2x40x128xf32, #tpu.memory_space<vmem>> -> memref<1x40x128xf32, #tpu.memory_space<vmem>>
      %dma_wait3A_429 = tpu.memref_squeeze %dma_wait3A_428 : memref<1x40x128xf32, #tpu.memory_space<vmem>> -> memref<40x128xf32, #tpu.memory_space<vmem>>
      %dma_wait3A_430 = arith.constant 0 : i32
      %dma_wait3A_431 = tpu.memref_slice %arg13[%mul3A_378, %dma_wait3A_430] : memref<1280x128xf32, #tpu.memory_space<vmem_shared>> -> memref<40x128xf32, #tpu.memory_space<vmem_shared>>
      %dma_wait3A_432 = arith.constant 0 : i32
      %dma_wait3A_433 = tpu.memref_slice %arg13[%mul3A_378, %dma_wait3A_432] : memref<1280x128xf32, #tpu.memory_space<vmem_shared>> -> memref<40x128xf32, #tpu.memory_space<vmem_shared>>
      %dma_wait3A_434 = arith.constant 0 : i32
      %dma_wait3A_435 = arith.constant 0 : i32
      %dma_wait3A_436 = tpu.memref_slice %arg9[%run_scoped3A_379, %dma_wait3A_434, %dma_wait3A_435] : memref<2x40x128xf32, #tpu.memory_space<vmem>> -> memref<1x40x128xf32, #tpu.memory_space<vmem>>
      %dma_wait3A_437 = tpu.memref_squeeze %dma_wait3A_436 : memref<1x40x128xf32, #tpu.memory_space<vmem>> -> memref<40x128xf32, #tpu.memory_space<vmem>>
      tpu.wait_dma2 semaphore(%run_scoped3A_413 : memref<!tpu.dma_semaphore, #tpu.memory_space<semaphore_mem>>) src(%dma_wait3A_437 : memref<40x128xf32, #tpu.memory_space<vmem>>) dst(%dma_wait3A_433 : memref<40x128xf32, #tpu.memory_space<vmem_shared>>)
      tpu.yield
    }) : () -> ()
    %run_scoped3A_380 = arith.constant 0 : i32
    "tpu.region"() ({
      %run_scoped3A_413 = tpu.sem_alloc : memref<!tpu.dma_semaphore, #tpu.memory_space<semaphore_mem>>
      %dma_start3A_414 = arith.constant 0 : i32
      %dma_start3A_415 = arith.constant 0 : i32
      %dma_start3A_416 = tpu.memref_slice %arg10[%run_scoped3A_380, %dma_start3A_414, %dma_start3A_415] : memref<2x40x128xf32, #tpu.memory_space<vmem>> -> memref<1x40x128xf32, #tpu.memory_space<vmem>>
      %dma_start3A_417 = tpu.memref_squeeze %dma_start3A_416 : memref<1x40x128xf32, #tpu.memory_space<vmem>> -> memref<40x128xf32, #tpu.memory_space<vmem>>
      %dma_start3A_418 = arith.constant 0 : i32
      %dma_start3A_419 = arith.constant 0 : i32
      %dma_start3A_420 = tpu.memref_slice %arg13[%dma_start3A_418, %dma_start3A_419] : memref<1280x128xf32, #tpu.memory_space<vmem_shared>> -> memref<1280x128xf32, #tpu.memory_space<vmem_shared>>
      tpu.enqueue_indirect_dma source(%dma_start3A_417 : memref<40x128xf32, #tpu.memory_space<vmem>>) target(%dma_start3A_420 : memref<1280x128xf32, #tpu.memory_space<vmem_shared>>) offsets(%arg11 : memref<40xi32, #tpu.memory_space<vmem>>) semaphore(%run_scoped3A_413 : memref<!tpu.dma_semaphore, #tpu.memory_space<semaphore_mem>>) {add = true}
      %dma_wait3A_421 = arith.constant 0 : i32
      %dma_wait3A_422 = arith.constant 0 : i32
      %dma_wait3A_423 = tpu.memref_slice %arg10[%run_scoped3A_380, %dma_wait3A_421, %dma_wait3A_422] : memref<2x40x128xf32, #tpu.memory_space<vmem>> -> memref<1x40x128xf32, #tpu.memory_space<vmem>>
      %dma_wait3A_424 = tpu.memref_squeeze %dma_wait3A_423 : memref<1x40x128xf32, #tpu.memory_space<vmem>> -> memref<40x128xf32, #tpu.memory_space<vmem>>
      %dma_wait3A_425 = arith.constant 0 : i32
      %dma_wait3A_426 = arith.constant 0 : i32
      %dma_wait3A_427 = tpu.memref_slice %arg13[%dma_wait3A_425, %dma_wait3A_426] : memref<1280x128xf32, #tpu.memory_space<vmem_shared>> -> memref<1280x128xf32, #tpu.memory_space<vmem_shared>>
      tpu.wait_indirect_dma semaphore(%run_scoped3A_413 : memref<!tpu.dma_semaphore, #tpu.memory_space<semaphore_mem>>) src(%dma_wait3A_424 : memref<40x128xf32, #tpu.memory_space<vmem>>) dst(%dma_wait3A_427 : memref<1280x128xf32, #tpu.memory_space<vmem_shared>>)
      tpu.yield
    }) : () -> ()
    %mul3A_381 = arith.constant 2 : i32
    %mul3A_382 = arith.muli %arg1, %mul3A_381 : i32
    %add3A_383 = arith.constant 0 : i32
    %add3A_384 = arith.addi %mul3A_382, %add3A_383 : i32
    %mul3A_385 = arith.constant 40 : i32
    %mul3A_386 = arith.muli %add3A_384, %mul3A_385 : i32
    %add3A_387 = arith.constant 4960 : i32
    %add3A_388 = arith.addi %mul3A_2, %add3A_387 : i32
    %dma_start3A_389 = arith.constant 0 : i32
    %dma_start3A_390 = tpu.memref_slice %arg6[%add3A_388, %dma_start3A_389] : memref<160000x128xf32, #tpu.memory_space<hbm>> -> memref<40x128xf32, #tpu.memory_space<hbm>>
    %dma_start3A_391 = arith.constant 0 : i32
    %dma_start3A_392 = tpu.memref_slice %arg13[%mul3A_386, %dma_start3A_391] : memref<1280x128xf32, #tpu.memory_space<vmem_shared>> -> memref<40x128xf32, #tpu.memory_space<vmem_shared>>
    tpu.enqueue_dma source(%dma_start3A_392 : memref<40x128xf32, #tpu.memory_space<vmem_shared>>) target(%dma_start3A_390 : memref<40x128xf32, #tpu.memory_space<hbm>>) target_semaphore(%arg18 : memref<!tpu.dma_semaphore, #tpu.memory_space<semaphore_mem>>)
    %mul3A_393 = arith.constant 2 : i32
    %mul3A_394 = arith.muli %arg1, %mul3A_393 : i32
    %add3A_395 = arith.constant 0 : i32
    %add3A_396 = arith.addi %mul3A_394, %add3A_395 : i32
    %mul3A_397 = arith.constant 40 : i32
    %mul3A_398 = arith.muli %add3A_396, %mul3A_397 : i32
    %dma_wait3A_399 = arith.constant 0 : i32
    %dma_wait3A_400 = tpu.memref_slice %arg6[%mul3A_2, %dma_wait3A_399] : memref<160000x128xf32, #tpu.memory_space<hbm>> -> memref<40x128xf32, #tpu.memory_space<hbm>>
    %dma_wait3A_401 = arith.constant 0 : i32
    %dma_wait3A_402 = tpu.memref_slice %arg13[%mul3A_398, %dma_wait3A_401] : memref<1280x128xf32, #tpu.memory_space<vmem_shared>> -> memref<40x128xf32, #tpu.memory_space<vmem_shared>>
    tpu.wait_dma2 semaphore(%arg18 : memref<!tpu.dma_semaphore, #tpu.memory_space<semaphore_mem>>) src(%dma_wait3A_402 : memref<40x128xf32, #tpu.memory_space<vmem_shared>>) dst(%dma_wait3A_400 : memref<40x128xf32, #tpu.memory_space<hbm>>)
    %mul3A_403 = arith.constant 2 : i32
    %mul3A_404 = arith.muli %arg1, %mul3A_403 : i32
    %add3A_405 = arith.constant 1 : i32
    %add3A_406 = arith.addi %mul3A_404, %add3A_405 : i32
    %mul3A_407 = arith.constant 40 : i32
    %mul3A_408 = arith.muli %add3A_406, %mul3A_407 : i32
    %dma_wait3A_409 = arith.constant 0 : i32
    %dma_wait3A_410 = tpu.memref_slice %arg6[%mul3A_2, %dma_wait3A_409] : memref<160000x128xf32, #tpu.memory_space<hbm>> -> memref<40x128xf32, #tpu.memory_space<hbm>>
    %dma_wait3A_411 = arith.constant 0 : i32
    %dma_wait3A_412 = tpu.memref_slice %arg13[%mul3A_408, %dma_wait3A_411] : memref<1280x128xf32, #tpu.memory_space<vmem_shared>> -> memref<40x128xf32, #tpu.memory_space<vmem_shared>>
    tpu.wait_dma2 semaphore(%arg19 : memref<!tpu.dma_semaphore, #tpu.memory_space<semaphore_mem>>) src(%dma_wait3A_412 : memref<40x128xf32, #tpu.memory_space<vmem_shared>>) dst(%dma_wait3A_410 : memref<40x128xf32, #tpu.memory_space<hbm>>)
    return
  }
}

module attributes {stable_mosaic.version = 14 : i64} {
  func.func @_tc_lin1_body(%arg0: i32, %arg1: memref<2x1024x1xf32, #tpu.memory_space<vmem>>, %arg2: memref<1024x128xf32, #tpu.memory_space<vmem>>, %arg3: memref<128x128xf32, #tpu.memory_space<vmem>>, %arg4: memref<1024x128xf32, #tpu.memory_space<vmem>>, %arg5: memref<1024x1xf32, #tpu.memory_space<vmem>>) attributes {dimension_semantics = [#tpu.dimension_semantics<arbitrary>], iteration_bounds = array<i64: 10>, scalar_prefetch = 0 : i64, scratch_operands = 0 : i64, tpu.core_type = #tpu.core_type<tc>, window_params = [{transform_indices = @transform_0, window_bounds = array<i64: 2, 1024, 1>}, {transform_indices = @transform_1, window_bounds = array<i64: 1024, 128>}, {pipeline_mode = #tpu.pipeline_mode<synchronous>, transform_indices = @transform_2, window_bounds = array<i64: 128, 128>}, {transform_indices = @transform_3, window_bounds = array<i64: 1024, 128>}, {transform_indices = @transform_4, window_bounds = array<i64: 1024, 1>}]} {
    %get3A = arith.constant 0 : index
    %get3A_0 = arith.constant 0 : index
    %get3A_1 = arith.constant 0 : index
    %get3A_2 = vector.load %arg1[%get3A, %get3A_0, %get3A_1] : memref<2x1024x1xf32, #tpu.memory_space<vmem>>, vector<1x1024x1xf32>
    %get3A_3 = vector.shape_cast %get3A_2 : vector<1x1024x1xf32> to vector<1024x1xf32>
    %get3A_4 = arith.constant 1 : index
    %get3A_5 = arith.constant 0 : index
    %get3A_6 = arith.constant 0 : index
    %get3A_7 = vector.load %arg1[%get3A_4, %get3A_5, %get3A_6] : memref<2x1024x1xf32, #tpu.memory_space<vmem>>, vector<1x1024x1xf32>
    %get3A_8 = vector.shape_cast %get3A_7 : vector<1x1024x1xf32> to vector<1024x1xf32>
    %add3A = arith.addf %get3A_3, %get3A_8 : vector<1024x1xf32>
    %add3A_9 = arith.constant 1.000000e+00 : f32
    %add3A_10 = vector.broadcast %add3A_9 : f32 to vector<1024x1xf32>
    %add3A_11 = arith.addf %add3A, %add3A_10 : vector<1024x1xf32>
    %rsqrt3A = math.rsqrt %add3A_11 : vector<1024x1xf32>
    %get3A_12 = arith.constant 0 : index
    %get3A_13 = arith.constant 0 : index
    %get3A_14 = vector.load %arg2[%get3A_12, %get3A_13] : memref<1024x128xf32, #tpu.memory_space<vmem>>, vector<1024x128xf32>
    %get3A_15 = arith.constant 0 : index
    %get3A_16 = arith.constant 0 : index
    %get3A_17 = vector.load %arg3[%get3A_15, %get3A_16] : memref<128x128xf32, #tpu.memory_space<vmem>>, vector<128x128xf32>
    %dot_general3A = arith.constant dense<0.000000e+00> : vector<1024x128xf32>
    %dot_general3A_18 = tpu.matmul %get3A_14, %get3A_17, %dot_general3A {dimension_numbers = #tpu.dot_dimension_numbers<[1], [0], [0], [1], [0, 0, 1, 1], [], []>, transpose_lhs_hint = false} : vector<1024x128xf32>, vector<128x128xf32>, vector<1024x128xf32> -> vector<1024x128xf32>
    %mul3A = vector.broadcast %rsqrt3A : vector<1024x1xf32> to vector<1024x128xf32>
    %mul3A_19 = arith.mulf %mul3A, %dot_general3A_18 : vector<1024x128xf32>
    %swap3A = arith.constant 0 : index
    %swap3A_20 = arith.constant 0 : index
    %swap3A_21 = vector.load %arg4[%swap3A, %swap3A_20] : memref<1024x128xf32, #tpu.memory_space<vmem>>, vector<1024x128xf32>
    tpu.vector_store %arg4[%swap3A, %swap3A_20], %mul3A_19 {strides = array<i32>} : memref<1024x128xf32, #tpu.memory_space<vmem>>, vector<1024x128xf32>,
    %swap3A_22 = arith.constant 0 : index
    %swap3A_23 = arith.constant 0 : index
    %swap3A_24 = vector.load %arg5[%swap3A_22, %swap3A_23] : memref<1024x1xf32, #tpu.memory_space<vmem>>, vector<1024x1xf32>
    tpu.vector_store %arg5[%swap3A_22, %swap3A_23], %rsqrt3A {strides = array<i32>} : memref<1024x1xf32, #tpu.memory_space<vmem>>, vector<1024x1xf32>,
    return
  }
  func.func @transform_0(%arg0: i32) -> (i32, i32, i32) {
    %c0_i32 = arith.constant 0 : i32
    %c0_i32_0 = arith.constant 0 : i32
    %c0_i32_1 = arith.constant 0 : i32
    return %c0_i32, %arg0, %c0_i32_0 : i32, i32, i32
  }
  func.func @transform_1(%arg0: i32) -> (i32, i32) {
    %c0_i32 = arith.constant 0 : i32
    %c0_i32_0 = arith.constant 0 : i32
    return %arg0, %c0_i32 : i32, i32
  }
  func.func @transform_2(%arg0: i32) -> (i32, i32) {
    %c0_i32 = arith.constant 0 : i32
    %c0_i32_0 = arith.constant 0 : i32
    %c0_i32_1 = arith.constant 0 : i32
    return %c0_i32, %c0_i32_0 : i32, i32
  }
  func.func @transform_3(%arg0: i32) -> (i32, i32) {
    %c0_i32 = arith.constant 0 : i32
    %c0_i32_0 = arith.constant 0 : i32
    return %arg0, %c0_i32 : i32, i32
  }
  func.func @transform_4(%arg0: i32) -> (i32, i32) {
    %c0_i32 = arith.constant 0 : i32
    %c0_i32_0 = arith.constant 0 : i32
    return %arg0, %c0_i32 : i32, i32
  }
}

module attributes {stable_mosaic.version = 14 : i64} {
  func.func @_tc_lin2_body(%arg0: i32, %arg1: memref<2x1024x128xf32, #tpu.memory_space<vmem>>, %arg2: memref<1024x128xf32, #tpu.memory_space<vmem>>, %arg3: memref<1024x1xf32, #tpu.memory_space<vmem>>, %arg4: memref<1x128xf32, #tpu.memory_space<vmem>>, %arg5: memref<128x128xf32, #tpu.memory_space<vmem>>, %arg6: memref<1024x128xf32, #tpu.memory_space<vmem>>) attributes {dimension_semantics = [#tpu.dimension_semantics<arbitrary>], iteration_bounds = array<i64: 10>, scalar_prefetch = 0 : i64, scratch_operands = 0 : i64, tpu.core_type = #tpu.core_type<tc>, window_params = [{transform_indices = @transform_0, window_bounds = array<i64: 2, 1024, 128>}, {transform_indices = @transform_1, window_bounds = array<i64: 1024, 128>}, {transform_indices = @transform_2, window_bounds = array<i64: 1024, 1>}, {pipeline_mode = #tpu.pipeline_mode<synchronous>, transform_indices = @transform_3, window_bounds = array<i64: 1, 128>}, {pipeline_mode = #tpu.pipeline_mode<synchronous>, transform_indices = @transform_4, window_bounds = array<i64: 128, 128>}, {transform_indices = @transform_5, window_bounds = array<i64: 1024, 128>}]} {
    %get3A = arith.constant 0 : index
    %get3A_0 = arith.constant 0 : index
    %get3A_1 = vector.load %arg3[%get3A, %get3A_0] : memref<1024x1xf32, #tpu.memory_space<vmem>>, vector<1024x1xf32>
    %get3A_2 = arith.constant 0 : index
    %get3A_3 = arith.constant 0 : index
    %get3A_4 = arith.constant 0 : index
    %get3A_5 = vector.load %arg1[%get3A_2, %get3A_3, %get3A_4] : memref<2x1024x128xf32, #tpu.memory_space<vmem>>, vector<1x1024x128xf32>
    %get3A_6 = vector.shape_cast %get3A_5 : vector<1x1024x128xf32> to vector<1024x128xf32>
    %get3A_7 = arith.constant 1 : index
    %get3A_8 = arith.constant 0 : index
    %get3A_9 = arith.constant 0 : index
    %get3A_10 = vector.load %arg1[%get3A_7, %get3A_8, %get3A_9] : memref<2x1024x128xf32, #tpu.memory_space<vmem>>, vector<1x1024x128xf32>
    %get3A_11 = vector.shape_cast %get3A_10 : vector<1x1024x128xf32> to vector<1024x128xf32>
    %add3A = arith.addf %get3A_6, %get3A_11 : vector<1024x128xf32>
    %get3A_12 = arith.constant 0 : index
    %get3A_13 = arith.constant 0 : index
    %get3A_14 = vector.load %arg2[%get3A_12, %get3A_13] : memref<1024x128xf32, #tpu.memory_space<vmem>>, vector<1024x128xf32>
    %add3A_15 = arith.addf %add3A, %get3A_14 : vector<1024x128xf32>
    %mul3A = vector.broadcast %get3A_1 : vector<1024x1xf32> to vector<1024x128xf32>
    %mul3A_16 = arith.mulf %mul3A, %add3A_15 : vector<1024x128xf32>
    %get3A_17 = arith.constant 0 : index
    %get3A_18 = arith.constant 0 : index
    %get3A_19 = vector.load %arg4[%get3A_17, %get3A_18] : memref<1x128xf32, #tpu.memory_space<vmem>>, vector<1x128xf32>
    %add3A_20 = vector.broadcast %get3A_19 : vector<1x128xf32> to vector<1024x128xf32>
    %add3A_21 = arith.addf %mul3A_16, %add3A_20 : vector<1024x128xf32>
    %max3A = arith.constant 0.000000e+00 : f32
    %max3A_22 = vector.broadcast %max3A : f32 to vector<1024x128xf32>
    %max3A_23 = arith.maximumf %add3A_21, %max3A_22 : vector<1024x128xf32>
    %get3A_24 = arith.constant 0 : index
    %get3A_25 = arith.constant 0 : index
    %get3A_26 = vector.load %arg5[%get3A_24, %get3A_25] : memref<128x128xf32, #tpu.memory_space<vmem>>, vector<128x128xf32>
    %dot_general3A = arith.constant dense<0.000000e+00> : vector<1024x128xf32>
    %dot_general3A_27 = tpu.matmul %max3A_23, %get3A_26, %dot_general3A {dimension_numbers = #tpu.dot_dimension_numbers<[1], [0], [0], [1], [0, 0, 1, 1], [], []>, transpose_lhs_hint = false} : vector<1024x128xf32>, vector<128x128xf32>, vector<1024x128xf32> -> vector<1024x128xf32>
    %mul3A_28 = vector.broadcast %get3A_1 : vector<1024x1xf32> to vector<1024x128xf32>
    %mul3A_29 = arith.mulf %mul3A_28, %dot_general3A_27 : vector<1024x128xf32>
    %swap3A = arith.constant 0 : index
    %swap3A_30 = arith.constant 0 : index
    %swap3A_31 = vector.load %arg6[%swap3A, %swap3A_30] : memref<1024x128xf32, #tpu.memory_space<vmem>>, vector<1024x128xf32>
    tpu.vector_store %arg6[%swap3A, %swap3A_30], %mul3A_29 {strides = array<i32>} : memref<1024x128xf32, #tpu.memory_space<vmem>>, vector<1024x128xf32>,
    return
  }
  func.func @transform_0(%arg0: i32) -> (i32, i32, i32) {
    %c0_i32 = arith.constant 0 : i32
    %c0_i32_0 = arith.constant 0 : i32
    %c0_i32_1 = arith.constant 0 : i32
    return %c0_i32, %arg0, %c0_i32_0 : i32, i32, i32
  }
  func.func @transform_1(%arg0: i32) -> (i32, i32) {
    %c0_i32 = arith.constant 0 : i32
    %c0_i32_0 = arith.constant 0 : i32
    return %arg0, %c0_i32 : i32, i32
  }
  func.func @transform_2(%arg0: i32) -> (i32, i32) {
    %c0_i32 = arith.constant 0 : i32
    %c0_i32_0 = arith.constant 0 : i32
    return %arg0, %c0_i32 : i32, i32
  }
  func.func @transform_3(%arg0: i32) -> (i32, i32) {
    %c0_i32 = arith.constant 0 : i32
    %c0_i32_0 = arith.constant 0 : i32
    %c0_i32_1 = arith.constant 0 : i32
    return %c0_i32, %c0_i32_0 : i32, i32
  }
  func.func @transform_4(%arg0: i32) -> (i32, i32) {
    %c0_i32 = arith.constant 0 : i32
    %c0_i32_0 = arith.constant 0 : i32
    %c0_i32_1 = arith.constant 0 : i32
    return %c0_i32, %c0_i32_0 : i32, i32
  }
  func.func @transform_5(%arg0: i32) -> (i32, i32) {
    %c0_i32 = arith.constant 0 : i32
    %c0_i32_0 = arith.constant 0 : i32
    return %arg0, %c0_i32 : i32, i32
  }
}

module attributes {stable_mosaic.version = 14 : i64} {
  func.func @_tc_tables_body(%arg0: i32, %arg1: memref<2x1024x128xf32, #tpu.memory_space<vmem>>, %arg2: memref<1024x128xf32, #tpu.memory_space<vmem>>, %arg3: memref<1024x1xf32, #tpu.memory_space<vmem>>, %arg4: memref<1x128xf32, #tpu.memory_space<vmem>>, %arg5: memref<128x128xf32, #tpu.memory_space<vmem>>, %arg6: memref<128x128xf32, #tpu.memory_space<vmem>>, %arg7: memref<1x128xf32, #tpu.memory_space<vmem>>, %arg8: memref<1024x128xf32, #tpu.memory_space<vmem>>, %arg9: memref<1024x128xf32, #tpu.memory_space<vmem>>) attributes {dimension_semantics = [#tpu.dimension_semantics<arbitrary>], iteration_bounds = array<i64: 10>, scalar_prefetch = 0 : i64, scratch_operands = 0 : i64, tpu.core_type = #tpu.core_type<tc>, window_params = [{transform_indices = @transform_0, window_bounds = array<i64: 2, 1024, 128>}, {transform_indices = @transform_1, window_bounds = array<i64: 1024, 128>}, {transform_indices = @transform_2, window_bounds = array<i64: 1024, 1>}, {pipeline_mode = #tpu.pipeline_mode<synchronous>, transform_indices = @transform_3, window_bounds = array<i64: 1, 128>}, {pipeline_mode = #tpu.pipeline_mode<synchronous>, transform_indices = @transform_4, window_bounds = array<i64: 128, 128>}, {pipeline_mode = #tpu.pipeline_mode<synchronous>, transform_indices = @transform_5, window_bounds = array<i64: 128, 128>}, {pipeline_mode = #tpu.pipeline_mode<synchronous>, transform_indices = @transform_6, window_bounds = array<i64: 1, 128>}, {transform_indices = @transform_7, window_bounds = array<i64: 1024, 128>}, {transform_indices = @transform_8, window_bounds = array<i64: 1024, 128>}]} {
    %get3A = arith.constant 0 : index
    %get3A_0 = arith.constant 0 : index
    %get3A_1 = vector.load %arg3[%get3A, %get3A_0] : memref<1024x1xf32, #tpu.memory_space<vmem>>, vector<1024x1xf32>
    %get3A_2 = arith.constant 0 : index
    %get3A_3 = arith.constant 0 : index
    %get3A_4 = arith.constant 0 : index
    %get3A_5 = vector.load %arg1[%get3A_2, %get3A_3, %get3A_4] : memref<2x1024x128xf32, #tpu.memory_space<vmem>>, vector<1x1024x128xf32>
    %get3A_6 = vector.shape_cast %get3A_5 : vector<1x1024x128xf32> to vector<1024x128xf32>
    %get3A_7 = arith.constant 1 : index
    %get3A_8 = arith.constant 0 : index
    %get3A_9 = arith.constant 0 : index
    %get3A_10 = vector.load %arg1[%get3A_7, %get3A_8, %get3A_9] : memref<2x1024x128xf32, #tpu.memory_space<vmem>>, vector<1x1024x128xf32>
    %get3A_11 = vector.shape_cast %get3A_10 : vector<1x1024x128xf32> to vector<1024x128xf32>
    %add3A = arith.addf %get3A_6, %get3A_11 : vector<1024x128xf32>
    %get3A_12 = arith.constant 0 : index
    %get3A_13 = arith.constant 0 : index
    %get3A_14 = vector.load %arg2[%get3A_12, %get3A_13] : memref<1024x128xf32, #tpu.memory_space<vmem>>, vector<1024x128xf32>
    %add3A_15 = arith.addf %add3A, %get3A_14 : vector<1024x128xf32>
    %mul3A = vector.broadcast %get3A_1 : vector<1024x1xf32> to vector<1024x128xf32>
    %mul3A_16 = arith.mulf %mul3A, %add3A_15 : vector<1024x128xf32>
    %get3A_17 = arith.constant 0 : index
    %get3A_18 = arith.constant 0 : index
    %get3A_19 = vector.load %arg4[%get3A_17, %get3A_18] : memref<1x128xf32, #tpu.memory_space<vmem>>, vector<1x128xf32>
    %add3A_20 = vector.broadcast %get3A_19 : vector<1x128xf32> to vector<1024x128xf32>
    %add3A_21 = arith.addf %mul3A_16, %add3A_20 : vector<1024x128xf32>
    %get3A_22 = arith.constant 0 : index
    %get3A_23 = arith.constant 0 : index
    %get3A_24 = vector.load %arg5[%get3A_22, %get3A_23] : memref<128x128xf32, #tpu.memory_space<vmem>>, vector<128x128xf32>
    %dot_general3A = arith.constant dense<0.000000e+00> : vector<1024x128xf32>
    %dot_general3A_25 = tpu.matmul %add3A_21, %get3A_24, %dot_general3A {dimension_numbers = #tpu.dot_dimension_numbers<[1], [0], [0], [1], [0, 0, 1, 1], [], []>, transpose_lhs_hint = false} : vector<1024x128xf32>, vector<128x128xf32>, vector<1024x128xf32> -> vector<1024x128xf32>
    %swap3A = arith.constant 0 : index
    %swap3A_26 = arith.constant 0 : index
    %swap3A_27 = vector.load %arg8[%swap3A, %swap3A_26] : memref<1024x128xf32, #tpu.memory_space<vmem>>, vector<1024x128xf32>
    tpu.vector_store %arg8[%swap3A, %swap3A_26], %dot_general3A_25 {strides = array<i32>} : memref<1024x128xf32, #tpu.memory_space<vmem>>, vector<1024x128xf32>,
    %get3A_28 = arith.constant 0 : index
    %get3A_29 = arith.constant 0 : index
    %get3A_30 = vector.load %arg6[%get3A_28, %get3A_29] : memref<128x128xf32, #tpu.memory_space<vmem>>, vector<128x128xf32>
    %dot_general3A_31 = arith.constant dense<0.000000e+00> : vector<1024x128xf32>
    %dot_general3A_32 = tpu.matmul %add3A_21, %get3A_30, %dot_general3A_31 {dimension_numbers = #tpu.dot_dimension_numbers<[1], [0], [0], [1], [0, 0, 1, 1], [], []>, transpose_lhs_hint = false} : vector<1024x128xf32>, vector<128x128xf32>, vector<1024x128xf32> -> vector<1024x128xf32>
    %get3A_33 = arith.constant 0 : index
    %get3A_34 = arith.constant 0 : index
    %get3A_35 = vector.load %arg7[%get3A_33, %get3A_34] : memref<1x128xf32, #tpu.memory_space<vmem>>, vector<1x128xf32>
    %add3A_36 = vector.broadcast %get3A_35 : vector<1x128xf32> to vector<1024x128xf32>
    %add3A_37 = arith.addf %dot_general3A_32, %add3A_36 : vector<1024x128xf32>
    %swap3A_38 = arith.constant 0 : index
    %swap3A_39 = arith.constant 0 : index
    %swap3A_40 = vector.load %arg9[%swap3A_38, %swap3A_39] : memref<1024x128xf32, #tpu.memory_space<vmem>>, vector<1024x128xf32>
    tpu.vector_store %arg9[%swap3A_38, %swap3A_39], %add3A_37 {strides = array<i32>} : memref<1024x128xf32, #tpu.memory_space<vmem>>, vector<1024x128xf32>,
    return
  }
  func.func @transform_0(%arg0: i32) -> (i32, i32, i32) {
    %c0_i32 = arith.constant 0 : i32
    %c0_i32_0 = arith.constant 0 : i32
    %c0_i32_1 = arith.constant 0 : i32
    return %c0_i32, %arg0, %c0_i32_0 : i32, i32, i32
  }
  func.func @transform_1(%arg0: i32) -> (i32, i32) {
    %c0_i32 = arith.constant 0 : i32
    %c0_i32_0 = arith.constant 0 : i32
    return %arg0, %c0_i32 : i32, i32
  }
  func.func @transform_2(%arg0: i32) -> (i32, i32) {
    %c0_i32 = arith.constant 0 : i32
    %c0_i32_0 = arith.constant 0 : i32
    return %arg0, %c0_i32 : i32, i32
  }
  func.func @transform_3(%arg0: i32) -> (i32, i32) {
    %c0_i32 = arith.constant 0 : i32
    %c0_i32_0 = arith.constant 0 : i32
    %c0_i32_1 = arith.constant 0 : i32
    return %c0_i32, %c0_i32_0 : i32, i32
  }
  func.func @transform_4(%arg0: i32) -> (i32, i32) {
    %c0_i32 = arith.constant 0 : i32
    %c0_i32_0 = arith.constant 0 : i32
    %c0_i32_1 = arith.constant 0 : i32
    return %c0_i32, %c0_i32_0 : i32, i32
  }
  func.func @transform_5(%arg0: i32) -> (i32, i32) {
    %c0_i32 = arith.constant 0 : i32
    %c0_i32_0 = arith.constant 0 : i32
    %c0_i32_1 = arith.constant 0 : i32
    return %c0_i32, %c0_i32_0 : i32, i32
  }
  func.func @transform_6(%arg0: i32) -> (i32, i32) {
    %c0_i32 = arith.constant 0 : i32
    %c0_i32_0 = arith.constant 0 : i32
    %c0_i32_1 = arith.constant 0 : i32
    return %c0_i32, %c0_i32_0 : i32, i32
  }
  func.func @transform_7(%arg0: i32) -> (i32, i32) {
    %c0_i32 = arith.constant 0 : i32
    %c0_i32_0 = arith.constant 0 : i32
    return %arg0, %c0_i32 : i32, i32
  }
  func.func @transform_8(%arg0: i32) -> (i32, i32) {
    %c0_i32 = arith.constant 0 : i32
    %c0_i32_0 = arith.constant 0 : i32
    return %arg0, %c0_i32 : i32, i32
  }
}

module attributes {stable_mosaic.version = 14 : i64} {
  func.func @_tc_mlp_body(%arg0: i32, %arg1: memref<6400x128xf32, #tpu.memory_space<vmem>>, %arg2: memref<4x6400xf32, #tpu.memory_space<vmem>>, %arg3: memref<4x128xf32, #tpu.memory_space<vmem>>, %arg4: memref<128x128xf32, #tpu.memory_space<vmem>>, %arg5: memref<1x128xf32, #tpu.memory_space<vmem>>, %arg6: memref<1x128xf32, #tpu.memory_space<vmem>>, %arg7: memref<1x1xf32, #tpu.memory_space<vmem>>, %arg8: memref<160000xf32, #tpu.memory_space<vmem>>) attributes {dimension_semantics = [#tpu.dimension_semantics<arbitrary>], iteration_bounds = array<i64: 25>, scalar_prefetch = 0 : i64, scratch_operands = 0 : i64, tpu.core_type = #tpu.core_type<tc>, window_params = [{transform_indices = @transform_0, window_bounds = array<i64: 6400, 128>}, {transform_indices = @transform_1, window_bounds = array<i64: 4, 6400>}, {pipeline_mode = #tpu.pipeline_mode<synchronous>, transform_indices = @transform_2, window_bounds = array<i64: 4, 128>}, {pipeline_mode = #tpu.pipeline_mode<synchronous>, transform_indices = @transform_3, window_bounds = array<i64: 128, 128>}, {pipeline_mode = #tpu.pipeline_mode<synchronous>, transform_indices = @transform_4, window_bounds = array<i64: 1, 128>}, {pipeline_mode = #tpu.pipeline_mode<synchronous>, transform_indices = @transform_5, window_bounds = array<i64: 1, 128>}, {pipeline_mode = #tpu.pipeline_mode<synchronous>, transform_indices = @transform_6, window_bounds = array<i64: 1, 1>}, {pipeline_mode = #tpu.pipeline_mode<synchronous>, transform_indices = @transform_7, window_bounds = array<i64: 160000>}]} {
    %get3A = arith.constant 0 : index
    %get3A_0 = arith.constant 0 : index
    %get3A_1 = vector.load %arg2[%get3A, %get3A_0] : memref<4x6400xf32, #tpu.memory_space<vmem>>, vector<4x6400xf32>
    %get3A_2 = arith.constant 0 : index
    %get3A_3 = arith.constant 0 : index
    %get3A_4 = vector.load %arg3[%get3A_2, %get3A_3] : memref<4x128xf32, #tpu.memory_space<vmem>>, vector<4x128xf32>
    %dot_general3A = arith.constant dense<0.000000e+00> : vector<6400x128xf32>
    %dot_general3A_5 = tpu.matmul %get3A_1, %get3A_4, %dot_general3A {dimension_numbers = #tpu.dot_dimension_numbers<[0], [0], [1], [1], [0, 1, 1, 1], [], []>, transpose_lhs_hint = false} : vector<4x6400xf32>, vector<4x128xf32>, vector<6400x128xf32> -> vector<6400x128xf32>
    %get3A_6 = arith.constant 0 : index
    %get3A_7 = arith.constant 0 : index
    %get3A_8 = vector.load %arg1[%get3A_6, %get3A_7] : memref<6400x128xf32, #tpu.memory_space<vmem>>, vector<6400x128xf32>
    %add3A = arith.addf %get3A_8, %dot_general3A_5 : vector<6400x128xf32>
    %max3A = arith.constant 0.000000e+00 : f32
    %max3A_9 = vector.broadcast %max3A : f32 to vector<6400x128xf32>
    %max3A_10 = arith.maximumf %add3A, %max3A_9 : vector<6400x128xf32>
    %get3A_11 = arith.constant 0 : index
    %get3A_12 = arith.constant 0 : index
    %get3A_13 = vector.load %arg4[%get3A_11, %get3A_12] : memref<128x128xf32, #tpu.memory_space<vmem>>, vector<128x128xf32>
    %dot_general3A_14 = arith.constant dense<0.000000e+00> : vector<6400x128xf32>
    %dot_general3A_15 = tpu.matmul %max3A_10, %get3A_13, %dot_general3A_14 {dimension_numbers = #tpu.dot_dimension_numbers<[1], [0], [0], [1], [0, 0, 1, 1], [], []>, transpose_lhs_hint = false} : vector<6400x128xf32>, vector<128x128xf32>, vector<6400x128xf32> -> vector<6400x128xf32>
    %get3A_16 = arith.constant 0 : index
    %get3A_17 = arith.constant 0 : index
    %get3A_18 = vector.load %arg5[%get3A_16, %get3A_17] : memref<1x128xf32, #tpu.memory_space<vmem>>, vector<1x128xf32>
    %add3A_19 = vector.broadcast %get3A_18 : vector<1x128xf32> to vector<6400x128xf32>
    %add3A_20 = arith.addf %dot_general3A_15, %add3A_19 : vector<6400x128xf32>
    %max3A_21 = arith.constant 0.000000e+00 : f32
    %max3A_22 = vector.broadcast %max3A_21 : f32 to vector<6400x128xf32>
    %max3A_23 = arith.maximumf %add3A_20, %max3A_22 : vector<6400x128xf32>
    %get3A_24 = arith.constant 0 : index
    %get3A_25 = arith.constant 0 : index
    %get3A_26 = vector.load %arg6[%get3A_24, %get3A_25] : memref<1x128xf32, #tpu.memory_space<vmem>>, vector<1x128xf32>
    %mul3A = vector.broadcast %get3A_26 : vector<1x128xf32> to vector<6400x128xf32>
    %mul3A_27 = arith.mulf %max3A_23, %mul3A : vector<6400x128xf32>
    %reduce_sum3A = arith.constant dense<0.000000e+00> : vector<6400xf32>
    %reduce_sum3A_28 = vector.multi_reduction <add>, %mul3A_27, %reduce_sum3A [1] : vector<6400x128xf32> to vector<6400xf32>
    %get3A_29 = arith.constant 0 : index
    %get3A_30 = arith.constant 0 : index
    %get3A_31 = vector.load %arg7[%get3A_29, %get3A_30] : memref<1x1xf32, #tpu.memory_space<vmem>>, vector<1x1xf32>
    %get3A_32 = vector.extract %get3A_31[0, 0] : f32 from vector<1x1xf32>
    %add3A_33 = vector.broadcast %get3A_32 : f32 to vector<6400xf32>
    %add3A_34 = arith.addf %reduce_sum3A_28, %add3A_33 : vector<6400xf32>
    %logistic3A = arith.negf %add3A_34 : vector<6400xf32>
    %logistic3A_35 = math.exp %logistic3A : vector<6400xf32>
    %logistic3A_36 = arith.constant 1.000000e+00 : f32
    %logistic3A_37 = vector.broadcast %logistic3A_36 : f32 to vector<6400xf32>
    %logistic3A_38 = arith.addf %logistic3A_37, %logistic3A_35 : vector<6400xf32>
    %logistic3A_39 = arith.divf %logistic3A_37, %logistic3A_38 : vector<6400xf32>
    %mul3A_40 = arith.constant 6400 : i32
    %mul3A_41 = arith.muli %arg0, %mul3A_40 : i32
    %swap3A = arith.index_cast %mul3A_41 : i32 to index
    %swap3A_42 = vector.load %arg8[%swap3A] : memref<160000xf32, #tpu.memory_space<vmem>>, vector<6400xf32>
    tpu.vector_store %arg8[%swap3A], %logistic3A_39 {strides = array<i32>} : memref<160000xf32, #tpu.memory_space<vmem>>, vector<6400xf32>,
    return
  }
  func.func @transform_0(%arg0: i32) -> (i32, i32) {
    %c0_i32 = arith.constant 0 : i32
    %c0_i32_0 = arith.constant 0 : i32
    return %arg0, %c0_i32 : i32, i32
  }
  func.func @transform_1(%arg0: i32) -> (i32, i32) {
    %c0_i32 = arith.constant 0 : i32
    %c0_i32_0 = arith.constant 0 : i32
    return %c0_i32, %arg0 : i32, i32
  }
  func.func @transform_2(%arg0: i32) -> (i32, i32) {
    %c0_i32 = arith.constant 0 : i32
    %c0_i32_0 = arith.constant 0 : i32
    %c0_i32_1 = arith.constant 0 : i32
    return %c0_i32, %c0_i32_0 : i32, i32
  }
  func.func @transform_3(%arg0: i32) -> (i32, i32) {
    %c0_i32 = arith.constant 0 : i32
    %c0_i32_0 = arith.constant 0 : i32
    %c0_i32_1 = arith.constant 0 : i32
    return %c0_i32, %c0_i32_0 : i32, i32
  }
  func.func @transform_4(%arg0: i32) -> (i32, i32) {
    %c0_i32 = arith.constant 0 : i32
    %c0_i32_0 = arith.constant 0 : i32
    %c0_i32_1 = arith.constant 0 : i32
    return %c0_i32, %c0_i32_0 : i32, i32
  }
  func.func @transform_5(%arg0: i32) -> (i32, i32) {
    %c0_i32 = arith.constant 0 : i32
    %c0_i32_0 = arith.constant 0 : i32
    %c0_i32_1 = arith.constant 0 : i32
    return %c0_i32, %c0_i32_0 : i32, i32
  }
  func.func @transform_6(%arg0: i32) -> (i32, i32) {
    %c0_i32 = arith.constant 0 : i32
    %c0_i32_0 = arith.constant 0 : i32
    %c0_i32_1 = arith.constant 0 : i32
    return %c0_i32, %c0_i32_0 : i32, i32
  }
  func.func @transform_7(%arg0: i32) -> i32 {
    %c0_i32 = arith.constant 0 : i32
    %c0_i32_0 = arith.constant 0 : i32
    return %c0_i32 : i32
  }
}

</mosaic_0001>

<sc_bundles>
// kernel: kernel.12.cloned.1.call-start
scs
__scs_entry_jumppad:
0x0: {  	(pc) =	sbr.rel $0x88, $3  }
0x1: {  	(tag) =	ssettag $0x0;
	lr =	simm.s32 $0x1  }
0x2: {  	[smem:$0x3F94] =	sst lr;
	_ =	strace $0xD0000000  }
0x3: {  	_ = 	snop  }
0x4: {  	_ = 	snop  }
0x5: {  	_ = 	snop  }
0x6: {  	_ = 	snop  }
0x7: {  	_ = 	snop  }
__scs_overlays_trampoline_lowered:
0x8: {  	[smem:$0x3FA3] =	sst s0  }
0x9: {  	[smem:$0x3FA4] =	sst s1  }
0xa: {  	[smem:$0x3FA5] =	sst s2  }
0xb: {  	[smem:$0x3FA6] =	sst s3  }
0xc: {  	[smem:$0x3FA7] =	sst s4  }
0xd: {  	[smem:$0x3FA8] =	sst s5  }
0xe: {  	[smem:$0x3FA9] =	sst s6  }
0xf: {  	[smem:$0x3FAA] =	sst s7  }
0x10: {  	[smem:$0x3FAB] =	sst s8  }
0x11: {  	[smem:$0x3FAC] =	sst s9;
	s0 =	simm.s32 @!p0 $0x0  }
0x12: {  	s1 =	sld [smem:$0x3F92];
	s0 =	simm.s32 @p0 $0x1  }
0x13: {  	[smem:$0x3FAD] =	sst s0;
	s0 =	simm.s32 @!p1 $0x0  }
0x14: {  	s2 =	sld [smem:$0x3F91];
	s0 =	simm.s32 @p1 $0x1  }
0x15: {  	[smem:$0x3FAE] =	sst s0;
	s0 =	simm.s32 @!p2 $0x0  }
0x16: {  	s3 =	sld [smem:$0x3FDB];
	s0 =	simm.s32 @p2 $0x1  }
0x17: {  	s4 =	simm.s32 $0x1BF5;
	[smem:$0x3FB0] =	sst s0  }
0x18: {  	s0 =	sld [smem:$0x3F93];
	_ =	swait.ge [sflag:s4], $0x0  }
0x19: {  	s7 =	sld [smem:$0x3F94]  }
0x1a: {  	s8 =	sadd.s32 $0xFFFFE003, lr  }
0x1b: {  	s9 =	sadd.s32 $0xFFFFFEF7, lr;
	s5 =	simm.s32 $0xFFFFFFFF;
	p2 =	slt.u32 s8, $0xFFFFF086  }
0x1c: {  	p1 =	slt.u32 s9, $0xF7A;
	s5 =	simm.s32 @!p2 $0x0  }
0x1d: {  	s5 =	simm.s32 @p1 $0x1;
	p0 =	seq.s32 s7, s2  }
0x1e: {  	s7 =	smul.u32 @!p0 $0xF7A, s2;
	p2 =	seq.s32 @!p0 s5, $0x0  }
0x1f: {  	s9 =	smul.u32 $0xF7A, s1;
	s8 =	simm.s32 @!p0 $0x1BF5;
	p2 =	por !p2, p0  }
0x20: {  	[sflag:s8] =	ssyncset.s32 @!p0 $0xFFFFF086;
	s6 =	sadd.s32 @!p0 s3, s7;
	s7 =	simm.s32 @!p0 $0x108  }
0x21: {  	s3 =	sadd.s32 s3, s9;
	s6 =	sadd.s32 @!p0 $0x88, s6;
	s7 =	simm.s32 @p2 $0x1082  }
0x22: {  	[simem:s7], [sflag:s8] =	dma.local @!p0 [hbm:s6], $0xF7A  }
0x23: {  	s9 =	sor.u32 $0xD0000000, s2;
	s6 =	simm.s32 $0x108;
	_ =	swait.ge @!p0 [sflag:s8], $0x0  }
0x24: {  	s3 =	sadd.s32 $0x88, s3;
	s6 =	simm.s32 @!p1 $0x1082;
	[sflag:s4] =	ssyncset.s32 $0xFFFFF086  }
0x25: {  	[simem:s6], [sflag:s4] =	dma.local [hbm:s3], $0xF7A  }
0x26: {  	[smem:$0x3F94] =	sst s1;
	(tag) =	ssettag s2;
	_ =	strace s9  }
0x27: {  	s1 =	sld [smem:$0x3FA4]  }
0x28: {  	s2 =	sld [smem:$0x3FA5]  }
0x29: {  	s4 =	sld [smem:$0x3FA7]  }
0x2a: {  	p0 =	seq.s32 s5, $0x0;
	s5 =	sld [smem:$0x3FA8]  }
0x2b: {  	s6 =	sld [smem:$0x3FA9]  }
0x2c: {  	s7 =	sld [smem:$0x3FAA]  }
0x2d: {  	s3 =	simm.s32 $0x108;
	s8 =	sld [smem:$0x3FAB]  }
0x2e: {  	s3 =	simm.s32 @!p0 $0x1082;
	s9 =	sld [smem:$0x3FAC]  }
0x2f: {  	lr =	sadd.s32 s0, s3;
	s0 =	sld [smem:$0x3FA3]  }
0x30: {  	s3 =	sld [smem:$0x3FA6]  }
0x31: {  	[smem:$0x3FAF] =	sst s10  }
0x32: {  	s10 =	sld [smem:$0x3FAD];
	_ =	sdelay $0x3  }
0x33: {  	p0 =	seq.s32 s10, $0x1;
	s10 =	sld [smem:$0x3FAF];
	_ =	sdelay $0x3  }
0x34: {  	[smem:$0x3FAF] =	sst s10  }
0x35: {  	s10 =	sld [smem:$0x3FAE];
	_ =	sdelay $0x3  }
0x36: {  	p1 =	seq.s32 s10, $0x1;
	s10 =	sld [smem:$0x3FAF];
	_ =	sdelay $0x3  }
0x37: {  	[smem:$0x3FAF] =	sst s10  }
0x38: {  	s10 =	sld [smem:$0x3FB0]  }
0x39: {  	_ = 	snop;
	(pc) =	sbr.ind lr, $3  }
0x3a: {  	_ = 	snop  }
0x3b: {  	_ = 	snop  }
0x3c: {  	p2 =	seq.s32 s10, $0x1;
	s10 =	sld [smem:$0x3FAF]  }
0x3d: {  	_ =	shalt  }
0x3e: {  	_ =	shalt  }
0x3f: {  	_ =	shalt  }
0x40: {  	_ =	shalt  }
0x41: {  	_ =	shalt  }
0x42: {  	_ =	shalt  }
0x43: {  	_ =	shalt  }
0x44: {  	_ =	shalt  }
0x45: {  	_ =	shalt  }
0x46: {  	_ =	shalt  }
0x47: {  	_ =	shalt  }
0x48: {  	_ =	shalt  }
0x49: {  	_ =	shalt  }
0x4a: {  	_ =	shalt  }
0x4b: {  	_ =	shalt  }
0x4c: {  	_ =	shalt  }
0x4d: {  	_ =	shalt  }
0x4e: {  	_ =	shalt  }
0x4f: {  	_ =	shalt  }
0x50: {  	_ =	shalt  }
0x51: {  	_ =	shalt  }
0x52: {  	_ =	shalt  }
0x53: {  	_ =	shalt  }
0x54: {  	_ =	shalt  }
0x55: {  	_ =	shalt  }
0x56: {  	_ =	shalt  }
0x57: {  	_ =	shalt  }
0x58: {  	_ =	shalt  }
0x59: {  	_ =	shalt  }
0x5a: {  	_ =	shalt  }
0x5b: {  	_ =	shalt  }
0x5c: {  	_ =	shalt  }
0x5d: {  	_ =	shalt  }
0x5e: {  	_ =	shalt  }
0x5f: {  	_ =	shalt  }
0x60: {  	_ =	shalt  }
0x61: {  	_ =	shalt  }
0x62: {  	_ =	shalt  }
0x63: {  	_ =	shalt  }
0x64: {  	_ =	shalt  }
0x65: {  	_ =	shalt  }
0x66: {  	_ =	shalt  }
0x67: {  	_ =	shalt  }
0x68: {  	_ =	shalt  }
0x69: {  	_ =	shalt  }
0x6a: {  	_ =	shalt  }
0x6b: {  	_ =	shalt  }
0x6c: {  	_ =	shalt  }
0x6d: {  	_ =	shalt  }
0x6e: {  	_ =	shalt  }
0x6f: {  	_ =	shalt  }
0x70: {  	_ =	shalt  }
0x71: {  	_ =	shalt  }
0x72: {  	_ =	shalt  }
0x73: {  	_ =	shalt  }
0x74: {  	_ =	shalt  }
0x75: {  	_ =	shalt  }
0x76: {  	_ =	shalt  }
0x77: {  	_ =	shalt  }
0x78: {  	_ =	shalt  }
0x79: {  	_ =	shalt  }
0x7a: {  	_ =	shalt  }
0x7b: {  	_ =	shalt  }
0x7c: {  	_ =	shalt  }
0x7d: {  	_ =	shalt  }
0x7e: {  	_ =	shalt  }
0x7f: {  	_ =	shalt  }
0x80: {  	_ =	shalt  }
0x81: {  	_ =	shalt  }
0x82: {  	_ =	shalt  }
0x83: {  	_ =	shalt  }
0x84: {  	_ =	shalt  }
0x85: {  	_ =	shalt  }
0x86: {  	_ =	shalt  }
0x87: {  	_ =	shalt  }
.Lfunc_end0:
.L_simem_size_0:
called_computation_lowered:
.L_overlay_start_0:
0x88: {  	s2 =	sld [smem:$0x3FD9]  }
0x89: {  	s3 =	sld [smem:$0x3FFE];
	_ =	sdelay $0x1  }
0x8a: {  	s1 =	srdreg.scid  }
0x8b: {  	s0 =	sand.u32 $0x1, s1  }
0x8c: {  	s17 =	sshll.u32 s0, $0xA;
	s2 =	sadd.s32 s3, s2  }
0x8d: {  	s2 =	sadd.s32 s2, s17  }
0x8e: {  	[smem:$0x3FBB] =	sst s2  }
0x8f: {  	_ = 	snop  }
0x90: {  	s2 =	sld [smem:$0x3FD0];
	(tm) =	ssettm $0x1  }
0x91: {  	s18 =	sld [smem:$0x3FFB];
	_ =	sdelay $0x3  }
0x92: {  	_ =	strace s18  }
0x93: {  	s3 =	sld [smem:$0x3FFC];
	_ =	sdelay $0x3  }
0x94: {  	_ =	strace s3  }
0x95: {  	s3 =	sld [smem:$0x3FFD];
	_ =	sdelay $0x3  }
0x96: {  	_ =	strace s3  }
0x97: {  	_ =	strace $0x8FFFFFFF  }
0x98: {  	s19 =	sld [smem:$0x3FDB];
	_ =	sdelay $0x1  }
0x99: {  	s4 =	simm.s32 $_scs_section_size  }
0x9a: {  	s5 =	simm.s32 $_size__tile_overlayer_lowered;
	s6 =	simm.s32 $_tile_overlayer_lowered  }
0x9b: {  	s22 =	simm.s32 $0x1BFF;
	s21 =	sshll.u32 s6, $0x1;
	s3 =	sadd.s32 s4, s19  }
0x9c: {  	s7 =	simm.s32 $0x0;
	s20 =	sshll.u32 s5, $0x1;
	s5 =	sadd.s32 s21, s3  }
0x9d: {  	[timem:s7], [sflag:s22] =	dma.local [hbm:s5], s20  }
0x9e: {  	_ =	swait.ge [sflag:s22], s20  }
0x9f: {  	s4 =	ssub.s32 $0x0, s20;
	[sflag:s22] =	ssyncset.done $0x0  }
0xa0: {  	[sflag:s22] =	ssyncadd.s32 s4;
	_ =	sdelay $0x1  }
0xa1: {  	s23 =	simm.s32 $0x1B8B  }
0xa2: {  	_ =	swait.ge [sflag:s23], $0x1  }
0xa3: {  	[sflag:s23] =	ssyncset.done $0x0  }
0xa4: {  	s25 =	simm.s32 $0x1B8E;
	s24 =	sld [smem:$0x3FFE];
	[sflag:s23] =	ssyncadd.s32 $0xFFFFFFFF  }
0xa5: {  	s26 =	simm.s32 $execute0_lowered;
	[smem:$0x3FD2] =	sst s25  }
0xa6: {  	s5 =	sshll.u32 s26, $0x1;
	_ =	strace $0x80000046;
	[dreg:$0x1] =	wrdreg $0xFFFFFFFF  }
0xa7: {  	s28 =	simm.s32 $_size_execute0_lowered;
	s3 =	sadd.s32 s3, s5;
	[dreg:$0x0] =	wrdreg $0x0  }
0xa8: {  	s5 =	sshll.u32 s28, $0x1;
	[dreg:$0x2] =	wrdreg s3  }
0xa9: {  	[dreg:$0x3] =	wrdreg s5  }
0xaa: {  	[dreg:$0x4] =	wrdreg $0xC0  }
0xab: {  	_ =	task [dreg:s7], $0x5FFFF  }
0xac: {  	[dreg:$0x1] =	wrdreg $0xFFFFFFFF  }
0xad: {  	[dreg:$0x0] =	wrdreg $0x60  }
0xae: {  	[dreg:$0x2] =	wrdreg s24  }
0xaf: {  	[dreg:$0x3] =	wrdreg s2  }
0xb0: {  	[dreg:$0x4] =	wrdreg $0x40800  }
0xb1: {  	[dreg:$0x5] =	wrdreg $0x9  }
0xb2: {  	_ =	task.clear_ibuf [dreg:s7], $0x6FFFF;
	_ =	strace $0x90000046  }
0xb3: {  	s29 =	simm.s32 $0x9;
	_ =	strace $0x80000048  }
0xb4: {  	_ =	swait.ge [sflag:s29], $0x1  }
0xb5: {  	[sflag:s29] =	ssyncadd.s32 $0xFFFFFFFF  }
0xb6: {  	_ =	strace $0x90000048  }
0xb7: {  	_ =	sfence  }
0xb8: {  	s30 =	sld [smem:$0x0];
	_ =	sdelay $0x2  }
0xb9: {  	s31 =	sshll.u32 s1, $0xD;
	s1 =	sshrl.u32 s1, $0x2  }
0xba: {  	s3 =	sand.u32 $0x4000, s31;
	s1 =	sadd.s32 s1, s30  }
0xbb: {  	s0 =	sor.u32 s3, s0;
	s1 =	sshll.u32 s1, $0x11  }
0xbc: {  	s0 =	sor.u32 s1, s0  }
0xbd: {  	s0 =	sadd.s32 $0x8F2B, s0  }
0xbe: {  	[sflag:s0] =	ssyncadd.remote.s32 $0x1  }
0xbf: {  	_ =	sfence.sel $0xFFFF  }
0xc0: {  	[dreg:$0x0] =	wrdreg $0xFFFFFFFF;
	(pc) =	sbr.abs _section_cstart, $3  }
0xc1: {  	[dreg:$0x1] =	wrdreg $0xFFFFFFFF  }
0xc2: {  	_ =	task.clear_ibuf [dreg:s7], $0x2FFFF;
	_ =	strace $0x9FFFFFFF  }
0xc3: {  	(tm) =	ssettm $0x7FFFFFFF  }
tec
execute0_lowered:
.L_overlay_start_1:
0x0: {  	(tag) =	ssettag $0x1  }
0x1: {  	s4 =	rddreg [dreg:$0x0]  }
0x2: {  	s6 =	rddreg [dreg:$0x1]  }
0x3: {  	s2 =	rddreg [dreg:$0x2]  }
0x4: {  	s0 =	rddreg [dreg:$0x3];
	s3 =	simm.s32 $0x0  }
0x5: {  	s1 =	stileid.u32;
	s8 =	srdreg.scid;
	s13 =	simm.s32 $0x20  }
0x6: {  	s14 =	simm.s32 $0x10;
	s15 =	simm.s32 $0x0;
	[smem:$0x7FF] =	sst s3  }
0x7: {  	s5 =	smul.u32 $0x280, s1;
	s7 =	sshll.u32 s1, $0xB;
	s8 =	sand.u32 $0x1, s8  }
0x8: {  	s10 =	smul.u32 $0x500, s1;
	s31 =	sshll.u32 s1, $0x6;
	_ =	strace $0x80000047  }
0x9: {  	s7 =	sadd.s32 s7, s4;
	s26 =	ssub.s32 $0x2, s8;
	s12 =	sshll.u32 s8, $0xF  }
0xa: {  	s8 =	sshll.u32 s8, $0x7;
	s9 =	sshrl.u32 s5, $0x3;
	s11 =	sshrl.u32 s26, $0x1  }
0xb: {  	s28 =	sadd.s32 s12, s7;
	s29 =	sor.u32 s8, s10;
	s30 =	sadd.s32 s5, s2  }
0xc: {  	s8 =	simm.s32 $0x1;
	s12 =	simm.s32 $0x4000;
	s9 =	sadd.s32 s9, s4  }
0xd: {  	s11 =	ssub.s32 s26, s11;
	s4 =	sadd.s32 $0x3C00, s28;
	s7 =	sshrl.u32 s29, $0x3  }
0xe: {  	s10 =	sshrl.u32 s30, $0x3;
	s5 =	sadd.s32 $0x13C00, s9;
	s6 =	sadd.s32 s6, s7  }
0xf: {  	v0 =	vimm.f32 $1.000000000e+00;
	s7 =	smax.u32 s11, $0x1;
	s9 =	sor.u32 $0x1C01, s31;
	s11 =	simm.s32 $0x50  }
.LBB2_1:
0x10: {  	[tilespmem:$0x4000] =	vst v0  }
0x11: {  	[tilespmem:$0x4010] =	vst v0  }
0x12: {  	[tilespmem:$0x4020] =	vst v0  }
0x13: {  	[tilespmem:$0x4030] =	vst v0  }
0x14: {  	[tilespmem:$0x4040] =	vst v0  }
0x15: {  	[tilespmem:s3], [sflag:$0x1] =	stream.linear.gather [hbm4b:s4+s3], $0x3E80, $0x38;
	[tilespmem:$0x4300] =	vst v63  }
0x16: {  	_ =	swait.ge [sflag:s8], $0x3E80  }
0x17: {  	[sflag:s8] =	ssyncset.done $0x0  }
0x18: {  	[sflag:s8] =	ssyncadd.s32 $0xFFFFC180  }
0x19: {  	[spmem:s10], [sflag:s9] =	dma.local [hbm:s5], $0x50  }
0x1a: {  	_ =	swait.ge [sflag:s8], $0x50  }
0x1b: {  	[sflag:s8] =	ssyncset.done $0x0  }
0x1c: {  	[sflag:s8] =	ssyncadd.s32 $0xFFFFFFB0  }
0x1d: {  	s16 =	simm.s32 $0x0;
	[bflag:$0x0] =	sbarrier.arrive $0xFFFF  }
0x1e: {  	[spmem:s2] =	stream.indirect.scatter.add.f32 [tilespmem:s12], [sflag:$0x1], $0x1, s16, s11, $0xb8;
	[tilespmem:$0x4300] =	vst v63  }
0x1f: {  	_ =	swait.ge [sflag:s8], $0x50  }
0x20: {  	s16 =	simm.s32 $0x200;
	[sflag:s8] =	ssyncset.done $0x0  }
.LBB2_2:
0x21: {  	s17 =	sshra.s32 s16, $0x2;
	[sflag:s8] =	ssyncadd.s32 $0xFFFFFFB0;
	p0 =	sne.s32 s16, $0xF800  }
0x22: {  	[spmem:s2] =	stream.indirect.scatter.add.f32 [tilespmem:s12], [sflag:$0x1], $0x1, s17, s11, $0xb8;
	[tilespmem:$0x4300] =	vst v63  }
.Ltmp0:
0x23: {  	_ = 	snop;
	(pc) =	sbr.rel @p0 .LBB2_2-.Ltmp0, $4  }
0x24: {  	_ = 	snop  }
0x25: {  	s16 =	sadd.s32 $0x200, s16  }
0x26: {  	_ =	swait.ge [sflag:s8], $0x50  }
0x27: {  	[sflag:s8] =	ssyncset.done $0x0  }
0x28: {  	s15 =	sadd.s32 $0x1, s15  }
0x29: {  	[sflag:s8] =	ssyncadd.s32 $0xFFFFFFB0;
	p0 =	sne.s32 s15, s7  }
.Ltmp1:
0x2a: {  	[bflag:$0x0] =	sbarrier.arrive $0xFFFF;
	(pc) =	sbr.rel @p0 .LBB2_1-.Ltmp1, $4  }
0x2b: {  	[hbm:s6@s13], [sflag:s9] =	dma.strided [spmem:s10@s14], $0x50, s8, $0x10   }
0x2c: {  	_ =	swait.ge [sflag:s8], $0x50  }
0x2d: {  	[sflag:s8] =	ssyncset.done $0x0  }
0x2e: {  	[sflag:s8] =	ssyncadd.s32 $0xFFFFFFB0  }
0x2f: {  	_ =	sfence.sel $0x180000  }
0x30: {  	[bflag:$0x0] =	sbarrier.arrive $0xFFFF  }
0x31: {  	p0 =	sne.s32 s1, $0x0;
	_ =	strace $0x90000047  }
0x32: {  	s0 =	sadd.s32 @!p0 $0x100000, s0;
	[bflag:$0x2] =	sbarrier.arrive $0xFFFF  }
0x33: {  	[sflag:s0] =	ssyncadd.tile.s32 @!p0 $0x1;
	_ =	shalt  }
.Lfunc_end2:
_tile_overlayer_lowered:
.L_overlay_start_2:
0x34: {  	(tag) =	ssettag $0x2  }
0x35: {  	s0 =	rddreg [dreg:$0x0];
	s2 =	stileid.u32  }
0x36: {  	s1 =	rddreg [dreg:$0x1];
	p0 =	sne.s32 s2, $0x0  }
0x37: {  	s3 =	rddreg [dreg:$0x2];
	[bflag:$0x3] =	sbarrier.arrive $0xFFFF;
	s2 =	simm.s32 @!p0 $0x1C01  }
0x38: {  	[timem:s3], [sflag:s2] =	dma.local @!p0 [hbm:s0], s1  }
0x39: {  	s0 =	simm.s32 @!p0 $0x1  }
0x3a: {  	_ =	swait.ge @!p0 [sflag:s0], s1  }
0x3b: {  	s1 =	ssub.s32 @!p0 $0x0, s1;
	[sflag:s0] =	ssyncset.done @!p0 $0x0  }
0x3c: {  	[sflag:s0] =	ssyncadd.s32 @!p0 s1  }
0x3d: {  	[bflag:$0x3] =	sbarrier.arrive $0xFFFF  }
0x3e: {  	_ =	shalt  }

// kernel: kernel.15.cloned.1.call-start
scs
__scs_entry_jumppad:
0x0: {  	(pc) =	sbr.rel $0x88, $3  }
0x1: {  	(tag) =	ssettag $0x0;
	lr =	simm.s32 $0x1  }
0x2: {  	[smem:$0x3F94] =	sst lr;
	_ =	strace $0xD0000000  }
0x3: {  	_ = 	snop  }
0x4: {  	_ = 	snop  }
0x5: {  	_ = 	snop  }
0x6: {  	_ = 	snop  }
0x7: {  	_ = 	snop  }
__scs_overlays_trampoline_lowered:
0x8: {  	[smem:$0x3FA3] =	sst s0  }
0x9: {  	[smem:$0x3FA4] =	sst s1  }
0xa: {  	[smem:$0x3FA5] =	sst s2  }
0xb: {  	[smem:$0x3FA6] =	sst s3  }
0xc: {  	[smem:$0x3FA7] =	sst s4  }
0xd: {  	[smem:$0x3FA8] =	sst s5  }
0xe: {  	[smem:$0x3FA9] =	sst s6  }
0xf: {  	[smem:$0x3FAA] =	sst s7  }
0x10: {  	[smem:$0x3FAB] =	sst s8  }
0x11: {  	[smem:$0x3FAC] =	sst s9;
	s0 =	simm.s32 @!p0 $0x0  }
0x12: {  	s1 =	sld [smem:$0x3F92];
	s0 =	simm.s32 @p0 $0x1  }
0x13: {  	[smem:$0x3FAD] =	sst s0;
	s0 =	simm.s32 @!p1 $0x0  }
0x14: {  	s2 =	sld [smem:$0x3F91];
	s0 =	simm.s32 @p1 $0x1  }
0x15: {  	[smem:$0x3FAE] =	sst s0;
	s0 =	simm.s32 @!p2 $0x0  }
0x16: {  	s3 =	sld [smem:$0x3FDB];
	s0 =	simm.s32 @p2 $0x1  }
0x17: {  	s4 =	simm.s32 $0x1BF5;
	[smem:$0x3FB0] =	sst s0  }
0x18: {  	s0 =	sld [smem:$0x3F93];
	_ =	swait.ge [sflag:s4], $0x0  }
0x19: {  	s7 =	sld [smem:$0x3F94]  }
0x1a: {  	s8 =	sadd.s32 $0xFFFFE003, lr  }
0x1b: {  	s9 =	sadd.s32 $0xFFFFFEF7, lr;
	s5 =	simm.s32 $0xFFFFFFFF;
	p2 =	slt.u32 s8, $0xFFFFF086  }
0x1c: {  	p1 =	slt.u32 s9, $0xF7A;
	s5 =	simm.s32 @!p2 $0x0  }
0x1d: {  	s5 =	simm.s32 @p1 $0x1;
	p0 =	seq.s32 s7, s2  }
0x1e: {  	s7 =	smul.u32 @!p0 $0xF7A, s2;
	p2 =	seq.s32 @!p0 s5, $0x0  }
0x1f: {  	s9 =	smul.u32 $0xF7A, s1;
	s8 =	simm.s32 @!p0 $0x1BF5;
	p2 =	por !p2, p0  }
0x20: {  	[sflag:s8] =	ssyncset.s32 @!p0 $0xFFFFF086;
	s6 =	sadd.s32 @!p0 s3, s7;
	s7 =	simm.s32 @!p0 $0x108  }
0x21: {  	s3 =	sadd.s32 s3, s9;
	s6 =	sadd.s32 @!p0 $0x88, s6;
	s7 =	simm.s32 @p2 $0x1082  }
0x22: {  	[simem:s7], [sflag:s8] =	dma.local @!p0 [hbm:s6], $0xF7A  }
0x23: {  	s9 =	sor.u32 $0xD0000000, s2;
	s6 =	simm.s32 $0x108;
	_ =	swait.ge @!p0 [sflag:s8], $0x0  }
0x24: {  	s3 =	sadd.s32 $0x88, s3;
	s6 =	simm.s32 @!p1 $0x1082;
	[sflag:s4] =	ssyncset.s32 $0xFFFFF086  }
0x25: {  	[simem:s6], [sflag:s4] =	dma.local [hbm:s3], $0xF7A  }
0x26: {  	[smem:$0x3F94] =	sst s1;
	(tag) =	ssettag s2;
	_ =	strace s9  }
0x27: {  	s1 =	sld [smem:$0x3FA4]  }
0x28: {  	s2 =	sld [smem:$0x3FA5]  }
0x29: {  	s4 =	sld [smem:$0x3FA7]  }
0x2a: {  	p0 =	seq.s32 s5, $0x0;
	s5 =	sld [smem:$0x3FA8]  }
0x2b: {  	s6 =	sld [smem:$0x3FA9]  }
0x2c: {  	s7 =	sld [smem:$0x3FAA]  }
0x2d: {  	s3 =	simm.s32 $0x108;
	s8 =	sld [smem:$0x3FAB]  }
0x2e: {  	s3 =	simm.s32 @!p0 $0x1082;
	s9 =	sld [smem:$0x3FAC]  }
0x2f: {  	lr =	sadd.s32 s0, s3;
	s0 =	sld [smem:$0x3FA3]  }
0x30: {  	s3 =	sld [smem:$0x3FA6]  }
0x31: {  	[smem:$0x3FAF] =	sst s10  }
0x32: {  	s10 =	sld [smem:$0x3FAD];
	_ =	sdelay $0x3  }
0x33: {  	p0 =	seq.s32 s10, $0x1;
	s10 =	sld [smem:$0x3FAF];
	_ =	sdelay $0x3  }
0x34: {  	[smem:$0x3FAF] =	sst s10  }
0x35: {  	s10 =	sld [smem:$0x3FAE];
	_ =	sdelay $0x3  }
0x36: {  	p1 =	seq.s32 s10, $0x1;
	s10 =	sld [smem:$0x3FAF];
	_ =	sdelay $0x3  }
0x37: {  	[smem:$0x3FAF] =	sst s10  }
0x38: {  	s10 =	sld [smem:$0x3FB0]  }
0x39: {  	_ = 	snop;
	(pc) =	sbr.ind lr, $3  }
0x3a: {  	_ = 	snop  }
0x3b: {  	_ = 	snop  }
0x3c: {  	p2 =	seq.s32 s10, $0x1;
	s10 =	sld [smem:$0x3FAF]  }
0x3d: {  	_ =	shalt  }
0x3e: {  	_ =	shalt  }
0x3f: {  	_ =	shalt  }
0x40: {  	_ =	shalt  }
0x41: {  	_ =	shalt  }
0x42: {  	_ =	shalt  }
0x43: {  	_ =	shalt  }
0x44: {  	_ =	shalt  }
0x45: {  	_ =	shalt  }
0x46: {  	_ =	shalt  }
0x47: {  	_ =	shalt  }
0x48: {  	_ =	shalt  }
0x49: {  	_ =	shalt  }
0x4a: {  	_ =	shalt  }
0x4b: {  	_ =	shalt  }
0x4c: {  	_ =	shalt  }
0x4d: {  	_ =	shalt  }
0x4e: {  	_ =	shalt  }
0x4f: {  	_ =	shalt  }
0x50: {  	_ =	shalt  }
0x51: {  	_ =	shalt  }
0x52: {  	_ =	shalt  }
0x53: {  	_ =	shalt  }
0x54: {  	_ =	shalt  }
0x55: {  	_ =	shalt  }
0x56: {  	_ =	shalt  }
0x57: {  	_ =	shalt  }
0x58: {  	_ =	shalt  }
0x59: {  	_ =	shalt  }
0x5a: {  	_ =	shalt  }
0x5b: {  	_ =	shalt  }
0x5c: {  	_ =	shalt  }
0x5d: {  	_ =	shalt  }
0x5e: {  	_ =	shalt  }
0x5f: {  	_ =	shalt  }
0x60: {  	_ =	shalt  }
0x61: {  	_ =	shalt  }
0x62: {  	_ =	shalt  }
0x63: {  	_ =	shalt  }
0x64: {  	_ =	shalt  }
0x65: {  	_ =	shalt  }
0x66: {  	_ =	shalt  }
0x67: {  	_ =	shalt  }
0x68: {  	_ =	shalt  }
0x69: {  	_ =	shalt  }
0x6a: {  	_ =	shalt  }
0x6b: {  	_ =	shalt  }
0x6c: {  	_ =	shalt  }
0x6d: {  	_ =	shalt  }
0x6e: {  	_ =	shalt  }
0x6f: {  	_ =	shalt  }
0x70: {  	_ =	shalt  }
0x71: {  	_ =	shalt  }
0x72: {  	_ =	shalt  }
0x73: {  	_ =	shalt  }
0x74: {  	_ =	shalt  }
0x75: {  	_ =	shalt  }
0x76: {  	_ =	shalt  }
0x77: {  	_ =	shalt  }
0x78: {  	_ =	shalt  }
0x79: {  	_ =	shalt  }
0x7a: {  	_ =	shalt  }
0x7b: {  	_ =	shalt  }
0x7c: {  	_ =	shalt  }
0x7d: {  	_ =	shalt  }
0x7e: {  	_ =	shalt  }
0x7f: {  	_ =	shalt  }
0x80: {  	_ =	shalt  }
0x81: {  	_ =	shalt  }
0x82: {  	_ =	shalt  }
0x83: {  	_ =	shalt  }
0x84: {  	_ =	shalt  }
0x85: {  	_ =	shalt  }
0x86: {  	_ =	shalt  }
0x87: {  	_ =	shalt  }
.Lfunc_end0:
.L_simem_size_0:
called_computation.1_lowered:
.L_overlay_start_0:
0x88: {  	s2 =	sld [smem:$0x3FD9]  }
0x89: {  	s3 =	sld [smem:$0x3FFE];
	_ =	sdelay $0x1  }
0x8a: {  	s1 =	srdreg.scid  }
0x8b: {  	s0 =	sand.u32 $0x1, s1  }
0x8c: {  	s16 =	sshll.u32 s0, $0xA;
	s2 =	sadd.s32 s3, s2  }
0x8d: {  	s2 =	sadd.s32 s2, s16  }
0x8e: {  	[smem:$0x3FBB] =	sst s2  }
0x8f: {  	_ = 	snop  }
0x90: {  	(tm) =	ssettm $0x1  }
0x91: {  	s17 =	sld [smem:$0x3FFB];
	_ =	sdelay $0x3  }
0x92: {  	_ =	strace s17  }
0x93: {  	s2 =	sld [smem:$0x3FFC];
	_ =	sdelay $0x3  }
0x94: {  	_ =	strace s2  }
0x95: {  	s2 =	sld [smem:$0x3FFD];
	_ =	sdelay $0x3  }
0x96: {  	_ =	strace s2  }
0x97: {  	_ =	strace $0x8FFFFFFF  }
0x98: {  	s18 =	sld [smem:$0x3FDB];
	_ =	sdelay $0x1  }
0x99: {  	s19 =	simm.s32 $_scs_section_size  }
0x9a: {  	s4 =	simm.s32 $_size__tile_overlayer_lowered;
	s5 =	simm.s32 $_tile_overlayer_lowered  }
0x9b: {  	s22 =	simm.s32 $0x1BFF;
	s21 =	sshll.u32 s5, $0x1;
	s2 =	sadd.s32 s19, s18  }
0x9c: {  	s6 =	simm.s32 $0x0;
	s20 =	sshll.u32 s4, $0x1;
	s4 =	sadd.s32 s21, s2  }
0x9d: {  	[timem:s6], [sflag:s22] =	dma.local [hbm:s4], s20  }
0x9e: {  	_ =	swait.ge [sflag:s22], s20  }
0x9f: {  	s3 =	ssub.s32 $0x0, s20;
	[sflag:s22] =	ssyncset.done $0x0  }
0xa0: {  	[sflag:s22] =	ssyncadd.s32 s3;
	_ =	sdelay $0x1  }
0xa1: {  	s23 =	simm.s32 $0x1B8B  }
0xa2: {  	_ =	swait.ge [sflag:s23], $0x1  }
0xa3: {  	[sflag:s23] =	ssyncset.done $0x0  }
0xa4: {  	s25 =	simm.s32 $0x1B8E;
	s24 =	sld [smem:$0x3FFE];
	[sflag:s23] =	ssyncadd.s32 $0xFFFFFFFF  }
0xa5: {  	s26 =	simm.s32 $execute0_lowered;
	[smem:$0x3FD2] =	sst s25  }
0xa6: {  	s4 =	sshll.u32 s26, $0x1;
	_ =	strace $0x80000049;
	[dreg:$0x1] =	wrdreg $0xFFFFFFFF  }
0xa7: {  	s28 =	simm.s32 $_size_execute0_lowered;
	s2 =	sadd.s32 s2, s4;
	[dreg:$0x0] =	wrdreg $0x0  }
0xa8: {  	s4 =	sshll.u32 s28, $0x1;
	[dreg:$0x2] =	wrdreg s2  }
0xa9: {  	[dreg:$0x3] =	wrdreg s4  }
0xaa: {  	[dreg:$0x4] =	wrdreg $0xC0  }
0xab: {  	_ =	task [dreg:s6], $0x5FFFF  }
0xac: {  	[dreg:$0x1] =	wrdreg $0xFFFFFFFF  }
0xad: {  	[dreg:$0x0] =	wrdreg $0x60  }
0xae: {  	[dreg:$0x2] =	wrdreg s24  }
0xaf: {  	[dreg:$0x3] =	wrdreg $0xB7800  }
0xb0: {  	[dreg:$0x4] =	wrdreg $0x9  }
0xb1: {  	_ =	task.clear_ibuf [dreg:s6], $0x5FFFF;
	_ =	strace $0x90000049  }
0xb2: {  	s29 =	simm.s32 $0x9;
	_ =	strace $0x8000004B  }
0xb3: {  	_ =	swait.ge [sflag:s29], $0x1  }
0xb4: {  	[sflag:s29] =	ssyncadd.s32 $0xFFFFFFFF  }
0xb5: {  	_ =	strace $0x9000004B  }
0xb6: {  	_ =	sfence  }
0xb7: {  	s30 =	sld [smem:$0x0];
	_ =	sdelay $0x2  }
0xb8: {  	s31 =	sshll.u32 s1, $0xD;
	s1 =	sshrl.u32 s1, $0x2  }
0xb9: {  	s3 =	sand.u32 $0x4000, s31;
	s1 =	sadd.s32 s1, s30  }
0xba: {  	s0 =	sor.u32 s3, s0;
	s1 =	sshll.u32 s1, $0x11  }
0xbb: {  	s0 =	sor.u32 s1, s0  }
0xbc: {  	s0 =	sadd.s32 $0x8F2B, s0  }
0xbd: {  	[sflag:s0] =	ssyncadd.remote.s32 $0x1  }
0xbe: {  	_ =	sfence.sel $0xFFFF  }
0xbf: {  	[dreg:$0x0] =	wrdreg $0xFFFFFFFF;
	(pc) =	sbr.abs _section_cstart, $3  }
0xc0: {  	[dreg:$0x1] =	wrdreg $0xFFFFFFFF  }
0xc1: {  	_ =	task.clear_ibuf [dreg:s6], $0x2FFFF;
	_ =	strace $0x9FFFFFFF  }
0xc2: {  	(tm) =	ssettm $0x7FFFFFFF  }
0xc3: {  	_ =	shalt  }
tec
execute0_lowered:
.L_overlay_start_1:
0x0: {  	(tag) =	ssettag $0x1  }
0x1: {  	s0 =	srdreg.scid;
	s6 =	rddreg [dreg:$0x0]  }
0x2: {  	s2 =	rddreg [dreg:$0x1];
	s3 =	simm.s32 $0x0;
	s13 =	simm.s32 $0x2780  }
0x3: {  	s14 =	simm.s32 $0x50;
	s15 =	simm.s32 $0x6780;
	s16 =	simm.s32 $0x8F80  }
0x4: {  	s19 =	simm.s32 $0x1;
	s20 =	simm.s32 $0x2;
	s21 =	simm.s32 $0x6480  }
0x5: {  	s22 =	simm.s32 $0x26C0;
	s23 =	simm.s32 $0x6500;
	s24 =	simm.s32 $0x6580  }
0x6: {  	s25 =	simm.s32 $0x0;
	s5 =	sand.u32 $0x1, s0;
	s0 =	stileid.u32  }
0x7: {  	[smem:$0x7FF] =	sst s3;
	s1 =	sshll.u32 s5, $0x4;
	s29 =	smul.u32 $0x14000, s0  }
0x8: {  	s8 =	sshll.u32 s0, $0x7;
	s9 =	smul.u32 $0x140000, s5;
	s5 =	ssub.s32 $0x2, s5  }
0x9: {  	s12 =	smul.u32 $0x50000, s0;
	s17 =	sshll.u32 s0, $0x6;
	s4 =	sor.u32 s0, s1  }
0xa: {  	s1 =	rddreg [dreg:$0x2];
	s8 =	sand.u32 $0x380, s8;
	_ =	strace $0x8000004A  }
0xb: {  	s30 =	sshrl.u32 s5, $0x1;
	s17 =	sor.u32 $0x1C03, s17;
	s7 =	sshrl.u32 s4, $0x3  }
0xc: {  	s4 =	sshll.u32 s4, $0xB;
	s11 =	sshrl.u32 s29, $0x3;
	s31 =	sshrl.u32 s12, $0x2  }
0xd: {  	s12 =	simm.s32 $0x3;
	s7 =	smul.u32 $0x13C00, s7;
	s10 =	sadd.s32 s4, s6  }
0xe: {  	s4 =	sadd.s32 $0x1E000, s6;
	s11 =	sadd.s32 s11, s6;
	s18 =	sadd.s32 s31, s2  }
0xf: {  	s18 =	sshrl.u32 s18, $0x3;
	s7 =	sor.u32 s8, s7;
	s8 =	sadd.s32 s29, s9  }
0x10: {  	s9 =	ssub.s32 s5, s30;
	s7 =	sshrl.u32 s7, $0x3;
	s8 =	sshrl.u32 s8, $0x3  }
0x11: {  	s9 =	smax.u32 s9, $0x1;
	s7 =	sadd.s32 s7, s6;
	s8 =	sadd.s32 s8, s6  }
0x12: {  	s6 =	sadd.s32 $0x3C00, s10;
	s10 =	simm.s32 $0x80;
	s5 =	sadd.s32 $0x14200, s7  }
0x13: {  	s7 =	sadd.s32 $0x46000, s11;
	s8 =	sadd.s32 $0x6E000, s8;
	s11 =	simm.s32 $0x400  }
.LBB2_1:
0x14: {  	[tilespmem:s3], [sflag:$0x3] =	stream.strided.gather [hbm4b:s5+s10], $0x2780, s11, s10, $0x38;
	[tilespmem:$0x1F780] =	vst v63  }
0x15: {  	_ =	swait.ge [sflag:s12], $0x2780  }
0x16: {  	[sflag:s12] =	ssyncset.done $0x0  }
0x17: {  	[sflag:s12] =	ssyncadd.s32 $0xFFFFD880  }
0x18: {  	[tilespmem:s13], [sflag:$0x3] =	stream.linear.gather [hbm4b:s6+s3], $0x3E80, $0x38;
	[tilespmem:$0x1F780] =	vst v63  }
0x19: {  	_ =	swait.ge [sflag:s12], $0x3E80  }
0x1a: {  	[sflag:s12] =	ssyncset.done $0x0  }
0x1b: {  	[sflag:s12] =	ssyncadd.s32 $0xFFFFC180  }
0x1c: {  	[tilespmem:s15], [sflag:$0x1] =	stream.indirect.gather [hbm4b:s4+s14], $0x80, s3, s14, $0xb8;
	[tilespmem:$0x1F780] =	vst v63  }
0x1d: {  	_ = 	snop  }
0x1e: {  	[tilespmem:s16], [sflag:$0x2] =	stream.indirect.gather [hbm4b:s4+s14], $0x80, s14, s14, $0xb8;
	[tilespmem:$0x1F780] =	vst v63  }
0x1f: {  	[spmem:s18], [sflag:s17] =	dma.local [hbm:s7], $0x2800  }
0x20: {  	_ =	swait.ge [sflag:s12], $0x2800  }
0x21: {  	[sflag:s12] =	ssyncset.done $0x0  }
0x22: {  	[sflag:s12] =	ssyncadd.s32 $0xFFFFD800  }
0x23: {  	[bflag:$0x0] =	sbarrier.arrive $0xFFFF  }
0x24: {  	_ =	swait.ge [sflag:s19], $0x2800  }
0x25: {  	[sflag:s19] =	ssyncset.done $0x0  }
0x26: {  	s26 =	simm.s32 $0x2780;
	[sflag:s19] =	ssyncadd.s32 $0xFFFFD800  }
0x27: {  	[spmem:s2] =	stream.indirect.scatter.add.f32 [tilespmem:s15], [sflag:$0x3], $0x80, s26, s14, $0xb8;
	[tilespmem:$0x1F780] =	vst v63  }
0x28: {  	_ =	swait.ge [sflag:s12], $0x2800  }
0x29: {  	[sflag:s12] =	ssyncset.done $0x0  }
0x2a: {  	s30 =	simm.s32 $0xA0;
	[sflag:s12] =	ssyncadd.s32 $0xFFFFD800  }
0x2b: {  	[tilespmem:s15], [sflag:$0x1] =	stream.indirect.gather [hbm4b:s4+s14], $0x80, s30, s14, $0xb8;
	[tilespmem:$0x1F780] =	vst v63  }
0x2c: {  	_ =	swait.ge [sflag:s20], $0x2800  }
0x2d: {  	[sflag:s20] =	ssyncset.done $0x0  }
0x2e: {  	s31 =	simm.s32 $0x2800;
	[sflag:s20] =	ssyncadd.s32 $0xFFFFD800  }
0x2f: {  	[spmem:s2] =	stream.indirect.scatter.add.f32 [tilespmem:s16], [sflag:$0x3], $0x80, s31, s14, $0xb8;
	[tilespmem:$0x1F780] =	vst v63  }
0x30: {  	_ =	swait.ge [sflag:s12], $0x2800  }
0x31: {  	s28 =	simm.s32 $0x400;
	[sflag:s12] =	ssyncset.done $0x0  }
0x32: {  	s29 =	simm.s32 $0x190;
	s26 =	simm.s32 $0xF0;
	[sflag:s12] =	ssyncadd.s32 $0xFFFFD800  }
.LBB2_2:
0x33: {  	[tilespmem:s16], [sflag:$0x2] =	stream.indirect.gather [hbm4b:s4+s14], $0x80, s26, s14, $0xb8;
	[tilespmem:$0x1F780] =	vst v63  }
0x34: {  	s30 =	smov.u32 s28;
	s26 =	smov.u32 s29  }
0x35: {  	p0 =	sne.s32 s28, $0xF000;
	s28 =	sadd.s32 $0x400, s28;
	_ =	swait.ge [sflag:s19], $0x2800  }
0x36: {  	s30 =	sshra.s32 s30, $0x2;
	[sflag:s19] =	ssyncset.done $0x0  }
0x37: {  	s31 =	sadd.s32 $0x2780, s30;
	[sflag:s19] =	ssyncadd.s32 $0xFFFFD800  }
0x38: {  	[spmem:s2] =	stream.indirect.scatter.add.f32 [tilespmem:s15], [sflag:$0x3], $0x80, s31, s14, $0xb8;
	[tilespmem:$0x1F780] =	vst v63  }
0x39: {  	_ =	swait.ge [sflag:s12], $0x2800  }
0x3a: {  	[sflag:s12] =	ssyncset.done $0x0  }
0x3b: {  	s31 =	sadd.s32 $0xFFFFFFB0, s29;
	[sflag:s12] =	ssyncadd.s32 $0xFFFFD800  }
0x3c: {  	[tilespmem:s15], [sflag:$0x1] =	stream.indirect.gather [hbm4b:s4+s14], $0x80, s31, s14, $0xb8;
	[tilespmem:$0x1F780] =	vst v63  }
0x3d: {  	_ =	swait.ge [sflag:s20], $0x2800  }
0x3e: {  	[sflag:s20] =	ssyncset.done $0x0  }
.Ltmp0:
0x3f: {  	s30 =	sadd.s32 $0x2800, s30;
	[sflag:s20] =	ssyncadd.s32 $0xFFFFD800;
	(pc) =	sbr.rel @p0 .LBB2_2-.Ltmp0, $4  }
0x40: {  	[spmem:s2] =	stream.indirect.scatter.add.f32 [tilespmem:s16], [sflag:$0x3], $0x80, s30, s14, $0xb8;
	[tilespmem:$0x1F780] =	vst v63  }
0x41: {  	_ =	swait.ge [sflag:s12], $0x2800  }
0x42: {  	[sflag:s12] =	ssyncset.done $0x0  }
0x43: {  	s29 =	sadd.s32 $0xA0, s29;
	[sflag:s12] =	ssyncadd.s32 $0xFFFFD800  }
0x44: {  	[tilespmem:s16], [sflag:$0x2] =	stream.indirect.gather [hbm4b:s4+s14], $0x80, s26, s14, $0xb8;
	[tilespmem:$0x1F780] =	vst v63  }
0x45: {  	_ =	swait.ge [sflag:s19], $0x2800  }
0x46: {  	[sflag:s19] =	ssyncset.done $0x0  }
0x47: {  	[sflag:s19] =	ssyncadd.s32 $0xFFFFD800  }
0x48: {  	[spmem:s2] =	stream.indirect.scatter.add.f32 [tilespmem:s15], [sflag:$0x3], $0x80, s21, s14, $0xb8;
	[tilespmem:$0x1F780] =	vst v63  }
0x49: {  	_ =	swait.ge [sflag:s12], $0x2800  }
0x4a: {  	[sflag:s12] =	ssyncset.done $0x0  }
0x4b: {  	[sflag:s12] =	ssyncadd.s32 $0xFFFFD800  }
0x4c: {  	[tilespmem:s15], [sflag:$0x1] =	stream.indirect.gather [hbm4b:s4+s14], $0x80, s22, s14, $0xb8;
	[tilespmem:$0x1F780] =	vst v63  }
0x4d: {  	_ =	swait.ge [sflag:s20], $0x2800  }
0x4e: {  	[sflag:s20] =	ssyncset.done $0x0  }
0x4f: {  	[sflag:s20] =	ssyncadd.s32 $0xFFFFD800  }
0x50: {  	[spmem:s2] =	stream.indirect.scatter.add.f32 [tilespmem:s16], [sflag:$0x3], $0x80, s23, s14, $0xb8;
	[tilespmem:$0x1F780] =	vst v63  }
0x51: {  	_ =	swait.ge [sflag:s12], $0x2800  }
0x52: {  	[sflag:s12] =	ssyncset.done $0x0  }
0x53: {  	[sflag:s12] =	ssyncadd.s32 $0xFFFFD800  }
0x54: {  	_ =	swait.ge [sflag:s19], $0x2800  }
0x55: {  	[sflag:s19] =	ssyncset.done $0x0  }
0x56: {  	[sflag:s19] =	ssyncadd.s32 $0xFFFFD800  }
0x57: {  	[spmem:s2] =	stream.indirect.scatter.add.f32 [tilespmem:s15], [sflag:$0x3], $0x80, s24, s14, $0xb8;
	[tilespmem:$0x1F780] =	vst v63  }
0x58: {  	_ =	swait.ge [sflag:s12], $0x2800  }
0x59: {  	s25 =	sadd.s32 $0x1, s25;
	[sflag:s12] =	ssyncset.done $0x0  }
0x5a: {  	p0 =	sne.s32 s25, s9;
	[sflag:s12] =	ssyncadd.s32 $0xFFFFD800  }
.Ltmp1:
0x5b: {  	[bflag:$0x0] =	sbarrier.arrive $0xFFFF;
	(pc) =	sbr.rel @p0 .LBB2_1-.Ltmp1, $4  }
0x5c: {  	[hbm:s8], [sflag:s17] =	dma.local [spmem:s18], $0x2800  }
0x5d: {  	_ =	swait.ge [sflag:s12], $0x2800  }
0x5e: {  	[sflag:s12] =	ssyncset.done $0x0  }
0x5f: {  	[sflag:s12] =	ssyncadd.s32 $0xFFFFD800  }
0x60: {  	_ =	sfence.sel $0x180000  }
0x61: {  	[bflag:$0x0] =	sbarrier.arrive $0xFFFF  }
0x62: {  	p0 =	sne.s32 s0, $0x0;
	_ =	strace $0x9000004A  }
0x63: {  	s0 =	sadd.s32 @!p0 $0x100000, s1;
	[bflag:$0x2] =	sbarrier.arrive $0xFFFF  }
0x64: {  	[sflag:s0] =	ssyncadd.tile.s32 @!p0 $0x1;
	_ =	shalt  }
.Lfunc_end2:
_tile_overlayer_lowered:
.L_overlay_start_2:
0x65: {  	(tag) =	ssettag $0x2  }
0x66: {  	s0 =	rddreg [dreg:$0x0];
	s2 =	stileid.u32  }
0x67: {  	s1 =	rddreg [dreg:$0x1];
	p0 =	sne.s32 s2, $0x0  }
0x68: {  	s3 =	rddreg [dreg:$0x2];
	[bflag:$0x3] =	sbarrier.arrive $0xFFFF;
	s2 =	simm.s32 @!p0 $0x1C03  }
0x69: {  	[timem:s3], [sflag:s2] =	dma.local @!p0 [hbm:s0], s1  }
0x6a: {  	s0 =	simm.s32 @!p0 $0x3  }
0x6b: {  	_ =	swait.ge @!p0 [sflag:s0], s1  }
0x6c: {  	s1 =	ssub.s32 @!p0 $0x0, s1;
	[sflag:s0] =	ssyncset.done @!p0 $0x0  }
0x6d: {  	[sflag:s0] =	ssyncadd.s32 @!p0 s1  }
0x6e: {  	[bflag:$0x3] =	sbarrier.arrive $0xFFFF  }
0x6f: {  	_ =	shalt  }

// kernel: kernel.18.cloned.1.call-start
scs
__scs_entry_jumppad:
0x0: {  	(pc) =	sbr.rel $0x88, $3  }
0x1: {  	(tag) =	ssettag $0x0;
	lr =	simm.s32 $0x1  }
0x2: {  	[smem:$0x3F94] =	sst lr;
	_ =	strace $0xD0000000  }
0x3: {  	_ = 	snop  }
0x4: {  	_ = 	snop  }
0x5: {  	_ = 	snop  }
0x6: {  	_ = 	snop  }
0x7: {  	_ = 	snop  }
__scs_overlays_trampoline_lowered:
0x8: {  	[smem:$0x3FA3] =	sst s0  }
0x9: {  	[smem:$0x3FA4] =	sst s1  }
0xa: {  	[smem:$0x3FA5] =	sst s2  }
0xb: {  	[smem:$0x3FA6] =	sst s3  }
0xc: {  	[smem:$0x3FA7] =	sst s4  }
0xd: {  	[smem:$0x3FA8] =	sst s5  }
0xe: {  	[smem:$0x3FA9] =	sst s6  }
0xf: {  	[smem:$0x3FAA] =	sst s7  }
0x10: {  	[smem:$0x3FAB] =	sst s8  }
0x11: {  	[smem:$0x3FAC] =	sst s9;
	s0 =	simm.s32 @!p0 $0x0  }
0x12: {  	s1 =	sld [smem:$0x3F92];
	s0 =	simm.s32 @p0 $0x1  }
0x13: {  	[smem:$0x3FAD] =	sst s0;
	s0 =	simm.s32 @!p1 $0x0  }
0x14: {  	s2 =	sld [smem:$0x3F91];
	s0 =	simm.s32 @p1 $0x1  }
0x15: {  	[smem:$0x3FAE] =	sst s0;
	s0 =	simm.s32 @!p2 $0x0  }
0x16: {  	s3 =	sld [smem:$0x3FDB];
	s0 =	simm.s32 @p2 $0x1  }
0x17: {  	s4 =	simm.s32 $0x1BF5;
	[smem:$0x3FB0] =	sst s0  }
0x18: {  	s0 =	sld [smem:$0x3F93];
	_ =	swait.ge [sflag:s4], $0x0  }
0x19: {  	s7 =	sld [smem:$0x3F94]  }
0x1a: {  	s8 =	sadd.s32 $0xFFFFE003, lr  }
0x1b: {  	s9 =	sadd.s32 $0xFFFFFEF7, lr;
	s5 =	simm.s32 $0xFFFFFFFF;
	p2 =	slt.u32 s8, $0xFFFFF086  }
0x1c: {  	p1 =	slt.u32 s9, $0xF7A;
	s5 =	simm.s32 @!p2 $0x0  }
0x1d: {  	s5 =	simm.s32 @p1 $0x1;
	p0 =	seq.s32 s7, s2  }
0x1e: {  	s7 =	smul.u32 @!p0 $0xF7A, s2;
	p2 =	seq.s32 @!p0 s5, $0x0  }
0x1f: {  	s9 =	smul.u32 $0xF7A, s1;
	s8 =	simm.s32 @!p0 $0x1BF5;
	p2 =	por !p2, p0  }
0x20: {  	[sflag:s8] =	ssyncset.s32 @!p0 $0xFFFFF086;
	s6 =	sadd.s32 @!p0 s3, s7;
	s7 =	simm.s32 @!p0 $0x108  }
0x21: {  	s3 =	sadd.s32 s3, s9;
	s6 =	sadd.s32 @!p0 $0x88, s6;
	s7 =	simm.s32 @p2 $0x1082  }
0x22: {  	[simem:s7], [sflag:s8] =	dma.local @!p0 [hbm:s6], $0xF7A  }
0x23: {  	s9 =	sor.u32 $0xD0000000, s2;
	s6 =	simm.s32 $0x108;
	_ =	swait.ge @!p0 [sflag:s8], $0x0  }
0x24: {  	s3 =	sadd.s32 $0x88, s3;
	s6 =	simm.s32 @!p1 $0x1082;
	[sflag:s4] =	ssyncset.s32 $0xFFFFF086  }
0x25: {  	[simem:s6], [sflag:s4] =	dma.local [hbm:s3], $0xF7A  }
0x26: {  	[smem:$0x3F94] =	sst s1;
	(tag) =	ssettag s2;
	_ =	strace s9  }
0x27: {  	s1 =	sld [smem:$0x3FA4]  }
0x28: {  	s2 =	sld [smem:$0x3FA5]  }
0x29: {  	s4 =	sld [smem:$0x3FA7]  }
0x2a: {  	p0 =	seq.s32 s5, $0x0;
	s5 =	sld [smem:$0x3FA8]  }
0x2b: {  	s6 =	sld [smem:$0x3FA9]  }
0x2c: {  	s7 =	sld [smem:$0x3FAA]  }
0x2d: {  	s3 =	simm.s32 $0x108;
	s8 =	sld [smem:$0x3FAB]  }
0x2e: {  	s3 =	simm.s32 @!p0 $0x1082;
	s9 =	sld [smem:$0x3FAC]  }
0x2f: {  	lr =	sadd.s32 s0, s3;
	s0 =	sld [smem:$0x3FA3]  }
0x30: {  	s3 =	sld [smem:$0x3FA6]  }
0x31: {  	[smem:$0x3FAF] =	sst s10  }
0x32: {  	s10 =	sld [smem:$0x3FAD];
	_ =	sdelay $0x3  }
0x33: {  	p0 =	seq.s32 s10, $0x1;
	s10 =	sld [smem:$0x3FAF];
	_ =	sdelay $0x3  }
0x34: {  	[smem:$0x3FAF] =	sst s10  }
0x35: {  	s10 =	sld [smem:$0x3FAE];
	_ =	sdelay $0x3  }
0x36: {  	p1 =	seq.s32 s10, $0x1;
	s10 =	sld [smem:$0x3FAF];
	_ =	sdelay $0x3  }
0x37: {  	[smem:$0x3FAF] =	sst s10  }
0x38: {  	s10 =	sld [smem:$0x3FB0]  }
0x39: {  	_ = 	snop;
	(pc) =	sbr.ind lr, $3  }
0x3a: {  	_ = 	snop  }
0x3b: {  	_ = 	snop  }
0x3c: {  	p2 =	seq.s32 s10, $0x1;
	s10 =	sld [smem:$0x3FAF]  }
0x3d: {  	_ =	shalt  }
0x3e: {  	_ =	shalt  }
0x3f: {  	_ =	shalt  }
0x40: {  	_ =	shalt  }
0x41: {  	_ =	shalt  }
0x42: {  	_ =	shalt  }
0x43: {  	_ =	shalt  }
0x44: {  	_ =	shalt  }
0x45: {  	_ =	shalt  }
0x46: {  	_ =	shalt  }
0x47: {  	_ =	shalt  }
0x48: {  	_ =	shalt  }
0x49: {  	_ =	shalt  }
0x4a: {  	_ =	shalt  }
0x4b: {  	_ =	shalt  }
0x4c: {  	_ =	shalt  }
0x4d: {  	_ =	shalt  }
0x4e: {  	_ =	shalt  }
0x4f: {  	_ =	shalt  }
0x50: {  	_ =	shalt  }
0x51: {  	_ =	shalt  }
0x52: {  	_ =	shalt  }
0x53: {  	_ =	shalt  }
0x54: {  	_ =	shalt  }
0x55: {  	_ =	shalt  }
0x56: {  	_ =	shalt  }
0x57: {  	_ =	shalt  }
0x58: {  	_ =	shalt  }
0x59: {  	_ =	shalt  }
0x5a: {  	_ =	shalt  }
0x5b: {  	_ =	shalt  }
0x5c: {  	_ =	shalt  }
0x5d: {  	_ =	shalt  }
0x5e: {  	_ =	shalt  }
0x5f: {  	_ =	shalt  }
0x60: {  	_ =	shalt  }
0x61: {  	_ =	shalt  }
0x62: {  	_ =	shalt  }
0x63: {  	_ =	shalt  }
0x64: {  	_ =	shalt  }
0x65: {  	_ =	shalt  }
0x66: {  	_ =	shalt  }
0x67: {  	_ =	shalt  }
0x68: {  	_ =	shalt  }
0x69: {  	_ =	shalt  }
0x6a: {  	_ =	shalt  }
0x6b: {  	_ =	shalt  }
0x6c: {  	_ =	shalt  }
0x6d: {  	_ =	shalt  }
0x6e: {  	_ =	shalt  }
0x6f: {  	_ =	shalt  }
0x70: {  	_ =	shalt  }
0x71: {  	_ =	shalt  }
0x72: {  	_ =	shalt  }
0x73: {  	_ =	shalt  }
0x74: {  	_ =	shalt  }
0x75: {  	_ =	shalt  }
0x76: {  	_ =	shalt  }
0x77: {  	_ =	shalt  }
0x78: {  	_ =	shalt  }
0x79: {  	_ =	shalt  }
0x7a: {  	_ =	shalt  }
0x7b: {  	_ =	shalt  }
0x7c: {  	_ =	shalt  }
0x7d: {  	_ =	shalt  }
0x7e: {  	_ =	shalt  }
0x7f: {  	_ =	shalt  }
0x80: {  	_ =	shalt  }
0x81: {  	_ =	shalt  }
0x82: {  	_ =	shalt  }
0x83: {  	_ =	shalt  }
0x84: {  	_ =	shalt  }
0x85: {  	_ =	shalt  }
0x86: {  	_ =	shalt  }
0x87: {  	_ =	shalt  }
.Lfunc_end0:
.L_simem_size_0:
called_computation.2_lowered:
.L_overlay_start_0:
0x88: {  	s2 =	sld [smem:$0x3FD9]  }
0x89: {  	s3 =	sld [smem:$0x3FFE];
	_ =	sdelay $0x1  }
0x8a: {  	s1 =	srdreg.scid  }
0x8b: {  	s0 =	sand.u32 $0x1, s1  }
0x8c: {  	s16 =	sshll.u32 s0, $0xA;
	s2 =	sadd.s32 s3, s2  }
0x8d: {  	s2 =	sadd.s32 s2, s16  }
0x8e: {  	[smem:$0x3FBB] =	sst s2  }
0x8f: {  	_ = 	snop  }
0x90: {  	(tm) =	ssettm $0x1  }
0x91: {  	s17 =	sld [smem:$0x3FFB];
	_ =	sdelay $0x3  }
0x92: {  	_ =	strace s17  }
0x93: {  	s2 =	sld [smem:$0x3FFC];
	_ =	sdelay $0x3  }
0x94: {  	_ =	strace s2  }
0x95: {  	s2 =	sld [smem:$0x3FFD];
	_ =	sdelay $0x3  }
0x96: {  	_ =	strace s2  }
0x97: {  	_ =	strace $0x8FFFFFFF  }
0x98: {  	s18 =	sld [smem:$0x3FDB];
	_ =	sdelay $0x1  }
0x99: {  	s19 =	simm.s32 $_scs_section_size  }
0x9a: {  	s4 =	simm.s32 $_size__tile_overlayer_lowered;
	s5 =	simm.s32 $_tile_overlayer_lowered  }
0x9b: {  	s22 =	simm.s32 $0x1BFF;
	s21 =	sshll.u32 s5, $0x1;
	s2 =	sadd.s32 s19, s18  }
0x9c: {  	s6 =	simm.s32 $0x0;
	s20 =	sshll.u32 s4, $0x1;
	s4 =	sadd.s32 s21, s2  }
0x9d: {  	[timem:s6], [sflag:s22] =	dma.local [hbm:s4], s20  }
0x9e: {  	_ =	swait.ge [sflag:s22], s20  }
0x9f: {  	s3 =	ssub.s32 $0x0, s20;
	[sflag:s22] =	ssyncset.done $0x0  }
0xa0: {  	[sflag:s22] =	ssyncadd.s32 s3;
	_ =	sdelay $0x1  }
0xa1: {  	s23 =	simm.s32 $0x1B8B  }
0xa2: {  	_ =	swait.ge [sflag:s23], $0x1  }
0xa3: {  	[sflag:s23] =	ssyncset.done $0x0  }
0xa4: {  	s25 =	simm.s32 $0x1B8E;
	s24 =	sld [smem:$0x3FFE];
	[sflag:s23] =	ssyncadd.s32 $0xFFFFFFFF  }
0xa5: {  	s26 =	simm.s32 $execute0_lowered;
	[smem:$0x3FD2] =	sst s25  }
0xa6: {  	s4 =	sshll.u32 s26, $0x1;
	_ =	strace $0x8000004C;
	[dreg:$0x1] =	wrdreg $0xFFFFFFFF  }
0xa7: {  	s28 =	simm.s32 $_size_execute0_lowered;
	s2 =	sadd.s32 s2, s4;
	[dreg:$0x0] =	wrdreg $0x0  }
0xa8: {  	s4 =	sshll.u32 s28, $0x1;
	[dreg:$0x2] =	wrdreg s2  }
0xa9: {  	[dreg:$0x3] =	wrdreg s4  }
0xaa: {  	[dreg:$0x4] =	wrdreg $0xC0  }
0xab: {  	_ =	task [dreg:s6], $0x5FFFF  }
0xac: {  	[dreg:$0x1] =	wrdreg $0xFFFFFFFF  }
0xad: {  	[dreg:$0x0] =	wrdreg $0x60  }
0xae: {  	[dreg:$0x2] =	wrdreg s24  }
0xaf: {  	[dreg:$0x3] =	wrdreg $0xB7800  }
0xb0: {  	[dreg:$0x4] =	wrdreg $0x9  }
0xb1: {  	_ =	task.clear_ibuf [dreg:s6], $0x5FFFF;
	_ =	strace $0x9000004C  }
0xb2: {  	s29 =	simm.s32 $0x9;
	_ =	strace $0x8000004E  }
0xb3: {  	_ =	swait.ge [sflag:s29], $0x1  }
0xb4: {  	[sflag:s29] =	ssyncadd.s32 $0xFFFFFFFF  }
0xb5: {  	_ =	strace $0x9000004E  }
0xb6: {  	_ =	sfence  }
0xb7: {  	s30 =	sld [smem:$0x0];
	_ =	sdelay $0x2  }
0xb8: {  	s31 =	sshll.u32 s1, $0xD;
	s1 =	sshrl.u32 s1, $0x2  }
0xb9: {  	s3 =	sand.u32 $0x4000, s31;
	s1 =	sadd.s32 s1, s30  }
0xba: {  	s0 =	sor.u32 s3, s0;
	s1 =	sshll.u32 s1, $0x11  }
0xbb: {  	s0 =	sor.u32 s1, s0  }
0xbc: {  	s0 =	sadd.s32 $0x8F2B, s0  }
0xbd: {  	[sflag:s0] =	ssyncadd.remote.s32 $0x1  }
0xbe: {  	_ =	sfence.sel $0xFFFF  }
0xbf: {  	[dreg:$0x0] =	wrdreg $0xFFFFFFFF;
	(pc) =	sbr.abs _section_cstart, $3  }
0xc0: {  	[dreg:$0x1] =	wrdreg $0xFFFFFFFF  }
0xc1: {  	_ =	task.clear_ibuf [dreg:s6], $0x2FFFF;
	_ =	strace $0x9FFFFFFF  }
0xc2: {  	(tm) =	ssettm $0x7FFFFFFF  }
0xc3: {  	_ =	shalt  }
tec
execute0_lowered:
.L_overlay_start_1:
0x0: {  	(tag) =	ssettag $0x1  }
0x1: {  	s0 =	srdreg.scid;
	s6 =	rddreg [dreg:$0x0]  }
0x2: {  	s2 =	rddreg [dreg:$0x1];
	s3 =	simm.s32 $0x0;
	s13 =	simm.s32 $0x2780  }
0x3: {  	s14 =	simm.s32 $0x50;
	s15 =	simm.s32 $0x6780;
	s16 =	simm.s32 $0x8F80  }
0x4: {  	s19 =	simm.s32 $0x1;
	s20 =	simm.s32 $0x2;
	s21 =	simm.s32 $0x6480  }
0x5: {  	s22 =	simm.s32 $0x26C0;
	s23 =	simm.s32 $0x6500;
	s24 =	simm.s32 $0x6580  }
0x6: {  	s25 =	simm.s32 $0x0;
	s5 =	sand.u32 $0x1, s0;
	s0 =	stileid.u32  }
0x7: {  	[smem:$0x7FF] =	sst s3;
	s1 =	sshll.u32 s5, $0x4;
	s29 =	smul.u32 $0x14000, s0  }
0x8: {  	s8 =	sshll.u32 s0, $0x7;
	s9 =	smul.u32 $0x140000, s5;
	s5 =	ssub.s32 $0x2, s5  }
0x9: {  	s12 =	smul.u32 $0x50000, s0;
	s17 =	sshll.u32 s0, $0x6;
	s4 =	sor.u32 s0, s1  }
0xa: {  	s1 =	rddreg [dreg:$0x2];
	s8 =	sand.u32 $0x380, s8;
	_ =	strace $0x8000004D  }
0xb: {  	s30 =	sshrl.u32 s5, $0x1;
	s17 =	sor.u32 $0x1C03, s17;
	s7 =	sshrl.u32 s4, $0x3  }
0xc: {  	s4 =	sshll.u32 s4, $0xB;
	s11 =	sshrl.u32 s29, $0x3;
	s31 =	sshrl.u32 s12, $0x2  }
0xd: {  	s12 =	simm.s32 $0x3;
	s7 =	smul.u32 $0x13C00, s7;
	s10 =	sadd.s32 s4, s6  }
0xe: {  	s4 =	sadd.s32 $0x1E000, s6;
	s11 =	sadd.s32 s11, s6;
	s18 =	sadd.s32 s31, s2  }
0xf: {  	s18 =	sshrl.u32 s18, $0x3;
	s7 =	sor.u32 s8, s7;
	s8 =	sadd.s32 s29, s9  }
0x10: {  	s9 =	ssub.s32 s5, s30;
	s7 =	sshrl.u32 s7, $0x3;
	s8 =	sshrl.u32 s8, $0x3  }
0x11: {  	s9 =	smax.u32 s9, $0x1;
	s7 =	sadd.s32 s7, s6;
	s8 =	sadd.s32 s8, s6  }
0x12: {  	s6 =	sadd.s32 $0x3C00, s10;
	s10 =	simm.s32 $0x80;
	s5 =	sadd.s32 $0x14200, s7  }
0x13: {  	s7 =	sadd.s32 $0x46000, s11;
	s8 =	sadd.s32 $0x6E000, s8;
	s11 =	simm.s32 $0x400  }
.LBB2_1:
0x14: {  	[tilespmem:s3], [sflag:$0x3] =	stream.strided.gather [hbm4b:s5+s10], $0x2780, s11, s10, $0x38;
	[tilespmem:$0x1F780] =	vst v63  }
0x15: {  	_ =	swait.ge [sflag:s12], $0x2780  }
0x16: {  	[sflag:s12] =	ssyncset.done $0x0  }
0x17: {  	[sflag:s12] =	ssyncadd.s32 $0xFFFFD880  }
0x18: {  	[tilespmem:s13], [sflag:$0x3] =	stream.linear.gather [hbm4b:s6+s3], $0x3E80, $0x38;
	[tilespmem:$0x1F780] =	vst v63  }
0x19: {  	_ =	swait.ge [sflag:s12], $0x3E80  }
0x1a: {  	[sflag:s12] =	ssyncset.done $0x0  }
0x1b: {  	[sflag:s12] =	ssyncadd.s32 $0xFFFFC180  }
0x1c: {  	[tilespmem:s15], [sflag:$0x1] =	stream.indirect.gather [hbm4b:s4+s14], $0x80, s3, s14, $0xb8;
	[tilespmem:$0x1F780] =	vst v63  }
0x1d: {  	_ = 	snop  }
0x1e: {  	[tilespmem:s16], [sflag:$0x2] =	stream.indirect.gather [hbm4b:s4+s14], $0x80, s14, s14, $0xb8;
	[tilespmem:$0x1F780] =	vst v63  }
0x1f: {  	[spmem:s18], [sflag:s17] =	dma.local [hbm:s7], $0x2800  }
0x20: {  	_ =	swait.ge [sflag:s12], $0x2800  }
0x21: {  	[sflag:s12] =	ssyncset.done $0x0  }
0x22: {  	[sflag:s12] =	ssyncadd.s32 $0xFFFFD800  }
0x23: {  	[bflag:$0x0] =	sbarrier.arrive $0xFFFF  }
0x24: {  	_ =	swait.ge [sflag:s19], $0x2800  }
0x25: {  	[sflag:s19] =	ssyncset.done $0x0  }
0x26: {  	s26 =	simm.s32 $0x2780;
	[sflag:s19] =	ssyncadd.s32 $0xFFFFD800  }
0x27: {  	[spmem:s2] =	stream.indirect.scatter.add.f32 [tilespmem:s15], [sflag:$0x3], $0x80, s26, s14, $0xb8;
	[tilespmem:$0x1F780] =	vst v63  }
0x28: {  	_ =	swait.ge [sflag:s12], $0x2800  }
0x29: {  	[sflag:s12] =	ssyncset.done $0x0  }
0x2a: {  	s30 =	simm.s32 $0xA0;
	[sflag:s12] =	ssyncadd.s32 $0xFFFFD800  }
0x2b: {  	[tilespmem:s15], [sflag:$0x1] =	stream.indirect.gather [hbm4b:s4+s14], $0x80, s30, s14, $0xb8;
	[tilespmem:$0x1F780] =	vst v63  }
0x2c: {  	_ =	swait.ge [sflag:s20], $0x2800  }
0x2d: {  	[sflag:s20] =	ssyncset.done $0x0  }
0x2e: {  	s31 =	simm.s32 $0x2800;
	[sflag:s20] =	ssyncadd.s32 $0xFFFFD800  }
0x2f: {  	[spmem:s2] =	stream.indirect.scatter.add.f32 [tilespmem:s16], [sflag:$0x3], $0x80, s31, s14, $0xb8;
	[tilespmem:$0x1F780] =	vst v63  }
0x30: {  	_ =	swait.ge [sflag:s12], $0x2800  }
0x31: {  	s28 =	simm.s32 $0x400;
	[sflag:s12] =	ssyncset.done $0x0  }
0x32: {  	s29 =	simm.s32 $0x190;
	s26 =	simm.s32 $0xF0;
	[sflag:s12] =	ssyncadd.s32 $0xFFFFD800  }
.LBB2_2:
0x33: {  	[tilespmem:s16], [sflag:$0x2] =	stream.indirect.gather [hbm4b:s4+s14], $0x80, s26, s14, $0xb8;
	[tilespmem:$0x1F780] =	vst v63  }
0x34: {  	s30 =	smov.u32 s28;
	s26 =	smov.u32 s29  }
0x35: {  	p0 =	sne.s32 s28, $0xF000;
	s28 =	sadd.s32 $0x400, s28;
	_ =	swait.ge [sflag:s19], $0x2800  }
0x36: {  	s30 =	sshra.s32 s30, $0x2;
	[sflag:s19] =	ssyncset.done $0x0  }
0x37: {  	s31 =	sadd.s32 $0x2780, s30;
	[sflag:s19] =	ssyncadd.s32 $0xFFFFD800  }
0x38: {  	[spmem:s2] =	stream.indirect.scatter.add.f32 [tilespmem:s15], [sflag:$0x3], $0x80, s31, s14, $0xb8;
	[tilespmem:$0x1F780] =	vst v63  }
0x39: {  	_ =	swait.ge [sflag:s12], $0x2800  }
0x3a: {  	[sflag:s12] =	ssyncset.done $0x0  }
0x3b: {  	s31 =	sadd.s32 $0xFFFFFFB0, s29;
	[sflag:s12] =	ssyncadd.s32 $0xFFFFD800  }
0x3c: {  	[tilespmem:s15], [sflag:$0x1] =	stream.indirect.gather [hbm4b:s4+s14], $0x80, s31, s14, $0xb8;
	[tilespmem:$0x1F780] =	vst v63  }
0x3d: {  	_ =	swait.ge [sflag:s20], $0x2800  }
0x3e: {  	[sflag:s20] =	ssyncset.done $0x0  }
.Ltmp0:
0x3f: {  	s30 =	sadd.s32 $0x2800, s30;
	[sflag:s20] =	ssyncadd.s32 $0xFFFFD800;
	(pc) =	sbr.rel @p0 .LBB2_2-.Ltmp0, $4  }
0x40: {  	[spmem:s2] =	stream.indirect.scatter.add.f32 [tilespmem:s16], [sflag:$0x3], $0x80, s30, s14, $0xb8;
	[tilespmem:$0x1F780] =	vst v63  }
0x41: {  	_ =	swait.ge [sflag:s12], $0x2800  }
0x42: {  	[sflag:s12] =	ssyncset.done $0x0  }
0x43: {  	s29 =	sadd.s32 $0xA0, s29;
	[sflag:s12] =	ssyncadd.s32 $0xFFFFD800  }
0x44: {  	[tilespmem:s16], [sflag:$0x2] =	stream.indirect.gather [hbm4b:s4+s14], $0x80, s26, s14, $0xb8;
	[tilespmem:$0x1F780] =	vst v63  }
0x45: {  	_ =	swait.ge [sflag:s19], $0x2800  }
0x46: {  	[sflag:s19] =	ssyncset.done $0x0  }
0x47: {  	[sflag:s19] =	ssyncadd.s32 $0xFFFFD800  }
0x48: {  	[spmem:s2] =	stream.indirect.scatter.add.f32 [tilespmem:s15], [sflag:$0x3], $0x80, s21, s14, $0xb8;
	[tilespmem:$0x1F780] =	vst v63  }
0x49: {  	_ =	swait.ge [sflag:s12], $0x2800  }
0x4a: {  	[sflag:s12] =	ssyncset.done $0x0  }
0x4b: {  	[sflag:s12] =	ssyncadd.s32 $0xFFFFD800  }
0x4c: {  	[tilespmem:s15], [sflag:$0x1] =	stream.indirect.gather [hbm4b:s4+s14], $0x80, s22, s14, $0xb8;
	[tilespmem:$0x1F780] =	vst v63  }
0x4d: {  	_ =	swait.ge [sflag:s20], $0x2800  }
0x4e: {  	[sflag:s20] =	ssyncset.done $0x0  }
0x4f: {  	[sflag:s20] =	ssyncadd.s32 $0xFFFFD800  }
0x50: {  	[spmem:s2] =	stream.indirect.scatter.add.f32 [tilespmem:s16], [sflag:$0x3], $0x80, s23, s14, $0xb8;
	[tilespmem:$0x1F780] =	vst v63  }
0x51: {  	_ =	swait.ge [sflag:s12], $0x2800  }
0x52: {  	[sflag:s12] =	ssyncset.done $0x0  }
0x53: {  	[sflag:s12] =	ssyncadd.s32 $0xFFFFD800  }
0x54: {  	_ =	swait.ge [sflag:s19], $0x2800  }
0x55: {  	[sflag:s19] =	ssyncset.done $0x0  }
0x56: {  	[sflag:s19] =	ssyncadd.s32 $0xFFFFD800  }
0x57: {  	[spmem:s2] =	stream.indirect.scatter.add.f32 [tilespmem:s15], [sflag:$0x3], $0x80, s24, s14, $0xb8;
	[tilespmem:$0x1F780] =	vst v63  }
0x58: {  	_ =	swait.ge [sflag:s12], $0x2800  }
0x59: {  	s25 =	sadd.s32 $0x1, s25;
	[sflag:s12] =	ssyncset.done $0x0  }
0x5a: {  	p0 =	sne.s32 s25, s9;
	[sflag:s12] =	ssyncadd.s32 $0xFFFFD800  }
.Ltmp1:
0x5b: {  	[bflag:$0x0] =	sbarrier.arrive $0xFFFF;
	(pc) =	sbr.rel @p0 .LBB2_1-.Ltmp1, $4  }
0x5c: {  	[hbm:s8], [sflag:s17] =	dma.local [spmem:s18], $0x2800  }
0x5d: {  	_ =	swait.ge [sflag:s12], $0x2800  }
0x5e: {  	[sflag:s12] =	ssyncset.done $0x0  }
0x5f: {  	[sflag:s12] =	ssyncadd.s32 $0xFFFFD800  }
0x60: {  	_ =	sfence.sel $0x180000  }
0x61: {  	[bflag:$0x0] =	sbarrier.arrive $0xFFFF  }
0x62: {  	p0 =	sne.s32 s0, $0x0;
	_ =	strace $0x9000004D  }
0x63: {  	s0 =	sadd.s32 @!p0 $0x100000, s1;
	[bflag:$0x2] =	sbarrier.arrive $0xFFFF  }
0x64: {  	[sflag:s0] =	ssyncadd.tile.s32 @!p0 $0x1;
	_ =	shalt  }
.Lfunc_end2:
_tile_overlayer_lowered:
.L_overlay_start_2:
0x65: {  	(tag) =	ssettag $0x2  }
0x66: {  	s0 =	rddreg [dreg:$0x0];
	s2 =	stileid.u32  }
0x67: {  	s1 =	rddreg [dreg:$0x1];
	p0 =	sne.s32 s2, $0x0  }
0x68: {  	s3 =	rddreg [dreg:$0x2];
	[bflag:$0x3] =	sbarrier.arrive $0xFFFF;
	s2 =	simm.s32 @!p0 $0x1C03  }
0x69: {  	[timem:s3], [sflag:s2] =	dma.local @!p0 [hbm:s0], s1  }
0x6a: {  	s0 =	simm.s32 @!p0 $0x3  }
0x6b: {  	_ =	swait.ge @!p0 [sflag:s0], s1  }
0x6c: {  	s1 =	ssub.s32 @!p0 $0x0, s1;
	[sflag:s0] =	ssyncset.done @!p0 $0x0  }
0x6d: {  	[sflag:s0] =	ssyncadd.s32 @!p0 s1  }
0x6e: {  	[bflag:$0x3] =	sbarrier.arrive $0xFFFF  }
0x6f: {  	_ =	shalt  }

// kernel: kernel.21.cloned.1.call-start
scs
__scs_entry_jumppad:
0x0: {  	(pc) =	sbr.rel $0x88, $3  }
0x1: {  	(tag) =	ssettag $0x0;
	lr =	simm.s32 $0x1  }
0x2: {  	[smem:$0x3F94] =	sst lr;
	_ =	strace $0xD0000000  }
0x3: {  	_ = 	snop  }
0x4: {  	_ = 	snop  }
0x5: {  	_ = 	snop  }
0x6: {  	_ = 	snop  }
0x7: {  	_ = 	snop  }
__scs_overlays_trampoline_lowered:
0x8: {  	[smem:$0x3FA3] =	sst s0  }
0x9: {  	[smem:$0x3FA4] =	sst s1  }
0xa: {  	[smem:$0x3FA5] =	sst s2  }
0xb: {  	[smem:$0x3FA6] =	sst s3  }
0xc: {  	[smem:$0x3FA7] =	sst s4  }
0xd: {  	[smem:$0x3FA8] =	sst s5  }
0xe: {  	[smem:$0x3FA9] =	sst s6  }
0xf: {  	[smem:$0x3FAA] =	sst s7  }
0x10: {  	[smem:$0x3FAB] =	sst s8  }
0x11: {  	[smem:$0x3FAC] =	sst s9;
	s0 =	simm.s32 @!p0 $0x0  }
0x12: {  	s1 =	sld [smem:$0x3F92];
	s0 =	simm.s32 @p0 $0x1  }
0x13: {  	[smem:$0x3FAD] =	sst s0;
	s0 =	simm.s32 @!p1 $0x0  }
0x14: {  	s2 =	sld [smem:$0x3F91];
	s0 =	simm.s32 @p1 $0x1  }
0x15: {  	[smem:$0x3FAE] =	sst s0;
	s0 =	simm.s32 @!p2 $0x0  }
0x16: {  	s3 =	sld [smem:$0x3FDB];
	s0 =	simm.s32 @p2 $0x1  }
0x17: {  	s4 =	simm.s32 $0x1BF5;
	[smem:$0x3FB0] =	sst s0  }
0x18: {  	s0 =	sld [smem:$0x3F93];
	_ =	swait.ge [sflag:s4], $0x0  }
0x19: {  	s7 =	sld [smem:$0x3F94]  }
0x1a: {  	s8 =	sadd.s32 $0xFFFFE003, lr  }
0x1b: {  	s9 =	sadd.s32 $0xFFFFFEF7, lr;
	s5 =	simm.s32 $0xFFFFFFFF;
	p2 =	slt.u32 s8, $0xFFFFF086  }
0x1c: {  	p1 =	slt.u32 s9, $0xF7A;
	s5 =	simm.s32 @!p2 $0x0  }
0x1d: {  	s5 =	simm.s32 @p1 $0x1;
	p0 =	seq.s32 s7, s2  }
0x1e: {  	s7 =	smul.u32 @!p0 $0xF7A, s2;
	p2 =	seq.s32 @!p0 s5, $0x0  }
0x1f: {  	s9 =	smul.u32 $0xF7A, s1;
	s8 =	simm.s32 @!p0 $0x1BF5;
	p2 =	por !p2, p0  }
0x20: {  	[sflag:s8] =	ssyncset.s32 @!p0 $0xFFFFF086;
	s6 =	sadd.s32 @!p0 s3, s7;
	s7 =	simm.s32 @!p0 $0x108  }
0x21: {  	s3 =	sadd.s32 s3, s9;
	s6 =	sadd.s32 @!p0 $0x88, s6;
	s7 =	simm.s32 @p2 $0x1082  }
0x22: {  	[simem:s7], [sflag:s8] =	dma.local @!p0 [hbm:s6], $0xF7A  }
0x23: {  	s9 =	sor.u32 $0xD0000000, s2;
	s6 =	simm.s32 $0x108;
	_ =	swait.ge @!p0 [sflag:s8], $0x0  }
0x24: {  	s3 =	sadd.s32 $0x88, s3;
	s6 =	simm.s32 @!p1 $0x1082;
	[sflag:s4] =	ssyncset.s32 $0xFFFFF086  }
0x25: {  	[simem:s6], [sflag:s4] =	dma.local [hbm:s3], $0xF7A  }
0x26: {  	[smem:$0x3F94] =	sst s1;
	(tag) =	ssettag s2;
	_ =	strace s9  }
0x27: {  	s1 =	sld [smem:$0x3FA4]  }
0x28: {  	s2 =	sld [smem:$0x3FA5]  }
0x29: {  	s4 =	sld [smem:$0x3FA7]  }
0x2a: {  	p0 =	seq.s32 s5, $0x0;
	s5 =	sld [smem:$0x3FA8]  }
0x2b: {  	s6 =	sld [smem:$0x3FA9]  }
0x2c: {  	s7 =	sld [smem:$0x3FAA]  }
0x2d: {  	s3 =	simm.s32 $0x108;
	s8 =	sld [smem:$0x3FAB]  }
0x2e: {  	s3 =	simm.s32 @!p0 $0x1082;
	s9 =	sld [smem:$0x3FAC]  }
0x2f: {  	lr =	sadd.s32 s0, s3;
	s0 =	sld [smem:$0x3FA3]  }
0x30: {  	s3 =	sld [smem:$0x3FA6]  }
0x31: {  	[smem:$0x3FAF] =	sst s10  }
0x32: {  	s10 =	sld [smem:$0x3FAD];
	_ =	sdelay $0x3  }
0x33: {  	p0 =	seq.s32 s10, $0x1;
	s10 =	sld [smem:$0x3FAF];
	_ =	sdelay $0x3  }
0x34: {  	[smem:$0x3FAF] =	sst s10  }
0x35: {  	s10 =	sld [smem:$0x3FAE];
	_ =	sdelay $0x3  }
0x36: {  	p1 =	seq.s32 s10, $0x1;
	s10 =	sld [smem:$0x3FAF];
	_ =	sdelay $0x3  }
0x37: {  	[smem:$0x3FAF] =	sst s10  }
0x38: {  	s10 =	sld [smem:$0x3FB0]  }
0x39: {  	_ = 	snop;
	(pc) =	sbr.ind lr, $3  }
0x3a: {  	_ = 	snop  }
0x3b: {  	_ = 	snop  }
0x3c: {  	p2 =	seq.s32 s10, $0x1;
	s10 =	sld [smem:$0x3FAF]  }
0x3d: {  	_ =	shalt  }
0x3e: {  	_ =	shalt  }
0x3f: {  	_ =	shalt  }
0x40: {  	_ =	shalt  }
0x41: {  	_ =	shalt  }
0x42: {  	_ =	shalt  }
0x43: {  	_ =	shalt  }
0x44: {  	_ =	shalt  }
0x45: {  	_ =	shalt  }
0x46: {  	_ =	shalt  }
0x47: {  	_ =	shalt  }
0x48: {  	_ =	shalt  }
0x49: {  	_ =	shalt  }
0x4a: {  	_ =	shalt  }
0x4b: {  	_ =	shalt  }
0x4c: {  	_ =	shalt  }
0x4d: {  	_ =	shalt  }
0x4e: {  	_ =	shalt  }
0x4f: {  	_ =	shalt  }
0x50: {  	_ =	shalt  }
0x51: {  	_ =	shalt  }
0x52: {  	_ =	shalt  }
0x53: {  	_ =	shalt  }
0x54: {  	_ =	shalt  }
0x55: {  	_ =	shalt  }
0x56: {  	_ =	shalt  }
0x57: {  	_ =	shalt  }
0x58: {  	_ =	shalt  }
0x59: {  	_ =	shalt  }
0x5a: {  	_ =	shalt  }
0x5b: {  	_ =	shalt  }
0x5c: {  	_ =	shalt  }
0x5d: {  	_ =	shalt  }
0x5e: {  	_ =	shalt  }
0x5f: {  	_ =	shalt  }
0x60: {  	_ =	shalt  }
0x61: {  	_ =	shalt  }
0x62: {  	_ =	shalt  }
0x63: {  	_ =	shalt  }
0x64: {  	_ =	shalt  }
0x65: {  	_ =	shalt  }
0x66: {  	_ =	shalt  }
0x67: {  	_ =	shalt  }
0x68: {  	_ =	shalt  }
0x69: {  	_ =	shalt  }
0x6a: {  	_ =	shalt  }
0x6b: {  	_ =	shalt  }
0x6c: {  	_ =	shalt  }
0x6d: {  	_ =	shalt  }
0x6e: {  	_ =	shalt  }
0x6f: {  	_ =	shalt  }
0x70: {  	_ =	shalt  }
0x71: {  	_ =	shalt  }
0x72: {  	_ =	shalt  }
0x73: {  	_ =	shalt  }
0x74: {  	_ =	shalt  }
0x75: {  	_ =	shalt  }
0x76: {  	_ =	shalt  }
0x77: {  	_ =	shalt  }
0x78: {  	_ =	shalt  }
0x79: {  	_ =	shalt  }
0x7a: {  	_ =	shalt  }
0x7b: {  	_ =	shalt  }
0x7c: {  	_ =	shalt  }
0x7d: {  	_ =	shalt  }
0x7e: {  	_ =	shalt  }
0x7f: {  	_ =	shalt  }
0x80: {  	_ =	shalt  }
0x81: {  	_ =	shalt  }
0x82: {  	_ =	shalt  }
0x83: {  	_ =	shalt  }
0x84: {  	_ =	shalt  }
0x85: {  	_ =	shalt  }
0x86: {  	_ =	shalt  }
0x87: {  	_ =	shalt  }
.Lfunc_end0:
.L_simem_size_0:
called_computation.3_lowered:
.L_overlay_start_0:
0x88: {  	s2 =	sld [smem:$0x3FD9]  }
0x89: {  	s3 =	sld [smem:$0x3FFE];
	_ =	sdelay $0x1  }
0x8a: {  	s1 =	srdreg.scid  }
0x8b: {  	s0 =	sand.u32 $0x1, s1  }
0x8c: {  	s17 =	sshll.u32 s0, $0xA;
	s2 =	sadd.s32 s3, s2  }
0x8d: {  	s2 =	sadd.s32 s2, s17  }
0x8e: {  	[smem:$0x3FBB] =	sst s2  }
0x8f: {  	_ = 	snop  }
0x90: {  	(tm) =	ssettm $0x1  }
0x91: {  	s18 =	sld [smem:$0x3FFB];
	_ =	sdelay $0x3  }
0x92: {  	_ =	strace s18  }
0x93: {  	s2 =	sld [smem:$0x3FFC];
	_ =	sdelay $0x3  }
0x94: {  	_ =	strace s2  }
0x95: {  	s2 =	sld [smem:$0x3FFD];
	_ =	sdelay $0x3  }
0x96: {  	_ =	strace s2  }
0x97: {  	_ =	strace $0x8FFFFFFF  }
0x98: {  	s19 =	sld [smem:$0x3FDB];
	_ =	sdelay $0x1  }
0x99: {  	s20 =	simm.s32 $_scs_section_size  }
0x9a: {  	s4 =	simm.s32 $_size__tile_overlayer_lowered;
	s5 =	simm.s32 $_tile_overlayer_lowered  }
0x9b: {  	s6 =	simm.s32 $0x1BFF;
	s21 =	sshll.u32 s5, $0x1;
	s3 =	sadd.s32 s20, s19  }
0x9c: {  	s22 =	simm.s32 $0x0;
	s4 =	sshll.u32 s4, $0x1;
	s5 =	sadd.s32 s21, s3  }
0x9d: {  	[timem:s22], [sflag:s6] =	dma.local [hbm:s5], s4  }
0x9e: {  	_ =	swait.ge [sflag:s6], s4  }
0x9f: {  	s4 =	ssub.s32 $0x0, s4;
	[sflag:s6] =	ssyncset.done $0x0  }
0xa0: {  	[sflag:s6] =	ssyncadd.s32 s4;
	_ =	sdelay $0x1  }
0xa1: {  	s23 =	simm.s32 $0x1B8B  }
0xa2: {  	_ =	swait.ge [sflag:s23], $0x1  }
0xa3: {  	[sflag:s23] =	ssyncset.done $0x0  }
0xa4: {  	[sflag:s23] =	ssyncadd.s32 $0xFFFFFFFF  }
0xa5: {  	s4 =	sld [smem:$0x0]  }
0xa6: {  	s5 =	sand.u32 $0xFFFFFFFE, s1  }
0xa7: {  	p0 =	sne.s32 s1, s5  }
0xa8: {  	s5 =	sshll.u32 @p0 s5, $0xE  }
0xa9: {  	s5 =	sadd.s32 @p0 $0x11B8D, s5;
	s6 =	sshll.u32 @p0 s4, $0x11  }
0xaa: {  	s5 =	sor.u32 @p0 s6, s5  }
0xab: {  	[sflag:s5] =	ssyncadd.remote.s32 @p0 $0x1;
	_ =	sdelay $0x1  }
0xac: {  	s5 =	simm.s32 @p0 $0x1B8D  }
0xad: {  	_ =	swait.eq @p0 [sflag:s5], $0x1  }
0xae: {  	[sflag:s5] =	ssyncadd.s32 @p0 $0xFFFFFFFF  }
0xaf: {  	s6 =	sshll.u32 @!p0 s1, $0xE  }
0xb0: {  	s6 =	sor.u32 @!p0 $0x4000, s6;
	s5 =	simm.s32 @!p0 $0x1B8D  }
0xb1: {  	s4 =	sshll.u32 @!p0 s4, $0x11;
	s6 =	sadd.s32 @!p0 $0x11B8D, s6;
	_ =	swait.eq @!p0 [sflag:s5], $0x1  }
0xb2: {  	s4 =	sor.u32 @!p0 s4, s6;
	[sflag:s5] =	ssyncadd.s32 @!p0 $0xFFFFFFFF  }
0xb3: {  	s25 =	simm.s32 $0x1B8E;
	s24 =	sld [smem:$0x3FFE];
	[sflag:s4] =	ssyncadd.remote.s32 @!p0 $0x1  }
0xb4: {  	s26 =	simm.s32 $execute0_lowered;
	[smem:$0x3FD2] =	sst s25  }
0xb5: {  	s5 =	sshll.u32 s26, $0x1;
	_ =	strace $0x80000052;
	[dreg:$0x1] =	wrdreg $0xFFFFFFFF  }
0xb6: {  	s28 =	simm.s32 $_size_execute0_lowered;
	s3 =	sadd.s32 s3, s5;
	[dreg:$0x0] =	wrdreg $0x0  }
0xb7: {  	s5 =	sshll.u32 s28, $0x1;
	[dreg:$0x2] =	wrdreg s3  }
0xb8: {  	[dreg:$0x3] =	wrdreg s5  }
0xb9: {  	[dreg:$0x4] =	wrdreg $0xC0  }
0xba: {  	_ =	task [dreg:s22], $0x5FFFF  }
0xbb: {  	[dreg:$0x1] =	wrdreg $0xFFFFFFFF  }
0xbc: {  	[dreg:$0x0] =	wrdreg $0x60  }
0xbd: {  	[dreg:$0x2] =	wrdreg s24  }
0xbe: {  	[dreg:$0x3] =	wrdreg $0x79000  }
0xbf: {  	[dreg:$0x4] =	wrdreg $0x9  }
0xc0: {  	_ =	task.clear_ibuf [dreg:s22], $0x5FFFF;
	_ =	strace $0x90000052  }
0xc1: {  	s29 =	simm.s32 $0x9;
	_ =	strace $0x80000054  }
0xc2: {  	_ =	swait.ge [sflag:s29], $0x1  }
0xc3: {  	[sflag:s29] =	ssyncadd.s32 $0xFFFFFFFF  }
0xc4: {  	_ =	strace $0x90000054  }
0xc5: {  	_ =	sfence  }
0xc6: {  	s30 =	sld [smem:$0x0];
	_ =	sdelay $0x2  }
0xc7: {  	s31 =	sshll.u32 s1, $0xD;
	s1 =	sshrl.u32 s1, $0x2  }
0xc8: {  	s4 =	sand.u32 $0x4000, s31;
	s1 =	sadd.s32 s1, s30  }
0xc9: {  	s0 =	sor.u32 s4, s0;
	s1 =	sshll.u32 s1, $0x11  }
0xca: {  	s0 =	sor.u32 s1, s0  }
0xcb: {  	s0 =	sadd.s32 $0x8F2B, s0  }
0xcc: {  	[sflag:s0] =	ssyncadd.remote.s32 $0x1  }
0xcd: {  	_ =	sfence.sel $0xFFFF  }
0xce: {  	[dreg:$0x0] =	wrdreg $0xFFFFFFFF;
	(pc) =	sbr.abs _section_cstart, $3  }
0xcf: {  	[dreg:$0x1] =	wrdreg $0xFFFFFFFF  }
0xd0: {  	_ =	task.clear_ibuf [dreg:s22], $0x2FFFF;
	_ =	strace $0x9FFFFFFF  }
0xd1: {  	(tm) =	ssettm $0x7FFFFFFF  }
tec
execute0_lowered:
.L_overlay_start_1:
0x0: {  	(tag) =	ssettag $0x1  }
0x1: {  	s0 =	srdreg.scid  }
0x2: {  	s14 =	stileid.u32;
	s3 =	rddreg [dreg:$0x0];
	s6 =	simm.s32 $0x0  }
0x3: {  	s28 =	simm.s32 $0x1;
	s29 =	simm.s32 $0x3;
	s30 =	simm.s32 $0x7800  }
0x4: {  	s31 =	simm.s32 $0x7880;
	s0 =	sand.u32 $0x1, s0;
	s9 =	smul.u32 $0x50, s14  }
0x5: {  	s5 =	sshll.u32 s14, $0x7;
	[smem:$0x7FF] =	sst s6;
	s10 =	smul.u32 $0xA000, s14  }
0x6: {  	s22 =	smul.u32 $0x13880, s14;
	s1 =	sshll.u32 s0, $0x4;
	s5 =	sand.u32 $0x380, s5  }
0x7: {  	s7 =	ssub.s32 $0x2, s0;
	s0 =	smul.u32 $0x138800, s0;
	s1 =	sor.u32 s14, s1  }
0x8: {  	s8 =	sshrl.u32 s7, $0x1;
	s20 =	sshrl.u32 s10, $0x2;
	s11 =	smul.u32 $0x13880, s1  }
0x9: {  	s12 =	sadd.s32 $0x10, s9;
	s2 =	sshrl.u32 s1, $0x3;
	s1 =	smul.u32 $0x9C400, s1  }
0xa: {  	s13 =	sadd.s32 $0x18, s9;
	s7 =	ssub.s32 s7, s8;
	s4 =	smul.u32 $0xA000, s2  }
0xb: {  	s2 =	rddreg [dreg:$0x1];
	_ =	strace $0x80000053;
	s26 =	smax.u32 s7, $0x1  }
0xc: {  	s8 =	sadd.s32 s20, s2;
	s1 =	sshrl.u32 s1, $0x3;
	s4 =	sor.u32 s5, s4  }
0xd: {  	[dreg:$0xa] =	wrdreg s26;
	s26 =	simm.s32 $0x6400;
	s4 =	sshrl.u32 s4, $0x3  }
0xe: {  	s5 =	sadd.s32 $0x2BC00, s3;
	s10 =	sadd.s32 $0x1400, s8;
	s18 =	sadd.s32 s4, s3  }
0xf: {  	s4 =	sadd.s32 $0x3C00, s3;
	s3 =	sadd.s32 $0x334000, s3;
	s19 =	sadd.s32 $0x53C00, s18  }
0x10: {  	s6 =	sadd.s32 $0x58C00, s18;
	s21 =	sadd.s32 s3, s11;
	[dreg:$0x3] =	wrdreg s19  }
0x11: {  	s1 =	sadd.s32 s3, s1;
	s0 =	sadd.s32 s0, s3;
	[dreg:$0x4] =	wrdreg s6  }
0x12: {  	s3 =	simm.s32 $0x6;
	[dreg:$0x5] =	wrdreg s21;
	s23 =	sadd.s32 $0x280, s1  }
0x13: {  	s24 =	sadd.s32 $0x13100, s1;
	s25 =	sadd.s32 $0x13380, s1;
	[dreg:$0x6] =	wrdreg s23  }
0x14: {  	s1 =	sadd.s32 $0x13600, s1;
	s0 =	sadd.s32 s22, s0;
	[dreg:$0x7] =	wrdreg s24  }
0x15: {  	v4 =	vlaneseq.u32;
	s19 =	simm.s32 $0x7;
	s21 =	simm.s32 $0x28;
	[dreg:$0x8] =	wrdreg s25  }
0x16: {  	v5 =	vadd.s32 $0x28, v4;
	s22 =	simm.s32 $0x2800;
	s6 =	simm.s32 $0x0;
	[dreg:$0x9] =	wrdreg s1  }
0x17: {  	v0 =	vor.u32 s9, v4;
	v1 =	vadd.s32 s9, v5;
	v2 =	vor.u32 s12, v4;
	s17 =	sadd.s32 $0x780, s0;
	s23 =	simm.s32 $0x5000;
	s24 =	simm.s32 $0x3C00  }
0x18: {  	v3 =	vadd.s32 s12, v5;
	v4 =	vadd.s32 s13, v4;
	v5 =	vadd.s32 s13, v5;
	s0 =	simm.s32 $0x2;
	s25 =	simm.s32 $0x4;
	s1 =	simm.s32 $0x5  }
.LBB2_1:
0x19: {  	s7 =	simm.s32 $0x0  }
0x1a: {  	s9 =	rddreg [dreg:$0x3];
	s11 =	simm.s32 $0x80;
	s12 =	simm.s32 $0x400  }
0x1b: {  	[tilespmem:s7], [sflag:$0x7] =	stream.strided.gather [hbm4b:s9+s11], $0x1400, s12, s11, $0x38;
	[tilespmem:$0xA100] =	vst v63  }
0x1c: {  	_ =	swait.ge [sflag:s19], $0x1400  }
0x1d: {  	[sflag:s19] =	ssyncset.done $0x0  }
0x1e: {  	s13 =	simm.s32 $0x1400;
	s20 =	rddreg [dreg:$0x4];
	[sflag:s19] =	ssyncadd.s32 $0xFFFFEC00  }
0x1f: {  	[tilespmem:s13], [sflag:$0x7] =	stream.strided.gather [hbm4b:s20+s11], $0x1400, s12, s11, $0x38;
	[tilespmem:$0xA100] =	vst v63  }
0x20: {  	_ =	swait.ge [sflag:s19], $0x1400  }
0x21: {  	[sflag:s19] =	ssyncset.done $0x0  }
0x22: {  	[sflag:s19] =	ssyncadd.s32 $0xFFFFEC00  }
0x23: {  	[tilespmem:$0x7800] =	vst v0  }
0x24: {  	[tilespmem:$0x7880] =	vst v1  }
0x25: {  	[tilespmem:$0x7810] =	vst v2  }
0x26: {  	[tilespmem:$0x7890] =	vst v3  }
0x27: {  	[tilespmem:$0x7818] =	vst v4  }
0x28: {  	[tilespmem:$0x7898] =	vst v5  }
0x29: {  	[tilespmem:s22], [sflag:$0x1] =	stream.indirect.gather [hbm4b:s4+s21], $0x80, s7, s21, $0xb8;
	[tilespmem:$0xA100] =	vst v63  }
0x2a: {  	_ = 	snop  }
0x2b: {  	[tilespmem:s23], [sflag:$0x3] =	stream.indirect.gather [hbm4b:s5+s21], $0x80, s13, s21, $0xb8;
	[tilespmem:$0xA100] =	vst v63  }
0x2c: {  	_ = 	snop  }
0x2d: {  	[tilespmem:s24], [sflag:$0x2] =	stream.indirect.gather [hbm4b:s4+s21], $0x80, s21, s21, $0xb8;
	[tilespmem:$0xA100] =	vst v63  }
0x2e: {  	s12 =	simm.s32 $0x1428  }
0x2f: {  	[tilespmem:s26], [sflag:$0x4] =	stream.indirect.gather [hbm4b:s5+s21], $0x80, s12, s21, $0xb8;
	[tilespmem:$0xA100] =	vst v63  }
0x30: {  	_ =	swait.ge [sflag:s28], $0x1400  }
0x31: {  	[sflag:s28] =	ssyncset.done $0x0  }
0x32: {  	[sflag:s28] =	ssyncadd.s32 $0xFFFFEC00  }
0x33: {  	_ =	swait.ge [sflag:s29], $0x1400  }
0x34: {  	[sflag:s29] =	ssyncset.done $0x0  }
0x35: {  	[sflag:s29] =	ssyncadd.s32 $0xFFFFEC00  }
0x36: {  	[spmem:s8] =	stream.linear.scatter [tilespmem:s22], [sflag:$0x7], $0x1400, $0x38;
	[tilespmem:$0xA100] =	vst v63  }
0x37: {  	_ =	swait.ge [sflag:s19], $0x1400  }
0x38: {  	[sflag:s19] =	ssyncset.done $0x0  }
0x39: {  	[sflag:s19] =	ssyncadd.s32 $0xFFFFEC00  }
0x3a: {  	[spmem:s2] =	stream.indirect.scatter.add.f32 [tilespmem:s23], [sflag:$0x7], $0x80, s30, s21, $0xb8;
	[tilespmem:$0xA100] =	vst v63  }
0x3b: {  	s16 =	simm.s32 $0x50;
	s13 =	stileid.u32;
	_ =	swait.ge [sflag:s19], $0x1400  }
0x3c: {  	s9 =	sshrl.u32 s8, $0x3;
	s14 =	sshll.u32 s13, $0x6;
	[sflag:s19] =	ssyncset.done $0x0  }
0x3d: {  	s7 =	sor.u32 $0x1C05, s14;
	s15 =	rddreg [dreg:$0x5];
	[sflag:s19] =	ssyncadd.s32 $0xFFFFEC00  }
0x3e: {  	[hbm:s15], [sflag:s7] =	dma.local [spmem:s9], $0x280  }
0x3f: {  	[tilespmem:s22], [sflag:$0x1] =	stream.indirect.gather [hbm4b:s4+s21], $0x80, s16, s21, $0xb8;
	[tilespmem:$0xA100] =	vst v63  }
0x40: {  	s18 =	simm.s32 $0x1450  }
0x41: {  	[tilespmem:s23], [sflag:$0x3] =	stream.indirect.gather [hbm4b:s5+s21], $0x80, s18, s21, $0xb8;
	[tilespmem:$0xA100] =	vst v63  }
0x42: {  	_ =	swait.ge [sflag:s0], $0x1400  }
0x43: {  	[sflag:s0] =	ssyncset.done $0x0  }
0x44: {  	[sflag:s0] =	ssyncadd.s32 $0xFFFFEC00  }
0x45: {  	_ =	swait.ge [sflag:s25], $0x1400  }
0x46: {  	[sflag:s25] =	ssyncset.done $0x0  }
0x47: {  	[sflag:s25] =	ssyncadd.s32 $0xFFFFEC00  }
0x48: {  	[spmem:s10] =	stream.linear.scatter [tilespmem:s24], [sflag:$0x7], $0x1400, $0x38;
	[tilespmem:$0xA100] =	vst v63  }
0x49: {  	_ =	swait.ge [sflag:s19], $0x1400  }
0x4a: {  	[sflag:s19] =	ssyncset.done $0x0  }
0x4b: {  	[sflag:s19] =	ssyncadd.s32 $0xFFFFEC00  }
0x4c: {  	[spmem:s2] =	stream.indirect.scatter.add.f32 [tilespmem:s26], [sflag:$0x7], $0x80, s31, s21, $0xb8;
	[tilespmem:$0xA100] =	vst v63  }
0x4d: {  	_ =	swait.ge [sflag:s19], $0x1400  }
0x4e: {  	s11 =	sor.u32 $0x1C06, s14;
	s14 =	simm.s32 $0x78;
	[sflag:s19] =	ssyncset.done $0x0  }
0x4f: {  	s12 =	sshrl.u32 s10, $0x3;
	s20 =	rddreg [dreg:$0x6];
	[sflag:s19] =	ssyncadd.s32 $0xFFFFEC00  }
0x50: {  	[hbm:s20], [sflag:s11] =	dma.local [spmem:s12], $0x280  }
0x51: {  	[tilespmem:s24], [sflag:$0x2] =	stream.indirect.gather [hbm4b:s4+s21], $0x80, s14, s21, $0xb8;
	[tilespmem:$0xA100] =	vst v63  }
0x52: {  	s15 =	simm.s32 $0x1478  }
0x53: {  	[tilespmem:s26], [sflag:$0x4] =	stream.indirect.gather [hbm4b:s5+s21], $0x80, s15, s21, $0xb8;
	[tilespmem:$0xA100] =	vst v63  }
0x54: {  	_ =	swait.ge [sflag:s28], $0x1400  }
0x55: {  	[sflag:s28] =	ssyncset.done $0x0  }
0x56: {  	[sflag:s28] =	ssyncadd.s32 $0xFFFFEC00  }
0x57: {  	_ =	swait.ge [sflag:s29], $0x1400  }
0x58: {  	[sflag:s29] =	ssyncset.done $0x0  }
0x59: {  	[sflag:s29] =	ssyncadd.s32 $0xFFFFEC00  }
0x5a: {  	_ =	swait.ge [sflag:s1], $0x280  }
0x5b: {  	[sflag:s1] =	ssyncset.done $0x0  }
0x5c: {  	[sflag:s1] =	ssyncadd.s32 $0xFFFFFD80  }
0x5d: {  	[spmem:s8] =	stream.linear.scatter [tilespmem:s22], [sflag:$0x7], $0x1400, $0x38;
	[tilespmem:$0xA100] =	vst v63  }
0x5e: {  	_ =	swait.ge [sflag:s19], $0x1400  }
0x5f: {  	[sflag:s19] =	ssyncset.done $0x0  }
0x60: {  	[sflag:s19] =	ssyncadd.s32 $0xFFFFEC00  }
0x61: {  	[spmem:s2] =	stream.indirect.scatter.add.f32 [tilespmem:s23], [sflag:$0x7], $0x80, s30, s21, $0xb8;
	[tilespmem:$0xA100] =	vst v63  }
0x62: {  	_ =	swait.ge [sflag:s19], $0x1400  }
0x63: {  	[sflag:s19] =	ssyncset.done $0x0  }
0x64: {  	s16 =	sadd.s32 $0xFFFFFD80, s17;
	s14 =	simm.s32 $0xA0;
	[sflag:s19] =	ssyncadd.s32 $0xFFFFEC00  }
0x65: {  	[hbm:s16], [sflag:s7] =	dma.local [spmem:s9], $0x280  }
0x66: {  	[tilespmem:s22], [sflag:$0x1] =	stream.indirect.gather [hbm4b:s4+s21], $0x80, s14, s21, $0xb8;
	[tilespmem:$0xA100] =	vst v63  }
0x67: {  	s18 =	simm.s32 $0x14A0  }
0x68: {  	[tilespmem:s23], [sflag:$0x3] =	stream.indirect.gather [hbm4b:s5+s21], $0x80, s18, s21, $0xb8;
	[tilespmem:$0xA100] =	vst v63  }
0x69: {  	_ =	swait.ge [sflag:s0], $0x1400  }
0x6a: {  	[sflag:s0] =	ssyncset.done $0x0  }
0x6b: {  	[sflag:s0] =	ssyncadd.s32 $0xFFFFEC00  }
0x6c: {  	_ =	swait.ge [sflag:s25], $0x1400  }
0x6d: {  	[sflag:s25] =	ssyncset.done $0x0  }
0x6e: {  	[sflag:s25] =	ssyncadd.s32 $0xFFFFEC00  }
0x6f: {  	_ =	swait.ge [sflag:s3], $0x280  }
0x70: {  	[sflag:s3] =	ssyncset.done $0x0  }
0x71: {  	[sflag:s3] =	ssyncadd.s32 $0xFFFFFD80  }
0x72: {  	[spmem:s10] =	stream.linear.scatter [tilespmem:s24], [sflag:$0x7], $0x1400, $0x38;
	[tilespmem:$0xA100] =	vst v63  }
0x73: {  	_ =	swait.ge [sflag:s19], $0x1400  }
0x74: {  	[sflag:s19] =	ssyncset.done $0x0  }
0x75: {  	[sflag:s19] =	ssyncadd.s32 $0xFFFFEC00  }
0x76: {  	[spmem:s2] =	stream.indirect.scatter.add.f32 [tilespmem:s26], [sflag:$0x7], $0x80, s31, s21, $0xb8;
	[tilespmem:$0xA100] =	vst v63  }
0x77: {  	_ =	swait.ge [sflag:s19], $0x1400  }
0x78: {  	s13 =	simm.s32 $0x140;
	s20 =	simm.s32 $0xC8;
	[sflag:s19] =	ssyncset.done $0x0  }
0x79: {  	s16 =	smov.u32 s17;
	s14 =	simm.s32 $0x14C8;
	[sflag:s19] =	ssyncadd.s32 $0xFFFFEC00  }
0x7a: {  	[hbm:s17], [sflag:s11] =	dma.local [spmem:s12], $0x280  }
0x7b: {  	[tilespmem:s24], [sflag:$0x2] =	stream.indirect.gather [hbm4b:s4+s21], $0x80, s20, s21, $0xb8;
	[tilespmem:$0xA100] =	vst v63  }
.LBB2_2:
0x7c: {  	p0 =	sne.s32 s13, $0x49C0  }
0x7d: {  	s16 =	sadd.s32 $0x500, s16;
	s18 =	smov.u32 s13;
	s13 =	sadd.s32 $0x140, s13  }
0x7e: {  	[tilespmem:s26], [sflag:$0x4] =	stream.indirect.gather [hbm4b:s5+s21], $0x80, s14, s21, $0xb8;
	[tilespmem:$0xA100] =	vst v63  }
0x7f: {  	_ =	swait.ge [sflag:s28], $0x1400  }
0x80: {  	[sflag:s28] =	ssyncset.done $0x0  }
0x81: {  	[sflag:s28] =	ssyncadd.s32 $0xFFFFEC00  }
0x82: {  	_ =	swait.ge [sflag:s29], $0x1400  }
0x83: {  	[sflag:s29] =	ssyncset.done $0x0  }
0x84: {  	[sflag:s29] =	ssyncadd.s32 $0xFFFFEC00  }
0x85: {  	_ =	swait.ge [sflag:s1], $0x280  }
0x86: {  	[sflag:s1] =	ssyncset.done $0x0  }
0x87: {  	[sflag:s1] =	ssyncadd.s32 $0xFFFFFD80  }
0x88: {  	[spmem:s8] =	stream.linear.scatter [tilespmem:s22], [sflag:$0x7], $0x1400, $0x38;
	[tilespmem:$0xA100] =	vst v63  }
0x89: {  	_ =	swait.ge [sflag:s19], $0x1400  }
0x8a: {  	[sflag:s19] =	ssyncset.done $0x0  }
0x8b: {  	[sflag:s19] =	ssyncadd.s32 $0xFFFFEC00  }
0x8c: {  	[spmem:s2] =	stream.indirect.scatter.add.f32 [tilespmem:s23], [sflag:$0x7], $0x80, s30, s21, $0xb8;
	[tilespmem:$0xA100] =	vst v63  }
0x8d: {  	_ =	swait.ge [sflag:s19], $0x1400  }
0x8e: {  	s14 =	sadd.s32 $0xFFFFFD80, s16;
	s18 =	sshra.s32 s18, $0x2;
	[sflag:s19] =	ssyncset.done $0x0  }
0x8f: {  	s15 =	sadd.s32 $0xA0, s18;
	s20 =	sadd.s32 $0x14A0, s18;
	[sflag:s19] =	ssyncadd.s32 $0xFFFFEC00  }
0x90: {  	[hbm:s14], [sflag:s7] =	dma.local [spmem:s9], $0x280  }
0x91: {  	[tilespmem:s22], [sflag:$0x1] =	stream.indirect.gather [hbm4b:s4+s21], $0x80, s15, s21, $0xb8;
	[tilespmem:$0xA100] =	vst v63  }
0x92: {  	_ = 	snop  }
0x93: {  	[tilespmem:s23], [sflag:$0x3] =	stream.indirect.gather [hbm4b:s5+s21], $0x80, s20, s21, $0xb8;
	[tilespmem:$0xA100] =	vst v63  }
0x94: {  	_ =	swait.ge [sflag:s0], $0x1400  }
0x95: {  	[sflag:s0] =	ssyncset.done $0x0  }
0x96: {  	[sflag:s0] =	ssyncadd.s32 $0xFFFFEC00  }
0x97: {  	_ =	swait.ge [sflag:s25], $0x1400  }
0x98: {  	[sflag:s25] =	ssyncset.done $0x0  }
0x99: {  	[sflag:s25] =	ssyncadd.s32 $0xFFFFEC00  }
0x9a: {  	_ =	swait.ge [sflag:s3], $0x280  }
0x9b: {  	[sflag:s3] =	ssyncset.done $0x0  }
0x9c: {  	[sflag:s3] =	ssyncadd.s32 $0xFFFFFD80  }
0x9d: {  	[spmem:s10] =	stream.linear.scatter [tilespmem:s24], [sflag:$0x7], $0x1400, $0x38;
	[tilespmem:$0xA100] =	vst v63  }
0x9e: {  	_ =	swait.ge [sflag:s19], $0x1400  }
0x9f: {  	[sflag:s19] =	ssyncset.done $0x0  }
0xa0: {  	[sflag:s19] =	ssyncadd.s32 $0xFFFFEC00  }
0xa1: {  	[spmem:s2] =	stream.indirect.scatter.add.f32 [tilespmem:s26], [sflag:$0x7], $0x80, s31, s21, $0xb8;
	[tilespmem:$0xA100] =	vst v63  }
.Ltmp0:
0xa2: {  	_ =	swait.ge [sflag:s19], $0x1400;
	(pc) =	sbr.rel @p0 .LBB2_2-.Ltmp0, $4  }
0xa3: {  	[sflag:s19] =	ssyncset.done $0x0  }
0xa4: {  	s14 =	sadd.s32 $0x14C8, s18;
	s15 =	sadd.s32 $0xC8, s18;
	[sflag:s19] =	ssyncadd.s32 $0xFFFFEC00  }
0xa5: {  	[hbm:s16], [sflag:s11] =	dma.local [spmem:s12], $0x280  }
0xa6: {  	[tilespmem:s24], [sflag:$0x2] =	stream.indirect.gather [hbm4b:s4+s21], $0x80, s15, s21, $0xb8;
	[tilespmem:$0xA100] =	vst v63  }
0xa7: {  	[tilespmem:s26], [sflag:$0x4] =	stream.indirect.gather [hbm4b:s5+s21], $0x80, s14, s21, $0xb8;
	[tilespmem:$0xA100] =	vst v63  }
0xa8: {  	_ =	swait.ge [sflag:s28], $0x1400  }
0xa9: {  	[sflag:s28] =	ssyncset.done $0x0  }
0xaa: {  	[sflag:s28] =	ssyncadd.s32 $0xFFFFEC00  }
0xab: {  	_ =	swait.ge [sflag:s29], $0x1400  }
0xac: {  	[sflag:s29] =	ssyncset.done $0x0  }
0xad: {  	[sflag:s29] =	ssyncadd.s32 $0xFFFFEC00  }
0xae: {  	_ =	swait.ge [sflag:s1], $0x280  }
0xaf: {  	[sflag:s1] =	ssyncset.done $0x0  }
0xb0: {  	[sflag:s1] =	ssyncadd.s32 $0xFFFFFD80  }
0xb1: {  	[spmem:s8] =	stream.linear.scatter [tilespmem:s22], [sflag:$0x7], $0x1400, $0x38;
	[tilespmem:$0xA100] =	vst v63  }
0xb2: {  	_ =	swait.ge [sflag:s19], $0x1400  }
0xb3: {  	[sflag:s19] =	ssyncset.done $0x0  }
0xb4: {  	[sflag:s19] =	ssyncadd.s32 $0xFFFFEC00  }
0xb5: {  	[spmem:s2] =	stream.indirect.scatter.add.f32 [tilespmem:s23], [sflag:$0x7], $0x80, s30, s21, $0xb8;
	[tilespmem:$0xA100] =	vst v63  }
0xb6: {  	_ =	swait.ge [sflag:s19], $0x1400  }
0xb7: {  	[sflag:s19] =	ssyncset.done $0x0  }
0xb8: {  	s14 =	simm.s32 $0x1360;
	s13 =	rddreg [dreg:$0x7];
	[sflag:s19] =	ssyncadd.s32 $0xFFFFEC00  }
0xb9: {  	[hbm:s13], [sflag:s7] =	dma.local [spmem:s9], $0x280  }
0xba: {  	[tilespmem:s22], [sflag:$0x1] =	stream.indirect.gather [hbm4b:s4+s21], $0x80, s14, s21, $0xb8;
	[tilespmem:$0xA100] =	vst v63  }
0xbb: {  	s15 =	simm.s32 $0x2760  }
0xbc: {  	[tilespmem:s23], [sflag:$0x3] =	stream.indirect.gather [hbm4b:s5+s21], $0x80, s15, s21, $0xb8;
	[tilespmem:$0xA100] =	vst v63  }
0xbd: {  	_ =	swait.ge [sflag:s0], $0x1400  }
0xbe: {  	[sflag:s0] =	ssyncset.done $0x0  }
0xbf: {  	[sflag:s0] =	ssyncadd.s32 $0xFFFFEC00  }
0xc0: {  	_ =	swait.ge [sflag:s25], $0x1400  }
0xc1: {  	[sflag:s25] =	ssyncset.done $0x0  }
0xc2: {  	[sflag:s25] =	ssyncadd.s32 $0xFFFFEC00  }
0xc3: {  	_ =	swait.ge [sflag:s3], $0x280  }
0xc4: {  	[sflag:s3] =	ssyncset.done $0x0  }
0xc5: {  	[sflag:s3] =	ssyncadd.s32 $0xFFFFFD80  }
0xc6: {  	[spmem:s10] =	stream.linear.scatter [tilespmem:s24], [sflag:$0x7], $0x1400, $0x38;
	[tilespmem:$0xA100] =	vst v63  }
0xc7: {  	_ =	swait.ge [sflag:s19], $0x1400  }
0xc8: {  	[sflag:s19] =	ssyncset.done $0x0  }
0xc9: {  	[sflag:s19] =	ssyncadd.s32 $0xFFFFEC00  }
0xca: {  	[spmem:s2] =	stream.indirect.scatter.add.f32 [tilespmem:s26], [sflag:$0x7], $0x80, s31, s21, $0xb8;
	[tilespmem:$0xA100] =	vst v63  }
0xcb: {  	_ =	swait.ge [sflag:s19], $0x1400  }
0xcc: {  	[sflag:s19] =	ssyncset.done $0x0  }
0xcd: {  	s16 =	rddreg [dreg:$0x8];
	[sflag:s19] =	ssyncadd.s32 $0xFFFFEC00  }
0xce: {  	[hbm:s16], [sflag:s11] =	dma.local [spmem:s12], $0x280  }
0xcf: {  	_ =	swait.ge [sflag:s28], $0x1400  }
0xd0: {  	[sflag:s28] =	ssyncset.done $0x0  }
0xd1: {  	[sflag:s28] =	ssyncadd.s32 $0xFFFFEC00  }
0xd2: {  	_ =	swait.ge [sflag:s29], $0x1400  }
0xd3: {  	[sflag:s29] =	ssyncset.done $0x0  }
0xd4: {  	[sflag:s29] =	ssyncadd.s32 $0xFFFFEC00  }
0xd5: {  	_ =	swait.ge [sflag:s1], $0x280  }
0xd6: {  	[sflag:s1] =	ssyncset.done $0x0  }
0xd7: {  	[sflag:s1] =	ssyncadd.s32 $0xFFFFFD80  }
0xd8: {  	[spmem:s8] =	stream.linear.scatter [tilespmem:s22], [sflag:$0x7], $0x1400, $0x38;
	[tilespmem:$0xA100] =	vst v63  }
0xd9: {  	_ =	swait.ge [sflag:s19], $0x1400  }
0xda: {  	[sflag:s19] =	ssyncset.done $0x0  }
0xdb: {  	[sflag:s19] =	ssyncadd.s32 $0xFFFFEC00  }
0xdc: {  	[spmem:s2] =	stream.indirect.scatter.add.f32 [tilespmem:s23], [sflag:$0x7], $0x80, s30, s21, $0xb8;
	[tilespmem:$0xA100] =	vst v63  }
0xdd: {  	_ =	swait.ge [sflag:s19], $0x1400  }
0xde: {  	[sflag:s19] =	ssyncset.done $0x0  }
0xdf: {  	s18 =	rddreg [dreg:$0x9];
	[sflag:s19] =	ssyncadd.s32 $0xFFFFEC00  }
0xe0: {  	[hbm:s18], [sflag:s7] =	dma.local [spmem:s9], $0x280  }
0xe1: {  	_ =	swait.ge [sflag:s1], $0x280  }
0xe2: {  	[sflag:s1] =	ssyncset.done $0x0  }
0xe3: {  	[sflag:s1] =	ssyncadd.s32 $0xFFFFFD80  }
0xe4: {  	_ =	swait.ge [sflag:s3], $0x280  }
0xe5: {  	s6 =	sadd.s32 $0x1, s6;
	s20 =	rddreg [dreg:$0xa]  }
0xe6: {  	p0 =	sne.s32 s6, s20  }
.Ltmp1:
0xe7: {  	_ = 	snop;
	(pc) =	sbr.rel @p0 .LBB2_1-.Ltmp1, $3  }
0xe8: {  	_ =	sdelay $0x1  }
0xe9: {  	[sflag:s3] =	ssyncset.done $0x0  }
0xea: {  	[sflag:s3] =	ssyncadd.s32 $0xFFFFFD80  }
0xeb: {  	_ =	sfence.sel $0x180000  }
0xec: {  	[bflag:$0x0] =	sbarrier.arrive $0xFFFF  }
0xed: {  	_ =	strace $0x90000053  }
0xee: {  	s0 =	stileid.u32;
	[bflag:$0x2] =	sbarrier.arrive $0xFFFF  }
0xef: {  	p0 =	sne.s32 s0, $0x0;
	s0 =	rddreg [dreg:$0x2]  }
0xf0: {  	s0 =	sadd.s32 @!p0 $0x100000, s0  }
0xf1: {  	[sflag:s0] =	ssyncadd.tile.s32 @!p0 $0x1;
	_ =	shalt  }
.Lfunc_end2:
_tile_overlayer_lowered:
.L_overlay_start_2:
0xf2: {  	(tag) =	ssettag $0x2  }
0xf3: {  	s0 =	rddreg [dreg:$0x0];
	s2 =	stileid.u32  }
0xf4: {  	s1 =	rddreg [dreg:$0x1];
	p0 =	sne.s32 s2, $0x0  }
0xf5: {  	s3 =	rddreg [dreg:$0x2];
	[bflag:$0x3] =	sbarrier.arrive $0xFFFF;
	s2 =	simm.s32 @!p0 $0x1C07  }
0xf6: {  	[timem:s3], [sflag:s2] =	dma.local @!p0 [hbm:s0], s1  }
0xf7: {  	s0 =	simm.s32 @!p0 $0x7  }
0xf8: {  	_ =	swait.ge @!p0 [sflag:s0], s1  }
0xf9: {  	s1 =	ssub.s32 @!p0 $0x0, s1;
	[sflag:s0] =	ssyncset.done @!p0 $0x0  }
0xfa: {  	[sflag:s0] =	ssyncadd.s32 @!p0 s1  }
0xfb: {  	[bflag:$0x3] =	sbarrier.arrive $0xFFFF  }
0xfc: {  	_ =	shalt  }

// kernel: kernel.24.cloned.1.call-start
scs
__scs_entry_jumppad:
0x0: {  	(pc) =	sbr.rel $0x88, $3  }
0x1: {  	(tag) =	ssettag $0x0;
	lr =	simm.s32 $0x1  }
0x2: {  	[smem:$0x3F94] =	sst lr;
	_ =	strace $0xD0000000  }
0x3: {  	_ = 	snop  }
0x4: {  	_ = 	snop  }
0x5: {  	_ = 	snop  }
0x6: {  	_ = 	snop  }
0x7: {  	_ = 	snop  }
__scs_overlays_trampoline_lowered:
0x8: {  	[smem:$0x3FA3] =	sst s0  }
0x9: {  	[smem:$0x3FA4] =	sst s1  }
0xa: {  	[smem:$0x3FA5] =	sst s2  }
0xb: {  	[smem:$0x3FA6] =	sst s3  }
0xc: {  	[smem:$0x3FA7] =	sst s4  }
0xd: {  	[smem:$0x3FA8] =	sst s5  }
0xe: {  	[smem:$0x3FA9] =	sst s6  }
0xf: {  	[smem:$0x3FAA] =	sst s7  }
0x10: {  	[smem:$0x3FAB] =	sst s8  }
0x11: {  	[smem:$0x3FAC] =	sst s9;
	s0 =	simm.s32 @!p0 $0x0  }
0x12: {  	s1 =	sld [smem:$0x3F92];
	s0 =	simm.s32 @p0 $0x1  }
0x13: {  	[smem:$0x3FAD] =	sst s0;
	s0 =	simm.s32 @!p1 $0x0  }
0x14: {  	s2 =	sld [smem:$0x3F91];
	s0 =	simm.s32 @p1 $0x1  }
0x15: {  	[smem:$0x3FAE] =	sst s0;
	s0 =	simm.s32 @!p2 $0x0  }
0x16: {  	s3 =	sld [smem:$0x3FDB];
	s0 =	simm.s32 @p2 $0x1  }
0x17: {  	s4 =	simm.s32 $0x1BF5;
	[smem:$0x3FB0] =	sst s0  }
0x18: {  	s0 =	sld [smem:$0x3F93];
	_ =	swait.ge [sflag:s4], $0x0  }
0x19: {  	s7 =	sld [smem:$0x3F94]  }
0x1a: {  	s8 =	sadd.s32 $0xFFFFE003, lr  }
0x1b: {  	s9 =	sadd.s32 $0xFFFFFEF7, lr;
	s5 =	simm.s32 $0xFFFFFFFF;
	p2 =	slt.u32 s8, $0xFFFFF086  }
0x1c: {  	p1 =	slt.u32 s9, $0xF7A;
	s5 =	simm.s32 @!p2 $0x0  }
0x1d: {  	s5 =	simm.s32 @p1 $0x1;
	p0 =	seq.s32 s7, s2  }
0x1e: {  	s7 =	smul.u32 @!p0 $0xF7A, s2;
	p2 =	seq.s32 @!p0 s5, $0x0  }
0x1f: {  	s9 =	smul.u32 $0xF7A, s1;
	s8 =	simm.s32 @!p0 $0x1BF5;
	p2 =	por !p2, p0  }
0x20: {  	[sflag:s8] =	ssyncset.s32 @!p0 $0xFFFFF086;
	s6 =	sadd.s32 @!p0 s3, s7;
	s7 =	simm.s32 @!p0 $0x108  }
0x21: {  	s3 =	sadd.s32 s3, s9;
	s6 =	sadd.s32 @!p0 $0x88, s6;
	s7 =	simm.s32 @p2 $0x1082  }
0x22: {  	[simem:s7], [sflag:s8] =	dma.local @!p0 [hbm:s6], $0xF7A  }
0x23: {  	s9 =	sor.u32 $0xD0000000, s2;
	s6 =	simm.s32 $0x108;
	_ =	swait.ge @!p0 [sflag:s8], $0x0  }
0x24: {  	s3 =	sadd.s32 $0x88, s3;
	s6 =	simm.s32 @!p1 $0x1082;
	[sflag:s4] =	ssyncset.s32 $0xFFFFF086  }
0x25: {  	[simem:s6], [sflag:s4] =	dma.local [hbm:s3], $0xF7A  }
0x26: {  	[smem:$0x3F94] =	sst s1;
	(tag) =	ssettag s2;
	_ =	strace s9  }
0x27: {  	s1 =	sld [smem:$0x3FA4]  }
0x28: {  	s2 =	sld [smem:$0x3FA5]  }
0x29: {  	s4 =	sld [smem:$0x3FA7]  }
0x2a: {  	p0 =	seq.s32 s5, $0x0;
	s5 =	sld [smem:$0x3FA8]  }
0x2b: {  	s6 =	sld [smem:$0x3FA9]  }
0x2c: {  	s7 =	sld [smem:$0x3FAA]  }
0x2d: {  	s3 =	simm.s32 $0x108;
	s8 =	sld [smem:$0x3FAB]  }
0x2e: {  	s3 =	simm.s32 @!p0 $0x1082;
	s9 =	sld [smem:$0x3FAC]  }
0x2f: {  	lr =	sadd.s32 s0, s3;
	s0 =	sld [smem:$0x3FA3]  }
0x30: {  	s3 =	sld [smem:$0x3FA6]  }
0x31: {  	[smem:$0x3FAF] =	sst s10  }
0x32: {  	s10 =	sld [smem:$0x3FAD];
	_ =	sdelay $0x3  }
0x33: {  	p0 =	seq.s32 s10, $0x1;
	s10 =	sld [smem:$0x3FAF];
	_ =	sdelay $0x3  }
0x34: {  	[smem:$0x3FAF] =	sst s10  }
0x35: {  	s10 =	sld [smem:$0x3FAE];
	_ =	sdelay $0x3  }
0x36: {  	p1 =	seq.s32 s10, $0x1;
	s10 =	sld [smem:$0x3FAF];
	_ =	sdelay $0x3  }
0x37: {  	[smem:$0x3FAF] =	sst s10  }
0x38: {  	s10 =	sld [smem:$0x3FB0]  }
0x39: {  	_ = 	snop;
	(pc) =	sbr.ind lr, $3  }
0x3a: {  	_ = 	snop  }
0x3b: {  	_ = 	snop  }
0x3c: {  	p2 =	seq.s32 s10, $0x1;
	s10 =	sld [smem:$0x3FAF]  }
0x3d: {  	_ =	shalt  }
0x3e: {  	_ =	shalt  }
0x3f: {  	_ =	shalt  }
0x40: {  	_ =	shalt  }
0x41: {  	_ =	shalt  }
0x42: {  	_ =	shalt  }
0x43: {  	_ =	shalt  }
0x44: {  	_ =	shalt  }
0x45: {  	_ =	shalt  }
0x46: {  	_ =	shalt  }
0x47: {  	_ =	shalt  }
0x48: {  	_ =	shalt  }
0x49: {  	_ =	shalt  }
0x4a: {  	_ =	shalt  }
0x4b: {  	_ =	shalt  }
0x4c: {  	_ =	shalt  }
0x4d: {  	_ =	shalt  }
0x4e: {  	_ =	shalt  }
0x4f: {  	_ =	shalt  }
0x50: {  	_ =	shalt  }
0x51: {  	_ =	shalt  }
0x52: {  	_ =	shalt  }
0x53: {  	_ =	shalt  }
0x54: {  	_ =	shalt  }
0x55: {  	_ =	shalt  }
0x56: {  	_ =	shalt  }
0x57: {  	_ =	shalt  }
0x58: {  	_ =	shalt  }
0x59: {  	_ =	shalt  }
0x5a: {  	_ =	shalt  }
0x5b: {  	_ =	shalt  }
0x5c: {  	_ =	shalt  }
0x5d: {  	_ =	shalt  }
0x5e: {  	_ =	shalt  }
0x5f: {  	_ =	shalt  }
0x60: {  	_ =	shalt  }
0x61: {  	_ =	shalt  }
0x62: {  	_ =	shalt  }
0x63: {  	_ =	shalt  }
0x64: {  	_ =	shalt  }
0x65: {  	_ =	shalt  }
0x66: {  	_ =	shalt  }
0x67: {  	_ =	shalt  }
0x68: {  	_ =	shalt  }
0x69: {  	_ =	shalt  }
0x6a: {  	_ =	shalt  }
0x6b: {  	_ =	shalt  }
0x6c: {  	_ =	shalt  }
0x6d: {  	_ =	shalt  }
0x6e: {  	_ =	shalt  }
0x6f: {  	_ =	shalt  }
0x70: {  	_ =	shalt  }
0x71: {  	_ =	shalt  }
0x72: {  	_ =	shalt  }
0x73: {  	_ =	shalt  }
0x74: {  	_ =	shalt  }
0x75: {  	_ =	shalt  }
0x76: {  	_ =	shalt  }
0x77: {  	_ =	shalt  }
0x78: {  	_ =	shalt  }
0x79: {  	_ =	shalt  }
0x7a: {  	_ =	shalt  }
0x7b: {  	_ =	shalt  }
0x7c: {  	_ =	shalt  }
0x7d: {  	_ =	shalt  }
0x7e: {  	_ =	shalt  }
0x7f: {  	_ =	shalt  }
0x80: {  	_ =	shalt  }
0x81: {  	_ =	shalt  }
0x82: {  	_ =	shalt  }
0x83: {  	_ =	shalt  }
0x84: {  	_ =	shalt  }
0x85: {  	_ =	shalt  }
0x86: {  	_ =	shalt  }
0x87: {  	_ =	shalt  }
.Lfunc_end0:
.L_simem_size_0:
called_computation.4_lowered:
.L_overlay_start_0:
0x88: {  	s2 =	sld [smem:$0x3FD9]  }
0x89: {  	s3 =	sld [smem:$0x3FFE];
	_ =	sdelay $0x1  }
0x8a: {  	s1 =	srdreg.scid  }
0x8b: {  	s0 =	sand.u32 $0x1, s1  }
0x8c: {  	s17 =	sshll.u32 s0, $0xA;
	s2 =	sadd.s32 s3, s2  }
0x8d: {  	s2 =	sadd.s32 s2, s17  }
0x8e: {  	[smem:$0x3FBB] =	sst s2  }
0x8f: {  	_ = 	snop  }
0x90: {  	s2 =	sld [smem:$0x3FD0];
	(tm) =	ssettm $0x1  }
0x91: {  	s18 =	sld [smem:$0x3FFB];
	_ =	sdelay $0x3  }
0x92: {  	_ =	strace s18  }
0x93: {  	s3 =	sld [smem:$0x3FFC];
	_ =	sdelay $0x3  }
0x94: {  	_ =	strace s3  }
0x95: {  	s3 =	sld [smem:$0x3FFD];
	_ =	sdelay $0x3  }
0x96: {  	_ =	strace s3  }
0x97: {  	_ =	strace $0x8FFFFFFF  }
0x98: {  	s19 =	sld [smem:$0x3FDB];
	_ =	sdelay $0x1  }
0x99: {  	s4 =	simm.s32 $_scs_section_size  }
0x9a: {  	s5 =	simm.s32 $_size__tile_overlayer_lowered;
	s6 =	simm.s32 $_tile_overlayer_lowered  }
0x9b: {  	s22 =	simm.s32 $0x1BFF;
	s21 =	sshll.u32 s6, $0x1;
	s3 =	sadd.s32 s4, s19  }
0x9c: {  	s7 =	simm.s32 $0x0;
	s20 =	sshll.u32 s5, $0x1;
	s5 =	sadd.s32 s21, s3  }
0x9d: {  	[timem:s7], [sflag:s22] =	dma.local [hbm:s5], s20  }
0x9e: {  	_ =	swait.ge [sflag:s22], s20  }
0x9f: {  	s4 =	ssub.s32 $0x0, s20;
	[sflag:s22] =	ssyncset.done $0x0  }
0xa0: {  	[sflag:s22] =	ssyncadd.s32 s4;
	_ =	sdelay $0x1  }
0xa1: {  	s23 =	simm.s32 $0x1B8B  }
0xa2: {  	_ =	swait.ge [sflag:s23], $0x1  }
0xa3: {  	[sflag:s23] =	ssyncset.done $0x0  }
0xa4: {  	s25 =	simm.s32 $0x1B8E;
	s24 =	sld [smem:$0x3FFE];
	[sflag:s23] =	ssyncadd.s32 $0xFFFFFFFF  }
0xa5: {  	s26 =	simm.s32 $execute0_lowered;
	[smem:$0x3FD2] =	sst s25  }
0xa6: {  	s5 =	sshll.u32 s26, $0x1;
	_ =	strace $0x8000004F;
	[dreg:$0x1] =	wrdreg $0xFFFFFFFF  }
0xa7: {  	s28 =	simm.s32 $_size_execute0_lowered;
	s3 =	sadd.s32 s3, s5;
	[dreg:$0x0] =	wrdreg $0x0  }
0xa8: {  	s5 =	sshll.u32 s28, $0x1;
	[dreg:$0x2] =	wrdreg s3  }
0xa9: {  	[dreg:$0x3] =	wrdreg s5  }
0xaa: {  	[dreg:$0x4] =	wrdreg $0xC0  }
0xab: {  	_ =	task [dreg:s7], $0x5FFFF  }
0xac: {  	[dreg:$0x1] =	wrdreg $0xFFFFFFFF  }
0xad: {  	[dreg:$0x0] =	wrdreg $0x60  }
0xae: {  	[dreg:$0x2] =	wrdreg s24  }
0xaf: {  	[dreg:$0x3] =	wrdreg s2  }
0xb0: {  	[dreg:$0x4] =	wrdreg $0x79000  }
0xb1: {  	[dreg:$0x5] =	wrdreg $0xA  }
0xb2: {  	_ =	task.clear_ibuf [dreg:s7], $0x6FFFF;
	_ =	strace $0x9000004F  }
0xb3: {  	s29 =	simm.s32 $0xA;
	_ =	strace $0x80000051  }
0xb4: {  	_ =	swait.ge [sflag:s29], $0x1  }
0xb5: {  	[sflag:s29] =	ssyncadd.s32 $0xFFFFFFFF  }
0xb6: {  	_ =	strace $0x90000051  }
0xb7: {  	_ =	sfence  }
0xb8: {  	s30 =	sld [smem:$0x0];
	_ =	sdelay $0x2  }
0xb9: {  	s31 =	sshll.u32 s1, $0xD;
	s1 =	sshrl.u32 s1, $0x2  }
0xba: {  	s3 =	sand.u32 $0x4000, s31;
	s1 =	sadd.s32 s1, s30  }
0xbb: {  	s0 =	sor.u32 s3, s0;
	s1 =	sshll.u32 s1, $0x11  }
0xbc: {  	s0 =	sor.u32 s1, s0  }
0xbd: {  	s0 =	sadd.s32 $0x8F2B, s0  }
0xbe: {  	[sflag:s0] =	ssyncadd.remote.s32 $0x1  }
0xbf: {  	_ =	sfence.sel $0xFFFF  }
0xc0: {  	[dreg:$0x0] =	wrdreg $0xFFFFFFFF;
	(pc) =	sbr.abs _section_cstart, $3  }
0xc1: {  	[dreg:$0x1] =	wrdreg $0xFFFFFFFF  }
0xc2: {  	_ =	task.clear_ibuf [dreg:s7], $0x2FFFF;
	_ =	strace $0x9FFFFFFF  }
0xc3: {  	(tm) =	ssettm $0x7FFFFFFF  }
tec
execute0_lowered:
.L_overlay_start_1:
0x0: {  	(tag) =	ssettag $0x1  }
0x1: {  	s0 =	srdreg.scid;
	s3 =	rddreg [dreg:$0x0]  }
0x2: {  	s13 =	stileid.u32;
	s6 =	rddreg [dreg:$0x1];
	s7 =	simm.s32 $0x0  }
0x3: {  	s19 =	simm.s32 $0x7;
	s28 =	simm.s32 $0x1;
	s29 =	simm.s32 $0x3  }
0x4: {  	s30 =	simm.s32 $0x7800;
	s31 =	simm.s32 $0x7880;
	s11 =	smul.u32 $0x50, s13  }
0x5: {  	s0 =	sand.u32 $0x1, s0;
	s5 =	sshll.u32 s13, $0x7;
	s12 =	smul.u32 $0xA000, s13  }
0x6: {  	[smem:$0x7FF] =	sst s7;
	s22 =	smul.u32 $0x13880, s13;
	s1 =	sshll.u32 s0, $0x4  }
0x7: {  	s9 =	ssub.s32 $0x2, s0;
	s0 =	smul.u32 $0x138800, s0;
	s1 =	sor.u32 s13, s1  }
0x8: {  	s5 =	sand.u32 $0x380, s5;
	s10 =	sshrl.u32 s9, $0x1;
	s16 =	smul.u32 $0x13880, s1  }
0x9: {  	s17 =	sshrl.u32 s12, $0x2;
	s2 =	sshrl.u32 s1, $0x3;
	s1 =	smul.u32 $0x9C400, s1  }
0xa: {  	s18 =	sadd.s32 $0x10, s11;
	s20 =	sadd.s32 $0x18, s11;
	s4 =	smul.u32 $0xA000, s2  }
0xb: {  	s9 =	ssub.s32 s9, s10;
	s2 =	rddreg [dreg:$0x2];
	_ =	strace $0x80000050  }
0xc: {  	s26 =	smax.u32 s9, $0x1;
	s1 =	sshrl.u32 s1, $0x3;
	s4 =	sor.u32 s5, s4  }
0xd: {  	[dreg:$0xb] =	wrdreg s26;
	s26 =	simm.s32 $0x6400;
	s15 =	sshrl.u32 s4, $0x3  }
0xe: {  	s5 =	sadd.s32 $0x2BC00, s3;
	s4 =	sadd.s32 $0x3C00, s3;
	s8 =	sadd.s32 s15, s3  }
0xf: {  	s3 =	sadd.s32 $0xC3000, s3;
	s6 =	sadd.s32 s6, s15;
	s8 =	sadd.s32 $0xBE000, s8  }
0x10: {  	[dreg:$0x5] =	wrdreg s6;
	s21 =	sadd.s32 s3, s16;
	s1 =	sadd.s32 s3, s1  }
0x11: {  	s0 =	sadd.s32 s0, s3;
	s3 =	simm.s32 $0x6;
	[dreg:$0x4] =	wrdreg s8  }
0x12: {  	s6 =	simm.s32 $0x0;
	[dreg:$0x6] =	wrdreg s21;
	s23 =	sadd.s32 $0x280, s1  }
0x13: {  	s8 =	sadd.s32 s17, s2;
	s24 =	sadd.s32 $0x13100, s1;
	[dreg:$0x7] =	wrdreg s23  }
0x14: {  	s25 =	sadd.s32 $0x13380, s1;
	s1 =	sadd.s32 $0x13600, s1;
	[dreg:$0x8] =	wrdreg s24  }
0x15: {  	v4 =	vlaneseq.u32;
	s0 =	sadd.s32 s22, s0;
	s21 =	simm.s32 $0x28;
	[dreg:$0x9] =	wrdreg s25  }
0x16: {  	v5 =	vadd.s32 $0x28, v4;
	s22 =	simm.s32 $0x2800;
	s10 =	sadd.s32 $0x1400, s8;
	[dreg:$0xa] =	wrdreg s1  }
0x17: {  	v0 =	vor.u32 s11, v4;
	v1 =	vadd.s32 s11, v5;
	v2 =	vor.u32 s18, v4;
	s17 =	sadd.s32 $0x780, s0;
	s23 =	simm.s32 $0x5000;
	s24 =	simm.s32 $0x3C00  }
0x18: {  	v3 =	vadd.s32 s18, v5;
	v4 =	vadd.s32 s20, v4;
	v5 =	vadd.s32 s20, v5;
	s0 =	simm.s32 $0x2;
	s25 =	simm.s32 $0x4;
	s1 =	simm.s32 $0x5  }
.LBB2_1:
0x19: {  	s7 =	simm.s32 $0x0  }
0x1a: {  	s9 =	rddreg [dreg:$0x4];
	s11 =	simm.s32 $0x80;
	s12 =	simm.s32 $0x400  }
0x1b: {  	[tilespmem:s7], [sflag:$0x7] =	stream.strided.gather [hbm4b:s9+s11], $0x1400, s12, s11, $0x38;
	[tilespmem:$0xA100] =	vst v63  }
0x1c: {  	_ =	swait.ge [sflag:s19], $0x1400  }
0x1d: {  	[sflag:s19] =	ssyncset.done $0x0  }
0x1e: {  	s13 =	simm.s32 $0x1400;
	s20 =	rddreg [dreg:$0x5];
	[sflag:s19] =	ssyncadd.s32 $0xFFFFEC00  }
0x1f: {  	[tilespmem:s13], [sflag:$0x7] =	stream.strided.gather [hbm4b:s20+s11], $0x1400, s12, s11, $0x38;
	[tilespmem:$0xA100] =	vst v63  }
0x20: {  	_ =	swait.ge [sflag:s19], $0x1400  }
0x21: {  	[sflag:s19] =	ssyncset.done $0x0  }
0x22: {  	[sflag:s19] =	ssyncadd.s32 $0xFFFFEC00  }
0x23: {  	[tilespmem:$0x7800] =	vst v0  }
0x24: {  	[tilespmem:$0x7880] =	vst v1  }
0x25: {  	[tilespmem:$0x7810] =	vst v2  }
0x26: {  	[tilespmem:$0x7890] =	vst v3  }
0x27: {  	[tilespmem:$0x7818] =	vst v4  }
0x28: {  	[tilespmem:$0x7898] =	vst v5  }
0x29: {  	[tilespmem:s22], [sflag:$0x1] =	stream.indirect.gather [hbm4b:s4+s21], $0x80, s7, s21, $0xb8;
	[tilespmem:$0xA100] =	vst v63  }
0x2a: {  	_ = 	snop  }
0x2b: {  	[tilespmem:s23], [sflag:$0x3] =	stream.indirect.gather [hbm4b:s5+s21], $0x80, s13, s21, $0xb8;
	[tilespmem:$0xA100] =	vst v63  }
0x2c: {  	_ = 	snop  }
0x2d: {  	[tilespmem:s24], [sflag:$0x2] =	stream.indirect.gather [hbm4b:s4+s21], $0x80, s21, s21, $0xb8;
	[tilespmem:$0xA100] =	vst v63  }
0x2e: {  	s12 =	simm.s32 $0x1428  }
0x2f: {  	[tilespmem:s26], [sflag:$0x4] =	stream.indirect.gather [hbm4b:s5+s21], $0x80, s12, s21, $0xb8;
	[tilespmem:$0xA100] =	vst v63  }
0x30: {  	_ =	swait.ge [sflag:s28], $0x1400  }
0x31: {  	[sflag:s28] =	ssyncset.done $0x0  }
0x32: {  	[sflag:s28] =	ssyncadd.s32 $0xFFFFEC00  }
0x33: {  	_ =	swait.ge [sflag:s29], $0x1400  }
0x34: {  	[sflag:s29] =	ssyncset.done $0x0  }
0x35: {  	[sflag:s29] =	ssyncadd.s32 $0xFFFFEC00  }
0x36: {  	[spmem:s8] =	stream.linear.scatter [tilespmem:s22], [sflag:$0x7], $0x1400, $0x38;
	[tilespmem:$0xA100] =	vst v63  }
0x37: {  	_ =	swait.ge [sflag:s19], $0x1400  }
0x38: {  	[sflag:s19] =	ssyncset.done $0x0  }
0x39: {  	[sflag:s19] =	ssyncadd.s32 $0xFFFFEC00  }
0x3a: {  	[spmem:s2] =	stream.indirect.scatter.add.f32 [tilespmem:s23], [sflag:$0x7], $0x80, s30, s21, $0xb8;
	[tilespmem:$0xA100] =	vst v63  }
0x3b: {  	s16 =	simm.s32 $0x50;
	s13 =	stileid.u32;
	_ =	swait.ge [sflag:s19], $0x1400  }
0x3c: {  	s9 =	sshrl.u32 s8, $0x3;
	s14 =	sshll.u32 s13, $0x6;
	[sflag:s19] =	ssyncset.done $0x0  }
0x3d: {  	s7 =	sor.u32 $0x1C05, s14;
	s15 =	rddreg [dreg:$0x6];
	[sflag:s19] =	ssyncadd.s32 $0xFFFFEC00  }
0x3e: {  	[hbm:s15], [sflag:s7] =	dma.local [spmem:s9], $0x280  }
0x3f: {  	[tilespmem:s22], [sflag:$0x1] =	stream.indirect.gather [hbm4b:s4+s21], $0x80, s16, s21, $0xb8;
	[tilespmem:$0xA100] =	vst v63  }
0x40: {  	s18 =	simm.s32 $0x1450  }
0x41: {  	[tilespmem:s23], [sflag:$0x3] =	stream.indirect.gather [hbm4b:s5+s21], $0x80, s18, s21, $0xb8;
	[tilespmem:$0xA100] =	vst v63  }
0x42: {  	_ =	swait.ge [sflag:s0], $0x1400  }
0x43: {  	[sflag:s0] =	ssyncset.done $0x0  }
0x44: {  	[sflag:s0] =	ssyncadd.s32 $0xFFFFEC00  }
0x45: {  	_ =	swait.ge [sflag:s25], $0x1400  }
0x46: {  	[sflag:s25] =	ssyncset.done $0x0  }
0x47: {  	[sflag:s25] =	ssyncadd.s32 $0xFFFFEC00  }
0x48: {  	[spmem:s10] =	stream.linear.scatter [tilespmem:s24], [sflag:$0x7], $0x1400, $0x38;
	[tilespmem:$0xA100] =	vst v63  }
0x49: {  	_ =	swait.ge [sflag:s19], $0x1400  }
0x4a: {  	[sflag:s19] =	ssyncset.done $0x0  }
0x4b: {  	[sflag:s19] =	ssyncadd.s32 $0xFFFFEC00  }
0x4c: {  	[spmem:s2] =	stream.indirect.scatter.add.f32 [tilespmem:s26], [sflag:$0x7], $0x80, s31, s21, $0xb8;
	[tilespmem:$0xA100] =	vst v63  }
0x4d: {  	_ =	swait.ge [sflag:s19], $0x1400  }
0x4e: {  	s11 =	sor.u32 $0x1C06, s14;
	s14 =	simm.s32 $0x78;
	[sflag:s19] =	ssyncset.done $0x0  }
0x4f: {  	s12 =	sshrl.u32 s10, $0x3;
	s20 =	rddreg [dreg:$0x7];
	[sflag:s19] =	ssyncadd.s32 $0xFFFFEC00  }
0x50: {  	[hbm:s20], [sflag:s11] =	dma.local [spmem:s12], $0x280  }
0x51: {  	[tilespmem:s24], [sflag:$0x2] =	stream.indirect.gather [hbm4b:s4+s21], $0x80, s14, s21, $0xb8;
	[tilespmem:$0xA100] =	vst v63  }
0x52: {  	s15 =	simm.s32 $0x1478  }
0x53: {  	[tilespmem:s26], [sflag:$0x4] =	stream.indirect.gather [hbm4b:s5+s21], $0x80, s15, s21, $0xb8;
	[tilespmem:$0xA100] =	vst v63  }
0x54: {  	_ =	swait.ge [sflag:s28], $0x1400  }
0x55: {  	[sflag:s28] =	ssyncset.done $0x0  }
0x56: {  	[sflag:s28] =	ssyncadd.s32 $0xFFFFEC00  }
0x57: {  	_ =	swait.ge [sflag:s29], $0x1400  }
0x58: {  	[sflag:s29] =	ssyncset.done $0x0  }
0x59: {  	[sflag:s29] =	ssyncadd.s32 $0xFFFFEC00  }
0x5a: {  	_ =	swait.ge [sflag:s1], $0x280  }
0x5b: {  	[sflag:s1] =	ssyncset.done $0x0  }
0x5c: {  	[sflag:s1] =	ssyncadd.s32 $0xFFFFFD80  }
0x5d: {  	[spmem:s8] =	stream.linear.scatter [tilespmem:s22], [sflag:$0x7], $0x1400, $0x38;
	[tilespmem:$0xA100] =	vst v63  }
0x5e: {  	_ =	swait.ge [sflag:s19], $0x1400  }
0x5f: {  	[sflag:s19] =	ssyncset.done $0x0  }
0x60: {  	[sflag:s19] =	ssyncadd.s32 $0xFFFFEC00  }
0x61: {  	[spmem:s2] =	stream.indirect.scatter.add.f32 [tilespmem:s23], [sflag:$0x7], $0x80, s30, s21, $0xb8;
	[tilespmem:$0xA100] =	vst v63  }
0x62: {  	_ =	swait.ge [sflag:s19], $0x1400  }
0x63: {  	[sflag:s19] =	ssyncset.done $0x0  }
0x64: {  	s16 =	sadd.s32 $0xFFFFFD80, s17;
	s14 =	simm.s32 $0xA0;
	[sflag:s19] =	ssyncadd.s32 $0xFFFFEC00  }
0x65: {  	[hbm:s16], [sflag:s7] =	dma.local [spmem:s9], $0x280  }
0x66: {  	[tilespmem:s22], [sflag:$0x1] =	stream.indirect.gather [hbm4b:s4+s21], $0x80, s14, s21, $0xb8;
	[tilespmem:$0xA100] =	vst v63  }
0x67: {  	s18 =	simm.s32 $0x14A0  }
0x68: {  	[tilespmem:s23], [sflag:$0x3] =	stream.indirect.gather [hbm4b:s5+s21], $0x80, s18, s21, $0xb8;
	[tilespmem:$0xA100] =	vst v63  }
0x69: {  	_ =	swait.ge [sflag:s0], $0x1400  }
0x6a: {  	[sflag:s0] =	ssyncset.done $0x0  }
0x6b: {  	[sflag:s0] =	ssyncadd.s32 $0xFFFFEC00  }
0x6c: {  	_ =	swait.ge [sflag:s25], $0x1400  }
0x6d: {  	[sflag:s25] =	ssyncset.done $0x0  }
0x6e: {  	[sflag:s25] =	ssyncadd.s32 $0xFFFFEC00  }
0x6f: {  	_ =	swait.ge [sflag:s3], $0x280  }
0x70: {  	[sflag:s3] =	ssyncset.done $0x0  }
0x71: {  	[sflag:s3] =	ssyncadd.s32 $0xFFFFFD80  }
0x72: {  	[spmem:s10] =	stream.linear.scatter [tilespmem:s24], [sflag:$0x7], $0x1400, $0x38;
	[tilespmem:$0xA100] =	vst v63  }
0x73: {  	_ =	swait.ge [sflag:s19], $0x1400  }
0x74: {  	[sflag:s19] =	ssyncset.done $0x0  }
0x75: {  	[sflag:s19] =	ssyncadd.s32 $0xFFFFEC00  }
0x76: {  	[spmem:s2] =	stream.indirect.scatter.add.f32 [tilespmem:s26], [sflag:$0x7], $0x80, s31, s21, $0xb8;
	[tilespmem:$0xA100] =	vst v63  }
0x77: {  	_ =	swait.ge [sflag:s19], $0x1400  }
0x78: {  	s13 =	simm.s32 $0x140;
	s20 =	simm.s32 $0xC8;
	[sflag:s19] =	ssyncset.done $0x0  }
0x79: {  	s16 =	smov.u32 s17;
	s14 =	simm.s32 $0x14C8;
	[sflag:s19] =	ssyncadd.s32 $0xFFFFEC00  }
0x7a: {  	[hbm:s17], [sflag:s11] =	dma.local [spmem:s12], $0x280  }
0x7b: {  	[tilespmem:s24], [sflag:$0x2] =	stream.indirect.gather [hbm4b:s4+s21], $0x80, s20, s21, $0xb8;
	[tilespmem:$0xA100] =	vst v63  }
.LBB2_2:
0x7c: {  	p0 =	sne.s32 s13, $0x49C0  }
0x7d: {  	s16 =	sadd.s32 $0x500, s16;
	s18 =	smov.u32 s13;
	s13 =	sadd.s32 $0x140, s13  }
0x7e: {  	[tilespmem:s26], [sflag:$0x4] =	stream.indirect.gather [hbm4b:s5+s21], $0x80, s14, s21, $0xb8;
	[tilespmem:$0xA100] =	vst v63  }
0x7f: {  	_ =	swait.ge [sflag:s28], $0x1400  }
0x80: {  	[sflag:s28] =	ssyncset.done $0x0  }
0x81: {  	[sflag:s28] =	ssyncadd.s32 $0xFFFFEC00  }
0x82: {  	_ =	swait.ge [sflag:s29], $0x1400  }
0x83: {  	[sflag:s29] =	ssyncset.done $0x0  }
0x84: {  	[sflag:s29] =	ssyncadd.s32 $0xFFFFEC00  }
0x85: {  	_ =	swait.ge [sflag:s1], $0x280  }
0x86: {  	[sflag:s1] =	ssyncset.done $0x0  }
0x87: {  	[sflag:s1] =	ssyncadd.s32 $0xFFFFFD80  }
0x88: {  	[spmem:s8] =	stream.linear.scatter [tilespmem:s22], [sflag:$0x7], $0x1400, $0x38;
	[tilespmem:$0xA100] =	vst v63  }
0x89: {  	_ =	swait.ge [sflag:s19], $0x1400  }
0x8a: {  	[sflag:s19] =	ssyncset.done $0x0  }
0x8b: {  	[sflag:s19] =	ssyncadd.s32 $0xFFFFEC00  }
0x8c: {  	[spmem:s2] =	stream.indirect.scatter.add.f32 [tilespmem:s23], [sflag:$0x7], $0x80, s30, s21, $0xb8;
	[tilespmem:$0xA100] =	vst v63  }
0x8d: {  	_ =	swait.ge [sflag:s19], $0x1400  }
0x8e: {  	s14 =	sadd.s32 $0xFFFFFD80, s16;
	s18 =	sshra.s32 s18, $0x2;
	[sflag:s19] =	ssyncset.done $0x0  }
0x8f: {  	s15 =	sadd.s32 $0xA0, s18;
	s20 =	sadd.s32 $0x14A0, s18;
	[sflag:s19] =	ssyncadd.s32 $0xFFFFEC00  }
0x90: {  	[hbm:s14], [sflag:s7] =	dma.local [spmem:s9], $0x280  }
0x91: {  	[tilespmem:s22], [sflag:$0x1] =	stream.indirect.gather [hbm4b:s4+s21], $0x80, s15, s21, $0xb8;
	[tilespmem:$0xA100] =	vst v63  }
0x92: {  	_ = 	snop  }
0x93: {  	[tilespmem:s23], [sflag:$0x3] =	stream.indirect.gather [hbm4b:s5+s21], $0x80, s20, s21, $0xb8;
	[tilespmem:$0xA100] =	vst v63  }
0x94: {  	_ =	swait.ge [sflag:s0], $0x1400  }
0x95: {  	[sflag:s0] =	ssyncset.done $0x0  }
0x96: {  	[sflag:s0] =	ssyncadd.s32 $0xFFFFEC00  }
0x97: {  	_ =	swait.ge [sflag:s25], $0x1400  }
0x98: {  	[sflag:s25] =	ssyncset.done $0x0  }
0x99: {  	[sflag:s25] =	ssyncadd.s32 $0xFFFFEC00  }
0x9a: {  	_ =	swait.ge [sflag:s3], $0x280  }
0x9b: {  	[sflag:s3] =	ssyncset.done $0x0  }
0x9c: {  	[sflag:s3] =	ssyncadd.s32 $0xFFFFFD80  }
0x9d: {  	[spmem:s10] =	stream.linear.scatter [tilespmem:s24], [sflag:$0x7], $0x1400, $0x38;
	[tilespmem:$0xA100] =	vst v63  }
0x9e: {  	_ =	swait.ge [sflag:s19], $0x1400  }
0x9f: {  	[sflag:s19] =	ssyncset.done $0x0  }
0xa0: {  	[sflag:s19] =	ssyncadd.s32 $0xFFFFEC00  }
0xa1: {  	[spmem:s2] =	stream.indirect.scatter.add.f32 [tilespmem:s26], [sflag:$0x7], $0x80, s31, s21, $0xb8;
	[tilespmem:$0xA100] =	vst v63  }
.Ltmp0:
0xa2: {  	_ =	swait.ge [sflag:s19], $0x1400;
	(pc) =	sbr.rel @p0 .LBB2_2-.Ltmp0, $4  }
0xa3: {  	[sflag:s19] =	ssyncset.done $0x0  }
0xa4: {  	s14 =	sadd.s32 $0x14C8, s18;
	s15 =	sadd.s32 $0xC8, s18;
	[sflag:s19] =	ssyncadd.s32 $0xFFFFEC00  }
0xa5: {  	[hbm:s16], [sflag:s11] =	dma.local [spmem:s12], $0x280  }
0xa6: {  	[tilespmem:s24], [sflag:$0x2] =	stream.indirect.gather [hbm4b:s4+s21], $0x80, s15, s21, $0xb8;
	[tilespmem:$0xA100] =	vst v63  }
0xa7: {  	[tilespmem:s26], [sflag:$0x4] =	stream.indirect.gather [hbm4b:s5+s21], $0x80, s14, s21, $0xb8;
	[tilespmem:$0xA100] =	vst v63  }
0xa8: {  	_ =	swait.ge [sflag:s28], $0x1400  }
0xa9: {  	[sflag:s28] =	ssyncset.done $0x0  }
0xaa: {  	[sflag:s28] =	ssyncadd.s32 $0xFFFFEC00  }
0xab: {  	_ =	swait.ge [sflag:s29], $0x1400  }
0xac: {  	[sflag:s29] =	ssyncset.done $0x0  }
0xad: {  	[sflag:s29] =	ssyncadd.s32 $0xFFFFEC00  }
0xae: {  	_ =	swait.ge [sflag:s1], $0x280  }
0xaf: {  	[sflag:s1] =	ssyncset.done $0x0  }
0xb0: {  	[sflag:s1] =	ssyncadd.s32 $0xFFFFFD80  }
0xb1: {  	[spmem:s8] =	stream.linear.scatter [tilespmem:s22], [sflag:$0x7], $0x1400, $0x38;
	[tilespmem:$0xA100] =	vst v63  }
0xb2: {  	_ =	swait.ge [sflag:s19], $0x1400  }
0xb3: {  	[sflag:s19] =	ssyncset.done $0x0  }
0xb4: {  	[sflag:s19] =	ssyncadd.s32 $0xFFFFEC00  }
0xb5: {  	[spmem:s2] =	stream.indirect.scatter.add.f32 [tilespmem:s23], [sflag:$0x7], $0x80, s30, s21, $0xb8;
	[tilespmem:$0xA100] =	vst v63  }
0xb6: {  	_ =	swait.ge [sflag:s19], $0x1400  }
0xb7: {  	[sflag:s19] =	ssyncset.done $0x0  }
0xb8: {  	s14 =	simm.s32 $0x1360;
	s13 =	rddreg [dreg:$0x8];
	[sflag:s19] =	ssyncadd.s32 $0xFFFFEC00  }
0xb9: {  	[hbm:s13], [sflag:s7] =	dma.local [spmem:s9], $0x280  }
0xba: {  	[tilespmem:s22], [sflag:$0x1] =	stream.indirect.gather [hbm4b:s4+s21], $0x80, s14, s21, $0xb8;
	[tilespmem:$0xA100] =	vst v63  }
0xbb: {  	s15 =	simm.s32 $0x2760  }
0xbc: {  	[tilespmem:s23], [sflag:$0x3] =	stream.indirect.gather [hbm4b:s5+s21], $0x80, s15, s21, $0xb8;
	[tilespmem:$0xA100] =	vst v63  }
0xbd: {  	_ =	swait.ge [sflag:s0], $0x1400  }
0xbe: {  	[sflag:s0] =	ssyncset.done $0x0  }
0xbf: {  	[sflag:s0] =	ssyncadd.s32 $0xFFFFEC00  }
0xc0: {  	_ =	swait.ge [sflag:s25], $0x1400  }
0xc1: {  	[sflag:s25] =	ssyncset.done $0x0  }
0xc2: {  	[sflag:s25] =	ssyncadd.s32 $0xFFFFEC00  }
0xc3: {  	_ =	swait.ge [sflag:s3], $0x280  }
0xc4: {  	[sflag:s3] =	ssyncset.done $0x0  }
0xc5: {  	[sflag:s3] =	ssyncadd.s32 $0xFFFFFD80  }
0xc6: {  	[spmem:s10] =	stream.linear.scatter [tilespmem:s24], [sflag:$0x7], $0x1400, $0x38;
	[tilespmem:$0xA100] =	vst v63  }
0xc7: {  	_ =	swait.ge [sflag:s19], $0x1400  }
0xc8: {  	[sflag:s19] =	ssyncset.done $0x0  }
0xc9: {  	[sflag:s19] =	ssyncadd.s32 $0xFFFFEC00  }
0xca: {  	[spmem:s2] =	stream.indirect.scatter.add.f32 [tilespmem:s26], [sflag:$0x7], $0x80, s31, s21, $0xb8;
	[tilespmem:$0xA100] =	vst v63  }
0xcb: {  	_ =	swait.ge [sflag:s19], $0x1400  }
0xcc: {  	[sflag:s19] =	ssyncset.done $0x0  }
0xcd: {  	s16 =	rddreg [dreg:$0x9];
	[sflag:s19] =	ssyncadd.s32 $0xFFFFEC00  }
0xce: {  	[hbm:s16], [sflag:s11] =	dma.local [spmem:s12], $0x280  }
0xcf: {  	_ =	swait.ge [sflag:s28], $0x1400  }
0xd0: {  	[sflag:s28] =	ssyncset.done $0x0  }
0xd1: {  	[sflag:s28] =	ssyncadd.s32 $0xFFFFEC00  }
0xd2: {  	_ =	swait.ge [sflag:s29], $0x1400  }
0xd3: {  	[sflag:s29] =	ssyncset.done $0x0  }
0xd4: {  	[sflag:s29] =	ssyncadd.s32 $0xFFFFEC00  }
0xd5: {  	_ =	swait.ge [sflag:s1], $0x280  }
0xd6: {  	[sflag:s1] =	ssyncset.done $0x0  }
0xd7: {  	[sflag:s1] =	ssyncadd.s32 $0xFFFFFD80  }
0xd8: {  	[spmem:s8] =	stream.linear.scatter [tilespmem:s22], [sflag:$0x7], $0x1400, $0x38;
	[tilespmem:$0xA100] =	vst v63  }
0xd9: {  	_ =	swait.ge [sflag:s19], $0x1400  }
0xda: {  	[sflag:s19] =	ssyncset.done $0x0  }
0xdb: {  	[sflag:s19] =	ssyncadd.s32 $0xFFFFEC00  }
0xdc: {  	[spmem:s2] =	stream.indirect.scatter.add.f32 [tilespmem:s23], [sflag:$0x7], $0x80, s30, s21, $0xb8;
	[tilespmem:$0xA100] =	vst v63  }
0xdd: {  	_ =	swait.ge [sflag:s19], $0x1400  }
0xde: {  	[sflag:s19] =	ssyncset.done $0x0  }
0xdf: {  	s18 =	rddreg [dreg:$0xa];
	[sflag:s19] =	ssyncadd.s32 $0xFFFFEC00  }
0xe0: {  	[hbm:s18], [sflag:s7] =	dma.local [spmem:s9], $0x280  }
0xe1: {  	_ =	swait.ge [sflag:s1], $0x280  }
0xe2: {  	[sflag:s1] =	ssyncset.done $0x0  }
0xe3: {  	[sflag:s1] =	ssyncadd.s32 $0xFFFFFD80  }
0xe4: {  	_ =	swait.ge [sflag:s3], $0x280  }
0xe5: {  	s6 =	sadd.s32 $0x1, s6;
	s20 =	rddreg [dreg:$0xb]  }
0xe6: {  	p0 =	sne.s32 s6, s20  }
.Ltmp1:
0xe7: {  	_ = 	snop;
	(pc) =	sbr.rel @p0 .LBB2_1-.Ltmp1, $3  }
0xe8: {  	_ =	sdelay $0x1  }
0xe9: {  	[sflag:s3] =	ssyncset.done $0x0  }
0xea: {  	[sflag:s3] =	ssyncadd.s32 $0xFFFFFD80  }
0xeb: {  	_ =	sfence.sel $0x180000  }
0xec: {  	[bflag:$0x0] =	sbarrier.arrive $0xFFFF  }
0xed: {  	_ =	strace $0x90000050  }
0xee: {  	s0 =	stileid.u32;
	[bflag:$0x2] =	sbarrier.arrive $0xFFFF  }
0xef: {  	p0 =	sne.s32 s0, $0x0;
	s0 =	rddreg [dreg:$0x3]  }
0xf0: {  	s0 =	sadd.s32 @!p0 $0x100000, s0  }
0xf1: {  	[sflag:s0] =	ssyncadd.tile.s32 @!p0 $0x1;
	_ =	shalt  }
.Lfunc_end2:
_tile_overlayer_lowered:
.L_overlay_start_2:
0xf2: {  	(tag) =	ssettag $0x2  }
0xf3: {  	s0 =	rddreg [dreg:$0x0];
	s2 =	stileid.u32  }
0xf4: {  	s1 =	rddreg [dreg:$0x1];
	p0 =	sne.s32 s2, $0x0  }
0xf5: {  	s3 =	rddreg [dreg:$0x2];
	[bflag:$0x3] =	sbarrier.arrive $0xFFFF;
	s2 =	simm.s32 @!p0 $0x1C07  }
0xf6: {  	[timem:s3], [sflag:s2] =	dma.local @!p0 [hbm:s0], s1  }
0xf7: {  	s0 =	simm.s32 @!p0 $0x7  }
0xf8: {  	_ =	swait.ge @!p0 [sflag:s0], s1  }
0xf9: {  	s1 =	ssub.s32 @!p0 $0x0, s1;
	[sflag:s0] =	ssyncset.done @!p0 $0x0  }
0xfa: {  	[sflag:s0] =	ssyncadd.s32 @!p0 s1  }
0xfb: {  	[bflag:$0x3] =	sbarrier.arrive $0xFFFF  }
0xfc: {  	_ =	shalt  }

</sc_bundles>
